<compile_context>
chip_gen: v7x
topology: tpu7x:2x2x1
jax: 0.10.2.dev20260603
libtpu: 0.0.44.dev20260713+nightly
codegen_flags: <defaults>
</compile_context>

<pallas_src>
import functools

import jax
import jax.numpy as jnp
from jax import lax
from jax.experimental import pallas as pl
from jax.experimental.pallas import tpu as pltpu
from jax.experimental.pallas import tpu_sc as plsc

N = 10000
E = 320000
D = 128
R = 8
NR = N * R
NC = 2
NS = 16
NW = NC * NS
LL = 16
C = 128
EP = 323584
EPW = EP // NW
NCHUNK_W = EPW // C
EPT = EP // NS
NCHUNK_T = EPT // C
NRP = 81920
BINS_T = NRP // NS
BINS_W = NRP // NW
NQ = 3
WROWS = 3456
TRASH = 3520
AROWS = 3584
ZT = AROWS // NS
DT = WROWS // NS
ND = NQ * WROWS
BN = 1000
BNR = 1024

_mesh = plsc.VectorSubcoreMesh(
    core_axis_name="c", subcore_axis_name="s", num_cores=NC, num_subcores=NS)


@functools.partial(
    pl.kernel,
    out_type=jax.ShapeDtypeStruct((NRP,), jnp.float32),
    mesh=_mesh,
    scratch_types=[
        pltpu.VMEM_SHARED((NRP,), jnp.float32),
        pltpu.VMEM((BINS_W,), jnp.float32),
        pltpu.VMEM((C,), jnp.float32),
        pltpu.VMEM((C,), jnp.int32),
    ],
)
def _count_kernel(cidx_hbm, cnt_hbm, cnt_sh, buf_v, ones_v, cidx_v):
    c = lax.axis_index("c")
    s = lax.axis_index("s")
    wid = c * NS + s
    zero16 = jnp.zeros((LL,), jnp.float32)
    ones16 = jnp.ones((LL,), jnp.float32)

    def zf_body(i, carry):
        buf_v[pl.ds(i * LL, LL)] = zero16
        return carry
    lax.fori_loop(0, BINS_W // LL, zf_body, 0)
    for i in range(BINS_T // BINS_W):
        pltpu.sync_copy(buf_v, cnt_sh.at[pl.ds(s * BINS_T + i * BINS_W,
                                               BINS_W)])
    plsc.subcore_barrier()

    def of_body(i, carry):
        ones_v[pl.ds(i * LL, LL)] = ones16
        return carry
    lax.fori_loop(0, C // LL, of_body, 0)

    def h_body(i, carry):
        base = s * EPT + i * C
        pltpu.sync_copy(cidx_hbm.at[pl.ds(base, C)], cidx_v)
        pltpu.sync_copy(ones_v, cnt_sh.at[cidx_v], add=True)
        return carry
    lax.fori_loop(0, NCHUNK_T, h_body, 0)
    plsc.subcore_barrier()

    pltpu.sync_copy(cnt_sh.at[pl.ds(wid * BINS_W, BINS_W)], buf_v)
    pltpu.sync_copy(buf_v, cnt_hbm.at[pl.ds(wid * BINS_W, BINS_W)])


def _recip_body(c_ref, t_ref):
    t_ref[...] = jnp.broadcast_to(1.0 / jnp.maximum(c_ref[...], 1.0),
                                  (BNR, D))


_recip = pl.pallas_call(
    _recip_body,
    grid=(NRP // BNR,),
    in_specs=[pl.BlockSpec((BNR, 1), lambda i: (i, 0))],
    out_specs=pl.BlockSpec((BNR, D), lambda i: (i, 0)),
    out_shape=jax.ShapeDtypeStruct((NRP, D), jnp.float32),
)


@functools.partial(
    pl.kernel,
    out_type=jax.ShapeDtypeStruct((NC * ND, D), jnp.float32),
    mesh=_mesh,
    scratch_types=[
        pltpu.VMEM_SHARED((AROWS, D), jnp.float32),
        pltpu.VMEM((C, D), jnp.float32),
        pltpu.VMEM((C, D), jnp.float32),
        pltpu.VMEM((3 * C,), jnp.int32),
        pltpu.VMEM((C,), jnp.int32),
        pltpu.SemaphoreType.DMA,
    ],
)
def _scatter_kernel(z_hbm, idx3_hbm, table_hbm, part_hbm,
                    acc_sh, rows_v, w_v, idx3_v, loc_v, sem):
    c = lax.axis_index("c")
    s = lax.axis_index("s")
    wid = c * NS + s
    zero16 = jnp.zeros((LL,), jnp.float32)

    for q in range(NQ):
        def zr_body(i, carry):
            for k in range(D // LL):
                rows_v[i, pl.ds(k * LL, LL)] = zero16
            return carry
        lax.fori_loop(0, C, zr_body, 0)
        pltpu.sync_copy(rows_v, acc_sh.at[pl.ds(s * ZT, C)])
        pltpu.sync_copy(rows_v.at[pl.ds(0, ZT - C)],
                        acc_sh.at[pl.ds(s * ZT + C, ZT - C)])
        plsc.subcore_barrier()

        def e_body(i, carry):
            base3 = (wid * NCHUNK_W + i) * (3 * C)
            pltpu.sync_copy(idx3_hbm.at[pl.ds(base3, 3 * C)], idx3_v)
            cp_w = pltpu.async_copy(table_hbm.at[idx3_v.at[pl.ds(2 * C, C)]],
                                    w_v, sem)
            cp_z = pltpu.async_copy(z_hbm.at[idx3_v.at[pl.ds(0, C)]],
                                    rows_v, sem)

            for g in range(C // LL):
                sl = pl.ds(g * LL, LL)
                dv = idx3_v[pl.ds(C + g * LL, LL)]
                lv = dv - (q * WROWS)
                ok = (lv >= 0) & (lv < WROWS)
                loc_v[sl] = jnp.where(ok, lv, TRASH)

            cp_w.wait()
            cp_z.wait()

            def s_body(j, carry2):
                for k in range(D // LL):
                    sl = pl.ds(k * LL, LL)
                    rows_v[j, sl] = rows_v[j, sl] * w_v[j, sl]
                return carry2
            lax.fori_loop(0, C, s_body, 0)
            pltpu.sync_copy(rows_v, acc_sh.at[loc_v], add=True)
            return carry
        lax.fori_loop(0, NCHUNK_W, e_body, 0)
        plsc.subcore_barrier()

        r0 = s * DT
        pltpu.sync_copy(acc_sh.at[pl.ds(r0, C)],
                        part_hbm.at[pl.ds(c * ND + q * WROWS + r0, C)])
        pltpu.sync_copy(acc_sh.at[pl.ds(r0 + C, DT - C)],
                        part_hbm.at[pl.ds(c * ND + q * WROWS + r0 + C,
                                          DT - C)])
        plsc.subcore_barrier()


def _mm1_body(x_ref, w_ref, root_ref, b_ref, z_ref, out0_ref):
    x = x_ref[...]
    for r in range(R):
        z_ref[r] = jnp.dot(x, w_ref[r], preferred_element_type=jnp.float32)
    out0_ref[...] = (
        jnp.dot(x, root_ref[...], preferred_element_type=jnp.float32)
        + b_ref[...])


_mm1 = pl.pallas_call(
    _mm1_body,
    grid=(N // BN,),
    in_specs=[
        pl.BlockSpec((BN, D), lambda i: (i, 0)),
        pl.BlockSpec((R, D, D), lambda i: (0, 0, 0)),
        pl.BlockSpec((D, D), lambda i: (0, 0)),
        pl.BlockSpec((1, D), lambda i: (0, 0)),
    ],
    out_specs=(
        pl.BlockSpec((R, BN, D), lambda i: (0, i, 0)),
        pl.BlockSpec((BN, D), lambda i: (i, 0)),
    ),
    out_shape=(
        jax.ShapeDtypeStruct((R, N, D), jnp.float32),
        jax.ShapeDtypeStruct((N, D), jnp.float32),
    ),
)


def _mm2_body(y_ref, p_ref, w_ref, root_ref, b_ref, z_ref, out0_ref):
    h = jnp.maximum(y_ref[...] + p_ref[0] + p_ref[1], 0.0)
    for r in range(R):
        z_ref[r] = jnp.dot(h, w_ref[r], preferred_element_type=jnp.float32)
    out0_ref[...] = (
        jnp.dot(h, root_ref[...], preferred_element_type=jnp.float32)
        + b_ref[...])


_mm2 = pl.pallas_call(
    _mm2_body,
    grid=(N // BN,),
    in_specs=[
        pl.BlockSpec((BN, D), lambda i: (i, 0)),
        pl.BlockSpec((2, BN, D), lambda i: (0, i, 0)),
        pl.BlockSpec((R, D, D), lambda i: (0, 0, 0)),
        pl.BlockSpec((D, D), lambda i: (0, 0)),
        pl.BlockSpec((1, D), lambda i: (0, 0)),
    ],
    out_specs=(
        pl.BlockSpec((R, BN, D), lambda i: (0, i, 0)),
        pl.BlockSpec((BN, D), lambda i: (i, 0)),
    ),
    out_shape=(
        jax.ShapeDtypeStruct((R, N, D), jnp.float32),
        jax.ShapeDtypeStruct((N, D), jnp.float32),
    ),
)


def _add_body(y_ref, p_ref, o_ref):
    o_ref[...] = y_ref[...] + p_ref[0] + p_ref[1]


_add = pl.pallas_call(
    _add_body,
    grid=(N // BN,),
    in_specs=[
        pl.BlockSpec((BN, D), lambda i: (i, 0)),
        pl.BlockSpec((2, BN, D), lambda i: (0, i, 0)),
    ],
    out_specs=pl.BlockSpec((BN, D), lambda i: (i, 0)),
    out_shape=jax.ShapeDtypeStruct((N, D), jnp.float32),
)


def kernel(X, A, edge_type, W1, root1, b1, W2, root2, b2):
    src = A[0]
    dst = A[1]
    et = edge_type
    pad = EP - E
    gidx = jnp.concatenate([et * N + src, jnp.zeros((pad,), jnp.int32)])
    cidx = jnp.concatenate([dst * R + et, jnp.full((pad,), NR, jnp.int32)])
    dst_p = jnp.concatenate([dst, jnp.full((pad,), N, jnp.int32)])
    idx3 = jnp.stack([gidx.reshape(-1, C), dst_p.reshape(-1, C),
                      cidx.reshape(-1, C)], axis=1).reshape(-1)

    cnt = _count_kernel(cidx)
    table = _recip(cnt.reshape(NRP, 1))

    z1, out01 = _mm1(X, W1, root1, b1.reshape(1, D))
    p1 = _scatter_kernel(z1.reshape(R * N, D), idx3, table)
    z2, out02 = _mm2(out01, p1.reshape(NC, ND, D)[:, :N], W2, root2,
                     b2.reshape(1, D))
    p2 = _scatter_kernel(z2.reshape(R * N, D), idx3, table)
    return _add(out02, p2.reshape(NC, ND, D)[:, :N])

# --- scband reference (transcript-rebuilt; emitter-appended) ---
"""Pipeline reference for scband-rgcn-15676630630845 (READ-ONLY COPY).

The authoritative reference and input builder live on the scoring server;
editing this copy changes nothing except your own understanding.
"""

import jax, jax.numpy as jnp
import numpy as np

N = 10000
E = 320000
DIN = 128
DH = 128
DOUT = 128
R = 8


def rgcn_conv(x, W, root, b, src, dst, etype):
    # PyG RGCNConv (no bases/blocks): out = x @ root + bias + sum_r mean_agg_r(x_j) @ W[r]
    out = x @ root + b
    n = x.shape[0]
    xg = x[src]
    for r in range(R):
        mask = (etype == r).astype(x.dtype)
        msg = xg * mask[:, None]
        agg = jax.ops.segment_sum(msg, dst, num_segments=n)
        cnt = jax.ops.segment_sum(mask, dst, num_segments=n)
        agg = agg / jnp.maximum(cnt, 1.0)[:, None]
        out = out + agg @ W[r]
    return out


def setup_inputs(seed: int = 0) -> dict:
    key = jax.random.key(seed)
    ks = jax.random.split(key, 10)
    X = jax.random.normal(ks[0], (N, DIN), dtype=jnp.float32)
    A = jax.random.randint(ks[1], (2, E), 0, N, dtype=jnp.int32)
    edge_type = jax.random.randint(ks[2], (E,), 0, R, dtype=jnp.int32)
    W1 = jax.random.normal(ks[3], (R, DIN, DH), dtype=jnp.float32) * 0.05
    root1 = jax.random.normal(ks[4], (DIN, DH), dtype=jnp.float32) * 0.05
    b1 = jnp.zeros((DH,), dtype=jnp.float32)
    W2 = jax.random.normal(ks[5], (R, DH, DOUT), dtype=jnp.float32) * 0.05
    root2 = jax.random.normal(ks[6], (DH, DOUT), dtype=jnp.float32) * 0.05
    b2 = jnp.zeros((DOUT,), dtype=jnp.float32)
    return {"X": X, "A": A, "edge_type": edge_type, "W1": W1, "root1": root1, "b1": b1, "W2": W2, "root2": root2, "b2": b2}


def reference(X, A, edge_type, W1, root1, b1, W2, root2, b2):
    src = A[0]
    dst = A[1]
    h1 = rgcn_conv(X, W1, root1, b1, src, dst, edge_type)
    h1 = jax.nn.relu(h1)
    h2 = rgcn_conv(h1, W2, root2, b2, src, dst, edge_type)
    return h2

if __name__ == "__main__":
    import jax
    _d = setup_inputs()
    print(jax.jit(kernel)(*tuple(_d.values())))

</pallas_src>

<mosaic_0001>
#map = affine_map<(d0, d1) -> (0, 0)>
#map1 = affine_map<(d0, d1) -> (0)>
module attributes {stable_mosaic.version = 14 : i64} {
  func.func @_scatter_kernel(%arg0: i32, %arg1: i32, %arg2: memref<80000x128xf32, #tpu.memory_space<hbm>>, %arg3: memref<970752xi32, #tpu.memory_space<hbm>>, %arg4: memref<81920x128xf32, #tpu.memory_space<hbm>>, %arg5: memref<20736x128xf32, #tpu.memory_space<hbm>>, %arg6: memref<3584x128xf32, #tpu.memory_space<vmem_shared>>, %arg7: memref<128x128xf32, #tpu.memory_space<vmem>>, %arg8: memref<128x128xf32, #tpu.memory_space<vmem>>, %arg9: memref<384xi32, #tpu.memory_space<vmem>>, %arg10: memref<128xi32, #tpu.memory_space<vmem>>, %arg11: memref<!tpu.dma_semaphore, #tpu.memory_space<semaphore_mem>>) attributes {dimension_semantics = [#tpu.dimension_semantics<core_parallel>, #tpu.dimension_semantics<subcore_parallel>], iteration_bounds = array<i64: 2, 16>, scalar_prefetch = 0 : i64, scratch_operands = 6 : i64, tpu.core_type = #tpu.core_type<sc_vector_subcore>, window_params = [{transform_indices = #map}, {transform_indices = #map1}, {transform_indices = #map}, {transform_indices = #map}]} {
    %mul3A = arith.constant 16 : i32
    %mul3A_0 = arith.muli %arg0, %mul3A : i32
    %add3A = arith.addi %mul3A_0, %arg1 : i32
    %broadcast_in_dim3A = arith.constant 0.000000e+00 : f32
    %broadcast_in_dim3A_1 = vector.broadcast %broadcast_in_dim3A : f32 to vector<16xf32>
    %scan3A = arith.constant 0 : i32
    %scan3A_2 = arith.constant 0 : i32
    %scan3A_3 = arith.constant 128 : i32
    %scan3A_4 = arith.addi %scan3A_2, %scan3A_3 : i32
    %scan3A_5 = arith.constant 1 : i32
    scf.for %scan3A_111 = %scan3A_2 to %scan3A_4 step %scan3A_5  : i32 {
      %swap3A = arith.index_cast %scan3A_111 : i32 to index
      %swap3A_112 = arith.constant 0 : index
      %swap3A_113 = tpu.vector_load %arg7[%swap3A, %swap3A_112] {strides = array<i32>} : memref<128x128xf32, #tpu.memory_space<vmem>>, vector<1x16xf32>,
      %swap3A_114 = vector.shape_cast %swap3A_113 : vector<1x16xf32> to vector<16xf32>
      %swap3A_115 = vector.shape_cast %broadcast_in_dim3A_1 : vector<16xf32> to vector<1x16xf32>
      tpu.vector_store %arg7[%swap3A, %swap3A_112], %swap3A_115 {strides = array<i32>} : memref<128x128xf32, #tpu.memory_space<vmem>>, vector<1x16xf32>,
      %swap3A_116 = arith.index_cast %scan3A_111 : i32 to index
      %swap3A_117 = arith.constant 16 : index
      %swap3A_118 = tpu.vector_load %arg7[%swap3A_116, %swap3A_117] {strides = array<i32>} : memref<128x128xf32, #tpu.memory_space<vmem>>, vector<1x16xf32>,
      %swap3A_119 = vector.shape_cast %swap3A_118 : vector<1x16xf32> to vector<16xf32>
      %swap3A_120 = vector.shape_cast %broadcast_in_dim3A_1 : vector<16xf32> to vector<1x16xf32>
      tpu.vector_store %arg7[%swap3A_116, %swap3A_117], %swap3A_120 {strides = array<i32>} : memref<128x128xf32, #tpu.memory_space<vmem>>, vector<1x16xf32>,
      %swap3A_121 = arith.index_cast %scan3A_111 : i32 to index
      %swap3A_122 = arith.constant 32 : index
      %swap3A_123 = tpu.vector_load %arg7[%swap3A_121, %swap3A_122] {strides = array<i32>} : memref<128x128xf32, #tpu.memory_space<vmem>>, vector<1x16xf32>,
      %swap3A_124 = vector.shape_cast %swap3A_123 : vector<1x16xf32> to vector<16xf32>
      %swap3A_125 = vector.shape_cast %broadcast_in_dim3A_1 : vector<16xf32> to vector<1x16xf32>
      tpu.vector_store %arg7[%swap3A_121, %swap3A_122], %swap3A_125 {strides = array<i32>} : memref<128x128xf32, #tpu.memory_space<vmem>>, vector<1x16xf32>,
      %swap3A_126 = arith.index_cast %scan3A_111 : i32 to index
      %swap3A_127 = arith.constant 48 : index
      %swap3A_128 = tpu.vector_load %arg7[%swap3A_126, %swap3A_127] {strides = array<i32>} : memref<128x128xf32, #tpu.memory_space<vmem>>, vector<1x16xf32>,
      %swap3A_129 = vector.shape_cast %swap3A_128 : vector<1x16xf32> to vector<16xf32>
      %swap3A_130 = vector.shape_cast %broadcast_in_dim3A_1 : vector<16xf32> to vector<1x16xf32>
      tpu.vector_store %arg7[%swap3A_126, %swap3A_127], %swap3A_130 {strides = array<i32>} : memref<128x128xf32, #tpu.memory_space<vmem>>, vector<1x16xf32>,
      %swap3A_131 = arith.index_cast %scan3A_111 : i32 to index
      %swap3A_132 = arith.constant 64 : index
      %swap3A_133 = tpu.vector_load %arg7[%swap3A_131, %swap3A_132] {strides = array<i32>} : memref<128x128xf32, #tpu.memory_space<vmem>>, vector<1x16xf32>,
      %swap3A_134 = vector.shape_cast %swap3A_133 : vector<1x16xf32> to vector<16xf32>
      %swap3A_135 = vector.shape_cast %broadcast_in_dim3A_1 : vector<16xf32> to vector<1x16xf32>
      tpu.vector_store %arg7[%swap3A_131, %swap3A_132], %swap3A_135 {strides = array<i32>} : memref<128x128xf32, #tpu.memory_space<vmem>>, vector<1x16xf32>,
      %swap3A_136 = arith.index_cast %scan3A_111 : i32 to index
      %swap3A_137 = arith.constant 80 : index
      %swap3A_138 = tpu.vector_load %arg7[%swap3A_136, %swap3A_137] {strides = array<i32>} : memref<128x128xf32, #tpu.memory_space<vmem>>, vector<1x16xf32>,
      %swap3A_139 = vector.shape_cast %swap3A_138 : vector<1x16xf32> to vector<16xf32>
      %swap3A_140 = vector.shape_cast %broadcast_in_dim3A_1 : vector<16xf32> to vector<1x16xf32>
      tpu.vector_store %arg7[%swap3A_136, %swap3A_137], %swap3A_140 {strides = array<i32>} : memref<128x128xf32, #tpu.memory_space<vmem>>, vector<1x16xf32>,
      %swap3A_141 = arith.index_cast %scan3A_111 : i32 to index
      %swap3A_142 = arith.constant 96 : index
      %swap3A_143 = tpu.vector_load %arg7[%swap3A_141, %swap3A_142] {strides = array<i32>} : memref<128x128xf32, #tpu.memory_space<vmem>>, vector<1x16xf32>,
      %swap3A_144 = vector.shape_cast %swap3A_143 : vector<1x16xf32> to vector<16xf32>
      %swap3A_145 = vector.shape_cast %broadcast_in_dim3A_1 : vector<16xf32> to vector<1x16xf32>
      tpu.vector_store %arg7[%swap3A_141, %swap3A_142], %swap3A_145 {strides = array<i32>} : memref<128x128xf32, #tpu.memory_space<vmem>>, vector<1x16xf32>,
      %swap3A_146 = arith.index_cast %scan3A_111 : i32 to index
      %swap3A_147 = arith.constant 112 : index
      %swap3A_148 = tpu.vector_load %arg7[%swap3A_146, %swap3A_147] {strides = array<i32>} : memref<128x128xf32, #tpu.memory_space<vmem>>, vector<1x16xf32>,
      %swap3A_149 = vector.shape_cast %swap3A_148 : vector<1x16xf32> to vector<16xf32>
      %swap3A_150 = vector.shape_cast %broadcast_in_dim3A_1 : vector<16xf32> to vector<1x16xf32>
      tpu.vector_store %arg7[%swap3A_146, %swap3A_147], %swap3A_150 {strides = array<i32>} : memref<128x128xf32, #tpu.memory_space<vmem>>, vector<1x16xf32>,
    }
    %scan3A_6 = arith.constant 128 : i32
    %mul3A_7 = arith.constant 224 : i32
    %mul3A_8 = arith.muli %arg1, %mul3A_7 : i32
    "tpu.region"() ({
      %run_scoped3A = tpu.sem_alloc : memref<!tpu.dma_semaphore, #tpu.memory_space<semaphore_mem>>
      %dma_start3A = arith.constant 0 : i32
      %dma_start3A_111 = tpu.memref_slice %arg6[%mul3A_8, %dma_start3A] : memref<3584x128xf32, #tpu.memory_space<vmem_shared>> -> memref<128x128xf32, #tpu.memory_space<vmem_shared>>
      %dma_start3A_112 = arith.constant 0 : i32
      %dma_start3A_113 = tpu.memref_slice %arg6[%mul3A_8, %dma_start3A_112] : memref<3584x128xf32, #tpu.memory_space<vmem_shared>> -> memref<128x128xf32, #tpu.memory_space<vmem_shared>>
      tpu.enqueue_dma source(%arg7 : memref<128x128xf32, #tpu.memory_space<vmem>>) target(%dma_start3A_113 : memref<128x128xf32, #tpu.memory_space<vmem_shared>>) target_semaphore(%run_scoped3A : memref<!tpu.dma_semaphore, #tpu.memory_space<semaphore_mem>>)
      %dma_wait3A = arith.constant 0 : i32
      %dma_wait3A_114 = tpu.memref_slice %arg6[%mul3A_8, %dma_wait3A] : memref<3584x128xf32, #tpu.memory_space<vmem_shared>> -> memref<128x128xf32, #tpu.memory_space<vmem_shared>>
      %dma_wait3A_115 = arith.constant 0 : i32
      %dma_wait3A_116 = tpu.memref_slice %arg6[%mul3A_8, %dma_wait3A_115] : memref<3584x128xf32, #tpu.memory_space<vmem_shared>> -> memref<128x128xf32, #tpu.memory_space<vmem_shared>>
      tpu.wait_dma2 semaphore(%run_scoped3A : memref<!tpu.dma_semaphore, #tpu.memory_space<semaphore_mem>>) src(%arg7 : memref<128x128xf32, #tpu.memory_space<vmem>>) dst(%dma_wait3A_116 : memref<128x128xf32, #tpu.memory_space<vmem_shared>>)
      tpu.yield
    }) : () -> ()
    %mul3A_9 = arith.constant 224 : i32
    %mul3A_10 = arith.muli %arg1, %mul3A_9 : i32
    %add3A_11 = arith.constant 128 : i32
    %add3A_12 = arith.addi %mul3A_10, %add3A_11 : i32
    "tpu.region"() ({
      %run_scoped3A = tpu.sem_alloc : memref<!tpu.dma_semaphore, #tpu.memory_space<semaphore_mem>>
      %dma_start3A = arith.constant 0 : i32
      %dma_start3A_111 = arith.constant 0 : i32
      %dma_start3A_112 = tpu.memref_slice %arg7[%dma_start3A, %dma_start3A_111] : memref<128x128xf32, #tpu.memory_space<vmem>> -> memref<96x128xf32, #tpu.memory_space<vmem>>
      %dma_start3A_113 = arith.constant 0 : i32
      %dma_start3A_114 = tpu.memref_slice %arg6[%add3A_12, %dma_start3A_113] : memref<3584x128xf32, #tpu.memory_space<vmem_shared>> -> memref<96x128xf32, #tpu.memory_space<vmem_shared>>
      %dma_start3A_115 = arith.constant 0 : i32
      %dma_start3A_116 = tpu.memref_slice %arg6[%add3A_12, %dma_start3A_115] : memref<3584x128xf32, #tpu.memory_space<vmem_shared>> -> memref<96x128xf32, #tpu.memory_space<vmem_shared>>
      %dma_start3A_117 = arith.constant 0 : i32
      %dma_start3A_118 = arith.constant 0 : i32
      %dma_start3A_119 = tpu.memref_slice %arg7[%dma_start3A_117, %dma_start3A_118] : memref<128x128xf32, #tpu.memory_space<vmem>> -> memref<96x128xf32, #tpu.memory_space<vmem>>
      tpu.enqueue_dma source(%dma_start3A_119 : memref<96x128xf32, #tpu.memory_space<vmem>>) target(%dma_start3A_116 : memref<96x128xf32, #tpu.memory_space<vmem_shared>>) target_semaphore(%run_scoped3A : memref<!tpu.dma_semaphore, #tpu.memory_space<semaphore_mem>>)
      %dma_wait3A = arith.constant 0 : i32
      %dma_wait3A_120 = arith.constant 0 : i32
      %dma_wait3A_121 = tpu.memref_slice %arg7[%dma_wait3A, %dma_wait3A_120] : memref<128x128xf32, #tpu.memory_space<vmem>> -> memref<96x128xf32, #tpu.memory_space<vmem>>
      %dma_wait3A_122 = arith.constant 0 : i32
      %dma_wait3A_123 = tpu.memref_slice %arg6[%add3A_12, %dma_wait3A_122] : memref<3584x128xf32, #tpu.memory_space<vmem_shared>> -> memref<96x128xf32, #tpu.memory_space<vmem_shared>>
      %dma_wait3A_124 = arith.constant 0 : i32
      %dma_wait3A_125 = tpu.memref_slice %arg6[%add3A_12, %dma_wait3A_124] : memref<3584x128xf32, #tpu.memory_space<vmem_shared>> -> memref<96x128xf32, #tpu.memory_space<vmem_shared>>
      %dma_wait3A_126 = arith.constant 0 : i32
      %dma_wait3A_127 = arith.constant 0 : i32
      %dma_wait3A_128 = tpu.memref_slice %arg7[%dma_wait3A_126, %dma_wait3A_127] : memref<128x128xf32, #tpu.memory_space<vmem>> -> memref<96x128xf32, #tpu.memory_space<vmem>>
      tpu.wait_dma2 semaphore(%run_scoped3A : memref<!tpu.dma_semaphore, #tpu.memory_space<semaphore_mem>>) src(%dma_wait3A_128 : memref<96x128xf32, #tpu.memory_space<vmem>>) dst(%dma_wait3A_125 : memref<96x128xf32, #tpu.memory_space<vmem_shared>>)
      tpu.yield
    }) : () -> ()
    %barrier3A = arith.constant 0 : index
    tpu.barrier barrier_id(%barrier3A)
    %scan3A_13 = arith.constant 0 : i32
    %scan3A_14 = arith.constant 0 : i32
    %scan3A_15 = arith.constant 79 : i32
    %scan3A_16 = arith.addi %scan3A_14, %scan3A_15 : i32
    %scan3A_17 = arith.constant 1 : i32
    scf.for %scan3A_111 = %scan3A_14 to %scan3A_16 step %scan3A_17  : i32 {
      %mul3A_112 = arith.constant 79 : i32
      %mul3A_113 = arith.muli %add3A, %mul3A_112 : i32
      %add3A_114 = arith.addi %mul3A_113, %scan3A_111 : i32
      %mul3A_115 = arith.constant 384 : i32
      %mul3A_116 = arith.muli %add3A_114, %mul3A_115 : i32
      "tpu.region"() ({
        %run_scoped3A = tpu.sem_alloc : memref<!tpu.dma_semaphore, #tpu.memory_space<semaphore_mem>>
        %dma_start3A_293 = tpu.memref_slice %arg3[%mul3A_116] : memref<970752xi32, #tpu.memory_space<hbm>> -> memref<384xi32, #tpu.memory_space<hbm>>
        %dma_start3A_294 = tpu.memref_slice %arg3[%mul3A_116] : memref<970752xi32, #tpu.memory_space<hbm>> -> memref<384xi32, #tpu.memory_space<hbm>>
        tpu.enqueue_dma source(%dma_start3A_294 : memref<384xi32, #tpu.memory_space<hbm>>) target(%arg9 : memref<384xi32, #tpu.memory_space<vmem>>) target_semaphore(%run_scoped3A : memref<!tpu.dma_semaphore, #tpu.memory_space<semaphore_mem>>)
        %dma_wait3A_295 = tpu.memref_slice %arg3[%mul3A_116] : memref<970752xi32, #tpu.memory_space<hbm>> -> memref<384xi32, #tpu.memory_space<hbm>>
        %dma_wait3A_296 = tpu.memref_slice %arg3[%mul3A_116] : memref<970752xi32, #tpu.memory_space<hbm>> -> memref<384xi32, #tpu.memory_space<hbm>>
        tpu.wait_dma2 semaphore(%run_scoped3A : memref<!tpu.dma_semaphore, #tpu.memory_space<semaphore_mem>>) src(%dma_wait3A_296 : memref<384xi32, #tpu.memory_space<hbm>>) dst(%arg9 : memref<384xi32, #tpu.memory_space<vmem>>)
        tpu.yield
      }) : () -> ()
      %dma_start3A = arith.constant 256 : i32
      %dma_start3A_117 = tpu.memref_slice %arg9[%dma_start3A] : memref<384xi32, #tpu.memory_space<vmem>> -> memref<128xi32, #tpu.memory_space<vmem>>
      %dma_start3A_118 = arith.constant 0 : i32
      %dma_start3A_119 = arith.constant 0 : i32
      %dma_start3A_120 = tpu.memref_slice %arg4[%dma_start3A_118, %dma_start3A_119] : memref<81920x128xf32, #tpu.memory_space<hbm>> -> memref<81920x128xf32, #tpu.memory_space<hbm>>
      tpu.enqueue_indirect_dma source(%dma_start3A_120 : memref<81920x128xf32, #tpu.memory_space<hbm>>) target(%arg8 : memref<128x128xf32, #tpu.memory_space<vmem>>) offsets(%dma_start3A_117 : memref<128xi32, #tpu.memory_space<vmem>>) semaphore(%arg11 : memref<!tpu.dma_semaphore, #tpu.memory_space<semaphore_mem>>)
      %dma_start3A_121 = arith.constant 0 : i32
      %dma_start3A_122 = tpu.memref_slice %arg9[%dma_start3A_121] : memref<384xi32, #tpu.memory_space<vmem>> -> memref<128xi32, #tpu.memory_space<vmem>>
      %dma_start3A_123 = arith.constant 0 : i32
      %dma_start3A_124 = arith.constant 0 : i32
      %dma_start3A_125 = tpu.memref_slice %arg2[%dma_start3A_123, %dma_start3A_124] : memref<80000x128xf32, #tpu.memory_space<hbm>> -> memref<80000x128xf32, #tpu.memory_space<hbm>>
      tpu.enqueue_indirect_dma source(%dma_start3A_125 : memref<80000x128xf32, #tpu.memory_space<hbm>>) target(%arg7 : memref<128x128xf32, #tpu.memory_space<vmem>>) offsets(%dma_start3A_122 : memref<128xi32, #tpu.memory_space<vmem>>) semaphore(%arg11 : memref<!tpu.dma_semaphore, #tpu.memory_space<semaphore_mem>>)
      %get3A = arith.constant 128 : index
      %get3A_126 = tpu.vector_load %arg9[%get3A] {strides = array<i32>} : memref<384xi32, #tpu.memory_space<vmem>>, vector<16xi32>,
      %get3A_127 = vector.shape_cast %get3A_126 : vector<16xi32> to vector<16xi32>
      %sub3A = arith.constant 0 : i32
      %sub3A_128 = vector.broadcast %sub3A : i32 to vector<16xi32>
      %sub3A_129 = arith.subi %get3A_127, %sub3A_128 : vector<16xi32>
      %ge3A = arith.constant 0 : i32
      %ge3A_130 = vector.broadcast %ge3A : i32 to vector<16xi32>
      %ge3A_131 = arith.cmpi sge, %sub3A_129, %ge3A_130 : vector<16xi32>
      %lt3A = arith.constant 3456 : i32
      %lt3A_132 = vector.broadcast %lt3A : i32 to vector<16xi32>
      %lt3A_133 = arith.cmpi slt, %sub3A_129, %lt3A_132 : vector<16xi32>
      %and3A = arith.andi %ge3A_131, %lt3A_133 : vector<16xi1>
      %jit3A = arith.constant 3520 : i32
      %broadcast_in_dim3A_134 = vector.broadcast %jit3A : i32 to vector<16xi32>
      %select_n3A = arith.select %and3A, %sub3A_129, %broadcast_in_dim3A_134 : vector<16xi1>, vector<16xi32>
      %swap3A = arith.constant 0 : index
      %swap3A_135 = tpu.vector_load %arg10[%swap3A] {strides = array<i32>} : memref<128xi32, #tpu.memory_space<vmem>>, vector<16xi32>,
      %swap3A_136 = vector.shape_cast %swap3A_135 : vector<16xi32> to vector<16xi32>
      %swap3A_137 = vector.shape_cast %select_n3A : vector<16xi32> to vector<16xi32>
      tpu.vector_store %arg10[%swap3A], %swap3A_137 {strides = array<i32>} : memref<128xi32, #tpu.memory_space<vmem>>, vector<16xi32>,
      %get3A_138 = arith.constant 144 : index
      %get3A_139 = tpu.vector_load %arg9[%get3A_138] {strides = array<i32>} : memref<384xi32, #tpu.memory_space<vmem>>, vector<16xi32>,
      %get3A_140 = vector.shape_cast %get3A_139 : vector<16xi32> to vector<16xi32>
      %sub3A_141 = arith.constant 0 : i32
      %sub3A_142 = vector.broadcast %sub3A_141 : i32 to vector<16xi32>
      %sub3A_143 = arith.subi %get3A_140, %sub3A_142 : vector<16xi32>
      %ge3A_144 = arith.constant 0 : i32
      %ge3A_145 = vector.broadcast %ge3A_144 : i32 to vector<16xi32>
      %ge3A_146 = arith.cmpi sge, %sub3A_143, %ge3A_145 : vector<16xi32>
      %lt3A_147 = arith.constant 3456 : i32
      %lt3A_148 = vector.broadcast %lt3A_147 : i32 to vector<16xi32>
      %lt3A_149 = arith.cmpi slt, %sub3A_143, %lt3A_148 : vector<16xi32>
      %and3A_150 = arith.andi %ge3A_146, %lt3A_149 : vector<16xi1>
      %jit3A_151 = arith.constant 3520 : i32
      %broadcast_in_dim3A_152 = vector.broadcast %jit3A_151 : i32 to vector<16xi32>
      %select_n3A_153 = arith.select %and3A_150, %sub3A_143, %broadcast_in_dim3A_152 : vector<16xi1>, vector<16xi32>
      %swap3A_154 = arith.constant 16 : index
      %swap3A_155 = tpu.vector_load %arg10[%swap3A_154] {strides = array<i32>} : memref<128xi32, #tpu.memory_space<vmem>>, vector<16xi32>,
      %swap3A_156 = vector.shape_cast %swap3A_155 : vector<16xi32> to vector<16xi32>
      %swap3A_157 = vector.shape_cast %select_n3A_153 : vector<16xi32> to vector<16xi32>
      tpu.vector_store %arg10[%swap3A_154], %swap3A_157 {strides = array<i32>} : memref<128xi32, #tpu.memory_space<vmem>>, vector<16xi32>,
      %get3A_158 = arith.constant 160 : index
      %get3A_159 = tpu.vector_load %arg9[%get3A_158] {strides = array<i32>} : memref<384xi32, #tpu.memory_space<vmem>>, vector<16xi32>,
      %get3A_160 = vector.shape_cast %get3A_159 : vector<16xi32> to vector<16xi32>
      %sub3A_161 = arith.constant 0 : i32
      %sub3A_162 = vector.broadcast %sub3A_161 : i32 to vector<16xi32>
      %sub3A_163 = arith.subi %get3A_160, %sub3A_162 : vector<16xi32>
      %ge3A_164 = arith.constant 0 : i32
      %ge3A_165 = vector.broadcast %ge3A_164 : i32 to vector<16xi32>
      %ge3A_166 = arith.cmpi sge, %sub3A_163, %ge3A_165 : vector<16xi32>
      %lt3A_167 = arith.constant 3456 : i32
      %lt3A_168 = vector.broadcast %lt3A_167 : i32 to vector<16xi32>
      %lt3A_169 = arith.cmpi slt, %sub3A_163, %lt3A_168 : vector<16xi32>
      %and3A_170 = arith.andi %ge3A_166, %lt3A_169 : vector<16xi1>
      %jit3A_171 = arith.constant 3520 : i32
      %broadcast_in_dim3A_172 = vector.broadcast %jit3A_171 : i32 to vector<16xi32>
      %select_n3A_173 = arith.select %and3A_170, %sub3A_163, %broadcast_in_dim3A_172 : vector<16xi1>, vector<16xi32>
      %swap3A_174 = arith.constant 32 : index
      %swap3A_175 = tpu.vector_load %arg10[%swap3A_174] {strides = array<i32>} : memref<128xi32, #tpu.memory_space<vmem>>, vector<16xi32>,
      %swap3A_176 = vector.shape_cast %swap3A_175 : vector<16xi32> to vector<16xi32>
      %swap3A_177 = vector.shape_cast %select_n3A_173 : vector<16xi32> to vector<16xi32>
      tpu.vector_store %arg10[%swap3A_174], %swap3A_177 {strides = array<i32>} : memref<128xi32, #tpu.memory_space<vmem>>, vector<16xi32>,
      %get3A_178 = arith.constant 176 : index
      %get3A_179 = tpu.vector_load %arg9[%get3A_178] {strides = array<i32>} : memref<384xi32, #tpu.memory_space<vmem>>, vector<16xi32>,
      %get3A_180 = vector.shape_cast %get3A_179 : vector<16xi32> to vector<16xi32>
      %sub3A_181 = arith.constant 0 : i32
      %sub3A_182 = vector.broadcast %sub3A_181 : i32 to vector<16xi32>
      %sub3A_183 = arith.subi %get3A_180, %sub3A_182 : vector<16xi32>
      %ge3A_184 = arith.constant 0 : i32
      %ge3A_185 = vector.broadcast %ge3A_184 : i32 to vector<16xi32>
      %ge3A_186 = arith.cmpi sge, %sub3A_183, %ge3A_185 : vector<16xi32>
      %lt3A_187 = arith.constant 3456 : i32
      %lt3A_188 = vector.broadcast %lt3A_187 : i32 to vector<16xi32>
      %lt3A_189 = arith.cmpi slt, %sub3A_183, %lt3A_188 : vector<16xi32>
      %and3A_190 = arith.andi %ge3A_186, %lt3A_189 : vector<16xi1>
      %jit3A_191 = arith.constant 3520 : i32
      %broadcast_in_dim3A_192 = vector.broadcast %jit3A_191 : i32 to vector<16xi32>
      %select_n3A_193 = arith.select %and3A_190, %sub3A_183, %broadcast_in_dim3A_192 : vector<16xi1>, vector<16xi32>
      %swap3A_194 = arith.constant 48 : index
      %swap3A_195 = tpu.vector_load %arg10[%swap3A_194] {strides = array<i32>} : memref<128xi32, #tpu.memory_space<vmem>>, vector<16xi32>,
      %swap3A_196 = vector.shape_cast %swap3A_195 : vector<16xi32> to vector<16xi32>
      %swap3A_197 = vector.shape_cast %select_n3A_193 : vector<16xi32> to vector<16xi32>
      tpu.vector_store %arg10[%swap3A_194], %swap3A_197 {strides = array<i32>} : memref<128xi32, #tpu.memory_space<vmem>>, vector<16xi32>,
      %get3A_198 = arith.constant 192 : index
      %get3A_199 = tpu.vector_load %arg9[%get3A_198] {strides = array<i32>} : memref<384xi32, #tpu.memory_space<vmem>>, vector<16xi32>,
      %get3A_200 = vector.shape_cast %get3A_199 : vector<16xi32> to vector<16xi32>
      %sub3A_201 = arith.constant 0 : i32
      %sub3A_202 = vector.broadcast %sub3A_201 : i32 to vector<16xi32>
      %sub3A_203 = arith.subi %get3A_200, %sub3A_202 : vector<16xi32>
      %ge3A_204 = arith.constant 0 : i32
      %ge3A_205 = vector.broadcast %ge3A_204 : i32 to vector<16xi32>
      %ge3A_206 = arith.cmpi sge, %sub3A_203, %ge3A_205 : vector<16xi32>
      %lt3A_207 = arith.constant 3456 : i32
      %lt3A_208 = vector.broadcast %lt3A_207 : i32 to vector<16xi32>
      %lt3A_209 = arith.cmpi slt, %sub3A_203, %lt3A_208 : vector<16xi32>
      %and3A_210 = arith.andi %ge3A_206, %lt3A_209 : vector<16xi1>
      %jit3A_211 = arith.constant 3520 : i32
      %broadcast_in_dim3A_212 = vector.broadcast %jit3A_211 : i32 to vector<16xi32>
      %select_n3A_213 = arith.select %and3A_210, %sub3A_203, %broadcast_in_dim3A_212 : vector<16xi1>, vector<16xi32>
      %swap3A_214 = arith.constant 64 : index
      %swap3A_215 = tpu.vector_load %arg10[%swap3A_214] {strides = array<i32>} : memref<128xi32, #tpu.memory_space<vmem>>, vector<16xi32>,
      %swap3A_216 = vector.shape_cast %swap3A_215 : vector<16xi32> to vector<16xi32>
      %swap3A_217 = vector.shape_cast %select_n3A_213 : vector<16xi32> to vector<16xi32>
      tpu.vector_store %arg10[%swap3A_214], %swap3A_217 {strides = array<i32>} : memref<128xi32, #tpu.memory_space<vmem>>, vector<16xi32>,
      %get3A_218 = arith.constant 208 : index
      %get3A_219 = tpu.vector_load %arg9[%get3A_218] {strides = array<i32>} : memref<384xi32, #tpu.memory_space<vmem>>, vector<16xi32>,
      %get3A_220 = vector.shape_cast %get3A_219 : vector<16xi32> to vector<16xi32>
      %sub3A_221 = arith.constant 0 : i32
      %sub3A_222 = vector.broadcast %sub3A_221 : i32 to vector<16xi32>
      %sub3A_223 = arith.subi %get3A_220, %sub3A_222 : vector<16xi32>
      %ge3A_224 = arith.constant 0 : i32
      %ge3A_225 = vector.broadcast %ge3A_224 : i32 to vector<16xi32>
      %ge3A_226 = arith.cmpi sge, %sub3A_223, %ge3A_225 : vector<16xi32>
      %lt3A_227 = arith.constant 3456 : i32
      %lt3A_228 = vector.broadcast %lt3A_227 : i32 to vector<16xi32>
      %lt3A_229 = arith.cmpi slt, %sub3A_223, %lt3A_228 : vector<16xi32>
      %and3A_230 = arith.andi %ge3A_226, %lt3A_229 : vector<16xi1>
      %jit3A_231 = arith.constant 3520 : i32
      %broadcast_in_dim3A_232 = vector.broadcast %jit3A_231 : i32 to vector<16xi32>
      %select_n3A_233 = arith.select %and3A_230, %sub3A_223, %broadcast_in_dim3A_232 : vector<16xi1>, vector<16xi32>
      %swap3A_234 = arith.constant 80 : index
      %swap3A_235 = tpu.vector_load %arg10[%swap3A_234] {strides = array<i32>} : memref<128xi32, #tpu.memory_space<vmem>>, vector<16xi32>,
      %swap3A_236 = vector.shape_cast %swap3A_235 : vector<16xi32> to vector<16xi32>
      %swap3A_237 = vector.shape_cast %select_n3A_233 : vector<16xi32> to vector<16xi32>
      tpu.vector_store %arg10[%swap3A_234], %swap3A_237 {strides = array<i32>} : memref<128xi32, #tpu.memory_space<vmem>>, vector<16xi32>,
      %get3A_238 = arith.constant 224 : index
      %get3A_239 = tpu.vector_load %arg9[%get3A_238] {strides = array<i32>} : memref<384xi32, #tpu.memory_space<vmem>>, vector<16xi32>,
      %get3A_240 = vector.shape_cast %get3A_239 : vector<16xi32> to vector<16xi32>
      %sub3A_241 = arith.constant 0 : i32
      %sub3A_242 = vector.broadcast %sub3A_241 : i32 to vector<16xi32>
      %sub3A_243 = arith.subi %get3A_240, %sub3A_242 : vector<16xi32>
      %ge3A_244 = arith.constant 0 : i32
      %ge3A_245 = vector.broadcast %ge3A_244 : i32 to vector<16xi32>
      %ge3A_246 = arith.cmpi sge, %sub3A_243, %ge3A_245 : vector<16xi32>
      %lt3A_247 = arith.constant 3456 : i32
      %lt3A_248 = vector.broadcast %lt3A_247 : i32 to vector<16xi32>
      %lt3A_249 = arith.cmpi slt, %sub3A_243, %lt3A_248 : vector<16xi32>
      %and3A_250 = arith.andi %ge3A_246, %lt3A_249 : vector<16xi1>
      %jit3A_251 = arith.constant 3520 : i32
      %broadcast_in_dim3A_252 = vector.broadcast %jit3A_251 : i32 to vector<16xi32>
      %select_n3A_253 = arith.select %and3A_250, %sub3A_243, %broadcast_in_dim3A_252 : vector<16xi1>, vector<16xi32>
      %swap3A_254 = arith.constant 96 : index
      %swap3A_255 = tpu.vector_load %arg10[%swap3A_254] {strides = array<i32>} : memref<128xi32, #tpu.memory_space<vmem>>, vector<16xi32>,
      %swap3A_256 = vector.shape_cast %swap3A_255 : vector<16xi32> to vector<16xi32>
      %swap3A_257 = vector.shape_cast %select_n3A_253 : vector<16xi32> to vector<16xi32>
      tpu.vector_store %arg10[%swap3A_254], %swap3A_257 {strides = array<i32>} : memref<128xi32, #tpu.memory_space<vmem>>, vector<16xi32>,
      %get3A_258 = arith.constant 240 : index
      %get3A_259 = tpu.vector_load %arg9[%get3A_258] {strides = array<i32>} : memref<384xi32, #tpu.memory_space<vmem>>, vector<16xi32>,
      %get3A_260 = vector.shape_cast %get3A_259 : vector<16xi32> to vector<16xi32>
      %sub3A_261 = arith.constant 0 : i32
      %sub3A_262 = vector.broadcast %sub3A_261 : i32 to vector<16xi32>
      %sub3A_263 = arith.subi %get3A_260, %sub3A_262 : vector<16xi32>
      %ge3A_264 = arith.constant 0 : i32
      %ge3A_265 = vector.broadcast %ge3A_264 : i32 to vector<16xi32>
      %ge3A_266 = arith.cmpi sge, %sub3A_263, %ge3A_265 : vector<16xi32>
      %lt3A_267 = arith.constant 3456 : i32
      %lt3A_268 = vector.broadcast %lt3A_267 : i32 to vector<16xi32>
      %lt3A_269 = arith.cmpi slt, %sub3A_263, %lt3A_268 : vector<16xi32>
      %and3A_270 = arith.andi %ge3A_266, %lt3A_269 : vector<16xi1>
      %jit3A_271 = arith.constant 3520 : i32
      %broadcast_in_dim3A_272 = vector.broadcast %jit3A_271 : i32 to vector<16xi32>
      %select_n3A_273 = arith.select %and3A_270, %sub3A_263, %broadcast_in_dim3A_272 : vector<16xi1>, vector<16xi32>
      %swap3A_274 = arith.constant 112 : index
      %swap3A_275 = tpu.vector_load %arg10[%swap3A_274] {strides = array<i32>} : memref<128xi32, #tpu.memory_space<vmem>>, vector<16xi32>,
      %swap3A_276 = vector.shape_cast %swap3A_275 : vector<16xi32> to vector<16xi32>
      %swap3A_277 = vector.shape_cast %select_n3A_273 : vector<16xi32> to vector<16xi32>
      tpu.vector_store %arg10[%swap3A_274], %swap3A_277 {strides = array<i32>} : memref<128xi32, #tpu.memory_space<vmem>>, vector<16xi32>,
      %dma_wait3A = arith.constant 256 : i32
      %dma_wait3A_278 = tpu.memref_slice %arg9[%dma_wait3A] : memref<384xi32, #tpu.memory_space<vmem>> -> memref<128xi32, #tpu.memory_space<vmem>>
      %dma_wait3A_279 = arith.constant 0 : i32
      %dma_wait3A_280 = arith.constant 0 : i32
      %dma_wait3A_281 = tpu.memref_slice %arg4[%dma_wait3A_279, %dma_wait3A_280] : memref<81920x128xf32, #tpu.memory_space<hbm>> -> memref<81920x128xf32, #tpu.memory_space<hbm>>
      tpu.wait_indirect_dma semaphore(%arg11 : memref<!tpu.dma_semaphore, #tpu.memory_space<semaphore_mem>>) src(%dma_wait3A_281 : memref<81920x128xf32, #tpu.memory_space<hbm>>) dst(%arg8 : memref<128x128xf32, #tpu.memory_space<vmem>>)
      %dma_wait3A_282 = arith.constant 0 : i32
      %dma_wait3A_283 = tpu.memref_slice %arg9[%dma_wait3A_282] : memref<384xi32, #tpu.memory_space<vmem>> -> memref<128xi32, #tpu.memory_space<vmem>>
      %dma_wait3A_284 = arith.constant 0 : i32
      %dma_wait3A_285 = arith.constant 0 : i32
      %dma_wait3A_286 = tpu.memref_slice %arg2[%dma_wait3A_284, %dma_wait3A_285] : memref<80000x128xf32, #tpu.memory_space<hbm>> -> memref<80000x128xf32, #tpu.memory_space<hbm>>
      tpu.wait_indirect_dma semaphore(%arg11 : memref<!tpu.dma_semaphore, #tpu.memory_space<semaphore_mem>>) src(%dma_wait3A_286 : memref<80000x128xf32, #tpu.memory_space<hbm>>) dst(%arg7 : memref<128x128xf32, #tpu.memory_space<vmem>>)
      %scan3A_287 = arith.constant 0 : i32
      %scan3A_288 = arith.constant 0 : i32
      %scan3A_289 = arith.constant 128 : i32
      %scan3A_290 = arith.addi %scan3A_288, %scan3A_289 : i32
      %scan3A_291 = arith.constant 1 : i32
      scf.for %scan3A_293 = %scan3A_288 to %scan3A_290 step %scan3A_291  : i32 {
        %get3A_294 = arith.index_cast %scan3A_293 : i32 to index
        %get3A_295 = arith.constant 0 : index
        %get3A_296 = tpu.vector_load %arg7[%get3A_294, %get3A_295] {strides = array<i32>} : memref<128x128xf32, #tpu.memory_space<vmem>>, vector<1x16xf32>,
        %get3A_297 = vector.shape_cast %get3A_296 : vector<1x16xf32> to vector<16xf32>
        %get3A_298 = arith.index_cast %scan3A_293 : i32 to index
        %get3A_299 = arith.constant 0 : index
        %get3A_300 = tpu.vector_load %arg8[%get3A_298, %get3A_299] {strides = array<i32>} : memref<128x128xf32, #tpu.memory_space<vmem>>, vector<1x16xf32>,
        %get3A_301 = vector.shape_cast %get3A_300 : vector<1x16xf32> to vector<16xf32>
        %mul3A_302 = arith.mulf %get3A_297, %get3A_301 : vector<16xf32>
        %swap3A_303 = arith.index_cast %scan3A_293 : i32 to index
        %swap3A_304 = arith.constant 0 : index
        %swap3A_305 = tpu.vector_load %arg7[%swap3A_303, %swap3A_304] {strides = array<i32>} : memref<128x128xf32, #tpu.memory_space<vmem>>, vector<1x16xf32>,
        %swap3A_306 = vector.shape_cast %swap3A_305 : vector<1x16xf32> to vector<16xf32>
        %swap3A_307 = vector.shape_cast %mul3A_302 : vector<16xf32> to vector<1x16xf32>
        tpu.vector_store %arg7[%swap3A_303, %swap3A_304], %swap3A_307 {strides = array<i32>} : memref<128x128xf32, #tpu.memory_space<vmem>>, vector<1x16xf32>,
        %get3A_308 = arith.index_cast %scan3A_293 : i32 to index
        %get3A_309 = arith.constant 16 : index
        %get3A_310 = tpu.vector_load %arg7[%get3A_308, %get3A_309] {strides = array<i32>} : memref<128x128xf32, #tpu.memory_space<vmem>>, vector<1x16xf32>,
        %get3A_311 = vector.shape_cast %get3A_310 : vector<1x16xf32> to vector<16xf32>
        %get3A_312 = arith.index_cast %scan3A_293 : i32 to index
        %get3A_313 = arith.constant 16 : index
        %get3A_314 = tpu.vector_load %arg8[%get3A_312, %get3A_313] {strides = array<i32>} : memref<128x128xf32, #tpu.memory_space<vmem>>, vector<1x16xf32>,
        %get3A_315 = vector.shape_cast %get3A_314 : vector<1x16xf32> to vector<16xf32>
        %mul3A_316 = arith.mulf %get3A_311, %get3A_315 : vector<16xf32>
        %swap3A_317 = arith.index_cast %scan3A_293 : i32 to index
        %swap3A_318 = arith.constant 16 : index
        %swap3A_319 = tpu.vector_load %arg7[%swap3A_317, %swap3A_318] {strides = array<i32>} : memref<128x128xf32, #tpu.memory_space<vmem>>, vector<1x16xf32>,
        %swap3A_320 = vector.shape_cast %swap3A_319 : vector<1x16xf32> to vector<16xf32>
        %swap3A_321 = vector.shape_cast %mul3A_316 : vector<16xf32> to vector<1x16xf32>
        tpu.vector_store %arg7[%swap3A_317, %swap3A_318], %swap3A_321 {strides = array<i32>} : memref<128x128xf32, #tpu.memory_space<vmem>>, vector<1x16xf32>,
        %get3A_322 = arith.index_cast %scan3A_293 : i32 to index
        %get3A_323 = arith.constant 32 : index
        %get3A_324 = tpu.vector_load %arg7[%get3A_322, %get3A_323] {strides = array<i32>} : memref<128x128xf32, #tpu.memory_space<vmem>>, vector<1x16xf32>,
        %get3A_325 = vector.shape_cast %get3A_324 : vector<1x16xf32> to vector<16xf32>
        %get3A_326 = arith.index_cast %scan3A_293 : i32 to index
        %get3A_327 = arith.constant 32 : index
        %get3A_328 = tpu.vector_load %arg8[%get3A_326, %get3A_327] {strides = array<i32>} : memref<128x128xf32, #tpu.memory_space<vmem>>, vector<1x16xf32>,
        %get3A_329 = vector.shape_cast %get3A_328 : vector<1x16xf32> to vector<16xf32>
        %mul3A_330 = arith.mulf %get3A_325, %get3A_329 : vector<16xf32>
        %swap3A_331 = arith.index_cast %scan3A_293 : i32 to index
        %swap3A_332 = arith.constant 32 : index
        %swap3A_333 = tpu.vector_load %arg7[%swap3A_331, %swap3A_332] {strides = array<i32>} : memref<128x128xf32, #tpu.memory_space<vmem>>, vector<1x16xf32>,
        %swap3A_334 = vector.shape_cast %swap3A_333 : vector<1x16xf32> to vector<16xf32>
        %swap3A_335 = vector.shape_cast %mul3A_330 : vector<16xf32> to vector<1x16xf32>
        tpu.vector_store %arg7[%swap3A_331, %swap3A_332], %swap3A_335 {strides = array<i32>} : memref<128x128xf32, #tpu.memory_space<vmem>>, vector<1x16xf32>,
        %get3A_336 = arith.index_cast %scan3A_293 : i32 to index
        %get3A_337 = arith.constant 48 : index
        %get3A_338 = tpu.vector_load %arg7[%get3A_336, %get3A_337] {strides = array<i32>} : memref<128x128xf32, #tpu.memory_space<vmem>>, vector<1x16xf32>,
        %get3A_339 = vector.shape_cast %get3A_338 : vector<1x16xf32> to vector<16xf32>
        %get3A_340 = arith.index_cast %scan3A_293 : i32 to index
        %get3A_341 = arith.constant 48 : index
        %get3A_342 = tpu.vector_load %arg8[%get3A_340, %get3A_341] {strides = array<i32>} : memref<128x128xf32, #tpu.memory_space<vmem>>, vector<1x16xf32>,
        %get3A_343 = vector.shape_cast %get3A_342 : vector<1x16xf32> to vector<16xf32>
        %mul3A_344 = arith.mulf %get3A_339, %get3A_343 : vector<16xf32>
        %swap3A_345 = arith.index_cast %scan3A_293 : i32 to index
        %swap3A_346 = arith.constant 48 : index
        %swap3A_347 = tpu.vector_load %arg7[%swap3A_345, %swap3A_346] {strides = array<i32>} : memref<128x128xf32, #tpu.memory_space<vmem>>, vector<1x16xf32>,
        %swap3A_348 = vector.shape_cast %swap3A_347 : vector<1x16xf32> to vector<16xf32>
        %swap3A_349 = vector.shape_cast %mul3A_344 : vector<16xf32> to vector<1x16xf32>
        tpu.vector_store %arg7[%swap3A_345, %swap3A_346], %swap3A_349 {strides = array<i32>} : memref<128x128xf32, #tpu.memory_space<vmem>>, vector<1x16xf32>,
        %get3A_350 = arith.index_cast %scan3A_293 : i32 to index
        %get3A_351 = arith.constant 64 : index
        %get3A_352 = tpu.vector_load %arg7[%get3A_350, %get3A_351] {strides = array<i32>} : memref<128x128xf32, #tpu.memory_space<vmem>>, vector<1x16xf32>,
        %get3A_353 = vector.shape_cast %get3A_352 : vector<1x16xf32> to vector<16xf32>
        %get3A_354 = arith.index_cast %scan3A_293 : i32 to index
        %get3A_355 = arith.constant 64 : index
        %get3A_356 = tpu.vector_load %arg8[%get3A_354, %get3A_355] {strides = array<i32>} : memref<128x128xf32, #tpu.memory_space<vmem>>, vector<1x16xf32>,
        %get3A_357 = vector.shape_cast %get3A_356 : vector<1x16xf32> to vector<16xf32>
        %mul3A_358 = arith.mulf %get3A_353, %get3A_357 : vector<16xf32>
        %swap3A_359 = arith.index_cast %scan3A_293 : i32 to index
        %swap3A_360 = arith.constant 64 : index
        %swap3A_361 = tpu.vector_load %arg7[%swap3A_359, %swap3A_360] {strides = array<i32>} : memref<128x128xf32, #tpu.memory_space<vmem>>, vector<1x16xf32>,
        %swap3A_362 = vector.shape_cast %swap3A_361 : vector<1x16xf32> to vector<16xf32>
        %swap3A_363 = vector.shape_cast %mul3A_358 : vector<16xf32> to vector<1x16xf32>
        tpu.vector_store %arg7[%swap3A_359, %swap3A_360], %swap3A_363 {strides = array<i32>} : memref<128x128xf32, #tpu.memory_space<vmem>>, vector<1x16xf32>,
        %get3A_364 = arith.index_cast %scan3A_293 : i32 to index
        %get3A_365 = arith.constant 80 : index
        %get3A_366 = tpu.vector_load %arg7[%get3A_364, %get3A_365] {strides = array<i32>} : memref<128x128xf32, #tpu.memory_space<vmem>>, vector<1x16xf32>,
        %get3A_367 = vector.shape_cast %get3A_366 : vector<1x16xf32> to vector<16xf32>
        %get3A_368 = arith.index_cast %scan3A_293 : i32 to index
        %get3A_369 = arith.constant 80 : index
        %get3A_370 = tpu.vector_load %arg8[%get3A_368, %get3A_369] {strides = array<i32>} : memref<128x128xf32, #tpu.memory_space<vmem>>, vector<1x16xf32>,
        %get3A_371 = vector.shape_cast %get3A_370 : vector<1x16xf32> to vector<16xf32>
        %mul3A_372 = arith.mulf %get3A_367, %get3A_371 : vector<16xf32>
        %swap3A_373 = arith.index_cast %scan3A_293 : i32 to index
        %swap3A_374 = arith.constant 80 : index
        %swap3A_375 = tpu.vector_load %arg7[%swap3A_373, %swap3A_374] {strides = array<i32>} : memref<128x128xf32, #tpu.memory_space<vmem>>, vector<1x16xf32>,
        %swap3A_376 = vector.shape_cast %swap3A_375 : vector<1x16xf32> to vector<16xf32>
        %swap3A_377 = vector.shape_cast %mul3A_372 : vector<16xf32> to vector<1x16xf32>
        tpu.vector_store %arg7[%swap3A_373, %swap3A_374], %swap3A_377 {strides = array<i32>} : memref<128x128xf32, #tpu.memory_space<vmem>>, vector<1x16xf32>,
        %get3A_378 = arith.index_cast %scan3A_293 : i32 to index
        %get3A_379 = arith.constant 96 : index
        %get3A_380 = tpu.vector_load %arg7[%get3A_378, %get3A_379] {strides = array<i32>} : memref<128x128xf32, #tpu.memory_space<vmem>>, vector<1x16xf32>,
        %get3A_381 = vector.shape_cast %get3A_380 : vector<1x16xf32> to vector<16xf32>
        %get3A_382 = arith.index_cast %scan3A_293 : i32 to index
        %get3A_383 = arith.constant 96 : index
        %get3A_384 = tpu.vector_load %arg8[%get3A_382, %get3A_383] {strides = array<i32>} : memref<128x128xf32, #tpu.memory_space<vmem>>, vector<1x16xf32>,
        %get3A_385 = vector.shape_cast %get3A_384 : vector<1x16xf32> to vector<16xf32>
        %mul3A_386 = arith.mulf %get3A_381, %get3A_385 : vector<16xf32>
        %swap3A_387 = arith.index_cast %scan3A_293 : i32 to index
        %swap3A_388 = arith.constant 96 : index
        %swap3A_389 = tpu.vector_load %arg7[%swap3A_387, %swap3A_388] {strides = array<i32>} : memref<128x128xf32, #tpu.memory_space<vmem>>, vector<1x16xf32>,
        %swap3A_390 = vector.shape_cast %swap3A_389 : vector<1x16xf32> to vector<16xf32>
        %swap3A_391 = vector.shape_cast %mul3A_386 : vector<16xf32> to vector<1x16xf32>
        tpu.vector_store %arg7[%swap3A_387, %swap3A_388], %swap3A_391 {strides = array<i32>} : memref<128x128xf32, #tpu.memory_space<vmem>>, vector<1x16xf32>,
        %get3A_392 = arith.index_cast %scan3A_293 : i32 to index
        %get3A_393 = arith.constant 112 : index
        %get3A_394 = tpu.vector_load %arg7[%get3A_392, %get3A_393] {strides = array<i32>} : memref<128x128xf32, #tpu.memory_space<vmem>>, vector<1x16xf32>,
        %get3A_395 = vector.shape_cast %get3A_394 : vector<1x16xf32> to vector<16xf32>
        %get3A_396 = arith.index_cast %scan3A_293 : i32 to index
        %get3A_397 = arith.constant 112 : index
        %get3A_398 = tpu.vector_load %arg8[%get3A_396, %get3A_397] {strides = array<i32>} : memref<128x128xf32, #tpu.memory_space<vmem>>, vector<1x16xf32>,
        %get3A_399 = vector.shape_cast %get3A_398 : vector<1x16xf32> to vector<16xf32>
        %mul3A_400 = arith.mulf %get3A_395, %get3A_399 : vector<16xf32>
        %swap3A_401 = arith.index_cast %scan3A_293 : i32 to index
        %swap3A_402 = arith.constant 112 : index
        %swap3A_403 = tpu.vector_load %arg7[%swap3A_401, %swap3A_402] {strides = array<i32>} : memref<128x128xf32, #tpu.memory_space<vmem>>, vector<1x16xf32>,
        %swap3A_404 = vector.shape_cast %swap3A_403 : vector<1x16xf32> to vector<16xf32>
        %swap3A_405 = vector.shape_cast %mul3A_400 : vector<16xf32> to vector<1x16xf32>
        tpu.vector_store %arg7[%swap3A_401, %swap3A_402], %swap3A_405 {strides = array<i32>} : memref<128x128xf32, #tpu.memory_space<vmem>>, vector<1x16xf32>,
      }
      %scan3A_292 = arith.constant 128 : i32
      "tpu.region"() ({
        %run_scoped3A = tpu.sem_alloc : memref<!tpu.dma_semaphore, #tpu.memory_space<semaphore_mem>>
        %dma_start3A_293 = arith.constant 0 : i32
        %dma_start3A_294 = arith.constant 0 : i32
        %dma_start3A_295 = tpu.memref_slice %arg6[%dma_start3A_293, %dma_start3A_294] : memref<3584x128xf32, #tpu.memory_space<vmem_shared>> -> memref<3584x128xf32, #tpu.memory_space<vmem_shared>>
        tpu.enqueue_indirect_dma source(%arg7 : memref<128x128xf32, #tpu.memory_space<vmem>>) target(%dma_start3A_295 : memref<3584x128xf32, #tpu.memory_space<vmem_shared>>) offsets(%arg10 : memref<128xi32, #tpu.memory_space<vmem>>) semaphore(%run_scoped3A : memref<!tpu.dma_semaphore, #tpu.memory_space<semaphore_mem>>) {add = true}
        %dma_wait3A_296 = arith.constant 0 : i32
        %dma_wait3A_297 = arith.constant 0 : i32
        %dma_wait3A_298 = tpu.memref_slice %arg6[%dma_wait3A_296, %dma_wait3A_297] : memref<3584x128xf32, #tpu.memory_space<vmem_shared>> -> memref<3584x128xf32, #tpu.memory_space<vmem_shared>>
        tpu.wait_indirect_dma semaphore(%run_scoped3A : memref<!tpu.dma_semaphore, #tpu.memory_space<semaphore_mem>>) src(%arg7 : memref<128x128xf32, #tpu.memory_space<vmem>>) dst(%dma_wait3A_298 : memref<3584x128xf32, #tpu.memory_space<vmem_shared>>)
        tpu.yield
      }) : () -> ()
    }
    %scan3A_18 = arith.constant 79 : i32
    %barrier3A_19 = arith.constant 0 : index
    tpu.barrier barrier_id(%barrier3A_19)
    %mul3A_20 = arith.constant 216 : i32
    %mul3A_21 = arith.muli %arg1, %mul3A_20 : i32
    %mul3A_22 = arith.constant 10368 : i32
    %mul3A_23 = arith.muli %arg0, %mul3A_22 : i32
    %add3A_24 = arith.constant 0 : i32
    %add3A_25 = arith.addi %mul3A_23, %add3A_24 : i32
    %add3A_26 = arith.addi %add3A_25, %mul3A_21 : i32
    "tpu.region"() ({
      %run_scoped3A = tpu.sem_alloc : memref<!tpu.dma_semaphore, #tpu.memory_space<semaphore_mem>>
      %dma_start3A = arith.constant 0 : i32
      %dma_start3A_111 = tpu.memref_slice %arg5[%add3A_26, %dma_start3A] : memref<20736x128xf32, #tpu.memory_space<hbm>> -> memref<128x128xf32, #tpu.memory_space<hbm>>
      %dma_start3A_112 = arith.constant 0 : i32
      %dma_start3A_113 = tpu.memref_slice %arg6[%mul3A_21, %dma_start3A_112] : memref<3584x128xf32, #tpu.memory_space<vmem_shared>> -> memref<128x128xf32, #tpu.memory_space<vmem_shared>>
      tpu.enqueue_dma source(%dma_start3A_113 : memref<128x128xf32, #tpu.memory_space<vmem_shared>>) target(%dma_start3A_111 : memref<128x128xf32, #tpu.memory_space<hbm>>) target_semaphore(%run_scoped3A : memref<!tpu.dma_semaphore, #tpu.memory_space<semaphore_mem>>)
      %dma_wait3A = arith.constant 0 : i32
      %dma_wait3A_114 = tpu.memref_slice %arg5[%add3A_26, %dma_wait3A] : memref<20736x128xf32, #tpu.memory_space<hbm>> -> memref<128x128xf32, #tpu.memory_space<hbm>>
      %dma_wait3A_115 = arith.constant 0 : i32
      %dma_wait3A_116 = tpu.memref_slice %arg6[%mul3A_21, %dma_wait3A_115] : memref<3584x128xf32, #tpu.memory_space<vmem_shared>> -> memref<128x128xf32, #tpu.memory_space<vmem_shared>>
      tpu.wait_dma2 semaphore(%run_scoped3A : memref<!tpu.dma_semaphore, #tpu.memory_space<semaphore_mem>>) src(%dma_wait3A_116 : memref<128x128xf32, #tpu.memory_space<vmem_shared>>) dst(%dma_wait3A_114 : memref<128x128xf32, #tpu.memory_space<hbm>>)
      tpu.yield
    }) : () -> ()
    %add3A_27 = arith.constant 128 : i32
    %add3A_28 = arith.addi %mul3A_21, %add3A_27 : i32
    %mul3A_29 = arith.constant 10368 : i32
    %mul3A_30 = arith.muli %arg0, %mul3A_29 : i32
    %add3A_31 = arith.constant 0 : i32
    %add3A_32 = arith.addi %mul3A_30, %add3A_31 : i32
    %add3A_33 = arith.addi %add3A_32, %mul3A_21 : i32
    %add3A_34 = arith.constant 128 : i32
    %add3A_35 = arith.addi %add3A_33, %add3A_34 : i32
    "tpu.region"() ({
      %run_scoped3A = tpu.sem_alloc : memref<!tpu.dma_semaphore, #tpu.memory_space<semaphore_mem>>
      %dma_start3A = arith.constant 0 : i32
      %dma_start3A_111 = tpu.memref_slice %arg5[%add3A_35, %dma_start3A] : memref<20736x128xf32, #tpu.memory_space<hbm>> -> memref<88x128xf32, #tpu.memory_space<hbm>>
      %dma_start3A_112 = arith.constant 0 : i32
      %dma_start3A_113 = tpu.memref_slice %arg6[%add3A_28, %dma_start3A_112] : memref<3584x128xf32, #tpu.memory_space<vmem_shared>> -> memref<88x128xf32, #tpu.memory_space<vmem_shared>>
      tpu.enqueue_dma source(%dma_start3A_113 : memref<88x128xf32, #tpu.memory_space<vmem_shared>>) target(%dma_start3A_111 : memref<88x128xf32, #tpu.memory_space<hbm>>) target_semaphore(%run_scoped3A : memref<!tpu.dma_semaphore, #tpu.memory_space<semaphore_mem>>)
      %dma_wait3A = arith.constant 0 : i32
      %dma_wait3A_114 = tpu.memref_slice %arg5[%add3A_35, %dma_wait3A] : memref<20736x128xf32, #tpu.memory_space<hbm>> -> memref<88x128xf32, #tpu.memory_space<hbm>>
      %dma_wait3A_115 = arith.constant 0 : i32
      %dma_wait3A_116 = tpu.memref_slice %arg6[%add3A_28, %dma_wait3A_115] : memref<3584x128xf32, #tpu.memory_space<vmem_shared>> -> memref<88x128xf32, #tpu.memory_space<vmem_shared>>
      tpu.wait_dma2 semaphore(%run_scoped3A : memref<!tpu.dma_semaphore, #tpu.memory_space<semaphore_mem>>) src(%dma_wait3A_116 : memref<88x128xf32, #tpu.memory_space<vmem_shared>>) dst(%dma_wait3A_114 : memref<88x128xf32, #tpu.memory_space<hbm>>)
      tpu.yield
    }) : () -> ()
    %barrier3A_36 = arith.constant 0 : index
    tpu.barrier barrier_id(%barrier3A_36)
    %scan3A_37 = arith.constant 0 : i32
    %scan3A_38 = arith.constant 0 : i32
    %scan3A_39 = arith.constant 128 : i32
    %scan3A_40 = arith.addi %scan3A_38, %scan3A_39 : i32
    %scan3A_41 = arith.constant 1 : i32
    scf.for %scan3A_111 = %scan3A_38 to %scan3A_40 step %scan3A_41  : i32 {
      %swap3A = arith.index_cast %scan3A_111 : i32 to index
      %swap3A_112 = arith.constant 0 : index
      %swap3A_113 = tpu.vector_load %arg7[%swap3A, %swap3A_112] {strides = array<i32>} : memref<128x128xf32, #tpu.memory_space<vmem>>, vector<1x16xf32>,
      %swap3A_114 = vector.shape_cast %swap3A_113 : vector<1x16xf32> to vector<16xf32>
      %swap3A_115 = vector.shape_cast %broadcast_in_dim3A_1 : vector<16xf32> to vector<1x16xf32>
      tpu.vector_store %arg7[%swap3A, %swap3A_112], %swap3A_115 {strides = array<i32>} : memref<128x128xf32, #tpu.memory_space<vmem>>, vector<1x16xf32>,
      %swap3A_116 = arith.index_cast %scan3A_111 : i32 to index
      %swap3A_117 = arith.constant 16 : index
      %swap3A_118 = tpu.vector_load %arg7[%swap3A_116, %swap3A_117] {strides = array<i32>} : memref<128x128xf32, #tpu.memory_space<vmem>>, vector<1x16xf32>,
      %swap3A_119 = vector.shape_cast %swap3A_118 : vector<1x16xf32> to vector<16xf32>
      %swap3A_120 = vector.shape_cast %broadcast_in_dim3A_1 : vector<16xf32> to vector<1x16xf32>
      tpu.vector_store %arg7[%swap3A_116, %swap3A_117], %swap3A_120 {strides = array<i32>} : memref<128x128xf32, #tpu.memory_space<vmem>>, vector<1x16xf32>,
      %swap3A_121 = arith.index_cast %scan3A_111 : i32 to index
      %swap3A_122 = arith.constant 32 : index
      %swap3A_123 = tpu.vector_load %arg7[%swap3A_121, %swap3A_122] {strides = array<i32>} : memref<128x128xf32, #tpu.memory_space<vmem>>, vector<1x16xf32>,
      %swap3A_124 = vector.shape_cast %swap3A_123 : vector<1x16xf32> to vector<16xf32>
      %swap3A_125 = vector.shape_cast %broadcast_in_dim3A_1 : vector<16xf32> to vector<1x16xf32>
      tpu.vector_store %arg7[%swap3A_121, %swap3A_122], %swap3A_125 {strides = array<i32>} : memref<128x128xf32, #tpu.memory_space<vmem>>, vector<1x16xf32>,
      %swap3A_126 = arith.index_cast %scan3A_111 : i32 to index
      %swap3A_127 = arith.constant 48 : index
      %swap3A_128 = tpu.vector_load %arg7[%swap3A_126, %swap3A_127] {strides = array<i32>} : memref<128x128xf32, #tpu.memory_space<vmem>>, vector<1x16xf32>,
      %swap3A_129 = vector.shape_cast %swap3A_128 : vector<1x16xf32> to vector<16xf32>
      %swap3A_130 = vector.shape_cast %broadcast_in_dim3A_1 : vector<16xf32> to vector<1x16xf32>
      tpu.vector_store %arg7[%swap3A_126, %swap3A_127], %swap3A_130 {strides = array<i32>} : memref<128x128xf32, #tpu.memory_space<vmem>>, vector<1x16xf32>,
      %swap3A_131 = arith.index_cast %scan3A_111 : i32 to index
      %swap3A_132 = arith.constant 64 : index
      %swap3A_133 = tpu.vector_load %arg7[%swap3A_131, %swap3A_132] {strides = array<i32>} : memref<128x128xf32, #tpu.memory_space<vmem>>, vector<1x16xf32>,
      %swap3A_134 = vector.shape_cast %swap3A_133 : vector<1x16xf32> to vector<16xf32>
      %swap3A_135 = vector.shape_cast %broadcast_in_dim3A_1 : vector<16xf32> to vector<1x16xf32>
      tpu.vector_store %arg7[%swap3A_131, %swap3A_132], %swap3A_135 {strides = array<i32>} : memref<128x128xf32, #tpu.memory_space<vmem>>, vector<1x16xf32>,
      %swap3A_136 = arith.index_cast %scan3A_111 : i32 to index
      %swap3A_137 = arith.constant 80 : index
      %swap3A_138 = tpu.vector_load %arg7[%swap3A_136, %swap3A_137] {strides = array<i32>} : memref<128x128xf32, #tpu.memory_space<vmem>>, vector<1x16xf32>,
      %swap3A_139 = vector.shape_cast %swap3A_138 : vector<1x16xf32> to vector<16xf32>
      %swap3A_140 = vector.shape_cast %broadcast_in_dim3A_1 : vector<16xf32> to vector<1x16xf32>
      tpu.vector_store %arg7[%swap3A_136, %swap3A_137], %swap3A_140 {strides = array<i32>} : memref<128x128xf32, #tpu.memory_space<vmem>>, vector<1x16xf32>,
      %swap3A_141 = arith.index_cast %scan3A_111 : i32 to index
      %swap3A_142 = arith.constant 96 : index
      %swap3A_143 = tpu.vector_load %arg7[%swap3A_141, %swap3A_142] {strides = array<i32>} : memref<128x128xf32, #tpu.memory_space<vmem>>, vector<1x16xf32>,
      %swap3A_144 = vector.shape_cast %swap3A_143 : vector<1x16xf32> to vector<16xf32>
      %swap3A_145 = vector.shape_cast %broadcast_in_dim3A_1 : vector<16xf32> to vector<1x16xf32>
      tpu.vector_store %arg7[%swap3A_141, %swap3A_142], %swap3A_145 {strides = array<i32>} : memref<128x128xf32, #tpu.memory_space<vmem>>, vector<1x16xf32>,
      %swap3A_146 = arith.index_cast %scan3A_111 : i32 to index
      %swap3A_147 = arith.constant 112 : index
      %swap3A_148 = tpu.vector_load %arg7[%swap3A_146, %swap3A_147] {strides = array<i32>} : memref<128x128xf32, #tpu.memory_space<vmem>>, vector<1x16xf32>,
      %swap3A_149 = vector.shape_cast %swap3A_148 : vector<1x16xf32> to vector<16xf32>
      %swap3A_150 = vector.shape_cast %broadcast_in_dim3A_1 : vector<16xf32> to vector<1x16xf32>
      tpu.vector_store %arg7[%swap3A_146, %swap3A_147], %swap3A_150 {strides = array<i32>} : memref<128x128xf32, #tpu.memory_space<vmem>>, vector<1x16xf32>,
    }
    %scan3A_42 = arith.constant 128 : i32
    %mul3A_43 = arith.constant 224 : i32
    %mul3A_44 = arith.muli %arg1, %mul3A_43 : i32
    "tpu.region"() ({
      %run_scoped3A = tpu.sem_alloc : memref<!tpu.dma_semaphore, #tpu.memory_space<semaphore_mem>>
      %dma_start3A = arith.constant 0 : i32
      %dma_start3A_111 = tpu.memref_slice %arg6[%mul3A_44, %dma_start3A] : memref<3584x128xf32, #tpu.memory_space<vmem_shared>> -> memref<128x128xf32, #tpu.memory_space<vmem_shared>>
      %dma_start3A_112 = arith.constant 0 : i32
      %dma_start3A_113 = tpu.memref_slice %arg6[%mul3A_44, %dma_start3A_112] : memref<3584x128xf32, #tpu.memory_space<vmem_shared>> -> memref<128x128xf32, #tpu.memory_space<vmem_shared>>
      tpu.enqueue_dma source(%arg7 : memref<128x128xf32, #tpu.memory_space<vmem>>) target(%dma_start3A_113 : memref<128x128xf32, #tpu.memory_space<vmem_shared>>) target_semaphore(%run_scoped3A : memref<!tpu.dma_semaphore, #tpu.memory_space<semaphore_mem>>)
      %dma_wait3A = arith.constant 0 : i32
      %dma_wait3A_114 = tpu.memref_slice %arg6[%mul3A_44, %dma_wait3A] : memref<3584x128xf32, #tpu.memory_space<vmem_shared>> -> memref<128x128xf32, #tpu.memory_space<vmem_shared>>
      %dma_wait3A_115 = arith.constant 0 : i32
      %dma_wait3A_116 = tpu.memref_slice %arg6[%mul3A_44, %dma_wait3A_115] : memref<3584x128xf32, #tpu.memory_space<vmem_shared>> -> memref<128x128xf32, #tpu.memory_space<vmem_shared>>
      tpu.wait_dma2 semaphore(%run_scoped3A : memref<!tpu.dma_semaphore, #tpu.memory_space<semaphore_mem>>) src(%arg7 : memref<128x128xf32, #tpu.memory_space<vmem>>) dst(%dma_wait3A_116 : memref<128x128xf32, #tpu.memory_space<vmem_shared>>)
      tpu.yield
    }) : () -> ()
    %mul3A_45 = arith.constant 224 : i32
    %mul3A_46 = arith.muli %arg1, %mul3A_45 : i32
    %add3A_47 = arith.constant 128 : i32
    %add3A_48 = arith.addi %mul3A_46, %add3A_47 : i32
    "tpu.region"() ({
      %run_scoped3A = tpu.sem_alloc : memref<!tpu.dma_semaphore, #tpu.memory_space<semaphore_mem>>
      %dma_start3A = arith.constant 0 : i32
      %dma_start3A_111 = arith.constant 0 : i32
      %dma_start3A_112 = tpu.memref_slice %arg7[%dma_start3A, %dma_start3A_111] : memref<128x128xf32, #tpu.memory_space<vmem>> -> memref<96x128xf32, #tpu.memory_space<vmem>>
      %dma_start3A_113 = arith.constant 0 : i32
      %dma_start3A_114 = tpu.memref_slice %arg6[%add3A_48, %dma_start3A_113] : memref<3584x128xf32, #tpu.memory_space<vmem_shared>> -> memref<96x128xf32, #tpu.memory_space<vmem_shared>>
      %dma_start3A_115 = arith.constant 0 : i32
      %dma_start3A_116 = tpu.memref_slice %arg6[%add3A_48, %dma_start3A_115] : memref<3584x128xf32, #tpu.memory_space<vmem_shared>> -> memref<96x128xf32, #tpu.memory_space<vmem_shared>>
      %dma_start3A_117 = arith.constant 0 : i32
      %dma_start3A_118 = arith.constant 0 : i32
      %dma_start3A_119 = tpu.memref_slice %arg7[%dma_start3A_117, %dma_start3A_118] : memref<128x128xf32, #tpu.memory_space<vmem>> -> memref<96x128xf32, #tpu.memory_space<vmem>>
      tpu.enqueue_dma source(%dma_start3A_119 : memref<96x128xf32, #tpu.memory_space<vmem>>) target(%dma_start3A_116 : memref<96x128xf32, #tpu.memory_space<vmem_shared>>) target_semaphore(%run_scoped3A : memref<!tpu.dma_semaphore, #tpu.memory_space<semaphore_mem>>)
      %dma_wait3A = arith.constant 0 : i32
      %dma_wait3A_120 = arith.constant 0 : i32
      %dma_wait3A_121 = tpu.memref_slice %arg7[%dma_wait3A, %dma_wait3A_120] : memref<128x128xf32, #tpu.memory_space<vmem>> -> memref<96x128xf32, #tpu.memory_space<vmem>>
      %dma_wait3A_122 = arith.constant 0 : i32
      %dma_wait3A_123 = tpu.memref_slice %arg6[%add3A_48, %dma_wait3A_122] : memref<3584x128xf32, #tpu.memory_space<vmem_shared>> -> memref<96x128xf32, #tpu.memory_space<vmem_shared>>
      %dma_wait3A_124 = arith.constant 0 : i32
      %dma_wait3A_125 = tpu.memref_slice %arg6[%add3A_48, %dma_wait3A_124] : memref<3584x128xf32, #tpu.memory_space<vmem_shared>> -> memref<96x128xf32, #tpu.memory_space<vmem_shared>>
      %dma_wait3A_126 = arith.constant 0 : i32
      %dma_wait3A_127 = arith.constant 0 : i32
      %dma_wait3A_128 = tpu.memref_slice %arg7[%dma_wait3A_126, %dma_wait3A_127] : memref<128x128xf32, #tpu.memory_space<vmem>> -> memref<96x128xf32, #tpu.memory_space<vmem>>
      tpu.wait_dma2 semaphore(%run_scoped3A : memref<!tpu.dma_semaphore, #tpu.memory_space<semaphore_mem>>) src(%dma_wait3A_128 : memref<96x128xf32, #tpu.memory_space<vmem>>) dst(%dma_wait3A_125 : memref<96x128xf32, #tpu.memory_space<vmem_shared>>)
      tpu.yield
    }) : () -> ()
    %barrier3A_49 = arith.constant 0 : index
    tpu.barrier barrier_id(%barrier3A_49)
    %scan3A_50 = arith.constant 0 : i32
    %scan3A_51 = arith.constant 0 : i32
    %scan3A_52 = arith.constant 79 : i32
    %scan3A_53 = arith.addi %scan3A_51, %scan3A_52 : i32
    %scan3A_54 = arith.constant 1 : i32
    scf.for %scan3A_111 = %scan3A_51 to %scan3A_53 step %scan3A_54  : i32 {
      %mul3A_112 = arith.constant 79 : i32
      %mul3A_113 = arith.muli %add3A, %mul3A_112 : i32
      %add3A_114 = arith.addi %mul3A_113, %scan3A_111 : i32
      %mul3A_115 = arith.constant 384 : i32
      %mul3A_116 = arith.muli %add3A_114, %mul3A_115 : i32
      "tpu.region"() ({
        %run_scoped3A = tpu.sem_alloc : memref<!tpu.dma_semaphore, #tpu.memory_space<semaphore_mem>>
        %dma_start3A_293 = tpu.memref_slice %arg3[%mul3A_116] : memref<970752xi32, #tpu.memory_space<hbm>> -> memref<384xi32, #tpu.memory_space<hbm>>
        %dma_start3A_294 = tpu.memref_slice %arg3[%mul3A_116] : memref<970752xi32, #tpu.memory_space<hbm>> -> memref<384xi32, #tpu.memory_space<hbm>>
        tpu.enqueue_dma source(%dma_start3A_294 : memref<384xi32, #tpu.memory_space<hbm>>) target(%arg9 : memref<384xi32, #tpu.memory_space<vmem>>) target_semaphore(%run_scoped3A : memref<!tpu.dma_semaphore, #tpu.memory_space<semaphore_mem>>)
        %dma_wait3A_295 = tpu.memref_slice %arg3[%mul3A_116] : memref<970752xi32, #tpu.memory_space<hbm>> -> memref<384xi32, #tpu.memory_space<hbm>>
        %dma_wait3A_296 = tpu.memref_slice %arg3[%mul3A_116] : memref<970752xi32, #tpu.memory_space<hbm>> -> memref<384xi32, #tpu.memory_space<hbm>>
        tpu.wait_dma2 semaphore(%run_scoped3A : memref<!tpu.dma_semaphore, #tpu.memory_space<semaphore_mem>>) src(%dma_wait3A_296 : memref<384xi32, #tpu.memory_space<hbm>>) dst(%arg9 : memref<384xi32, #tpu.memory_space<vmem>>)
        tpu.yield
      }) : () -> ()
      %dma_start3A = arith.constant 256 : i32
      %dma_start3A_117 = tpu.memref_slice %arg9[%dma_start3A] : memref<384xi32, #tpu.memory_space<vmem>> -> memref<128xi32, #tpu.memory_space<vmem>>
      %dma_start3A_118 = arith.constant 0 : i32
      %dma_start3A_119 = arith.constant 0 : i32
      %dma_start3A_120 = tpu.memref_slice %arg4[%dma_start3A_118, %dma_start3A_119] : memref<81920x128xf32, #tpu.memory_space<hbm>> -> memref<81920x128xf32, #tpu.memory_space<hbm>>
      tpu.enqueue_indirect_dma source(%dma_start3A_120 : memref<81920x128xf32, #tpu.memory_space<hbm>>) target(%arg8 : memref<128x128xf32, #tpu.memory_space<vmem>>) offsets(%dma_start3A_117 : memref<128xi32, #tpu.memory_space<vmem>>) semaphore(%arg11 : memref<!tpu.dma_semaphore, #tpu.memory_space<semaphore_mem>>)
      %dma_start3A_121 = arith.constant 0 : i32
      %dma_start3A_122 = tpu.memref_slice %arg9[%dma_start3A_121] : memref<384xi32, #tpu.memory_space<vmem>> -> memref<128xi32, #tpu.memory_space<vmem>>
      %dma_start3A_123 = arith.constant 0 : i32
      %dma_start3A_124 = arith.constant 0 : i32
      %dma_start3A_125 = tpu.memref_slice %arg2[%dma_start3A_123, %dma_start3A_124] : memref<80000x128xf32, #tpu.memory_space<hbm>> -> memref<80000x128xf32, #tpu.memory_space<hbm>>
      tpu.enqueue_indirect_dma source(%dma_start3A_125 : memref<80000x128xf32, #tpu.memory_space<hbm>>) target(%arg7 : memref<128x128xf32, #tpu.memory_space<vmem>>) offsets(%dma_start3A_122 : memref<128xi32, #tpu.memory_space<vmem>>) semaphore(%arg11 : memref<!tpu.dma_semaphore, #tpu.memory_space<semaphore_mem>>)
      %get3A = arith.constant 128 : index
      %get3A_126 = tpu.vector_load %arg9[%get3A] {strides = array<i32>} : memref<384xi32, #tpu.memory_space<vmem>>, vector<16xi32>,
      %get3A_127 = vector.shape_cast %get3A_126 : vector<16xi32> to vector<16xi32>
      %sub3A = arith.constant 3456 : i32
      %sub3A_128 = vector.broadcast %sub3A : i32 to vector<16xi32>
      %sub3A_129 = arith.subi %get3A_127, %sub3A_128 : vector<16xi32>
      %ge3A = arith.constant 0 : i32
      %ge3A_130 = vector.broadcast %ge3A : i32 to vector<16xi32>
      %ge3A_131 = arith.cmpi sge, %sub3A_129, %ge3A_130 : vector<16xi32>
      %lt3A = arith.constant 3456 : i32
      %lt3A_132 = vector.broadcast %lt3A : i32 to vector<16xi32>
      %lt3A_133 = arith.cmpi slt, %sub3A_129, %lt3A_132 : vector<16xi32>
      %and3A = arith.andi %ge3A_131, %lt3A_133 : vector<16xi1>
      %jit3A = arith.constant 3520 : i32
      %broadcast_in_dim3A_134 = vector.broadcast %jit3A : i32 to vector<16xi32>
      %select_n3A = arith.select %and3A, %sub3A_129, %broadcast_in_dim3A_134 : vector<16xi1>, vector<16xi32>
      %swap3A = arith.constant 0 : index
      %swap3A_135 = tpu.vector_load %arg10[%swap3A] {strides = array<i32>} : memref<128xi32, #tpu.memory_space<vmem>>, vector<16xi32>,
      %swap3A_136 = vector.shape_cast %swap3A_135 : vector<16xi32> to vector<16xi32>
      %swap3A_137 = vector.shape_cast %select_n3A : vector<16xi32> to vector<16xi32>
      tpu.vector_store %arg10[%swap3A], %swap3A_137 {strides = array<i32>} : memref<128xi32, #tpu.memory_space<vmem>>, vector<16xi32>,
      %get3A_138 = arith.constant 144 : index
      %get3A_139 = tpu.vector_load %arg9[%get3A_138] {strides = array<i32>} : memref<384xi32, #tpu.memory_space<vmem>>, vector<16xi32>,
      %get3A_140 = vector.shape_cast %get3A_139 : vector<16xi32> to vector<16xi32>
      %sub3A_141 = arith.constant 3456 : i32
      %sub3A_142 = vector.broadcast %sub3A_141 : i32 to vector<16xi32>
      %sub3A_143 = arith.subi %get3A_140, %sub3A_142 : vector<16xi32>
      %ge3A_144 = arith.constant 0 : i32
      %ge3A_145 = vector.broadcast %ge3A_144 : i32 to vector<16xi32>
      %ge3A_146 = arith.cmpi sge, %sub3A_143, %ge3A_145 : vector<16xi32>
      %lt3A_147 = arith.constant 3456 : i32
      %lt3A_148 = vector.broadcast %lt3A_147 : i32 to vector<16xi32>
      %lt3A_149 = arith.cmpi slt, %sub3A_143, %lt3A_148 : vector<16xi32>
      %and3A_150 = arith.andi %ge3A_146, %lt3A_149 : vector<16xi1>
      %jit3A_151 = arith.constant 3520 : i32
      %broadcast_in_dim3A_152 = vector.broadcast %jit3A_151 : i32 to vector<16xi32>
      %select_n3A_153 = arith.select %and3A_150, %sub3A_143, %broadcast_in_dim3A_152 : vector<16xi1>, vector<16xi32>
      %swap3A_154 = arith.constant 16 : index
      %swap3A_155 = tpu.vector_load %arg10[%swap3A_154] {strides = array<i32>} : memref<128xi32, #tpu.memory_space<vmem>>, vector<16xi32>,
      %swap3A_156 = vector.shape_cast %swap3A_155 : vector<16xi32> to vector<16xi32>
      %swap3A_157 = vector.shape_cast %select_n3A_153 : vector<16xi32> to vector<16xi32>
      tpu.vector_store %arg10[%swap3A_154], %swap3A_157 {strides = array<i32>} : memref<128xi32, #tpu.memory_space<vmem>>, vector<16xi32>,
      %get3A_158 = arith.constant 160 : index
      %get3A_159 = tpu.vector_load %arg9[%get3A_158] {strides = array<i32>} : memref<384xi32, #tpu.memory_space<vmem>>, vector<16xi32>,
      %get3A_160 = vector.shape_cast %get3A_159 : vector<16xi32> to vector<16xi32>
      %sub3A_161 = arith.constant 3456 : i32
      %sub3A_162 = vector.broadcast %sub3A_161 : i32 to vector<16xi32>
      %sub3A_163 = arith.subi %get3A_160, %sub3A_162 : vector<16xi32>
      %ge3A_164 = arith.constant 0 : i32
      %ge3A_165 = vector.broadcast %ge3A_164 : i32 to vector<16xi32>
      %ge3A_166 = arith.cmpi sge, %sub3A_163, %ge3A_165 : vector<16xi32>
      %lt3A_167 = arith.constant 3456 : i32
      %lt3A_168 = vector.broadcast %lt3A_167 : i32 to vector<16xi32>
      %lt3A_169 = arith.cmpi slt, %sub3A_163, %lt3A_168 : vector<16xi32>
      %and3A_170 = arith.andi %ge3A_166, %lt3A_169 : vector<16xi1>
      %jit3A_171 = arith.constant 3520 : i32
      %broadcast_in_dim3A_172 = vector.broadcast %jit3A_171 : i32 to vector<16xi32>
      %select_n3A_173 = arith.select %and3A_170, %sub3A_163, %broadcast_in_dim3A_172 : vector<16xi1>, vector<16xi32>
      %swap3A_174 = arith.constant 32 : index
      %swap3A_175 = tpu.vector_load %arg10[%swap3A_174] {strides = array<i32>} : memref<128xi32, #tpu.memory_space<vmem>>, vector<16xi32>,
      %swap3A_176 = vector.shape_cast %swap3A_175 : vector<16xi32> to vector<16xi32>
      %swap3A_177 = vector.shape_cast %select_n3A_173 : vector<16xi32> to vector<16xi32>
      tpu.vector_store %arg10[%swap3A_174], %swap3A_177 {strides = array<i32>} : memref<128xi32, #tpu.memory_space<vmem>>, vector<16xi32>,
      %get3A_178 = arith.constant 176 : index
      %get3A_179 = tpu.vector_load %arg9[%get3A_178] {strides = array<i32>} : memref<384xi32, #tpu.memory_space<vmem>>, vector<16xi32>,
      %get3A_180 = vector.shape_cast %get3A_179 : vector<16xi32> to vector<16xi32>
      %sub3A_181 = arith.constant 3456 : i32
      %sub3A_182 = vector.broadcast %sub3A_181 : i32 to vector<16xi32>
      %sub3A_183 = arith.subi %get3A_180, %sub3A_182 : vector<16xi32>
      %ge3A_184 = arith.constant 0 : i32
      %ge3A_185 = vector.broadcast %ge3A_184 : i32 to vector<16xi32>
      %ge3A_186 = arith.cmpi sge, %sub3A_183, %ge3A_185 : vector<16xi32>
      %lt3A_187 = arith.constant 3456 : i32
      %lt3A_188 = vector.broadcast %lt3A_187 : i32 to vector<16xi32>
      %lt3A_189 = arith.cmpi slt, %sub3A_183, %lt3A_188 : vector<16xi32>
      %and3A_190 = arith.andi %ge3A_186, %lt3A_189 : vector<16xi1>
      %jit3A_191 = arith.constant 3520 : i32
      %broadcast_in_dim3A_192 = vector.broadcast %jit3A_191 : i32 to vector<16xi32>
      %select_n3A_193 = arith.select %and3A_190, %sub3A_183, %broadcast_in_dim3A_192 : vector<16xi1>, vector<16xi32>
      %swap3A_194 = arith.constant 48 : index
      %swap3A_195 = tpu.vector_load %arg10[%swap3A_194] {strides = array<i32>} : memref<128xi32, #tpu.memory_space<vmem>>, vector<16xi32>,
      %swap3A_196 = vector.shape_cast %swap3A_195 : vector<16xi32> to vector<16xi32>
      %swap3A_197 = vector.shape_cast %select_n3A_193 : vector<16xi32> to vector<16xi32>
      tpu.vector_store %arg10[%swap3A_194], %swap3A_197 {strides = array<i32>} : memref<128xi32, #tpu.memory_space<vmem>>, vector<16xi32>,
      %get3A_198 = arith.constant 192 : index
      %get3A_199 = tpu.vector_load %arg9[%get3A_198] {strides = array<i32>} : memref<384xi32, #tpu.memory_space<vmem>>, vector<16xi32>,
      %get3A_200 = vector.shape_cast %get3A_199 : vector<16xi32> to vector<16xi32>
      %sub3A_201 = arith.constant 3456 : i32
      %sub3A_202 = vector.broadcast %sub3A_201 : i32 to vector<16xi32>
      %sub3A_203 = arith.subi %get3A_200, %sub3A_202 : vector<16xi32>
      %ge3A_204 = arith.constant 0 : i32
      %ge3A_205 = vector.broadcast %ge3A_204 : i32 to vector<16xi32>
      %ge3A_206 = arith.cmpi sge, %sub3A_203, %ge3A_205 : vector<16xi32>
      %lt3A_207 = arith.constant 3456 : i32
      %lt3A_208 = vector.broadcast %lt3A_207 : i32 to vector<16xi32>
      %lt3A_209 = arith.cmpi slt, %sub3A_203, %lt3A_208 : vector<16xi32>
      %and3A_210 = arith.andi %ge3A_206, %lt3A_209 : vector<16xi1>
      %jit3A_211 = arith.constant 3520 : i32
      %broadcast_in_dim3A_212 = vector.broadcast %jit3A_211 : i32 to vector<16xi32>
      %select_n3A_213 = arith.select %and3A_210, %sub3A_203, %broadcast_in_dim3A_212 : vector<16xi1>, vector<16xi32>
      %swap3A_214 = arith.constant 64 : index
      %swap3A_215 = tpu.vector_load %arg10[%swap3A_214] {strides = array<i32>} : memref<128xi32, #tpu.memory_space<vmem>>, vector<16xi32>,
      %swap3A_216 = vector.shape_cast %swap3A_215 : vector<16xi32> to vector<16xi32>
      %swap3A_217 = vector.shape_cast %select_n3A_213 : vector<16xi32> to vector<16xi32>
      tpu.vector_store %arg10[%swap3A_214], %swap3A_217 {strides = array<i32>} : memref<128xi32, #tpu.memory_space<vmem>>, vector<16xi32>,
      %get3A_218 = arith.constant 208 : index
      %get3A_219 = tpu.vector_load %arg9[%get3A_218] {strides = array<i32>} : memref<384xi32, #tpu.memory_space<vmem>>, vector<16xi32>,
      %get3A_220 = vector.shape_cast %get3A_219 : vector<16xi32> to vector<16xi32>
      %sub3A_221 = arith.constant 3456 : i32
      %sub3A_222 = vector.broadcast %sub3A_221 : i32 to vector<16xi32>
      %sub3A_223 = arith.subi %get3A_220, %sub3A_222 : vector<16xi32>
      %ge3A_224 = arith.constant 0 : i32
      %ge3A_225 = vector.broadcast %ge3A_224 : i32 to vector<16xi32>
      %ge3A_226 = arith.cmpi sge, %sub3A_223, %ge3A_225 : vector<16xi32>
      %lt3A_227 = arith.constant 3456 : i32
      %lt3A_228 = vector.broadcast %lt3A_227 : i32 to vector<16xi32>
      %lt3A_229 = arith.cmpi slt, %sub3A_223, %lt3A_228 : vector<16xi32>
      %and3A_230 = arith.andi %ge3A_226, %lt3A_229 : vector<16xi1>
      %jit3A_231 = arith.constant 3520 : i32
      %broadcast_in_dim3A_232 = vector.broadcast %jit3A_231 : i32 to vector<16xi32>
      %select_n3A_233 = arith.select %and3A_230, %sub3A_223, %broadcast_in_dim3A_232 : vector<16xi1>, vector<16xi32>
      %swap3A_234 = arith.constant 80 : index
      %swap3A_235 = tpu.vector_load %arg10[%swap3A_234] {strides = array<i32>} : memref<128xi32, #tpu.memory_space<vmem>>, vector<16xi32>,
      %swap3A_236 = vector.shape_cast %swap3A_235 : vector<16xi32> to vector<16xi32>
      %swap3A_237 = vector.shape_cast %select_n3A_233 : vector<16xi32> to vector<16xi32>
      tpu.vector_store %arg10[%swap3A_234], %swap3A_237 {strides = array<i32>} : memref<128xi32, #tpu.memory_space<vmem>>, vector<16xi32>,
      %get3A_238 = arith.constant 224 : index
      %get3A_239 = tpu.vector_load %arg9[%get3A_238] {strides = array<i32>} : memref<384xi32, #tpu.memory_space<vmem>>, vector<16xi32>,
      %get3A_240 = vector.shape_cast %get3A_239 : vector<16xi32> to vector<16xi32>
      %sub3A_241 = arith.constant 3456 : i32
      %sub3A_242 = vector.broadcast %sub3A_241 : i32 to vector<16xi32>
      %sub3A_243 = arith.subi %get3A_240, %sub3A_242 : vector<16xi32>
      %ge3A_244 = arith.constant 0 : i32
      %ge3A_245 = vector.broadcast %ge3A_244 : i32 to vector<16xi32>
      %ge3A_246 = arith.cmpi sge, %sub3A_243, %ge3A_245 : vector<16xi32>
      %lt3A_247 = arith.constant 3456 : i32
      %lt3A_248 = vector.broadcast %lt3A_247 : i32 to vector<16xi32>
      %lt3A_249 = arith.cmpi slt, %sub3A_243, %lt3A_248 : vector<16xi32>
      %and3A_250 = arith.andi %ge3A_246, %lt3A_249 : vector<16xi1>
      %jit3A_251 = arith.constant 3520 : i32
      %broadcast_in_dim3A_252 = vector.broadcast %jit3A_251 : i32 to vector<16xi32>
      %select_n3A_253 = arith.select %and3A_250, %sub3A_243, %broadcast_in_dim3A_252 : vector<16xi1>, vector<16xi32>
      %swap3A_254 = arith.constant 96 : index
      %swap3A_255 = tpu.vector_load %arg10[%swap3A_254] {strides = array<i32>} : memref<128xi32, #tpu.memory_space<vmem>>, vector<16xi32>,
      %swap3A_256 = vector.shape_cast %swap3A_255 : vector<16xi32> to vector<16xi32>
      %swap3A_257 = vector.shape_cast %select_n3A_253 : vector<16xi32> to vector<16xi32>
      tpu.vector_store %arg10[%swap3A_254], %swap3A_257 {strides = array<i32>} : memref<128xi32, #tpu.memory_space<vmem>>, vector<16xi32>,
      %get3A_258 = arith.constant 240 : index
      %get3A_259 = tpu.vector_load %arg9[%get3A_258] {strides = array<i32>} : memref<384xi32, #tpu.memory_space<vmem>>, vector<16xi32>,
      %get3A_260 = vector.shape_cast %get3A_259 : vector<16xi32> to vector<16xi32>
      %sub3A_261 = arith.constant 3456 : i32
      %sub3A_262 = vector.broadcast %sub3A_261 : i32 to vector<16xi32>
      %sub3A_263 = arith.subi %get3A_260, %sub3A_262 : vector<16xi32>
      %ge3A_264 = arith.constant 0 : i32
      %ge3A_265 = vector.broadcast %ge3A_264 : i32 to vector<16xi32>
      %ge3A_266 = arith.cmpi sge, %sub3A_263, %ge3A_265 : vector<16xi32>
      %lt3A_267 = arith.constant 3456 : i32
      %lt3A_268 = vector.broadcast %lt3A_267 : i32 to vector<16xi32>
      %lt3A_269 = arith.cmpi slt, %sub3A_263, %lt3A_268 : vector<16xi32>
      %and3A_270 = arith.andi %ge3A_266, %lt3A_269 : vector<16xi1>
      %jit3A_271 = arith.constant 3520 : i32
      %broadcast_in_dim3A_272 = vector.broadcast %jit3A_271 : i32 to vector<16xi32>
      %select_n3A_273 = arith.select %and3A_270, %sub3A_263, %broadcast_in_dim3A_272 : vector<16xi1>, vector<16xi32>
      %swap3A_274 = arith.constant 112 : index
      %swap3A_275 = tpu.vector_load %arg10[%swap3A_274] {strides = array<i32>} : memref<128xi32, #tpu.memory_space<vmem>>, vector<16xi32>,
      %swap3A_276 = vector.shape_cast %swap3A_275 : vector<16xi32> to vector<16xi32>
      %swap3A_277 = vector.shape_cast %select_n3A_273 : vector<16xi32> to vector<16xi32>
      tpu.vector_store %arg10[%swap3A_274], %swap3A_277 {strides = array<i32>} : memref<128xi32, #tpu.memory_space<vmem>>, vector<16xi32>,
      %dma_wait3A = arith.constant 256 : i32
      %dma_wait3A_278 = tpu.memref_slice %arg9[%dma_wait3A] : memref<384xi32, #tpu.memory_space<vmem>> -> memref<128xi32, #tpu.memory_space<vmem>>
      %dma_wait3A_279 = arith.constant 0 : i32
      %dma_wait3A_280 = arith.constant 0 : i32
      %dma_wait3A_281 = tpu.memref_slice %arg4[%dma_wait3A_279, %dma_wait3A_280] : memref<81920x128xf32, #tpu.memory_space<hbm>> -> memref<81920x128xf32, #tpu.memory_space<hbm>>
      tpu.wait_indirect_dma semaphore(%arg11 : memref<!tpu.dma_semaphore, #tpu.memory_space<semaphore_mem>>) src(%dma_wait3A_281 : memref<81920x128xf32, #tpu.memory_space<hbm>>) dst(%arg8 : memref<128x128xf32, #tpu.memory_space<vmem>>)
      %dma_wait3A_282 = arith.constant 0 : i32
      %dma_wait3A_283 = tpu.memref_slice %arg9[%dma_wait3A_282] : memref<384xi32, #tpu.memory_space<vmem>> -> memref<128xi32, #tpu.memory_space<vmem>>
      %dma_wait3A_284 = arith.constant 0 : i32
      %dma_wait3A_285 = arith.constant 0 : i32
      %dma_wait3A_286 = tpu.memref_slice %arg2[%dma_wait3A_284, %dma_wait3A_285] : memref<80000x128xf32, #tpu.memory_space<hbm>> -> memref<80000x128xf32, #tpu.memory_space<hbm>>
      tpu.wait_indirect_dma semaphore(%arg11 : memref<!tpu.dma_semaphore, #tpu.memory_space<semaphore_mem>>) src(%dma_wait3A_286 : memref<80000x128xf32, #tpu.memory_space<hbm>>) dst(%arg7 : memref<128x128xf32, #tpu.memory_space<vmem>>)
      %scan3A_287 = arith.constant 0 : i32
      %scan3A_288 = arith.constant 0 : i32
      %scan3A_289 = arith.constant 128 : i32
      %scan3A_290 = arith.addi %scan3A_288, %scan3A_289 : i32
      %scan3A_291 = arith.constant 1 : i32
      scf.for %scan3A_293 = %scan3A_288 to %scan3A_290 step %scan3A_291  : i32 {
        %get3A_294 = arith.index_cast %scan3A_293 : i32 to index
        %get3A_295 = arith.constant 0 : index
        %get3A_296 = tpu.vector_load %arg7[%get3A_294, %get3A_295] {strides = array<i32>} : memref<128x128xf32, #tpu.memory_space<vmem>>, vector<1x16xf32>,
        %get3A_297 = vector.shape_cast %get3A_296 : vector<1x16xf32> to vector<16xf32>
        %get3A_298 = arith.index_cast %scan3A_293 : i32 to index
        %get3A_299 = arith.constant 0 : index
        %get3A_300 = tpu.vector_load %arg8[%get3A_298, %get3A_299] {strides = array<i32>} : memref<128x128xf32, #tpu.memory_space<vmem>>, vector<1x16xf32>,
        %get3A_301 = vector.shape_cast %get3A_300 : vector<1x16xf32> to vector<16xf32>
        %mul3A_302 = arith.mulf %get3A_297, %get3A_301 : vector<16xf32>
        %swap3A_303 = arith.index_cast %scan3A_293 : i32 to index
        %swap3A_304 = arith.constant 0 : index
        %swap3A_305 = tpu.vector_load %arg7[%swap3A_303, %swap3A_304] {strides = array<i32>} : memref<128x128xf32, #tpu.memory_space<vmem>>, vector<1x16xf32>,
        %swap3A_306 = vector.shape_cast %swap3A_305 : vector<1x16xf32> to vector<16xf32>
        %swap3A_307 = vector.shape_cast %mul3A_302 : vector<16xf32> to vector<1x16xf32>
        tpu.vector_store %arg7[%swap3A_303, %swap3A_304], %swap3A_307 {strides = array<i32>} : memref<128x128xf32, #tpu.memory_space<vmem>>, vector<1x16xf32>,
        %get3A_308 = arith.index_cast %scan3A_293 : i32 to index
        %get3A_309 = arith.constant 16 : index
        %get3A_310 = tpu.vector_load %arg7[%get3A_308, %get3A_309] {strides = array<i32>} : memref<128x128xf32, #tpu.memory_space<vmem>>, vector<1x16xf32>,
        %get3A_311 = vector.shape_cast %get3A_310 : vector<1x16xf32> to vector<16xf32>
        %get3A_312 = arith.index_cast %scan3A_293 : i32 to index
        %get3A_313 = arith.constant 16 : index
        %get3A_314 = tpu.vector_load %arg8[%get3A_312, %get3A_313] {strides = array<i32>} : memref<128x128xf32, #tpu.memory_space<vmem>>, vector<1x16xf32>,
        %get3A_315 = vector.shape_cast %get3A_314 : vector<1x16xf32> to vector<16xf32>
        %mul3A_316 = arith.mulf %get3A_311, %get3A_315 : vector<16xf32>
        %swap3A_317 = arith.index_cast %scan3A_293 : i32 to index
        %swap3A_318 = arith.constant 16 : index
        %swap3A_319 = tpu.vector_load %arg7[%swap3A_317, %swap3A_318] {strides = array<i32>} : memref<128x128xf32, #tpu.memory_space<vmem>>, vector<1x16xf32>,
        %swap3A_320 = vector.shape_cast %swap3A_319 : vector<1x16xf32> to vector<16xf32>
        %swap3A_321 = vector.shape_cast %mul3A_316 : vector<16xf32> to vector<1x16xf32>
        tpu.vector_store %arg7[%swap3A_317, %swap3A_318], %swap3A_321 {strides = array<i32>} : memref<128x128xf32, #tpu.memory_space<vmem>>, vector<1x16xf32>,
        %get3A_322 = arith.index_cast %scan3A_293 : i32 to index
        %get3A_323 = arith.constant 32 : index
        %get3A_324 = tpu.vector_load %arg7[%get3A_322, %get3A_323] {strides = array<i32>} : memref<128x128xf32, #tpu.memory_space<vmem>>, vector<1x16xf32>,
        %get3A_325 = vector.shape_cast %get3A_324 : vector<1x16xf32> to vector<16xf32>
        %get3A_326 = arith.index_cast %scan3A_293 : i32 to index
        %get3A_327 = arith.constant 32 : index
        %get3A_328 = tpu.vector_load %arg8[%get3A_326, %get3A_327] {strides = array<i32>} : memref<128x128xf32, #tpu.memory_space<vmem>>, vector<1x16xf32>,
        %get3A_329 = vector.shape_cast %get3A_328 : vector<1x16xf32> to vector<16xf32>
        %mul3A_330 = arith.mulf %get3A_325, %get3A_329 : vector<16xf32>
        %swap3A_331 = arith.index_cast %scan3A_293 : i32 to index
        %swap3A_332 = arith.constant 32 : index
        %swap3A_333 = tpu.vector_load %arg7[%swap3A_331, %swap3A_332] {strides = array<i32>} : memref<128x128xf32, #tpu.memory_space<vmem>>, vector<1x16xf32>,
        %swap3A_334 = vector.shape_cast %swap3A_333 : vector<1x16xf32> to vector<16xf32>
        %swap3A_335 = vector.shape_cast %mul3A_330 : vector<16xf32> to vector<1x16xf32>
        tpu.vector_store %arg7[%swap3A_331, %swap3A_332], %swap3A_335 {strides = array<i32>} : memref<128x128xf32, #tpu.memory_space<vmem>>, vector<1x16xf32>,
        %get3A_336 = arith.index_cast %scan3A_293 : i32 to index
        %get3A_337 = arith.constant 48 : index
        %get3A_338 = tpu.vector_load %arg7[%get3A_336, %get3A_337] {strides = array<i32>} : memref<128x128xf32, #tpu.memory_space<vmem>>, vector<1x16xf32>,
        %get3A_339 = vector.shape_cast %get3A_338 : vector<1x16xf32> to vector<16xf32>
        %get3A_340 = arith.index_cast %scan3A_293 : i32 to index
        %get3A_341 = arith.constant 48 : index
        %get3A_342 = tpu.vector_load %arg8[%get3A_340, %get3A_341] {strides = array<i32>} : memref<128x128xf32, #tpu.memory_space<vmem>>, vector<1x16xf32>,
        %get3A_343 = vector.shape_cast %get3A_342 : vector<1x16xf32> to vector<16xf32>
        %mul3A_344 = arith.mulf %get3A_339, %get3A_343 : vector<16xf32>
        %swap3A_345 = arith.index_cast %scan3A_293 : i32 to index
        %swap3A_346 = arith.constant 48 : index
        %swap3A_347 = tpu.vector_load %arg7[%swap3A_345, %swap3A_346] {strides = array<i32>} : memref<128x128xf32, #tpu.memory_space<vmem>>, vector<1x16xf32>,
        %swap3A_348 = vector.shape_cast %swap3A_347 : vector<1x16xf32> to vector<16xf32>
        %swap3A_349 = vector.shape_cast %mul3A_344 : vector<16xf32> to vector<1x16xf32>
        tpu.vector_store %arg7[%swap3A_345, %swap3A_346], %swap3A_349 {strides = array<i32>} : memref<128x128xf32, #tpu.memory_space<vmem>>, vector<1x16xf32>,
        %get3A_350 = arith.index_cast %scan3A_293 : i32 to index
        %get3A_351 = arith.constant 64 : index
        %get3A_352 = tpu.vector_load %arg7[%get3A_350, %get3A_351] {strides = array<i32>} : memref<128x128xf32, #tpu.memory_space<vmem>>, vector<1x16xf32>,
        %get3A_353 = vector.shape_cast %get3A_352 : vector<1x16xf32> to vector<16xf32>
        %get3A_354 = arith.index_cast %scan3A_293 : i32 to index
        %get3A_355 = arith.constant 64 : index
        %get3A_356 = tpu.vector_load %arg8[%get3A_354, %get3A_355] {strides = array<i32>} : memref<128x128xf32, #tpu.memory_space<vmem>>, vector<1x16xf32>,
        %get3A_357 = vector.shape_cast %get3A_356 : vector<1x16xf32> to vector<16xf32>
        %mul3A_358 = arith.mulf %get3A_353, %get3A_357 : vector<16xf32>
        %swap3A_359 = arith.index_cast %scan3A_293 : i32 to index
        %swap3A_360 = arith.constant 64 : index
        %swap3A_361 = tpu.vector_load %arg7[%swap3A_359, %swap3A_360] {strides = array<i32>} : memref<128x128xf32, #tpu.memory_space<vmem>>, vector<1x16xf32>,
        %swap3A_362 = vector.shape_cast %swap3A_361 : vector<1x16xf32> to vector<16xf32>
        %swap3A_363 = vector.shape_cast %mul3A_358 : vector<16xf32> to vector<1x16xf32>
        tpu.vector_store %arg7[%swap3A_359, %swap3A_360], %swap3A_363 {strides = array<i32>} : memref<128x128xf32, #tpu.memory_space<vmem>>, vector<1x16xf32>,
        %get3A_364 = arith.index_cast %scan3A_293 : i32 to index
        %get3A_365 = arith.constant 80 : index
        %get3A_366 = tpu.vector_load %arg7[%get3A_364, %get3A_365] {strides = array<i32>} : memref<128x128xf32, #tpu.memory_space<vmem>>, vector<1x16xf32>,
        %get3A_367 = vector.shape_cast %get3A_366 : vector<1x16xf32> to vector<16xf32>
        %get3A_368 = arith.index_cast %scan3A_293 : i32 to index
        %get3A_369 = arith.constant 80 : index
        %get3A_370 = tpu.vector_load %arg8[%get3A_368, %get3A_369] {strides = array<i32>} : memref<128x128xf32, #tpu.memory_space<vmem>>, vector<1x16xf32>,
        %get3A_371 = vector.shape_cast %get3A_370 : vector<1x16xf32> to vector<16xf32>
        %mul3A_372 = arith.mulf %get3A_367, %get3A_371 : vector<16xf32>
        %swap3A_373 = arith.index_cast %scan3A_293 : i32 to index
        %swap3A_374 = arith.constant 80 : index
        %swap3A_375 = tpu.vector_load %arg7[%swap3A_373, %swap3A_374] {strides = array<i32>} : memref<128x128xf32, #tpu.memory_space<vmem>>, vector<1x16xf32>,
        %swap3A_376 = vector.shape_cast %swap3A_375 : vector<1x16xf32> to vector<16xf32>
        %swap3A_377 = vector.shape_cast %mul3A_372 : vector<16xf32> to vector<1x16xf32>
        tpu.vector_store %arg7[%swap3A_373, %swap3A_374], %swap3A_377 {strides = array<i32>} : memref<128x128xf32, #tpu.memory_space<vmem>>, vector<1x16xf32>,
        %get3A_378 = arith.index_cast %scan3A_293 : i32 to index
        %get3A_379 = arith.constant 96 : index
        %get3A_380 = tpu.vector_load %arg7[%get3A_378, %get3A_379] {strides = array<i32>} : memref<128x128xf32, #tpu.memory_space<vmem>>, vector<1x16xf32>,
        %get3A_381 = vector.shape_cast %get3A_380 : vector<1x16xf32> to vector<16xf32>
        %get3A_382 = arith.index_cast %scan3A_293 : i32 to index
        %get3A_383 = arith.constant 96 : index
        %get3A_384 = tpu.vector_load %arg8[%get3A_382, %get3A_383] {strides = array<i32>} : memref<128x128xf32, #tpu.memory_space<vmem>>, vector<1x16xf32>,
        %get3A_385 = vector.shape_cast %get3A_384 : vector<1x16xf32> to vector<16xf32>
        %mul3A_386 = arith.mulf %get3A_381, %get3A_385 : vector<16xf32>
        %swap3A_387 = arith.index_cast %scan3A_293 : i32 to index
        %swap3A_388 = arith.constant 96 : index
        %swap3A_389 = tpu.vector_load %arg7[%swap3A_387, %swap3A_388] {strides = array<i32>} : memref<128x128xf32, #tpu.memory_space<vmem>>, vector<1x16xf32>,
        %swap3A_390 = vector.shape_cast %swap3A_389 : vector<1x16xf32> to vector<16xf32>
        %swap3A_391 = vector.shape_cast %mul3A_386 : vector<16xf32> to vector<1x16xf32>
        tpu.vector_store %arg7[%swap3A_387, %swap3A_388], %swap3A_391 {strides = array<i32>} : memref<128x128xf32, #tpu.memory_space<vmem>>, vector<1x16xf32>,
        %get3A_392 = arith.index_cast %scan3A_293 : i32 to index
        %get3A_393 = arith.constant 112 : index
        %get3A_394 = tpu.vector_load %arg7[%get3A_392, %get3A_393] {strides = array<i32>} : memref<128x128xf32, #tpu.memory_space<vmem>>, vector<1x16xf32>,
        %get3A_395 = vector.shape_cast %get3A_394 : vector<1x16xf32> to vector<16xf32>
        %get3A_396 = arith.index_cast %scan3A_293 : i32 to index
        %get3A_397 = arith.constant 112 : index
        %get3A_398 = tpu.vector_load %arg8[%get3A_396, %get3A_397] {strides = array<i32>} : memref<128x128xf32, #tpu.memory_space<vmem>>, vector<1x16xf32>,
        %get3A_399 = vector.shape_cast %get3A_398 : vector<1x16xf32> to vector<16xf32>
        %mul3A_400 = arith.mulf %get3A_395, %get3A_399 : vector<16xf32>
        %swap3A_401 = arith.index_cast %scan3A_293 : i32 to index
        %swap3A_402 = arith.constant 112 : index
        %swap3A_403 = tpu.vector_load %arg7[%swap3A_401, %swap3A_402] {strides = array<i32>} : memref<128x128xf32, #tpu.memory_space<vmem>>, vector<1x16xf32>,
        %swap3A_404 = vector.shape_cast %swap3A_403 : vector<1x16xf32> to vector<16xf32>
        %swap3A_405 = vector.shape_cast %mul3A_400 : vector<16xf32> to vector<1x16xf32>
        tpu.vector_store %arg7[%swap3A_401, %swap3A_402], %swap3A_405 {strides = array<i32>} : memref<128x128xf32, #tpu.memory_space<vmem>>, vector<1x16xf32>,
      }
      %scan3A_292 = arith.constant 128 : i32
      "tpu.region"() ({
        %run_scoped3A = tpu.sem_alloc : memref<!tpu.dma_semaphore, #tpu.memory_space<semaphore_mem>>
        %dma_start3A_293 = arith.constant 0 : i32
        %dma_start3A_294 = arith.constant 0 : i32
        %dma_start3A_295 = tpu.memref_slice %arg6[%dma_start3A_293, %dma_start3A_294] : memref<3584x128xf32, #tpu.memory_space<vmem_shared>> -> memref<3584x128xf32, #tpu.memory_space<vmem_shared>>
        tpu.enqueue_indirect_dma source(%arg7 : memref<128x128xf32, #tpu.memory_space<vmem>>) target(%dma_start3A_295 : memref<3584x128xf32, #tpu.memory_space<vmem_shared>>) offsets(%arg10 : memref<128xi32, #tpu.memory_space<vmem>>) semaphore(%run_scoped3A : memref<!tpu.dma_semaphore, #tpu.memory_space<semaphore_mem>>) {add = true}
        %dma_wait3A_296 = arith.constant 0 : i32
        %dma_wait3A_297 = arith.constant 0 : i32
        %dma_wait3A_298 = tpu.memref_slice %arg6[%dma_wait3A_296, %dma_wait3A_297] : memref<3584x128xf32, #tpu.memory_space<vmem_shared>> -> memref<3584x128xf32, #tpu.memory_space<vmem_shared>>
        tpu.wait_indirect_dma semaphore(%run_scoped3A : memref<!tpu.dma_semaphore, #tpu.memory_space<semaphore_mem>>) src(%arg7 : memref<128x128xf32, #tpu.memory_space<vmem>>) dst(%dma_wait3A_298 : memref<3584x128xf32, #tpu.memory_space<vmem_shared>>)
        tpu.yield
      }) : () -> ()
    }
    %scan3A_55 = arith.constant 79 : i32
    %barrier3A_56 = arith.constant 0 : index
    tpu.barrier barrier_id(%barrier3A_56)
    %mul3A_57 = arith.constant 216 : i32
    %mul3A_58 = arith.muli %arg1, %mul3A_57 : i32
    %mul3A_59 = arith.constant 10368 : i32
    %mul3A_60 = arith.muli %arg0, %mul3A_59 : i32
    %add3A_61 = arith.constant 3456 : i32
    %add3A_62 = arith.addi %mul3A_60, %add3A_61 : i32
    %add3A_63 = arith.addi %add3A_62, %mul3A_58 : i32
    "tpu.region"() ({
      %run_scoped3A = tpu.sem_alloc : memref<!tpu.dma_semaphore, #tpu.memory_space<semaphore_mem>>
      %dma_start3A = arith.constant 0 : i32
      %dma_start3A_111 = tpu.memref_slice %arg5[%add3A_63, %dma_start3A] : memref<20736x128xf32, #tpu.memory_space<hbm>> -> memref<128x128xf32, #tpu.memory_space<hbm>>
      %dma_start3A_112 = arith.constant 0 : i32
      %dma_start3A_113 = tpu.memref_slice %arg6[%mul3A_58, %dma_start3A_112] : memref<3584x128xf32, #tpu.memory_space<vmem_shared>> -> memref<128x128xf32, #tpu.memory_space<vmem_shared>>
      tpu.enqueue_dma source(%dma_start3A_113 : memref<128x128xf32, #tpu.memory_space<vmem_shared>>) target(%dma_start3A_111 : memref<128x128xf32, #tpu.memory_space<hbm>>) target_semaphore(%run_scoped3A : memref<!tpu.dma_semaphore, #tpu.memory_space<semaphore_mem>>)
      %dma_wait3A = arith.constant 0 : i32
      %dma_wait3A_114 = tpu.memref_slice %arg5[%add3A_63, %dma_wait3A] : memref<20736x128xf32, #tpu.memory_space<hbm>> -> memref<128x128xf32, #tpu.memory_space<hbm>>
      %dma_wait3A_115 = arith.constant 0 : i32
      %dma_wait3A_116 = tpu.memref_slice %arg6[%mul3A_58, %dma_wait3A_115] : memref<3584x128xf32, #tpu.memory_space<vmem_shared>> -> memref<128x128xf32, #tpu.memory_space<vmem_shared>>
      tpu.wait_dma2 semaphore(%run_scoped3A : memref<!tpu.dma_semaphore, #tpu.memory_space<semaphore_mem>>) src(%dma_wait3A_116 : memref<128x128xf32, #tpu.memory_space<vmem_shared>>) dst(%dma_wait3A_114 : memref<128x128xf32, #tpu.memory_space<hbm>>)
      tpu.yield
    }) : () -> ()
    %add3A_64 = arith.constant 128 : i32
    %add3A_65 = arith.addi %mul3A_58, %add3A_64 : i32
    %mul3A_66 = arith.constant 10368 : i32
    %mul3A_67 = arith.muli %arg0, %mul3A_66 : i32
    %add3A_68 = arith.constant 3456 : i32
    %add3A_69 = arith.addi %mul3A_67, %add3A_68 : i32
    %add3A_70 = arith.addi %add3A_69, %mul3A_58 : i32
    %add3A_71 = arith.constant 128 : i32
    %add3A_72 = arith.addi %add3A_70, %add3A_71 : i32
    "tpu.region"() ({
      %run_scoped3A = tpu.sem_alloc : memref<!tpu.dma_semaphore, #tpu.memory_space<semaphore_mem>>
      %dma_start3A = arith.constant 0 : i32
      %dma_start3A_111 = tpu.memref_slice %arg5[%add3A_72, %dma_start3A] : memref<20736x128xf32, #tpu.memory_space<hbm>> -> memref<88x128xf32, #tpu.memory_space<hbm>>
      %dma_start3A_112 = arith.constant 0 : i32
      %dma_start3A_113 = tpu.memref_slice %arg6[%add3A_65, %dma_start3A_112] : memref<3584x128xf32, #tpu.memory_space<vmem_shared>> -> memref<88x128xf32, #tpu.memory_space<vmem_shared>>
      tpu.enqueue_dma source(%dma_start3A_113 : memref<88x128xf32, #tpu.memory_space<vmem_shared>>) target(%dma_start3A_111 : memref<88x128xf32, #tpu.memory_space<hbm>>) target_semaphore(%run_scoped3A : memref<!tpu.dma_semaphore, #tpu.memory_space<semaphore_mem>>)
      %dma_wait3A = arith.constant 0 : i32
      %dma_wait3A_114 = tpu.memref_slice %arg5[%add3A_72, %dma_wait3A] : memref<20736x128xf32, #tpu.memory_space<hbm>> -> memref<88x128xf32, #tpu.memory_space<hbm>>
      %dma_wait3A_115 = arith.constant 0 : i32
      %dma_wait3A_116 = tpu.memref_slice %arg6[%add3A_65, %dma_wait3A_115] : memref<3584x128xf32, #tpu.memory_space<vmem_shared>> -> memref<88x128xf32, #tpu.memory_space<vmem_shared>>
      tpu.wait_dma2 semaphore(%run_scoped3A : memref<!tpu.dma_semaphore, #tpu.memory_space<semaphore_mem>>) src(%dma_wait3A_116 : memref<88x128xf32, #tpu.memory_space<vmem_shared>>) dst(%dma_wait3A_114 : memref<88x128xf32, #tpu.memory_space<hbm>>)
      tpu.yield
    }) : () -> ()
    %barrier3A_73 = arith.constant 0 : index
    tpu.barrier barrier_id(%barrier3A_73)
    %scan3A_74 = arith.constant 0 : i32
    %scan3A_75 = arith.constant 0 : i32
    %scan3A_76 = arith.constant 128 : i32
    %scan3A_77 = arith.addi %scan3A_75, %scan3A_76 : i32
    %scan3A_78 = arith.constant 1 : i32
    scf.for %scan3A_111 = %scan3A_75 to %scan3A_77 step %scan3A_78  : i32 {
      %swap3A = arith.index_cast %scan3A_111 : i32 to index
      %swap3A_112 = arith.constant 0 : index
      %swap3A_113 = tpu.vector_load %arg7[%swap3A, %swap3A_112] {strides = array<i32>} : memref<128x128xf32, #tpu.memory_space<vmem>>, vector<1x16xf32>,
      %swap3A_114 = vector.shape_cast %swap3A_113 : vector<1x16xf32> to vector<16xf32>
      %swap3A_115 = vector.shape_cast %broadcast_in_dim3A_1 : vector<16xf32> to vector<1x16xf32>
      tpu.vector_store %arg7[%swap3A, %swap3A_112], %swap3A_115 {strides = array<i32>} : memref<128x128xf32, #tpu.memory_space<vmem>>, vector<1x16xf32>,
      %swap3A_116 = arith.index_cast %scan3A_111 : i32 to index
      %swap3A_117 = arith.constant 16 : index
      %swap3A_118 = tpu.vector_load %arg7[%swap3A_116, %swap3A_117] {strides = array<i32>} : memref<128x128xf32, #tpu.memory_space<vmem>>, vector<1x16xf32>,
      %swap3A_119 = vector.shape_cast %swap3A_118 : vector<1x16xf32> to vector<16xf32>
      %swap3A_120 = vector.shape_cast %broadcast_in_dim3A_1 : vector<16xf32> to vector<1x16xf32>
      tpu.vector_store %arg7[%swap3A_116, %swap3A_117], %swap3A_120 {strides = array<i32>} : memref<128x128xf32, #tpu.memory_space<vmem>>, vector<1x16xf32>,
      %swap3A_121 = arith.index_cast %scan3A_111 : i32 to index
      %swap3A_122 = arith.constant 32 : index
      %swap3A_123 = tpu.vector_load %arg7[%swap3A_121, %swap3A_122] {strides = array<i32>} : memref<128x128xf32, #tpu.memory_space<vmem>>, vector<1x16xf32>,
      %swap3A_124 = vector.shape_cast %swap3A_123 : vector<1x16xf32> to vector<16xf32>
      %swap3A_125 = vector.shape_cast %broadcast_in_dim3A_1 : vector<16xf32> to vector<1x16xf32>
      tpu.vector_store %arg7[%swap3A_121, %swap3A_122], %swap3A_125 {strides = array<i32>} : memref<128x128xf32, #tpu.memory_space<vmem>>, vector<1x16xf32>,
      %swap3A_126 = arith.index_cast %scan3A_111 : i32 to index
      %swap3A_127 = arith.constant 48 : index
      %swap3A_128 = tpu.vector_load %arg7[%swap3A_126, %swap3A_127] {strides = array<i32>} : memref<128x128xf32, #tpu.memory_space<vmem>>, vector<1x16xf32>,
      %swap3A_129 = vector.shape_cast %swap3A_128 : vector<1x16xf32> to vector<16xf32>
      %swap3A_130 = vector.shape_cast %broadcast_in_dim3A_1 : vector<16xf32> to vector<1x16xf32>
      tpu.vector_store %arg7[%swap3A_126, %swap3A_127], %swap3A_130 {strides = array<i32>} : memref<128x128xf32, #tpu.memory_space<vmem>>, vector<1x16xf32>,
      %swap3A_131 = arith.index_cast %scan3A_111 : i32 to index
      %swap3A_132 = arith.constant 64 : index
      %swap3A_133 = tpu.vector_load %arg7[%swap3A_131, %swap3A_132] {strides = array<i32>} : memref<128x128xf32, #tpu.memory_space<vmem>>, vector<1x16xf32>,
      %swap3A_134 = vector.shape_cast %swap3A_133 : vector<1x16xf32> to vector<16xf32>
      %swap3A_135 = vector.shape_cast %broadcast_in_dim3A_1 : vector<16xf32> to vector<1x16xf32>
      tpu.vector_store %arg7[%swap3A_131, %swap3A_132], %swap3A_135 {strides = array<i32>} : memref<128x128xf32, #tpu.memory_space<vmem>>, vector<1x16xf32>,
      %swap3A_136 = arith.index_cast %scan3A_111 : i32 to index
      %swap3A_137 = arith.constant 80 : index
      %swap3A_138 = tpu.vector_load %arg7[%swap3A_136, %swap3A_137] {strides = array<i32>} : memref<128x128xf32, #tpu.memory_space<vmem>>, vector<1x16xf32>,
      %swap3A_139 = vector.shape_cast %swap3A_138 : vector<1x16xf32> to vector<16xf32>
      %swap3A_140 = vector.shape_cast %broadcast_in_dim3A_1 : vector<16xf32> to vector<1x16xf32>
      tpu.vector_store %arg7[%swap3A_136, %swap3A_137], %swap3A_140 {strides = array<i32>} : memref<128x128xf32, #tpu.memory_space<vmem>>, vector<1x16xf32>,
      %swap3A_141 = arith.index_cast %scan3A_111 : i32 to index
      %swap3A_142 = arith.constant 96 : index
      %swap3A_143 = tpu.vector_load %arg7[%swap3A_141, %swap3A_142] {strides = array<i32>} : memref<128x128xf32, #tpu.memory_space<vmem>>, vector<1x16xf32>,
      %swap3A_144 = vector.shape_cast %swap3A_143 : vector<1x16xf32> to vector<16xf32>
      %swap3A_145 = vector.shape_cast %broadcast_in_dim3A_1 : vector<16xf32> to vector<1x16xf32>
      tpu.vector_store %arg7[%swap3A_141, %swap3A_142], %swap3A_145 {strides = array<i32>} : memref<128x128xf32, #tpu.memory_space<vmem>>, vector<1x16xf32>,
      %swap3A_146 = arith.index_cast %scan3A_111 : i32 to index
      %swap3A_147 = arith.constant 112 : index
      %swap3A_148 = tpu.vector_load %arg7[%swap3A_146, %swap3A_147] {strides = array<i32>} : memref<128x128xf32, #tpu.memory_space<vmem>>, vector<1x16xf32>,
      %swap3A_149 = vector.shape_cast %swap3A_148 : vector<1x16xf32> to vector<16xf32>
      %swap3A_150 = vector.shape_cast %broadcast_in_dim3A_1 : vector<16xf32> to vector<1x16xf32>
      tpu.vector_store %arg7[%swap3A_146, %swap3A_147], %swap3A_150 {strides = array<i32>} : memref<128x128xf32, #tpu.memory_space<vmem>>, vector<1x16xf32>,
    }
    %scan3A_79 = arith.constant 128 : i32
    %mul3A_80 = arith.constant 224 : i32
    %mul3A_81 = arith.muli %arg1, %mul3A_80 : i32
    "tpu.region"() ({
      %run_scoped3A = tpu.sem_alloc : memref<!tpu.dma_semaphore, #tpu.memory_space<semaphore_mem>>
      %dma_start3A = arith.constant 0 : i32
      %dma_start3A_111 = tpu.memref_slice %arg6[%mul3A_81, %dma_start3A] : memref<3584x128xf32, #tpu.memory_space<vmem_shared>> -> memref<128x128xf32, #tpu.memory_space<vmem_shared>>
      %dma_start3A_112 = arith.constant 0 : i32
      %dma_start3A_113 = tpu.memref_slice %arg6[%mul3A_81, %dma_start3A_112] : memref<3584x128xf32, #tpu.memory_space<vmem_shared>> -> memref<128x128xf32, #tpu.memory_space<vmem_shared>>
      tpu.enqueue_dma source(%arg7 : memref<128x128xf32, #tpu.memory_space<vmem>>) target(%dma_start3A_113 : memref<128x128xf32, #tpu.memory_space<vmem_shared>>) target_semaphore(%run_scoped3A : memref<!tpu.dma_semaphore, #tpu.memory_space<semaphore_mem>>)
      %dma_wait3A = arith.constant 0 : i32
      %dma_wait3A_114 = tpu.memref_slice %arg6[%mul3A_81, %dma_wait3A] : memref<3584x128xf32, #tpu.memory_space<vmem_shared>> -> memref<128x128xf32, #tpu.memory_space<vmem_shared>>
      %dma_wait3A_115 = arith.constant 0 : i32
      %dma_wait3A_116 = tpu.memref_slice %arg6[%mul3A_81, %dma_wait3A_115] : memref<3584x128xf32, #tpu.memory_space<vmem_shared>> -> memref<128x128xf32, #tpu.memory_space<vmem_shared>>
      tpu.wait_dma2 semaphore(%run_scoped3A : memref<!tpu.dma_semaphore, #tpu.memory_space<semaphore_mem>>) src(%arg7 : memref<128x128xf32, #tpu.memory_space<vmem>>) dst(%dma_wait3A_116 : memref<128x128xf32, #tpu.memory_space<vmem_shared>>)
      tpu.yield
    }) : () -> ()
    %mul3A_82 = arith.constant 224 : i32
    %mul3A_83 = arith.muli %arg1, %mul3A_82 : i32
    %add3A_84 = arith.constant 128 : i32
    %add3A_85 = arith.addi %mul3A_83, %add3A_84 : i32
    "tpu.region"() ({
      %run_scoped3A = tpu.sem_alloc : memref<!tpu.dma_semaphore, #tpu.memory_space<semaphore_mem>>
      %dma_start3A = arith.constant 0 : i32
      %dma_start3A_111 = arith.constant 0 : i32
      %dma_start3A_112 = tpu.memref_slice %arg7[%dma_start3A, %dma_start3A_111] : memref<128x128xf32, #tpu.memory_space<vmem>> -> memref<96x128xf32, #tpu.memory_space<vmem>>
      %dma_start3A_113 = arith.constant 0 : i32
      %dma_start3A_114 = tpu.memref_slice %arg6[%add3A_85, %dma_start3A_113] : memref<3584x128xf32, #tpu.memory_space<vmem_shared>> -> memref<96x128xf32, #tpu.memory_space<vmem_shared>>
      %dma_start3A_115 = arith.constant 0 : i32
      %dma_start3A_116 = tpu.memref_slice %arg6[%add3A_85, %dma_start3A_115] : memref<3584x128xf32, #tpu.memory_space<vmem_shared>> -> memref<96x128xf32, #tpu.memory_space<vmem_shared>>
      %dma_start3A_117 = arith.constant 0 : i32
      %dma_start3A_118 = arith.constant 0 : i32
      %dma_start3A_119 = tpu.memref_slice %arg7[%dma_start3A_117, %dma_start3A_118] : memref<128x128xf32, #tpu.memory_space<vmem>> -> memref<96x128xf32, #tpu.memory_space<vmem>>
      tpu.enqueue_dma source(%dma_start3A_119 : memref<96x128xf32, #tpu.memory_space<vmem>>) target(%dma_start3A_116 : memref<96x128xf32, #tpu.memory_space<vmem_shared>>) target_semaphore(%run_scoped3A : memref<!tpu.dma_semaphore, #tpu.memory_space<semaphore_mem>>)
      %dma_wait3A = arith.constant 0 : i32
      %dma_wait3A_120 = arith.constant 0 : i32
      %dma_wait3A_121 = tpu.memref_slice %arg7[%dma_wait3A, %dma_wait3A_120] : memref<128x128xf32, #tpu.memory_space<vmem>> -> memref<96x128xf32, #tpu.memory_space<vmem>>
      %dma_wait3A_122 = arith.constant 0 : i32
      %dma_wait3A_123 = tpu.memref_slice %arg6[%add3A_85, %dma_wait3A_122] : memref<3584x128xf32, #tpu.memory_space<vmem_shared>> -> memref<96x128xf32, #tpu.memory_space<vmem_shared>>
      %dma_wait3A_124 = arith.constant 0 : i32
      %dma_wait3A_125 = tpu.memref_slice %arg6[%add3A_85, %dma_wait3A_124] : memref<3584x128xf32, #tpu.memory_space<vmem_shared>> -> memref<96x128xf32, #tpu.memory_space<vmem_shared>>
      %dma_wait3A_126 = arith.constant 0 : i32
      %dma_wait3A_127 = arith.constant 0 : i32
      %dma_wait3A_128 = tpu.memref_slice %arg7[%dma_wait3A_126, %dma_wait3A_127] : memref<128x128xf32, #tpu.memory_space<vmem>> -> memref<96x128xf32, #tpu.memory_space<vmem>>
      tpu.wait_dma2 semaphore(%run_scoped3A : memref<!tpu.dma_semaphore, #tpu.memory_space<semaphore_mem>>) src(%dma_wait3A_128 : memref<96x128xf32, #tpu.memory_space<vmem>>) dst(%dma_wait3A_125 : memref<96x128xf32, #tpu.memory_space<vmem_shared>>)
      tpu.yield
    }) : () -> ()
    %barrier3A_86 = arith.constant 0 : index
    tpu.barrier barrier_id(%barrier3A_86)
    %scan3A_87 = arith.constant 0 : i32
    %scan3A_88 = arith.constant 0 : i32
    %scan3A_89 = arith.constant 79 : i32
    %scan3A_90 = arith.addi %scan3A_88, %scan3A_89 : i32
    %scan3A_91 = arith.constant 1 : i32
    scf.for %scan3A_111 = %scan3A_88 to %scan3A_90 step %scan3A_91  : i32 {
      %mul3A_112 = arith.constant 79 : i32
      %mul3A_113 = arith.muli %add3A, %mul3A_112 : i32
      %add3A_114 = arith.addi %mul3A_113, %scan3A_111 : i32
      %mul3A_115 = arith.constant 384 : i32
      %mul3A_116 = arith.muli %add3A_114, %mul3A_115 : i32
      "tpu.region"() ({
        %run_scoped3A = tpu.sem_alloc : memref<!tpu.dma_semaphore, #tpu.memory_space<semaphore_mem>>
        %dma_start3A_293 = tpu.memref_slice %arg3[%mul3A_116] : memref<970752xi32, #tpu.memory_space<hbm>> -> memref<384xi32, #tpu.memory_space<hbm>>
        %dma_start3A_294 = tpu.memref_slice %arg3[%mul3A_116] : memref<970752xi32, #tpu.memory_space<hbm>> -> memref<384xi32, #tpu.memory_space<hbm>>
        tpu.enqueue_dma source(%dma_start3A_294 : memref<384xi32, #tpu.memory_space<hbm>>) target(%arg9 : memref<384xi32, #tpu.memory_space<vmem>>) target_semaphore(%run_scoped3A : memref<!tpu.dma_semaphore, #tpu.memory_space<semaphore_mem>>)
        %dma_wait3A_295 = tpu.memref_slice %arg3[%mul3A_116] : memref<970752xi32, #tpu.memory_space<hbm>> -> memref<384xi32, #tpu.memory_space<hbm>>
        %dma_wait3A_296 = tpu.memref_slice %arg3[%mul3A_116] : memref<970752xi32, #tpu.memory_space<hbm>> -> memref<384xi32, #tpu.memory_space<hbm>>
        tpu.wait_dma2 semaphore(%run_scoped3A : memref<!tpu.dma_semaphore, #tpu.memory_space<semaphore_mem>>) src(%dma_wait3A_296 : memref<384xi32, #tpu.memory_space<hbm>>) dst(%arg9 : memref<384xi32, #tpu.memory_space<vmem>>)
        tpu.yield
      }) : () -> ()
      %dma_start3A = arith.constant 256 : i32
      %dma_start3A_117 = tpu.memref_slice %arg9[%dma_start3A] : memref<384xi32, #tpu.memory_space<vmem>> -> memref<128xi32, #tpu.memory_space<vmem>>
      %dma_start3A_118 = arith.constant 0 : i32
      %dma_start3A_119 = arith.constant 0 : i32
      %dma_start3A_120 = tpu.memref_slice %arg4[%dma_start3A_118, %dma_start3A_119] : memref<81920x128xf32, #tpu.memory_space<hbm>> -> memref<81920x128xf32, #tpu.memory_space<hbm>>
      tpu.enqueue_indirect_dma source(%dma_start3A_120 : memref<81920x128xf32, #tpu.memory_space<hbm>>) target(%arg8 : memref<128x128xf32, #tpu.memory_space<vmem>>) offsets(%dma_start3A_117 : memref<128xi32, #tpu.memory_space<vmem>>) semaphore(%arg11 : memref<!tpu.dma_semaphore, #tpu.memory_space<semaphore_mem>>)
      %dma_start3A_121 = arith.constant 0 : i32
      %dma_start3A_122 = tpu.memref_slice %arg9[%dma_start3A_121] : memref<384xi32, #tpu.memory_space<vmem>> -> memref<128xi32, #tpu.memory_space<vmem>>
      %dma_start3A_123 = arith.constant 0 : i32
      %dma_start3A_124 = arith.constant 0 : i32
      %dma_start3A_125 = tpu.memref_slice %arg2[%dma_start3A_123, %dma_start3A_124] : memref<80000x128xf32, #tpu.memory_space<hbm>> -> memref<80000x128xf32, #tpu.memory_space<hbm>>
      tpu.enqueue_indirect_dma source(%dma_start3A_125 : memref<80000x128xf32, #tpu.memory_space<hbm>>) target(%arg7 : memref<128x128xf32, #tpu.memory_space<vmem>>) offsets(%dma_start3A_122 : memref<128xi32, #tpu.memory_space<vmem>>) semaphore(%arg11 : memref<!tpu.dma_semaphore, #tpu.memory_space<semaphore_mem>>)
      %get3A = arith.constant 128 : index
      %get3A_126 = tpu.vector_load %arg9[%get3A] {strides = array<i32>} : memref<384xi32, #tpu.memory_space<vmem>>, vector<16xi32>,
      %get3A_127 = vector.shape_cast %get3A_126 : vector<16xi32> to vector<16xi32>
      %sub3A = arith.constant 6912 : i32
      %sub3A_128 = vector.broadcast %sub3A : i32 to vector<16xi32>
      %sub3A_129 = arith.subi %get3A_127, %sub3A_128 : vector<16xi32>
      %ge3A = arith.constant 0 : i32
      %ge3A_130 = vector.broadcast %ge3A : i32 to vector<16xi32>
      %ge3A_131 = arith.cmpi sge, %sub3A_129, %ge3A_130 : vector<16xi32>
      %lt3A = arith.constant 3456 : i32
      %lt3A_132 = vector.broadcast %lt3A : i32 to vector<16xi32>
      %lt3A_133 = arith.cmpi slt, %sub3A_129, %lt3A_132 : vector<16xi32>
      %and3A = arith.andi %ge3A_131, %lt3A_133 : vector<16xi1>
      %jit3A = arith.constant 3520 : i32
      %broadcast_in_dim3A_134 = vector.broadcast %jit3A : i32 to vector<16xi32>
      %select_n3A = arith.select %and3A, %sub3A_129, %broadcast_in_dim3A_134 : vector<16xi1>, vector<16xi32>
      %swap3A = arith.constant 0 : index
      %swap3A_135 = tpu.vector_load %arg10[%swap3A] {strides = array<i32>} : memref<128xi32, #tpu.memory_space<vmem>>, vector<16xi32>,
      %swap3A_136 = vector.shape_cast %swap3A_135 : vector<16xi32> to vector<16xi32>
      %swap3A_137 = vector.shape_cast %select_n3A : vector<16xi32> to vector<16xi32>
      tpu.vector_store %arg10[%swap3A], %swap3A_137 {strides = array<i32>} : memref<128xi32, #tpu.memory_space<vmem>>, vector<16xi32>,
      %get3A_138 = arith.constant 144 : index
      %get3A_139 = tpu.vector_load %arg9[%get3A_138] {strides = array<i32>} : memref<384xi32, #tpu.memory_space<vmem>>, vector<16xi32>,
      %get3A_140 = vector.shape_cast %get3A_139 : vector<16xi32> to vector<16xi32>
      %sub3A_141 = arith.constant 6912 : i32
      %sub3A_142 = vector.broadcast %sub3A_141 : i32 to vector<16xi32>
      %sub3A_143 = arith.subi %get3A_140, %sub3A_142 : vector<16xi32>
      %ge3A_144 = arith.constant 0 : i32
      %ge3A_145 = vector.broadcast %ge3A_144 : i32 to vector<16xi32>
      %ge3A_146 = arith.cmpi sge, %sub3A_143, %ge3A_145 : vector<16xi32>
      %lt3A_147 = arith.constant 3456 : i32
      %lt3A_148 = vector.broadcast %lt3A_147 : i32 to vector<16xi32>
      %lt3A_149 = arith.cmpi slt, %sub3A_143, %lt3A_148 : vector<16xi32>
      %and3A_150 = arith.andi %ge3A_146, %lt3A_149 : vector<16xi1>
      %jit3A_151 = arith.constant 3520 : i32
      %broadcast_in_dim3A_152 = vector.broadcast %jit3A_151 : i32 to vector<16xi32>
      %select_n3A_153 = arith.select %and3A_150, %sub3A_143, %broadcast_in_dim3A_152 : vector<16xi1>, vector<16xi32>
      %swap3A_154 = arith.constant 16 : index
      %swap3A_155 = tpu.vector_load %arg10[%swap3A_154] {strides = array<i32>} : memref<128xi32, #tpu.memory_space<vmem>>, vector<16xi32>,
      %swap3A_156 = vector.shape_cast %swap3A_155 : vector<16xi32> to vector<16xi32>
      %swap3A_157 = vector.shape_cast %select_n3A_153 : vector<16xi32> to vector<16xi32>
      tpu.vector_store %arg10[%swap3A_154], %swap3A_157 {strides = array<i32>} : memref<128xi32, #tpu.memory_space<vmem>>, vector<16xi32>,
      %get3A_158 = arith.constant 160 : index
      %get3A_159 = tpu.vector_load %arg9[%get3A_158] {strides = array<i32>} : memref<384xi32, #tpu.memory_space<vmem>>, vector<16xi32>,
      %get3A_160 = vector.shape_cast %get3A_159 : vector<16xi32> to vector<16xi32>
      %sub3A_161 = arith.constant 6912 : i32
      %sub3A_162 = vector.broadcast %sub3A_161 : i32 to vector<16xi32>
      %sub3A_163 = arith.subi %get3A_160, %sub3A_162 : vector<16xi32>
      %ge3A_164 = arith.constant 0 : i32
      %ge3A_165 = vector.broadcast %ge3A_164 : i32 to vector<16xi32>
      %ge3A_166 = arith.cmpi sge, %sub3A_163, %ge3A_165 : vector<16xi32>
      %lt3A_167 = arith.constant 3456 : i32
      %lt3A_168 = vector.broadcast %lt3A_167 : i32 to vector<16xi32>
      %lt3A_169 = arith.cmpi slt, %sub3A_163, %lt3A_168 : vector<16xi32>
      %and3A_170 = arith.andi %ge3A_166, %lt3A_169 : vector<16xi1>
      %jit3A_171 = arith.constant 3520 : i32
      %broadcast_in_dim3A_172 = vector.broadcast %jit3A_171 : i32 to vector<16xi32>
      %select_n3A_173 = arith.select %and3A_170, %sub3A_163, %broadcast_in_dim3A_172 : vector<16xi1>, vector<16xi32>
      %swap3A_174 = arith.constant 32 : index
      %swap3A_175 = tpu.vector_load %arg10[%swap3A_174] {strides = array<i32>} : memref<128xi32, #tpu.memory_space<vmem>>, vector<16xi32>,
      %swap3A_176 = vector.shape_cast %swap3A_175 : vector<16xi32> to vector<16xi32>
      %swap3A_177 = vector.shape_cast %select_n3A_173 : vector<16xi32> to vector<16xi32>
      tpu.vector_store %arg10[%swap3A_174], %swap3A_177 {strides = array<i32>} : memref<128xi32, #tpu.memory_space<vmem>>, vector<16xi32>,
      %get3A_178 = arith.constant 176 : index
      %get3A_179 = tpu.vector_load %arg9[%get3A_178] {strides = array<i32>} : memref<384xi32, #tpu.memory_space<vmem>>, vector<16xi32>,
      %get3A_180 = vector.shape_cast %get3A_179 : vector<16xi32> to vector<16xi32>
      %sub3A_181 = arith.constant 6912 : i32
      %sub3A_182 = vector.broadcast %sub3A_181 : i32 to vector<16xi32>
      %sub3A_183 = arith.subi %get3A_180, %sub3A_182 : vector<16xi32>
      %ge3A_184 = arith.constant 0 : i32
      %ge3A_185 = vector.broadcast %ge3A_184 : i32 to vector<16xi32>
      %ge3A_186 = arith.cmpi sge, %sub3A_183, %ge3A_185 : vector<16xi32>
      %lt3A_187 = arith.constant 3456 : i32
      %lt3A_188 = vector.broadcast %lt3A_187 : i32 to vector<16xi32>
      %lt3A_189 = arith.cmpi slt, %sub3A_183, %lt3A_188 : vector<16xi32>
      %and3A_190 = arith.andi %ge3A_186, %lt3A_189 : vector<16xi1>
      %jit3A_191 = arith.constant 3520 : i32
      %broadcast_in_dim3A_192 = vector.broadcast %jit3A_191 : i32 to vector<16xi32>
      %select_n3A_193 = arith.select %and3A_190, %sub3A_183, %broadcast_in_dim3A_192 : vector<16xi1>, vector<16xi32>
      %swap3A_194 = arith.constant 48 : index
      %swap3A_195 = tpu.vector_load %arg10[%swap3A_194] {strides = array<i32>} : memref<128xi32, #tpu.memory_space<vmem>>, vector<16xi32>,
      %swap3A_196 = vector.shape_cast %swap3A_195 : vector<16xi32> to vector<16xi32>
      %swap3A_197 = vector.shape_cast %select_n3A_193 : vector<16xi32> to vector<16xi32>
      tpu.vector_store %arg10[%swap3A_194], %swap3A_197 {strides = array<i32>} : memref<128xi32, #tpu.memory_space<vmem>>, vector<16xi32>,
      %get3A_198 = arith.constant 192 : index
      %get3A_199 = tpu.vector_load %arg9[%get3A_198] {strides = array<i32>} : memref<384xi32, #tpu.memory_space<vmem>>, vector<16xi32>,
      %get3A_200 = vector.shape_cast %get3A_199 : vector<16xi32> to vector<16xi32>
      %sub3A_201 = arith.constant 6912 : i32
      %sub3A_202 = vector.broadcast %sub3A_201 : i32 to vector<16xi32>
      %sub3A_203 = arith.subi %get3A_200, %sub3A_202 : vector<16xi32>
      %ge3A_204 = arith.constant 0 : i32
      %ge3A_205 = vector.broadcast %ge3A_204 : i32 to vector<16xi32>
      %ge3A_206 = arith.cmpi sge, %sub3A_203, %ge3A_205 : vector<16xi32>
      %lt3A_207 = arith.constant 3456 : i32
      %lt3A_208 = vector.broadcast %lt3A_207 : i32 to vector<16xi32>
      %lt3A_209 = arith.cmpi slt, %sub3A_203, %lt3A_208 : vector<16xi32>
      %and3A_210 = arith.andi %ge3A_206, %lt3A_209 : vector<16xi1>
      %jit3A_211 = arith.constant 3520 : i32
      %broadcast_in_dim3A_212 = vector.broadcast %jit3A_211 : i32 to vector<16xi32>
      %select_n3A_213 = arith.select %and3A_210, %sub3A_203, %broadcast_in_dim3A_212 : vector<16xi1>, vector<16xi32>
      %swap3A_214 = arith.constant 64 : index
      %swap3A_215 = tpu.vector_load %arg10[%swap3A_214] {strides = array<i32>} : memref<128xi32, #tpu.memory_space<vmem>>, vector<16xi32>,
      %swap3A_216 = vector.shape_cast %swap3A_215 : vector<16xi32> to vector<16xi32>
      %swap3A_217 = vector.shape_cast %select_n3A_213 : vector<16xi32> to vector<16xi32>
      tpu.vector_store %arg10[%swap3A_214], %swap3A_217 {strides = array<i32>} : memref<128xi32, #tpu.memory_space<vmem>>, vector<16xi32>,
      %get3A_218 = arith.constant 208 : index
      %get3A_219 = tpu.vector_load %arg9[%get3A_218] {strides = array<i32>} : memref<384xi32, #tpu.memory_space<vmem>>, vector<16xi32>,
      %get3A_220 = vector.shape_cast %get3A_219 : vector<16xi32> to vector<16xi32>
      %sub3A_221 = arith.constant 6912 : i32
      %sub3A_222 = vector.broadcast %sub3A_221 : i32 to vector<16xi32>
      %sub3A_223 = arith.subi %get3A_220, %sub3A_222 : vector<16xi32>
      %ge3A_224 = arith.constant 0 : i32
      %ge3A_225 = vector.broadcast %ge3A_224 : i32 to vector<16xi32>
      %ge3A_226 = arith.cmpi sge, %sub3A_223, %ge3A_225 : vector<16xi32>
      %lt3A_227 = arith.constant 3456 : i32
      %lt3A_228 = vector.broadcast %lt3A_227 : i32 to vector<16xi32>
      %lt3A_229 = arith.cmpi slt, %sub3A_223, %lt3A_228 : vector<16xi32>
      %and3A_230 = arith.andi %ge3A_226, %lt3A_229 : vector<16xi1>
      %jit3A_231 = arith.constant 3520 : i32
      %broadcast_in_dim3A_232 = vector.broadcast %jit3A_231 : i32 to vector<16xi32>
      %select_n3A_233 = arith.select %and3A_230, %sub3A_223, %broadcast_in_dim3A_232 : vector<16xi1>, vector<16xi32>
      %swap3A_234 = arith.constant 80 : index
      %swap3A_235 = tpu.vector_load %arg10[%swap3A_234] {strides = array<i32>} : memref<128xi32, #tpu.memory_space<vmem>>, vector<16xi32>,
      %swap3A_236 = vector.shape_cast %swap3A_235 : vector<16xi32> to vector<16xi32>
      %swap3A_237 = vector.shape_cast %select_n3A_233 : vector<16xi32> to vector<16xi32>
      tpu.vector_store %arg10[%swap3A_234], %swap3A_237 {strides = array<i32>} : memref<128xi32, #tpu.memory_space<vmem>>, vector<16xi32>,
      %get3A_238 = arith.constant 224 : index
      %get3A_239 = tpu.vector_load %arg9[%get3A_238] {strides = array<i32>} : memref<384xi32, #tpu.memory_space<vmem>>, vector<16xi32>,
      %get3A_240 = vector.shape_cast %get3A_239 : vector<16xi32> to vector<16xi32>
      %sub3A_241 = arith.constant 6912 : i32
      %sub3A_242 = vector.broadcast %sub3A_241 : i32 to vector<16xi32>
      %sub3A_243 = arith.subi %get3A_240, %sub3A_242 : vector<16xi32>
      %ge3A_244 = arith.constant 0 : i32
      %ge3A_245 = vector.broadcast %ge3A_244 : i32 to vector<16xi32>
      %ge3A_246 = arith.cmpi sge, %sub3A_243, %ge3A_245 : vector<16xi32>
      %lt3A_247 = arith.constant 3456 : i32
      %lt3A_248 = vector.broadcast %lt3A_247 : i32 to vector<16xi32>
      %lt3A_249 = arith.cmpi slt, %sub3A_243, %lt3A_248 : vector<16xi32>
      %and3A_250 = arith.andi %ge3A_246, %lt3A_249 : vector<16xi1>
      %jit3A_251 = arith.constant 3520 : i32
      %broadcast_in_dim3A_252 = vector.broadcast %jit3A_251 : i32 to vector<16xi32>
      %select_n3A_253 = arith.select %and3A_250, %sub3A_243, %broadcast_in_dim3A_252 : vector<16xi1>, vector<16xi32>
      %swap3A_254 = arith.constant 96 : index
      %swap3A_255 = tpu.vector_load %arg10[%swap3A_254] {strides = array<i32>} : memref<128xi32, #tpu.memory_space<vmem>>, vector<16xi32>,
      %swap3A_256 = vector.shape_cast %swap3A_255 : vector<16xi32> to vector<16xi32>
      %swap3A_257 = vector.shape_cast %select_n3A_253 : vector<16xi32> to vector<16xi32>
      tpu.vector_store %arg10[%swap3A_254], %swap3A_257 {strides = array<i32>} : memref<128xi32, #tpu.memory_space<vmem>>, vector<16xi32>,
      %get3A_258 = arith.constant 240 : index
      %get3A_259 = tpu.vector_load %arg9[%get3A_258] {strides = array<i32>} : memref<384xi32, #tpu.memory_space<vmem>>, vector<16xi32>,
      %get3A_260 = vector.shape_cast %get3A_259 : vector<16xi32> to vector<16xi32>
      %sub3A_261 = arith.constant 6912 : i32
      %sub3A_262 = vector.broadcast %sub3A_261 : i32 to vector<16xi32>
      %sub3A_263 = arith.subi %get3A_260, %sub3A_262 : vector<16xi32>
      %ge3A_264 = arith.constant 0 : i32
      %ge3A_265 = vector.broadcast %ge3A_264 : i32 to vector<16xi32>
      %ge3A_266 = arith.cmpi sge, %sub3A_263, %ge3A_265 : vector<16xi32>
      %lt3A_267 = arith.constant 3456 : i32
      %lt3A_268 = vector.broadcast %lt3A_267 : i32 to vector<16xi32>
      %lt3A_269 = arith.cmpi slt, %sub3A_263, %lt3A_268 : vector<16xi32>
      %and3A_270 = arith.andi %ge3A_266, %lt3A_269 : vector<16xi1>
      %jit3A_271 = arith.constant 3520 : i32
      %broadcast_in_dim3A_272 = vector.broadcast %jit3A_271 : i32 to vector<16xi32>
      %select_n3A_273 = arith.select %and3A_270, %sub3A_263, %broadcast_in_dim3A_272 : vector<16xi1>, vector<16xi32>
      %swap3A_274 = arith.constant 112 : index
      %swap3A_275 = tpu.vector_load %arg10[%swap3A_274] {strides = array<i32>} : memref<128xi32, #tpu.memory_space<vmem>>, vector<16xi32>,
      %swap3A_276 = vector.shape_cast %swap3A_275 : vector<16xi32> to vector<16xi32>
      %swap3A_277 = vector.shape_cast %select_n3A_273 : vector<16xi32> to vector<16xi32>
      tpu.vector_store %arg10[%swap3A_274], %swap3A_277 {strides = array<i32>} : memref<128xi32, #tpu.memory_space<vmem>>, vector<16xi32>,
      %dma_wait3A = arith.constant 256 : i32
      %dma_wait3A_278 = tpu.memref_slice %arg9[%dma_wait3A] : memref<384xi32, #tpu.memory_space<vmem>> -> memref<128xi32, #tpu.memory_space<vmem>>
      %dma_wait3A_279 = arith.constant 0 : i32
      %dma_wait3A_280 = arith.constant 0 : i32
      %dma_wait3A_281 = tpu.memref_slice %arg4[%dma_wait3A_279, %dma_wait3A_280] : memref<81920x128xf32, #tpu.memory_space<hbm>> -> memref<81920x128xf32, #tpu.memory_space<hbm>>
      tpu.wait_indirect_dma semaphore(%arg11 : memref<!tpu.dma_semaphore, #tpu.memory_space<semaphore_mem>>) src(%dma_wait3A_281 : memref<81920x128xf32, #tpu.memory_space<hbm>>) dst(%arg8 : memref<128x128xf32, #tpu.memory_space<vmem>>)
      %dma_wait3A_282 = arith.constant 0 : i32
      %dma_wait3A_283 = tpu.memref_slice %arg9[%dma_wait3A_282] : memref<384xi32, #tpu.memory_space<vmem>> -> memref<128xi32, #tpu.memory_space<vmem>>
      %dma_wait3A_284 = arith.constant 0 : i32
      %dma_wait3A_285 = arith.constant 0 : i32
      %dma_wait3A_286 = tpu.memref_slice %arg2[%dma_wait3A_284, %dma_wait3A_285] : memref<80000x128xf32, #tpu.memory_space<hbm>> -> memref<80000x128xf32, #tpu.memory_space<hbm>>
      tpu.wait_indirect_dma semaphore(%arg11 : memref<!tpu.dma_semaphore, #tpu.memory_space<semaphore_mem>>) src(%dma_wait3A_286 : memref<80000x128xf32, #tpu.memory_space<hbm>>) dst(%arg7 : memref<128x128xf32, #tpu.memory_space<vmem>>)
      %scan3A_287 = arith.constant 0 : i32
      %scan3A_288 = arith.constant 0 : i32
      %scan3A_289 = arith.constant 128 : i32
      %scan3A_290 = arith.addi %scan3A_288, %scan3A_289 : i32
      %scan3A_291 = arith.constant 1 : i32
      scf.for %scan3A_293 = %scan3A_288 to %scan3A_290 step %scan3A_291  : i32 {
        %get3A_294 = arith.index_cast %scan3A_293 : i32 to index
        %get3A_295 = arith.constant 0 : index
        %get3A_296 = tpu.vector_load %arg7[%get3A_294, %get3A_295] {strides = array<i32>} : memref<128x128xf32, #tpu.memory_space<vmem>>, vector<1x16xf32>,
        %get3A_297 = vector.shape_cast %get3A_296 : vector<1x16xf32> to vector<16xf32>
        %get3A_298 = arith.index_cast %scan3A_293 : i32 to index
        %get3A_299 = arith.constant 0 : index
        %get3A_300 = tpu.vector_load %arg8[%get3A_298, %get3A_299] {strides = array<i32>} : memref<128x128xf32, #tpu.memory_space<vmem>>, vector<1x16xf32>,
        %get3A_301 = vector.shape_cast %get3A_300 : vector<1x16xf32> to vector<16xf32>
        %mul3A_302 = arith.mulf %get3A_297, %get3A_301 : vector<16xf32>
        %swap3A_303 = arith.index_cast %scan3A_293 : i32 to index
        %swap3A_304 = arith.constant 0 : index
        %swap3A_305 = tpu.vector_load %arg7[%swap3A_303, %swap3A_304] {strides = array<i32>} : memref<128x128xf32, #tpu.memory_space<vmem>>, vector<1x16xf32>,
        %swap3A_306 = vector.shape_cast %swap3A_305 : vector<1x16xf32> to vector<16xf32>
        %swap3A_307 = vector.shape_cast %mul3A_302 : vector<16xf32> to vector<1x16xf32>
        tpu.vector_store %arg7[%swap3A_303, %swap3A_304], %swap3A_307 {strides = array<i32>} : memref<128x128xf32, #tpu.memory_space<vmem>>, vector<1x16xf32>,
        %get3A_308 = arith.index_cast %scan3A_293 : i32 to index
        %get3A_309 = arith.constant 16 : index
        %get3A_310 = tpu.vector_load %arg7[%get3A_308, %get3A_309] {strides = array<i32>} : memref<128x128xf32, #tpu.memory_space<vmem>>, vector<1x16xf32>,
        %get3A_311 = vector.shape_cast %get3A_310 : vector<1x16xf32> to vector<16xf32>
        %get3A_312 = arith.index_cast %scan3A_293 : i32 to index
        %get3A_313 = arith.constant 16 : index
        %get3A_314 = tpu.vector_load %arg8[%get3A_312, %get3A_313] {strides = array<i32>} : memref<128x128xf32, #tpu.memory_space<vmem>>, vector<1x16xf32>,
        %get3A_315 = vector.shape_cast %get3A_314 : vector<1x16xf32> to vector<16xf32>
        %mul3A_316 = arith.mulf %get3A_311, %get3A_315 : vector<16xf32>
        %swap3A_317 = arith.index_cast %scan3A_293 : i32 to index
        %swap3A_318 = arith.constant 16 : index
        %swap3A_319 = tpu.vector_load %arg7[%swap3A_317, %swap3A_318] {strides = array<i32>} : memref<128x128xf32, #tpu.memory_space<vmem>>, vector<1x16xf32>,
        %swap3A_320 = vector.shape_cast %swap3A_319 : vector<1x16xf32> to vector<16xf32>
        %swap3A_321 = vector.shape_cast %mul3A_316 : vector<16xf32> to vector<1x16xf32>
        tpu.vector_store %arg7[%swap3A_317, %swap3A_318], %swap3A_321 {strides = array<i32>} : memref<128x128xf32, #tpu.memory_space<vmem>>, vector<1x16xf32>,
        %get3A_322 = arith.index_cast %scan3A_293 : i32 to index
        %get3A_323 = arith.constant 32 : index
        %get3A_324 = tpu.vector_load %arg7[%get3A_322, %get3A_323] {strides = array<i32>} : memref<128x128xf32, #tpu.memory_space<vmem>>, vector<1x16xf32>,
        %get3A_325 = vector.shape_cast %get3A_324 : vector<1x16xf32> to vector<16xf32>
        %get3A_326 = arith.index_cast %scan3A_293 : i32 to index
        %get3A_327 = arith.constant 32 : index
        %get3A_328 = tpu.vector_load %arg8[%get3A_326, %get3A_327] {strides = array<i32>} : memref<128x128xf32, #tpu.memory_space<vmem>>, vector<1x16xf32>,
        %get3A_329 = vector.shape_cast %get3A_328 : vector<1x16xf32> to vector<16xf32>
        %mul3A_330 = arith.mulf %get3A_325, %get3A_329 : vector<16xf32>
        %swap3A_331 = arith.index_cast %scan3A_293 : i32 to index
        %swap3A_332 = arith.constant 32 : index
        %swap3A_333 = tpu.vector_load %arg7[%swap3A_331, %swap3A_332] {strides = array<i32>} : memref<128x128xf32, #tpu.memory_space<vmem>>, vector<1x16xf32>,
        %swap3A_334 = vector.shape_cast %swap3A_333 : vector<1x16xf32> to vector<16xf32>
        %swap3A_335 = vector.shape_cast %mul3A_330 : vector<16xf32> to vector<1x16xf32>
        tpu.vector_store %arg7[%swap3A_331, %swap3A_332], %swap3A_335 {strides = array<i32>} : memref<128x128xf32, #tpu.memory_space<vmem>>, vector<1x16xf32>,
        %get3A_336 = arith.index_cast %scan3A_293 : i32 to index
        %get3A_337 = arith.constant 48 : index
        %get3A_338 = tpu.vector_load %arg7[%get3A_336, %get3A_337] {strides = array<i32>} : memref<128x128xf32, #tpu.memory_space<vmem>>, vector<1x16xf32>,
        %get3A_339 = vector.shape_cast %get3A_338 : vector<1x16xf32> to vector<16xf32>
        %get3A_340 = arith.index_cast %scan3A_293 : i32 to index
        %get3A_341 = arith.constant 48 : index
        %get3A_342 = tpu.vector_load %arg8[%get3A_340, %get3A_341] {strides = array<i32>} : memref<128x128xf32, #tpu.memory_space<vmem>>, vector<1x16xf32>,
        %get3A_343 = vector.shape_cast %get3A_342 : vector<1x16xf32> to vector<16xf32>
        %mul3A_344 = arith.mulf %get3A_339, %get3A_343 : vector<16xf32>
        %swap3A_345 = arith.index_cast %scan3A_293 : i32 to index
        %swap3A_346 = arith.constant 48 : index
        %swap3A_347 = tpu.vector_load %arg7[%swap3A_345, %swap3A_346] {strides = array<i32>} : memref<128x128xf32, #tpu.memory_space<vmem>>, vector<1x16xf32>,
        %swap3A_348 = vector.shape_cast %swap3A_347 : vector<1x16xf32> to vector<16xf32>
        %swap3A_349 = vector.shape_cast %mul3A_344 : vector<16xf32> to vector<1x16xf32>
        tpu.vector_store %arg7[%swap3A_345, %swap3A_346], %swap3A_349 {strides = array<i32>} : memref<128x128xf32, #tpu.memory_space<vmem>>, vector<1x16xf32>,
        %get3A_350 = arith.index_cast %scan3A_293 : i32 to index
        %get3A_351 = arith.constant 64 : index
        %get3A_352 = tpu.vector_load %arg7[%get3A_350, %get3A_351] {strides = array<i32>} : memref<128x128xf32, #tpu.memory_space<vmem>>, vector<1x16xf32>,
        %get3A_353 = vector.shape_cast %get3A_352 : vector<1x16xf32> to vector<16xf32>
        %get3A_354 = arith.index_cast %scan3A_293 : i32 to index
        %get3A_355 = arith.constant 64 : index
        %get3A_356 = tpu.vector_load %arg8[%get3A_354, %get3A_355] {strides = array<i32>} : memref<128x128xf32, #tpu.memory_space<vmem>>, vector<1x16xf32>,
        %get3A_357 = vector.shape_cast %get3A_356 : vector<1x16xf32> to vector<16xf32>
        %mul3A_358 = arith.mulf %get3A_353, %get3A_357 : vector<16xf32>
        %swap3A_359 = arith.index_cast %scan3A_293 : i32 to index
        %swap3A_360 = arith.constant 64 : index
        %swap3A_361 = tpu.vector_load %arg7[%swap3A_359, %swap3A_360] {strides = array<i32>} : memref<128x128xf32, #tpu.memory_space<vmem>>, vector<1x16xf32>,
        %swap3A_362 = vector.shape_cast %swap3A_361 : vector<1x16xf32> to vector<16xf32>
        %swap3A_363 = vector.shape_cast %mul3A_358 : vector<16xf32> to vector<1x16xf32>
        tpu.vector_store %arg7[%swap3A_359, %swap3A_360], %swap3A_363 {strides = array<i32>} : memref<128x128xf32, #tpu.memory_space<vmem>>, vector<1x16xf32>,
        %get3A_364 = arith.index_cast %scan3A_293 : i32 to index
        %get3A_365 = arith.constant 80 : index
        %get3A_366 = tpu.vector_load %arg7[%get3A_364, %get3A_365] {strides = array<i32>} : memref<128x128xf32, #tpu.memory_space<vmem>>, vector<1x16xf32>,
        %get3A_367 = vector.shape_cast %get3A_366 : vector<1x16xf32> to vector<16xf32>
        %get3A_368 = arith.index_cast %scan3A_293 : i32 to index
        %get3A_369 = arith.constant 80 : index
        %get3A_370 = tpu.vector_load %arg8[%get3A_368, %get3A_369] {strides = array<i32>} : memref<128x128xf32, #tpu.memory_space<vmem>>, vector<1x16xf32>,
        %get3A_371 = vector.shape_cast %get3A_370 : vector<1x16xf32> to vector<16xf32>
        %mul3A_372 = arith.mulf %get3A_367, %get3A_371 : vector<16xf32>
        %swap3A_373 = arith.index_cast %scan3A_293 : i32 to index
        %swap3A_374 = arith.constant 80 : index
        %swap3A_375 = tpu.vector_load %arg7[%swap3A_373, %swap3A_374] {strides = array<i32>} : memref<128x128xf32, #tpu.memory_space<vmem>>, vector<1x16xf32>,
        %swap3A_376 = vector.shape_cast %swap3A_375 : vector<1x16xf32> to vector<16xf32>
        %swap3A_377 = vector.shape_cast %mul3A_372 : vector<16xf32> to vector<1x16xf32>
        tpu.vector_store %arg7[%swap3A_373, %swap3A_374], %swap3A_377 {strides = array<i32>} : memref<128x128xf32, #tpu.memory_space<vmem>>, vector<1x16xf32>,
        %get3A_378 = arith.index_cast %scan3A_293 : i32 to index
        %get3A_379 = arith.constant 96 : index
        %get3A_380 = tpu.vector_load %arg7[%get3A_378, %get3A_379] {strides = array<i32>} : memref<128x128xf32, #tpu.memory_space<vmem>>, vector<1x16xf32>,
        %get3A_381 = vector.shape_cast %get3A_380 : vector<1x16xf32> to vector<16xf32>
        %get3A_382 = arith.index_cast %scan3A_293 : i32 to index
        %get3A_383 = arith.constant 96 : index
        %get3A_384 = tpu.vector_load %arg8[%get3A_382, %get3A_383] {strides = array<i32>} : memref<128x128xf32, #tpu.memory_space<vmem>>, vector<1x16xf32>,
        %get3A_385 = vector.shape_cast %get3A_384 : vector<1x16xf32> to vector<16xf32>
        %mul3A_386 = arith.mulf %get3A_381, %get3A_385 : vector<16xf32>
        %swap3A_387 = arith.index_cast %scan3A_293 : i32 to index
        %swap3A_388 = arith.constant 96 : index
        %swap3A_389 = tpu.vector_load %arg7[%swap3A_387, %swap3A_388] {strides = array<i32>} : memref<128x128xf32, #tpu.memory_space<vmem>>, vector<1x16xf32>,
        %swap3A_390 = vector.shape_cast %swap3A_389 : vector<1x16xf32> to vector<16xf32>
        %swap3A_391 = vector.shape_cast %mul3A_386 : vector<16xf32> to vector<1x16xf32>
        tpu.vector_store %arg7[%swap3A_387, %swap3A_388], %swap3A_391 {strides = array<i32>} : memref<128x128xf32, #tpu.memory_space<vmem>>, vector<1x16xf32>,
        %get3A_392 = arith.index_cast %scan3A_293 : i32 to index
        %get3A_393 = arith.constant 112 : index
        %get3A_394 = tpu.vector_load %arg7[%get3A_392, %get3A_393] {strides = array<i32>} : memref<128x128xf32, #tpu.memory_space<vmem>>, vector<1x16xf32>,
        %get3A_395 = vector.shape_cast %get3A_394 : vector<1x16xf32> to vector<16xf32>
        %get3A_396 = arith.index_cast %scan3A_293 : i32 to index
        %get3A_397 = arith.constant 112 : index
        %get3A_398 = tpu.vector_load %arg8[%get3A_396, %get3A_397] {strides = array<i32>} : memref<128x128xf32, #tpu.memory_space<vmem>>, vector<1x16xf32>,
        %get3A_399 = vector.shape_cast %get3A_398 : vector<1x16xf32> to vector<16xf32>
        %mul3A_400 = arith.mulf %get3A_395, %get3A_399 : vector<16xf32>
        %swap3A_401 = arith.index_cast %scan3A_293 : i32 to index
        %swap3A_402 = arith.constant 112 : index
        %swap3A_403 = tpu.vector_load %arg7[%swap3A_401, %swap3A_402] {strides = array<i32>} : memref<128x128xf32, #tpu.memory_space<vmem>>, vector<1x16xf32>,
        %swap3A_404 = vector.shape_cast %swap3A_403 : vector<1x16xf32> to vector<16xf32>
        %swap3A_405 = vector.shape_cast %mul3A_400 : vector<16xf32> to vector<1x16xf32>
        tpu.vector_store %arg7[%swap3A_401, %swap3A_402], %swap3A_405 {strides = array<i32>} : memref<128x128xf32, #tpu.memory_space<vmem>>, vector<1x16xf32>,
      }
      %scan3A_292 = arith.constant 128 : i32
      "tpu.region"() ({
        %run_scoped3A = tpu.sem_alloc : memref<!tpu.dma_semaphore, #tpu.memory_space<semaphore_mem>>
        %dma_start3A_293 = arith.constant 0 : i32
        %dma_start3A_294 = arith.constant 0 : i32
        %dma_start3A_295 = tpu.memref_slice %arg6[%dma_start3A_293, %dma_start3A_294] : memref<3584x128xf32, #tpu.memory_space<vmem_shared>> -> memref<3584x128xf32, #tpu.memory_space<vmem_shared>>
        tpu.enqueue_indirect_dma source(%arg7 : memref<128x128xf32, #tpu.memory_space<vmem>>) target(%dma_start3A_295 : memref<3584x128xf32, #tpu.memory_space<vmem_shared>>) offsets(%arg10 : memref<128xi32, #tpu.memory_space<vmem>>) semaphore(%run_scoped3A : memref<!tpu.dma_semaphore, #tpu.memory_space<semaphore_mem>>) {add = true}
        %dma_wait3A_296 = arith.constant 0 : i32
        %dma_wait3A_297 = arith.constant 0 : i32
        %dma_wait3A_298 = tpu.memref_slice %arg6[%dma_wait3A_296, %dma_wait3A_297] : memref<3584x128xf32, #tpu.memory_space<vmem_shared>> -> memref<3584x128xf32, #tpu.memory_space<vmem_shared>>
        tpu.wait_indirect_dma semaphore(%run_scoped3A : memref<!tpu.dma_semaphore, #tpu.memory_space<semaphore_mem>>) src(%arg7 : memref<128x128xf32, #tpu.memory_space<vmem>>) dst(%dma_wait3A_298 : memref<3584x128xf32, #tpu.memory_space<vmem_shared>>)
        tpu.yield
      }) : () -> ()
    }
    %scan3A_92 = arith.constant 79 : i32
    %barrier3A_93 = arith.constant 0 : index
    tpu.barrier barrier_id(%barrier3A_93)
    %mul3A_94 = arith.constant 216 : i32
    %mul3A_95 = arith.muli %arg1, %mul3A_94 : i32
    %mul3A_96 = arith.constant 10368 : i32
    %mul3A_97 = arith.muli %arg0, %mul3A_96 : i32
    %add3A_98 = arith.constant 6912 : i32
    %add3A_99 = arith.addi %mul3A_97, %add3A_98 : i32
    %add3A_100 = arith.addi %add3A_99, %mul3A_95 : i32
    "tpu.region"() ({
      %run_scoped3A = tpu.sem_alloc : memref<!tpu.dma_semaphore, #tpu.memory_space<semaphore_mem>>
      %dma_start3A = arith.constant 0 : i32
      %dma_start3A_111 = tpu.memref_slice %arg5[%add3A_100, %dma_start3A] : memref<20736x128xf32, #tpu.memory_space<hbm>> -> memref<128x128xf32, #tpu.memory_space<hbm>>
      %dma_start3A_112 = arith.constant 0 : i32
      %dma_start3A_113 = tpu.memref_slice %arg6[%mul3A_95, %dma_start3A_112] : memref<3584x128xf32, #tpu.memory_space<vmem_shared>> -> memref<128x128xf32, #tpu.memory_space<vmem_shared>>
      tpu.enqueue_dma source(%dma_start3A_113 : memref<128x128xf32, #tpu.memory_space<vmem_shared>>) target(%dma_start3A_111 : memref<128x128xf32, #tpu.memory_space<hbm>>) target_semaphore(%run_scoped3A : memref<!tpu.dma_semaphore, #tpu.memory_space<semaphore_mem>>)
      %dma_wait3A = arith.constant 0 : i32
      %dma_wait3A_114 = tpu.memref_slice %arg5[%add3A_100, %dma_wait3A] : memref<20736x128xf32, #tpu.memory_space<hbm>> -> memref<128x128xf32, #tpu.memory_space<hbm>>
      %dma_wait3A_115 = arith.constant 0 : i32
      %dma_wait3A_116 = tpu.memref_slice %arg6[%mul3A_95, %dma_wait3A_115] : memref<3584x128xf32, #tpu.memory_space<vmem_shared>> -> memref<128x128xf32, #tpu.memory_space<vmem_shared>>
      tpu.wait_dma2 semaphore(%run_scoped3A : memref<!tpu.dma_semaphore, #tpu.memory_space<semaphore_mem>>) src(%dma_wait3A_116 : memref<128x128xf32, #tpu.memory_space<vmem_shared>>) dst(%dma_wait3A_114 : memref<128x128xf32, #tpu.memory_space<hbm>>)
      tpu.yield
    }) : () -> ()
    %add3A_101 = arith.constant 128 : i32
    %add3A_102 = arith.addi %mul3A_95, %add3A_101 : i32
    %mul3A_103 = arith.constant 10368 : i32
    %mul3A_104 = arith.muli %arg0, %mul3A_103 : i32
    %add3A_105 = arith.constant 6912 : i32
    %add3A_106 = arith.addi %mul3A_104, %add3A_105 : i32
    %add3A_107 = arith.addi %add3A_106, %mul3A_95 : i32
    %add3A_108 = arith.constant 128 : i32
    %add3A_109 = arith.addi %add3A_107, %add3A_108 : i32
    "tpu.region"() ({
      %run_scoped3A = tpu.sem_alloc : memref<!tpu.dma_semaphore, #tpu.memory_space<semaphore_mem>>
      %dma_start3A = arith.constant 0 : i32
      %dma_start3A_111 = tpu.memref_slice %arg5[%add3A_109, %dma_start3A] : memref<20736x128xf32, #tpu.memory_space<hbm>> -> memref<88x128xf32, #tpu.memory_space<hbm>>
      %dma_start3A_112 = arith.constant 0 : i32
      %dma_start3A_113 = tpu.memref_slice %arg6[%add3A_102, %dma_start3A_112] : memref<3584x128xf32, #tpu.memory_space<vmem_shared>> -> memref<88x128xf32, #tpu.memory_space<vmem_shared>>
      tpu.enqueue_dma source(%dma_start3A_113 : memref<88x128xf32, #tpu.memory_space<vmem_shared>>) target(%dma_start3A_111 : memref<88x128xf32, #tpu.memory_space<hbm>>) target_semaphore(%run_scoped3A : memref<!tpu.dma_semaphore, #tpu.memory_space<semaphore_mem>>)
      %dma_wait3A = arith.constant 0 : i32
      %dma_wait3A_114 = tpu.memref_slice %arg5[%add3A_109, %dma_wait3A] : memref<20736x128xf32, #tpu.memory_space<hbm>> -> memref<88x128xf32, #tpu.memory_space<hbm>>
      %dma_wait3A_115 = arith.constant 0 : i32
      %dma_wait3A_116 = tpu.memref_slice %arg6[%add3A_102, %dma_wait3A_115] : memref<3584x128xf32, #tpu.memory_space<vmem_shared>> -> memref<88x128xf32, #tpu.memory_space<vmem_shared>>
      tpu.wait_dma2 semaphore(%run_scoped3A : memref<!tpu.dma_semaphore, #tpu.memory_space<semaphore_mem>>) src(%dma_wait3A_116 : memref<88x128xf32, #tpu.memory_space<vmem_shared>>) dst(%dma_wait3A_114 : memref<88x128xf32, #tpu.memory_space<hbm>>)
      tpu.yield
    }) : () -> ()
    %barrier3A_110 = arith.constant 0 : index
    tpu.barrier barrier_id(%barrier3A_110)
    return
  }
}

#map = affine_map<(d0, d1) -> (0, 0)>
#map1 = affine_map<(d0, d1) -> (0)>
module attributes {stable_mosaic.version = 14 : i64} {
  func.func @_scatter_kernel(%arg0: i32, %arg1: i32, %arg2: memref<80000x128xf32, #tpu.memory_space<hbm>>, %arg3: memref<970752xi32, #tpu.memory_space<hbm>>, %arg4: memref<81920x128xf32, #tpu.memory_space<hbm>>, %arg5: memref<20736x128xf32, #tpu.memory_space<hbm>>, %arg6: memref<3584x128xf32, #tpu.memory_space<vmem_shared>>, %arg7: memref<128x128xf32, #tpu.memory_space<vmem>>, %arg8: memref<128x128xf32, #tpu.memory_space<vmem>>, %arg9: memref<384xi32, #tpu.memory_space<vmem>>, %arg10: memref<128xi32, #tpu.memory_space<vmem>>, %arg11: memref<!tpu.dma_semaphore, #tpu.memory_space<semaphore_mem>>) attributes {dimension_semantics = [#tpu.dimension_semantics<core_parallel>, #tpu.dimension_semantics<subcore_parallel>], iteration_bounds = array<i64: 2, 16>, scalar_prefetch = 0 : i64, scratch_operands = 6 : i64, tpu.core_type = #tpu.core_type<sc_vector_subcore>, window_params = [{transform_indices = #map}, {transform_indices = #map1}, {transform_indices = #map}, {transform_indices = #map}]} {
    %mul3A = arith.constant 16 : i32
    %mul3A_0 = arith.muli %arg0, %mul3A : i32
    %add3A = arith.addi %mul3A_0, %arg1 : i32
    %broadcast_in_dim3A = arith.constant 0.000000e+00 : f32
    %broadcast_in_dim3A_1 = vector.broadcast %broadcast_in_dim3A : f32 to vector<16xf32>
    %scan3A = arith.constant 0 : i32
    %scan3A_2 = arith.constant 0 : i32
    %scan3A_3 = arith.constant 128 : i32
    %scan3A_4 = arith.addi %scan3A_2, %scan3A_3 : i32
    %scan3A_5 = arith.constant 1 : i32
    scf.for %scan3A_111 = %scan3A_2 to %scan3A_4 step %scan3A_5  : i32 {
      %swap3A = arith.index_cast %scan3A_111 : i32 to index
      %swap3A_112 = arith.constant 0 : index
      %swap3A_113 = tpu.vector_load %arg7[%swap3A, %swap3A_112] {strides = array<i32>} : memref<128x128xf32, #tpu.memory_space<vmem>>, vector<1x16xf32>,
      %swap3A_114 = vector.shape_cast %swap3A_113 : vector<1x16xf32> to vector<16xf32>
      %swap3A_115 = vector.shape_cast %broadcast_in_dim3A_1 : vector<16xf32> to vector<1x16xf32>
      tpu.vector_store %arg7[%swap3A, %swap3A_112], %swap3A_115 {strides = array<i32>} : memref<128x128xf32, #tpu.memory_space<vmem>>, vector<1x16xf32>,
      %swap3A_116 = arith.index_cast %scan3A_111 : i32 to index
      %swap3A_117 = arith.constant 16 : index
      %swap3A_118 = tpu.vector_load %arg7[%swap3A_116, %swap3A_117] {strides = array<i32>} : memref<128x128xf32, #tpu.memory_space<vmem>>, vector<1x16xf32>,
      %swap3A_119 = vector.shape_cast %swap3A_118 : vector<1x16xf32> to vector<16xf32>
      %swap3A_120 = vector.shape_cast %broadcast_in_dim3A_1 : vector<16xf32> to vector<1x16xf32>
      tpu.vector_store %arg7[%swap3A_116, %swap3A_117], %swap3A_120 {strides = array<i32>} : memref<128x128xf32, #tpu.memory_space<vmem>>, vector<1x16xf32>,
      %swap3A_121 = arith.index_cast %scan3A_111 : i32 to index
      %swap3A_122 = arith.constant 32 : index
      %swap3A_123 = tpu.vector_load %arg7[%swap3A_121, %swap3A_122] {strides = array<i32>} : memref<128x128xf32, #tpu.memory_space<vmem>>, vector<1x16xf32>,
      %swap3A_124 = vector.shape_cast %swap3A_123 : vector<1x16xf32> to vector<16xf32>
      %swap3A_125 = vector.shape_cast %broadcast_in_dim3A_1 : vector<16xf32> to vector<1x16xf32>
      tpu.vector_store %arg7[%swap3A_121, %swap3A_122], %swap3A_125 {strides = array<i32>} : memref<128x128xf32, #tpu.memory_space<vmem>>, vector<1x16xf32>,
      %swap3A_126 = arith.index_cast %scan3A_111 : i32 to index
      %swap3A_127 = arith.constant 48 : index
      %swap3A_128 = tpu.vector_load %arg7[%swap3A_126, %swap3A_127] {strides = array<i32>} : memref<128x128xf32, #tpu.memory_space<vmem>>, vector<1x16xf32>,
      %swap3A_129 = vector.shape_cast %swap3A_128 : vector<1x16xf32> to vector<16xf32>
      %swap3A_130 = vector.shape_cast %broadcast_in_dim3A_1 : vector<16xf32> to vector<1x16xf32>
      tpu.vector_store %arg7[%swap3A_126, %swap3A_127], %swap3A_130 {strides = array<i32>} : memref<128x128xf32, #tpu.memory_space<vmem>>, vector<1x16xf32>,
      %swap3A_131 = arith.index_cast %scan3A_111 : i32 to index
      %swap3A_132 = arith.constant 64 : index
      %swap3A_133 = tpu.vector_load %arg7[%swap3A_131, %swap3A_132] {strides = array<i32>} : memref<128x128xf32, #tpu.memory_space<vmem>>, vector<1x16xf32>,
      %swap3A_134 = vector.shape_cast %swap3A_133 : vector<1x16xf32> to vector<16xf32>
      %swap3A_135 = vector.shape_cast %broadcast_in_dim3A_1 : vector<16xf32> to vector<1x16xf32>
      tpu.vector_store %arg7[%swap3A_131, %swap3A_132], %swap3A_135 {strides = array<i32>} : memref<128x128xf32, #tpu.memory_space<vmem>>, vector<1x16xf32>,
      %swap3A_136 = arith.index_cast %scan3A_111 : i32 to index
      %swap3A_137 = arith.constant 80 : index
      %swap3A_138 = tpu.vector_load %arg7[%swap3A_136, %swap3A_137] {strides = array<i32>} : memref<128x128xf32, #tpu.memory_space<vmem>>, vector<1x16xf32>,
      %swap3A_139 = vector.shape_cast %swap3A_138 : vector<1x16xf32> to vector<16xf32>
      %swap3A_140 = vector.shape_cast %broadcast_in_dim3A_1 : vector<16xf32> to vector<1x16xf32>
      tpu.vector_store %arg7[%swap3A_136, %swap3A_137], %swap3A_140 {strides = array<i32>} : memref<128x128xf32, #tpu.memory_space<vmem>>, vector<1x16xf32>,
      %swap3A_141 = arith.index_cast %scan3A_111 : i32 to index
      %swap3A_142 = arith.constant 96 : index
      %swap3A_143 = tpu.vector_load %arg7[%swap3A_141, %swap3A_142] {strides = array<i32>} : memref<128x128xf32, #tpu.memory_space<vmem>>, vector<1x16xf32>,
      %swap3A_144 = vector.shape_cast %swap3A_143 : vector<1x16xf32> to vector<16xf32>
      %swap3A_145 = vector.shape_cast %broadcast_in_dim3A_1 : vector<16xf32> to vector<1x16xf32>
      tpu.vector_store %arg7[%swap3A_141, %swap3A_142], %swap3A_145 {strides = array<i32>} : memref<128x128xf32, #tpu.memory_space<vmem>>, vector<1x16xf32>,
      %swap3A_146 = arith.index_cast %scan3A_111 : i32 to index
      %swap3A_147 = arith.constant 112 : index
      %swap3A_148 = tpu.vector_load %arg7[%swap3A_146, %swap3A_147] {strides = array<i32>} : memref<128x128xf32, #tpu.memory_space<vmem>>, vector<1x16xf32>,
      %swap3A_149 = vector.shape_cast %swap3A_148 : vector<1x16xf32> to vector<16xf32>
      %swap3A_150 = vector.shape_cast %broadcast_in_dim3A_1 : vector<16xf32> to vector<1x16xf32>
      tpu.vector_store %arg7[%swap3A_146, %swap3A_147], %swap3A_150 {strides = array<i32>} : memref<128x128xf32, #tpu.memory_space<vmem>>, vector<1x16xf32>,
    }
    %scan3A_6 = arith.constant 128 : i32
    %mul3A_7 = arith.constant 224 : i32
    %mul3A_8 = arith.muli %arg1, %mul3A_7 : i32
    "tpu.region"() ({
      %run_scoped3A = tpu.sem_alloc : memref<!tpu.dma_semaphore, #tpu.memory_space<semaphore_mem>>
      %dma_start3A = arith.constant 0 : i32
      %dma_start3A_111 = tpu.memref_slice %arg6[%mul3A_8, %dma_start3A] : memref<3584x128xf32, #tpu.memory_space<vmem_shared>> -> memref<128x128xf32, #tpu.memory_space<vmem_shared>>
      %dma_start3A_112 = arith.constant 0 : i32
      %dma_start3A_113 = tpu.memref_slice %arg6[%mul3A_8, %dma_start3A_112] : memref<3584x128xf32, #tpu.memory_space<vmem_shared>> -> memref<128x128xf32, #tpu.memory_space<vmem_shared>>
      tpu.enqueue_dma source(%arg7 : memref<128x128xf32, #tpu.memory_space<vmem>>) target(%dma_start3A_113 : memref<128x128xf32, #tpu.memory_space<vmem_shared>>) target_semaphore(%run_scoped3A : memref<!tpu.dma_semaphore, #tpu.memory_space<semaphore_mem>>)
      %dma_wait3A = arith.constant 0 : i32
      %dma_wait3A_114 = tpu.memref_slice %arg6[%mul3A_8, %dma_wait3A] : memref<3584x128xf32, #tpu.memory_space<vmem_shared>> -> memref<128x128xf32, #tpu.memory_space<vmem_shared>>
      %dma_wait3A_115 = arith.constant 0 : i32
      %dma_wait3A_116 = tpu.memref_slice %arg6[%mul3A_8, %dma_wait3A_115] : memref<3584x128xf32, #tpu.memory_space<vmem_shared>> -> memref<128x128xf32, #tpu.memory_space<vmem_shared>>
      tpu.wait_dma2 semaphore(%run_scoped3A : memref<!tpu.dma_semaphore, #tpu.memory_space<semaphore_mem>>) src(%arg7 : memref<128x128xf32, #tpu.memory_space<vmem>>) dst(%dma_wait3A_116 : memref<128x128xf32, #tpu.memory_space<vmem_shared>>)
      tpu.yield
    }) : () -> ()
    %mul3A_9 = arith.constant 224 : i32
    %mul3A_10 = arith.muli %arg1, %mul3A_9 : i32
    %add3A_11 = arith.constant 128 : i32
    %add3A_12 = arith.addi %mul3A_10, %add3A_11 : i32
    "tpu.region"() ({
      %run_scoped3A = tpu.sem_alloc : memref<!tpu.dma_semaphore, #tpu.memory_space<semaphore_mem>>
      %dma_start3A = arith.constant 0 : i32
      %dma_start3A_111 = arith.constant 0 : i32
      %dma_start3A_112 = tpu.memref_slice %arg7[%dma_start3A, %dma_start3A_111] : memref<128x128xf32, #tpu.memory_space<vmem>> -> memref<96x128xf32, #tpu.memory_space<vmem>>
      %dma_start3A_113 = arith.constant 0 : i32
      %dma_start3A_114 = tpu.memref_slice %arg6[%add3A_12, %dma_start3A_113] : memref<3584x128xf32, #tpu.memory_space<vmem_shared>> -> memref<96x128xf32, #tpu.memory_space<vmem_shared>>
      %dma_start3A_115 = arith.constant 0 : i32
      %dma_start3A_116 = tpu.memref_slice %arg6[%add3A_12, %dma_start3A_115] : memref<3584x128xf32, #tpu.memory_space<vmem_shared>> -> memref<96x128xf32, #tpu.memory_space<vmem_shared>>
      %dma_start3A_117 = arith.constant 0 : i32
      %dma_start3A_118 = arith.constant 0 : i32
      %dma_start3A_119 = tpu.memref_slice %arg7[%dma_start3A_117, %dma_start3A_118] : memref<128x128xf32, #tpu.memory_space<vmem>> -> memref<96x128xf32, #tpu.memory_space<vmem>>
      tpu.enqueue_dma source(%dma_start3A_119 : memref<96x128xf32, #tpu.memory_space<vmem>>) target(%dma_start3A_116 : memref<96x128xf32, #tpu.memory_space<vmem_shared>>) target_semaphore(%run_scoped3A : memref<!tpu.dma_semaphore, #tpu.memory_space<semaphore_mem>>)
      %dma_wait3A = arith.constant 0 : i32
      %dma_wait3A_120 = arith.constant 0 : i32
      %dma_wait3A_121 = tpu.memref_slice %arg7[%dma_wait3A, %dma_wait3A_120] : memref<128x128xf32, #tpu.memory_space<vmem>> -> memref<96x128xf32, #tpu.memory_space<vmem>>
      %dma_wait3A_122 = arith.constant 0 : i32
      %dma_wait3A_123 = tpu.memref_slice %arg6[%add3A_12, %dma_wait3A_122] : memref<3584x128xf32, #tpu.memory_space<vmem_shared>> -> memref<96x128xf32, #tpu.memory_space<vmem_shared>>
      %dma_wait3A_124 = arith.constant 0 : i32
      %dma_wait3A_125 = tpu.memref_slice %arg6[%add3A_12, %dma_wait3A_124] : memref<3584x128xf32, #tpu.memory_space<vmem_shared>> -> memref<96x128xf32, #tpu.memory_space<vmem_shared>>
      %dma_wait3A_126 = arith.constant 0 : i32
      %dma_wait3A_127 = arith.constant 0 : i32
      %dma_wait3A_128 = tpu.memref_slice %arg7[%dma_wait3A_126, %dma_wait3A_127] : memref<128x128xf32, #tpu.memory_space<vmem>> -> memref<96x128xf32, #tpu.memory_space<vmem>>
      tpu.wait_dma2 semaphore(%run_scoped3A : memref<!tpu.dma_semaphore, #tpu.memory_space<semaphore_mem>>) src(%dma_wait3A_128 : memref<96x128xf32, #tpu.memory_space<vmem>>) dst(%dma_wait3A_125 : memref<96x128xf32, #tpu.memory_space<vmem_shared>>)
      tpu.yield
    }) : () -> ()
    %barrier3A = arith.constant 0 : index
    tpu.barrier barrier_id(%barrier3A)
    %scan3A_13 = arith.constant 0 : i32
    %scan3A_14 = arith.constant 0 : i32
    %scan3A_15 = arith.constant 79 : i32
    %scan3A_16 = arith.addi %scan3A_14, %scan3A_15 : i32
    %scan3A_17 = arith.constant 1 : i32
    scf.for %scan3A_111 = %scan3A_14 to %scan3A_16 step %scan3A_17  : i32 {
      %mul3A_112 = arith.constant 79 : i32
      %mul3A_113 = arith.muli %add3A, %mul3A_112 : i32
      %add3A_114 = arith.addi %mul3A_113, %scan3A_111 : i32
      %mul3A_115 = arith.constant 384 : i32
      %mul3A_116 = arith.muli %add3A_114, %mul3A_115 : i32
      "tpu.region"() ({
        %run_scoped3A = tpu.sem_alloc : memref<!tpu.dma_semaphore, #tpu.memory_space<semaphore_mem>>
        %dma_start3A_293 = tpu.memref_slice %arg3[%mul3A_116] : memref<970752xi32, #tpu.memory_space<hbm>> -> memref<384xi32, #tpu.memory_space<hbm>>
        %dma_start3A_294 = tpu.memref_slice %arg3[%mul3A_116] : memref<970752xi32, #tpu.memory_space<hbm>> -> memref<384xi32, #tpu.memory_space<hbm>>
        tpu.enqueue_dma source(%dma_start3A_294 : memref<384xi32, #tpu.memory_space<hbm>>) target(%arg9 : memref<384xi32, #tpu.memory_space<vmem>>) target_semaphore(%run_scoped3A : memref<!tpu.dma_semaphore, #tpu.memory_space<semaphore_mem>>)
        %dma_wait3A_295 = tpu.memref_slice %arg3[%mul3A_116] : memref<970752xi32, #tpu.memory_space<hbm>> -> memref<384xi32, #tpu.memory_space<hbm>>
        %dma_wait3A_296 = tpu.memref_slice %arg3[%mul3A_116] : memref<970752xi32, #tpu.memory_space<hbm>> -> memref<384xi32, #tpu.memory_space<hbm>>
        tpu.wait_dma2 semaphore(%run_scoped3A : memref<!tpu.dma_semaphore, #tpu.memory_space<semaphore_mem>>) src(%dma_wait3A_296 : memref<384xi32, #tpu.memory_space<hbm>>) dst(%arg9 : memref<384xi32, #tpu.memory_space<vmem>>)
        tpu.yield
      }) : () -> ()
      %dma_start3A = arith.constant 256 : i32
      %dma_start3A_117 = tpu.memref_slice %arg9[%dma_start3A] : memref<384xi32, #tpu.memory_space<vmem>> -> memref<128xi32, #tpu.memory_space<vmem>>
      %dma_start3A_118 = arith.constant 0 : i32
      %dma_start3A_119 = arith.constant 0 : i32
      %dma_start3A_120 = tpu.memref_slice %arg4[%dma_start3A_118, %dma_start3A_119] : memref<81920x128xf32, #tpu.memory_space<hbm>> -> memref<81920x128xf32, #tpu.memory_space<hbm>>
      tpu.enqueue_indirect_dma source(%dma_start3A_120 : memref<81920x128xf32, #tpu.memory_space<hbm>>) target(%arg8 : memref<128x128xf32, #tpu.memory_space<vmem>>) offsets(%dma_start3A_117 : memref<128xi32, #tpu.memory_space<vmem>>) semaphore(%arg11 : memref<!tpu.dma_semaphore, #tpu.memory_space<semaphore_mem>>)
      %dma_start3A_121 = arith.constant 0 : i32
      %dma_start3A_122 = tpu.memref_slice %arg9[%dma_start3A_121] : memref<384xi32, #tpu.memory_space<vmem>> -> memref<128xi32, #tpu.memory_space<vmem>>
      %dma_start3A_123 = arith.constant 0 : i32
      %dma_start3A_124 = arith.constant 0 : i32
      %dma_start3A_125 = tpu.memref_slice %arg2[%dma_start3A_123, %dma_start3A_124] : memref<80000x128xf32, #tpu.memory_space<hbm>> -> memref<80000x128xf32, #tpu.memory_space<hbm>>
      tpu.enqueue_indirect_dma source(%dma_start3A_125 : memref<80000x128xf32, #tpu.memory_space<hbm>>) target(%arg7 : memref<128x128xf32, #tpu.memory_space<vmem>>) offsets(%dma_start3A_122 : memref<128xi32, #tpu.memory_space<vmem>>) semaphore(%arg11 : memref<!tpu.dma_semaphore, #tpu.memory_space<semaphore_mem>>)
      %get3A = arith.constant 128 : index
      %get3A_126 = tpu.vector_load %arg9[%get3A] {strides = array<i32>} : memref<384xi32, #tpu.memory_space<vmem>>, vector<16xi32>,
      %get3A_127 = vector.shape_cast %get3A_126 : vector<16xi32> to vector<16xi32>
      %sub3A = arith.constant 0 : i32
      %sub3A_128 = vector.broadcast %sub3A : i32 to vector<16xi32>
      %sub3A_129 = arith.subi %get3A_127, %sub3A_128 : vector<16xi32>
      %ge3A = arith.constant 0 : i32
      %ge3A_130 = vector.broadcast %ge3A : i32 to vector<16xi32>
      %ge3A_131 = arith.cmpi sge, %sub3A_129, %ge3A_130 : vector<16xi32>
      %lt3A = arith.constant 3456 : i32
      %lt3A_132 = vector.broadcast %lt3A : i32 to vector<16xi32>
      %lt3A_133 = arith.cmpi slt, %sub3A_129, %lt3A_132 : vector<16xi32>
      %and3A = arith.andi %ge3A_131, %lt3A_133 : vector<16xi1>
      %jit3A = arith.constant 3520 : i32
      %broadcast_in_dim3A_134 = vector.broadcast %jit3A : i32 to vector<16xi32>
      %select_n3A = arith.select %and3A, %sub3A_129, %broadcast_in_dim3A_134 : vector<16xi1>, vector<16xi32>
      %swap3A = arith.constant 0 : index
      %swap3A_135 = tpu.vector_load %arg10[%swap3A] {strides = array<i32>} : memref<128xi32, #tpu.memory_space<vmem>>, vector<16xi32>,
      %swap3A_136 = vector.shape_cast %swap3A_135 : vector<16xi32> to vector<16xi32>
      %swap3A_137 = vector.shape_cast %select_n3A : vector<16xi32> to vector<16xi32>
      tpu.vector_store %arg10[%swap3A], %swap3A_137 {strides = array<i32>} : memref<128xi32, #tpu.memory_space<vmem>>, vector<16xi32>,
      %get3A_138 = arith.constant 144 : index
      %get3A_139 = tpu.vector_load %arg9[%get3A_138] {strides = array<i32>} : memref<384xi32, #tpu.memory_space<vmem>>, vector<16xi32>,
      %get3A_140 = vector.shape_cast %get3A_139 : vector<16xi32> to vector<16xi32>
      %sub3A_141 = arith.constant 0 : i32
      %sub3A_142 = vector.broadcast %sub3A_141 : i32 to vector<16xi32>
      %sub3A_143 = arith.subi %get3A_140, %sub3A_142 : vector<16xi32>
      %ge3A_144 = arith.constant 0 : i32
      %ge3A_145 = vector.broadcast %ge3A_144 : i32 to vector<16xi32>
      %ge3A_146 = arith.cmpi sge, %sub3A_143, %ge3A_145 : vector<16xi32>
      %lt3A_147 = arith.constant 3456 : i32
      %lt3A_148 = vector.broadcast %lt3A_147 : i32 to vector<16xi32>
      %lt3A_149 = arith.cmpi slt, %sub3A_143, %lt3A_148 : vector<16xi32>
      %and3A_150 = arith.andi %ge3A_146, %lt3A_149 : vector<16xi1>
      %jit3A_151 = arith.constant 3520 : i32
      %broadcast_in_dim3A_152 = vector.broadcast %jit3A_151 : i32 to vector<16xi32>
      %select_n3A_153 = arith.select %and3A_150, %sub3A_143, %broadcast_in_dim3A_152 : vector<16xi1>, vector<16xi32>
      %swap3A_154 = arith.constant 16 : index
      %swap3A_155 = tpu.vector_load %arg10[%swap3A_154] {strides = array<i32>} : memref<128xi32, #tpu.memory_space<vmem>>, vector<16xi32>,
      %swap3A_156 = vector.shape_cast %swap3A_155 : vector<16xi32> to vector<16xi32>
      %swap3A_157 = vector.shape_cast %select_n3A_153 : vector<16xi32> to vector<16xi32>
      tpu.vector_store %arg10[%swap3A_154], %swap3A_157 {strides = array<i32>} : memref<128xi32, #tpu.memory_space<vmem>>, vector<16xi32>,
      %get3A_158 = arith.constant 160 : index
      %get3A_159 = tpu.vector_load %arg9[%get3A_158] {strides = array<i32>} : memref<384xi32, #tpu.memory_space<vmem>>, vector<16xi32>,
      %get3A_160 = vector.shape_cast %get3A_159 : vector<16xi32> to vector<16xi32>
      %sub3A_161 = arith.constant 0 : i32
      %sub3A_162 = vector.broadcast %sub3A_161 : i32 to vector<16xi32>
      %sub3A_163 = arith.subi %get3A_160, %sub3A_162 : vector<16xi32>
      %ge3A_164 = arith.constant 0 : i32
      %ge3A_165 = vector.broadcast %ge3A_164 : i32 to vector<16xi32>
      %ge3A_166 = arith.cmpi sge, %sub3A_163, %ge3A_165 : vector<16xi32>
      %lt3A_167 = arith.constant 3456 : i32
      %lt3A_168 = vector.broadcast %lt3A_167 : i32 to vector<16xi32>
      %lt3A_169 = arith.cmpi slt, %sub3A_163, %lt3A_168 : vector<16xi32>
      %and3A_170 = arith.andi %ge3A_166, %lt3A_169 : vector<16xi1>
      %jit3A_171 = arith.constant 3520 : i32
      %broadcast_in_dim3A_172 = vector.broadcast %jit3A_171 : i32 to vector<16xi32>
      %select_n3A_173 = arith.select %and3A_170, %sub3A_163, %broadcast_in_dim3A_172 : vector<16xi1>, vector<16xi32>
      %swap3A_174 = arith.constant 32 : index
      %swap3A_175 = tpu.vector_load %arg10[%swap3A_174] {strides = array<i32>} : memref<128xi32, #tpu.memory_space<vmem>>, vector<16xi32>,
      %swap3A_176 = vector.shape_cast %swap3A_175 : vector<16xi32> to vector<16xi32>
      %swap3A_177 = vector.shape_cast %select_n3A_173 : vector<16xi32> to vector<16xi32>
      tpu.vector_store %arg10[%swap3A_174], %swap3A_177 {strides = array<i32>} : memref<128xi32, #tpu.memory_space<vmem>>, vector<16xi32>,
      %get3A_178 = arith.constant 176 : index
      %get3A_179 = tpu.vector_load %arg9[%get3A_178] {strides = array<i32>} : memref<384xi32, #tpu.memory_space<vmem>>, vector<16xi32>,
      %get3A_180 = vector.shape_cast %get3A_179 : vector<16xi32> to vector<16xi32>
      %sub3A_181 = arith.constant 0 : i32
      %sub3A_182 = vector.broadcast %sub3A_181 : i32 to vector<16xi32>
      %sub3A_183 = arith.subi %get3A_180, %sub3A_182 : vector<16xi32>
      %ge3A_184 = arith.constant 0 : i32
      %ge3A_185 = vector.broadcast %ge3A_184 : i32 to vector<16xi32>
      %ge3A_186 = arith.cmpi sge, %sub3A_183, %ge3A_185 : vector<16xi32>
      %lt3A_187 = arith.constant 3456 : i32
      %lt3A_188 = vector.broadcast %lt3A_187 : i32 to vector<16xi32>
      %lt3A_189 = arith.cmpi slt, %sub3A_183, %lt3A_188 : vector<16xi32>
      %and3A_190 = arith.andi %ge3A_186, %lt3A_189 : vector<16xi1>
      %jit3A_191 = arith.constant 3520 : i32
      %broadcast_in_dim3A_192 = vector.broadcast %jit3A_191 : i32 to vector<16xi32>
      %select_n3A_193 = arith.select %and3A_190, %sub3A_183, %broadcast_in_dim3A_192 : vector<16xi1>, vector<16xi32>
      %swap3A_194 = arith.constant 48 : index
      %swap3A_195 = tpu.vector_load %arg10[%swap3A_194] {strides = array<i32>} : memref<128xi32, #tpu.memory_space<vmem>>, vector<16xi32>,
      %swap3A_196 = vector.shape_cast %swap3A_195 : vector<16xi32> to vector<16xi32>
      %swap3A_197 = vector.shape_cast %select_n3A_193 : vector<16xi32> to vector<16xi32>
      tpu.vector_store %arg10[%swap3A_194], %swap3A_197 {strides = array<i32>} : memref<128xi32, #tpu.memory_space<vmem>>, vector<16xi32>,
      %get3A_198 = arith.constant 192 : index
      %get3A_199 = tpu.vector_load %arg9[%get3A_198] {strides = array<i32>} : memref<384xi32, #tpu.memory_space<vmem>>, vector<16xi32>,
      %get3A_200 = vector.shape_cast %get3A_199 : vector<16xi32> to vector<16xi32>
      %sub3A_201 = arith.constant 0 : i32
      %sub3A_202 = vector.broadcast %sub3A_201 : i32 to vector<16xi32>
      %sub3A_203 = arith.subi %get3A_200, %sub3A_202 : vector<16xi32>
      %ge3A_204 = arith.constant 0 : i32
      %ge3A_205 = vector.broadcast %ge3A_204 : i32 to vector<16xi32>
      %ge3A_206 = arith.cmpi sge, %sub3A_203, %ge3A_205 : vector<16xi32>
      %lt3A_207 = arith.constant 3456 : i32
      %lt3A_208 = vector.broadcast %lt3A_207 : i32 to vector<16xi32>
      %lt3A_209 = arith.cmpi slt, %sub3A_203, %lt3A_208 : vector<16xi32>
      %and3A_210 = arith.andi %ge3A_206, %lt3A_209 : vector<16xi1>
      %jit3A_211 = arith.constant 3520 : i32
      %broadcast_in_dim3A_212 = vector.broadcast %jit3A_211 : i32 to vector<16xi32>
      %select_n3A_213 = arith.select %and3A_210, %sub3A_203, %broadcast_in_dim3A_212 : vector<16xi1>, vector<16xi32>
      %swap3A_214 = arith.constant 64 : index
      %swap3A_215 = tpu.vector_load %arg10[%swap3A_214] {strides = array<i32>} : memref<128xi32, #tpu.memory_space<vmem>>, vector<16xi32>,
      %swap3A_216 = vector.shape_cast %swap3A_215 : vector<16xi32> to vector<16xi32>
      %swap3A_217 = vector.shape_cast %select_n3A_213 : vector<16xi32> to vector<16xi32>
      tpu.vector_store %arg10[%swap3A_214], %swap3A_217 {strides = array<i32>} : memref<128xi32, #tpu.memory_space<vmem>>, vector<16xi32>,
      %get3A_218 = arith.constant 208 : index
      %get3A_219 = tpu.vector_load %arg9[%get3A_218] {strides = array<i32>} : memref<384xi32, #tpu.memory_space<vmem>>, vector<16xi32>,
      %get3A_220 = vector.shape_cast %get3A_219 : vector<16xi32> to vector<16xi32>
      %sub3A_221 = arith.constant 0 : i32
      %sub3A_222 = vector.broadcast %sub3A_221 : i32 to vector<16xi32>
      %sub3A_223 = arith.subi %get3A_220, %sub3A_222 : vector<16xi32>
      %ge3A_224 = arith.constant 0 : i32
      %ge3A_225 = vector.broadcast %ge3A_224 : i32 to vector<16xi32>
      %ge3A_226 = arith.cmpi sge, %sub3A_223, %ge3A_225 : vector<16xi32>
      %lt3A_227 = arith.constant 3456 : i32
      %lt3A_228 = vector.broadcast %lt3A_227 : i32 to vector<16xi32>
      %lt3A_229 = arith.cmpi slt, %sub3A_223, %lt3A_228 : vector<16xi32>
      %and3A_230 = arith.andi %ge3A_226, %lt3A_229 : vector<16xi1>
      %jit3A_231 = arith.constant 3520 : i32
      %broadcast_in_dim3A_232 = vector.broadcast %jit3A_231 : i32 to vector<16xi32>
      %select_n3A_233 = arith.select %and3A_230, %sub3A_223, %broadcast_in_dim3A_232 : vector<16xi1>, vector<16xi32>
      %swap3A_234 = arith.constant 80 : index
      %swap3A_235 = tpu.vector_load %arg10[%swap3A_234] {strides = array<i32>} : memref<128xi32, #tpu.memory_space<vmem>>, vector<16xi32>,
      %swap3A_236 = vector.shape_cast %swap3A_235 : vector<16xi32> to vector<16xi32>
      %swap3A_237 = vector.shape_cast %select_n3A_233 : vector<16xi32> to vector<16xi32>
      tpu.vector_store %arg10[%swap3A_234], %swap3A_237 {strides = array<i32>} : memref<128xi32, #tpu.memory_space<vmem>>, vector<16xi32>,
      %get3A_238 = arith.constant 224 : index
      %get3A_239 = tpu.vector_load %arg9[%get3A_238] {strides = array<i32>} : memref<384xi32, #tpu.memory_space<vmem>>, vector<16xi32>,
      %get3A_240 = vector.shape_cast %get3A_239 : vector<16xi32> to vector<16xi32>
      %sub3A_241 = arith.constant 0 : i32
      %sub3A_242 = vector.broadcast %sub3A_241 : i32 to vector<16xi32>
      %sub3A_243 = arith.subi %get3A_240, %sub3A_242 : vector<16xi32>
      %ge3A_244 = arith.constant 0 : i32
      %ge3A_245 = vector.broadcast %ge3A_244 : i32 to vector<16xi32>
      %ge3A_246 = arith.cmpi sge, %sub3A_243, %ge3A_245 : vector<16xi32>
      %lt3A_247 = arith.constant 3456 : i32
      %lt3A_248 = vector.broadcast %lt3A_247 : i32 to vector<16xi32>
      %lt3A_249 = arith.cmpi slt, %sub3A_243, %lt3A_248 : vector<16xi32>
      %and3A_250 = arith.andi %ge3A_246, %lt3A_249 : vector<16xi1>
      %jit3A_251 = arith.constant 3520 : i32
      %broadcast_in_dim3A_252 = vector.broadcast %jit3A_251 : i32 to vector<16xi32>
      %select_n3A_253 = arith.select %and3A_250, %sub3A_243, %broadcast_in_dim3A_252 : vector<16xi1>, vector<16xi32>
      %swap3A_254 = arith.constant 96 : index
      %swap3A_255 = tpu.vector_load %arg10[%swap3A_254] {strides = array<i32>} : memref<128xi32, #tpu.memory_space<vmem>>, vector<16xi32>,
      %swap3A_256 = vector.shape_cast %swap3A_255 : vector<16xi32> to vector<16xi32>
      %swap3A_257 = vector.shape_cast %select_n3A_253 : vector<16xi32> to vector<16xi32>
      tpu.vector_store %arg10[%swap3A_254], %swap3A_257 {strides = array<i32>} : memref<128xi32, #tpu.memory_space<vmem>>, vector<16xi32>,
      %get3A_258 = arith.constant 240 : index
      %get3A_259 = tpu.vector_load %arg9[%get3A_258] {strides = array<i32>} : memref<384xi32, #tpu.memory_space<vmem>>, vector<16xi32>,
      %get3A_260 = vector.shape_cast %get3A_259 : vector<16xi32> to vector<16xi32>
      %sub3A_261 = arith.constant 0 : i32
      %sub3A_262 = vector.broadcast %sub3A_261 : i32 to vector<16xi32>
      %sub3A_263 = arith.subi %get3A_260, %sub3A_262 : vector<16xi32>
      %ge3A_264 = arith.constant 0 : i32
      %ge3A_265 = vector.broadcast %ge3A_264 : i32 to vector<16xi32>
      %ge3A_266 = arith.cmpi sge, %sub3A_263, %ge3A_265 : vector<16xi32>
      %lt3A_267 = arith.constant 3456 : i32
      %lt3A_268 = vector.broadcast %lt3A_267 : i32 to vector<16xi32>
      %lt3A_269 = arith.cmpi slt, %sub3A_263, %lt3A_268 : vector<16xi32>
      %and3A_270 = arith.andi %ge3A_266, %lt3A_269 : vector<16xi1>
      %jit3A_271 = arith.constant 3520 : i32
      %broadcast_in_dim3A_272 = vector.broadcast %jit3A_271 : i32 to vector<16xi32>
      %select_n3A_273 = arith.select %and3A_270, %sub3A_263, %broadcast_in_dim3A_272 : vector<16xi1>, vector<16xi32>
      %swap3A_274 = arith.constant 112 : index
      %swap3A_275 = tpu.vector_load %arg10[%swap3A_274] {strides = array<i32>} : memref<128xi32, #tpu.memory_space<vmem>>, vector<16xi32>,
      %swap3A_276 = vector.shape_cast %swap3A_275 : vector<16xi32> to vector<16xi32>
      %swap3A_277 = vector.shape_cast %select_n3A_273 : vector<16xi32> to vector<16xi32>
      tpu.vector_store %arg10[%swap3A_274], %swap3A_277 {strides = array<i32>} : memref<128xi32, #tpu.memory_space<vmem>>, vector<16xi32>,
      %dma_wait3A = arith.constant 256 : i32
      %dma_wait3A_278 = tpu.memref_slice %arg9[%dma_wait3A] : memref<384xi32, #tpu.memory_space<vmem>> -> memref<128xi32, #tpu.memory_space<vmem>>
      %dma_wait3A_279 = arith.constant 0 : i32
      %dma_wait3A_280 = arith.constant 0 : i32
      %dma_wait3A_281 = tpu.memref_slice %arg4[%dma_wait3A_279, %dma_wait3A_280] : memref<81920x128xf32, #tpu.memory_space<hbm>> -> memref<81920x128xf32, #tpu.memory_space<hbm>>
      tpu.wait_indirect_dma semaphore(%arg11 : memref<!tpu.dma_semaphore, #tpu.memory_space<semaphore_mem>>) src(%dma_wait3A_281 : memref<81920x128xf32, #tpu.memory_space<hbm>>) dst(%arg8 : memref<128x128xf32, #tpu.memory_space<vmem>>)
      %dma_wait3A_282 = arith.constant 0 : i32
      %dma_wait3A_283 = tpu.memref_slice %arg9[%dma_wait3A_282] : memref<384xi32, #tpu.memory_space<vmem>> -> memref<128xi32, #tpu.memory_space<vmem>>
      %dma_wait3A_284 = arith.constant 0 : i32
      %dma_wait3A_285 = arith.constant 0 : i32
      %dma_wait3A_286 = tpu.memref_slice %arg2[%dma_wait3A_284, %dma_wait3A_285] : memref<80000x128xf32, #tpu.memory_space<hbm>> -> memref<80000x128xf32, #tpu.memory_space<hbm>>
      tpu.wait_indirect_dma semaphore(%arg11 : memref<!tpu.dma_semaphore, #tpu.memory_space<semaphore_mem>>) src(%dma_wait3A_286 : memref<80000x128xf32, #tpu.memory_space<hbm>>) dst(%arg7 : memref<128x128xf32, #tpu.memory_space<vmem>>)
      %scan3A_287 = arith.constant 0 : i32
      %scan3A_288 = arith.constant 0 : i32
      %scan3A_289 = arith.constant 128 : i32
      %scan3A_290 = arith.addi %scan3A_288, %scan3A_289 : i32
      %scan3A_291 = arith.constant 1 : i32
      scf.for %scan3A_293 = %scan3A_288 to %scan3A_290 step %scan3A_291  : i32 {
        %get3A_294 = arith.index_cast %scan3A_293 : i32 to index
        %get3A_295 = arith.constant 0 : index
        %get3A_296 = tpu.vector_load %arg7[%get3A_294, %get3A_295] {strides = array<i32>} : memref<128x128xf32, #tpu.memory_space<vmem>>, vector<1x16xf32>,
        %get3A_297 = vector.shape_cast %get3A_296 : vector<1x16xf32> to vector<16xf32>
        %get3A_298 = arith.index_cast %scan3A_293 : i32 to index
        %get3A_299 = arith.constant 0 : index
        %get3A_300 = tpu.vector_load %arg8[%get3A_298, %get3A_299] {strides = array<i32>} : memref<128x128xf32, #tpu.memory_space<vmem>>, vector<1x16xf32>,
        %get3A_301 = vector.shape_cast %get3A_300 : vector<1x16xf32> to vector<16xf32>
        %mul3A_302 = arith.mulf %get3A_297, %get3A_301 : vector<16xf32>
        %swap3A_303 = arith.index_cast %scan3A_293 : i32 to index
        %swap3A_304 = arith.constant 0 : index
        %swap3A_305 = tpu.vector_load %arg7[%swap3A_303, %swap3A_304] {strides = array<i32>} : memref<128x128xf32, #tpu.memory_space<vmem>>, vector<1x16xf32>,
        %swap3A_306 = vector.shape_cast %swap3A_305 : vector<1x16xf32> to vector<16xf32>
        %swap3A_307 = vector.shape_cast %mul3A_302 : vector<16xf32> to vector<1x16xf32>
        tpu.vector_store %arg7[%swap3A_303, %swap3A_304], %swap3A_307 {strides = array<i32>} : memref<128x128xf32, #tpu.memory_space<vmem>>, vector<1x16xf32>,
        %get3A_308 = arith.index_cast %scan3A_293 : i32 to index
        %get3A_309 = arith.constant 16 : index
        %get3A_310 = tpu.vector_load %arg7[%get3A_308, %get3A_309] {strides = array<i32>} : memref<128x128xf32, #tpu.memory_space<vmem>>, vector<1x16xf32>,
        %get3A_311 = vector.shape_cast %get3A_310 : vector<1x16xf32> to vector<16xf32>
        %get3A_312 = arith.index_cast %scan3A_293 : i32 to index
        %get3A_313 = arith.constant 16 : index
        %get3A_314 = tpu.vector_load %arg8[%get3A_312, %get3A_313] {strides = array<i32>} : memref<128x128xf32, #tpu.memory_space<vmem>>, vector<1x16xf32>,
        %get3A_315 = vector.shape_cast %get3A_314 : vector<1x16xf32> to vector<16xf32>
        %mul3A_316 = arith.mulf %get3A_311, %get3A_315 : vector<16xf32>
        %swap3A_317 = arith.index_cast %scan3A_293 : i32 to index
        %swap3A_318 = arith.constant 16 : index
        %swap3A_319 = tpu.vector_load %arg7[%swap3A_317, %swap3A_318] {strides = array<i32>} : memref<128x128xf32, #tpu.memory_space<vmem>>, vector<1x16xf32>,
        %swap3A_320 = vector.shape_cast %swap3A_319 : vector<1x16xf32> to vector<16xf32>
        %swap3A_321 = vector.shape_cast %mul3A_316 : vector<16xf32> to vector<1x16xf32>
        tpu.vector_store %arg7[%swap3A_317, %swap3A_318], %swap3A_321 {strides = array<i32>} : memref<128x128xf32, #tpu.memory_space<vmem>>, vector<1x16xf32>,
        %get3A_322 = arith.index_cast %scan3A_293 : i32 to index
        %get3A_323 = arith.constant 32 : index
        %get3A_324 = tpu.vector_load %arg7[%get3A_322, %get3A_323] {strides = array<i32>} : memref<128x128xf32, #tpu.memory_space<vmem>>, vector<1x16xf32>,
        %get3A_325 = vector.shape_cast %get3A_324 : vector<1x16xf32> to vector<16xf32>
        %get3A_326 = arith.index_cast %scan3A_293 : i32 to index
        %get3A_327 = arith.constant 32 : index
        %get3A_328 = tpu.vector_load %arg8[%get3A_326, %get3A_327] {strides = array<i32>} : memref<128x128xf32, #tpu.memory_space<vmem>>, vector<1x16xf32>,
        %get3A_329 = vector.shape_cast %get3A_328 : vector<1x16xf32> to vector<16xf32>
        %mul3A_330 = arith.mulf %get3A_325, %get3A_329 : vector<16xf32>
        %swap3A_331 = arith.index_cast %scan3A_293 : i32 to index
        %swap3A_332 = arith.constant 32 : index
        %swap3A_333 = tpu.vector_load %arg7[%swap3A_331, %swap3A_332] {strides = array<i32>} : memref<128x128xf32, #tpu.memory_space<vmem>>, vector<1x16xf32>,
        %swap3A_334 = vector.shape_cast %swap3A_333 : vector<1x16xf32> to vector<16xf32>
        %swap3A_335 = vector.shape_cast %mul3A_330 : vector<16xf32> to vector<1x16xf32>
        tpu.vector_store %arg7[%swap3A_331, %swap3A_332], %swap3A_335 {strides = array<i32>} : memref<128x128xf32, #tpu.memory_space<vmem>>, vector<1x16xf32>,
        %get3A_336 = arith.index_cast %scan3A_293 : i32 to index
        %get3A_337 = arith.constant 48 : index
        %get3A_338 = tpu.vector_load %arg7[%get3A_336, %get3A_337] {strides = array<i32>} : memref<128x128xf32, #tpu.memory_space<vmem>>, vector<1x16xf32>,
        %get3A_339 = vector.shape_cast %get3A_338 : vector<1x16xf32> to vector<16xf32>
        %get3A_340 = arith.index_cast %scan3A_293 : i32 to index
        %get3A_341 = arith.constant 48 : index
        %get3A_342 = tpu.vector_load %arg8[%get3A_340, %get3A_341] {strides = array<i32>} : memref<128x128xf32, #tpu.memory_space<vmem>>, vector<1x16xf32>,
        %get3A_343 = vector.shape_cast %get3A_342 : vector<1x16xf32> to vector<16xf32>
        %mul3A_344 = arith.mulf %get3A_339, %get3A_343 : vector<16xf32>
        %swap3A_345 = arith.index_cast %scan3A_293 : i32 to index
        %swap3A_346 = arith.constant 48 : index
        %swap3A_347 = tpu.vector_load %arg7[%swap3A_345, %swap3A_346] {strides = array<i32>} : memref<128x128xf32, #tpu.memory_space<vmem>>, vector<1x16xf32>,
        %swap3A_348 = vector.shape_cast %swap3A_347 : vector<1x16xf32> to vector<16xf32>
        %swap3A_349 = vector.shape_cast %mul3A_344 : vector<16xf32> to vector<1x16xf32>
        tpu.vector_store %arg7[%swap3A_345, %swap3A_346], %swap3A_349 {strides = array<i32>} : memref<128x128xf32, #tpu.memory_space<vmem>>, vector<1x16xf32>,
        %get3A_350 = arith.index_cast %scan3A_293 : i32 to index
        %get3A_351 = arith.constant 64 : index
        %get3A_352 = tpu.vector_load %arg7[%get3A_350, %get3A_351] {strides = array<i32>} : memref<128x128xf32, #tpu.memory_space<vmem>>, vector<1x16xf32>,
        %get3A_353 = vector.shape_cast %get3A_352 : vector<1x16xf32> to vector<16xf32>
        %get3A_354 = arith.index_cast %scan3A_293 : i32 to index
        %get3A_355 = arith.constant 64 : index
        %get3A_356 = tpu.vector_load %arg8[%get3A_354, %get3A_355] {strides = array<i32>} : memref<128x128xf32, #tpu.memory_space<vmem>>, vector<1x16xf32>,
        %get3A_357 = vector.shape_cast %get3A_356 : vector<1x16xf32> to vector<16xf32>
        %mul3A_358 = arith.mulf %get3A_353, %get3A_357 : vector<16xf32>
        %swap3A_359 = arith.index_cast %scan3A_293 : i32 to index
        %swap3A_360 = arith.constant 64 : index
        %swap3A_361 = tpu.vector_load %arg7[%swap3A_359, %swap3A_360] {strides = array<i32>} : memref<128x128xf32, #tpu.memory_space<vmem>>, vector<1x16xf32>,
        %swap3A_362 = vector.shape_cast %swap3A_361 : vector<1x16xf32> to vector<16xf32>
        %swap3A_363 = vector.shape_cast %mul3A_358 : vector<16xf32> to vector<1x16xf32>
        tpu.vector_store %arg7[%swap3A_359, %swap3A_360], %swap3A_363 {strides = array<i32>} : memref<128x128xf32, #tpu.memory_space<vmem>>, vector<1x16xf32>,
        %get3A_364 = arith.index_cast %scan3A_293 : i32 to index
        %get3A_365 = arith.constant 80 : index
        %get3A_366 = tpu.vector_load %arg7[%get3A_364, %get3A_365] {strides = array<i32>} : memref<128x128xf32, #tpu.memory_space<vmem>>, vector<1x16xf32>,
        %get3A_367 = vector.shape_cast %get3A_366 : vector<1x16xf32> to vector<16xf32>
        %get3A_368 = arith.index_cast %scan3A_293 : i32 to index
        %get3A_369 = arith.constant 80 : index
        %get3A_370 = tpu.vector_load %arg8[%get3A_368, %get3A_369] {strides = array<i32>} : memref<128x128xf32, #tpu.memory_space<vmem>>, vector<1x16xf32>,
        %get3A_371 = vector.shape_cast %get3A_370 : vector<1x16xf32> to vector<16xf32>
        %mul3A_372 = arith.mulf %get3A_367, %get3A_371 : vector<16xf32>
        %swap3A_373 = arith.index_cast %scan3A_293 : i32 to index
        %swap3A_374 = arith.constant 80 : index
        %swap3A_375 = tpu.vector_load %arg7[%swap3A_373, %swap3A_374] {strides = array<i32>} : memref<128x128xf32, #tpu.memory_space<vmem>>, vector<1x16xf32>,
        %swap3A_376 = vector.shape_cast %swap3A_375 : vector<1x16xf32> to vector<16xf32>
        %swap3A_377 = vector.shape_cast %mul3A_372 : vector<16xf32> to vector<1x16xf32>
        tpu.vector_store %arg7[%swap3A_373, %swap3A_374], %swap3A_377 {strides = array<i32>} : memref<128x128xf32, #tpu.memory_space<vmem>>, vector<1x16xf32>,
        %get3A_378 = arith.index_cast %scan3A_293 : i32 to index
        %get3A_379 = arith.constant 96 : index
        %get3A_380 = tpu.vector_load %arg7[%get3A_378, %get3A_379] {strides = array<i32>} : memref<128x128xf32, #tpu.memory_space<vmem>>, vector<1x16xf32>,
        %get3A_381 = vector.shape_cast %get3A_380 : vector<1x16xf32> to vector<16xf32>
        %get3A_382 = arith.index_cast %scan3A_293 : i32 to index
        %get3A_383 = arith.constant 96 : index
        %get3A_384 = tpu.vector_load %arg8[%get3A_382, %get3A_383] {strides = array<i32>} : memref<128x128xf32, #tpu.memory_space<vmem>>, vector<1x16xf32>,
        %get3A_385 = vector.shape_cast %get3A_384 : vector<1x16xf32> to vector<16xf32>
        %mul3A_386 = arith.mulf %get3A_381, %get3A_385 : vector<16xf32>
        %swap3A_387 = arith.index_cast %scan3A_293 : i32 to index
        %swap3A_388 = arith.constant 96 : index
        %swap3A_389 = tpu.vector_load %arg7[%swap3A_387, %swap3A_388] {strides = array<i32>} : memref<128x128xf32, #tpu.memory_space<vmem>>, vector<1x16xf32>,
        %swap3A_390 = vector.shape_cast %swap3A_389 : vector<1x16xf32> to vector<16xf32>
        %swap3A_391 = vector.shape_cast %mul3A_386 : vector<16xf32> to vector<1x16xf32>
        tpu.vector_store %arg7[%swap3A_387, %swap3A_388], %swap3A_391 {strides = array<i32>} : memref<128x128xf32, #tpu.memory_space<vmem>>, vector<1x16xf32>,
        %get3A_392 = arith.index_cast %scan3A_293 : i32 to index
        %get3A_393 = arith.constant 112 : index
        %get3A_394 = tpu.vector_load %arg7[%get3A_392, %get3A_393] {strides = array<i32>} : memref<128x128xf32, #tpu.memory_space<vmem>>, vector<1x16xf32>,
        %get3A_395 = vector.shape_cast %get3A_394 : vector<1x16xf32> to vector<16xf32>
        %get3A_396 = arith.index_cast %scan3A_293 : i32 to index
        %get3A_397 = arith.constant 112 : index
        %get3A_398 = tpu.vector_load %arg8[%get3A_396, %get3A_397] {strides = array<i32>} : memref<128x128xf32, #tpu.memory_space<vmem>>, vector<1x16xf32>,
        %get3A_399 = vector.shape_cast %get3A_398 : vector<1x16xf32> to vector<16xf32>
        %mul3A_400 = arith.mulf %get3A_395, %get3A_399 : vector<16xf32>
        %swap3A_401 = arith.index_cast %scan3A_293 : i32 to index
        %swap3A_402 = arith.constant 112 : index
        %swap3A_403 = tpu.vector_load %arg7[%swap3A_401, %swap3A_402] {strides = array<i32>} : memref<128x128xf32, #tpu.memory_space<vmem>>, vector<1x16xf32>,
        %swap3A_404 = vector.shape_cast %swap3A_403 : vector<1x16xf32> to vector<16xf32>
        %swap3A_405 = vector.shape_cast %mul3A_400 : vector<16xf32> to vector<1x16xf32>
        tpu.vector_store %arg7[%swap3A_401, %swap3A_402], %swap3A_405 {strides = array<i32>} : memref<128x128xf32, #tpu.memory_space<vmem>>, vector<1x16xf32>,
      }
      %scan3A_292 = arith.constant 128 : i32
      "tpu.region"() ({
        %run_scoped3A = tpu.sem_alloc : memref<!tpu.dma_semaphore, #tpu.memory_space<semaphore_mem>>
        %dma_start3A_293 = arith.constant 0 : i32
        %dma_start3A_294 = arith.constant 0 : i32
        %dma_start3A_295 = tpu.memref_slice %arg6[%dma_start3A_293, %dma_start3A_294] : memref<3584x128xf32, #tpu.memory_space<vmem_shared>> -> memref<3584x128xf32, #tpu.memory_space<vmem_shared>>
        tpu.enqueue_indirect_dma source(%arg7 : memref<128x128xf32, #tpu.memory_space<vmem>>) target(%dma_start3A_295 : memref<3584x128xf32, #tpu.memory_space<vmem_shared>>) offsets(%arg10 : memref<128xi32, #tpu.memory_space<vmem>>) semaphore(%run_scoped3A : memref<!tpu.dma_semaphore, #tpu.memory_space<semaphore_mem>>) {add = true}
        %dma_wait3A_296 = arith.constant 0 : i32
        %dma_wait3A_297 = arith.constant 0 : i32
        %dma_wait3A_298 = tpu.memref_slice %arg6[%dma_wait3A_296, %dma_wait3A_297] : memref<3584x128xf32, #tpu.memory_space<vmem_shared>> -> memref<3584x128xf32, #tpu.memory_space<vmem_shared>>
        tpu.wait_indirect_dma semaphore(%run_scoped3A : memref<!tpu.dma_semaphore, #tpu.memory_space<semaphore_mem>>) src(%arg7 : memref<128x128xf32, #tpu.memory_space<vmem>>) dst(%dma_wait3A_298 : memref<3584x128xf32, #tpu.memory_space<vmem_shared>>)
        tpu.yield
      }) : () -> ()
    }
    %scan3A_18 = arith.constant 79 : i32
    %barrier3A_19 = arith.constant 0 : index
    tpu.barrier barrier_id(%barrier3A_19)
    %mul3A_20 = arith.constant 216 : i32
    %mul3A_21 = arith.muli %arg1, %mul3A_20 : i32
    %mul3A_22 = arith.constant 10368 : i32
    %mul3A_23 = arith.muli %arg0, %mul3A_22 : i32
    %add3A_24 = arith.constant 0 : i32
    %add3A_25 = arith.addi %mul3A_23, %add3A_24 : i32
    %add3A_26 = arith.addi %add3A_25, %mul3A_21 : i32
    "tpu.region"() ({
      %run_scoped3A = tpu.sem_alloc : memref<!tpu.dma_semaphore, #tpu.memory_space<semaphore_mem>>
      %dma_start3A = arith.constant 0 : i32
      %dma_start3A_111 = tpu.memref_slice %arg5[%add3A_26, %dma_start3A] : memref<20736x128xf32, #tpu.memory_space<hbm>> -> memref<128x128xf32, #tpu.memory_space<hbm>>
      %dma_start3A_112 = arith.constant 0 : i32
      %dma_start3A_113 = tpu.memref_slice %arg6[%mul3A_21, %dma_start3A_112] : memref<3584x128xf32, #tpu.memory_space<vmem_shared>> -> memref<128x128xf32, #tpu.memory_space<vmem_shared>>
      tpu.enqueue_dma source(%dma_start3A_113 : memref<128x128xf32, #tpu.memory_space<vmem_shared>>) target(%dma_start3A_111 : memref<128x128xf32, #tpu.memory_space<hbm>>) target_semaphore(%run_scoped3A : memref<!tpu.dma_semaphore, #tpu.memory_space<semaphore_mem>>)
      %dma_wait3A = arith.constant 0 : i32
      %dma_wait3A_114 = tpu.memref_slice %arg5[%add3A_26, %dma_wait3A] : memref<20736x128xf32, #tpu.memory_space<hbm>> -> memref<128x128xf32, #tpu.memory_space<hbm>>
      %dma_wait3A_115 = arith.constant 0 : i32
      %dma_wait3A_116 = tpu.memref_slice %arg6[%mul3A_21, %dma_wait3A_115] : memref<3584x128xf32, #tpu.memory_space<vmem_shared>> -> memref<128x128xf32, #tpu.memory_space<vmem_shared>>
      tpu.wait_dma2 semaphore(%run_scoped3A : memref<!tpu.dma_semaphore, #tpu.memory_space<semaphore_mem>>) src(%dma_wait3A_116 : memref<128x128xf32, #tpu.memory_space<vmem_shared>>) dst(%dma_wait3A_114 : memref<128x128xf32, #tpu.memory_space<hbm>>)
      tpu.yield
    }) : () -> ()
    %add3A_27 = arith.constant 128 : i32
    %add3A_28 = arith.addi %mul3A_21, %add3A_27 : i32
    %mul3A_29 = arith.constant 10368 : i32
    %mul3A_30 = arith.muli %arg0, %mul3A_29 : i32
    %add3A_31 = arith.constant 0 : i32
    %add3A_32 = arith.addi %mul3A_30, %add3A_31 : i32
    %add3A_33 = arith.addi %add3A_32, %mul3A_21 : i32
    %add3A_34 = arith.constant 128 : i32
    %add3A_35 = arith.addi %add3A_33, %add3A_34 : i32
    "tpu.region"() ({
      %run_scoped3A = tpu.sem_alloc : memref<!tpu.dma_semaphore, #tpu.memory_space<semaphore_mem>>
      %dma_start3A = arith.constant 0 : i32
      %dma_start3A_111 = tpu.memref_slice %arg5[%add3A_35, %dma_start3A] : memref<20736x128xf32, #tpu.memory_space<hbm>> -> memref<88x128xf32, #tpu.memory_space<hbm>>
      %dma_start3A_112 = arith.constant 0 : i32
      %dma_start3A_113 = tpu.memref_slice %arg6[%add3A_28, %dma_start3A_112] : memref<3584x128xf32, #tpu.memory_space<vmem_shared>> -> memref<88x128xf32, #tpu.memory_space<vmem_shared>>
      tpu.enqueue_dma source(%dma_start3A_113 : memref<88x128xf32, #tpu.memory_space<vmem_shared>>) target(%dma_start3A_111 : memref<88x128xf32, #tpu.memory_space<hbm>>) target_semaphore(%run_scoped3A : memref<!tpu.dma_semaphore, #tpu.memory_space<semaphore_mem>>)
      %dma_wait3A = arith.constant 0 : i32
      %dma_wait3A_114 = tpu.memref_slice %arg5[%add3A_35, %dma_wait3A] : memref<20736x128xf32, #tpu.memory_space<hbm>> -> memref<88x128xf32, #tpu.memory_space<hbm>>
      %dma_wait3A_115 = arith.constant 0 : i32
      %dma_wait3A_116 = tpu.memref_slice %arg6[%add3A_28, %dma_wait3A_115] : memref<3584x128xf32, #tpu.memory_space<vmem_shared>> -> memref<88x128xf32, #tpu.memory_space<vmem_shared>>
      tpu.wait_dma2 semaphore(%run_scoped3A : memref<!tpu.dma_semaphore, #tpu.memory_space<semaphore_mem>>) src(%dma_wait3A_116 : memref<88x128xf32, #tpu.memory_space<vmem_shared>>) dst(%dma_wait3A_114 : memref<88x128xf32, #tpu.memory_space<hbm>>)
      tpu.yield
    }) : () -> ()
    %barrier3A_36 = arith.constant 0 : index
    tpu.barrier barrier_id(%barrier3A_36)
    %scan3A_37 = arith.constant 0 : i32
    %scan3A_38 = arith.constant 0 : i32
    %scan3A_39 = arith.constant 128 : i32
    %scan3A_40 = arith.addi %scan3A_38, %scan3A_39 : i32
    %scan3A_41 = arith.constant 1 : i32
    scf.for %scan3A_111 = %scan3A_38 to %scan3A_40 step %scan3A_41  : i32 {
      %swap3A = arith.index_cast %scan3A_111 : i32 to index
      %swap3A_112 = arith.constant 0 : index
      %swap3A_113 = tpu.vector_load %arg7[%swap3A, %swap3A_112] {strides = array<i32>} : memref<128x128xf32, #tpu.memory_space<vmem>>, vector<1x16xf32>,
      %swap3A_114 = vector.shape_cast %swap3A_113 : vector<1x16xf32> to vector<16xf32>
      %swap3A_115 = vector.shape_cast %broadcast_in_dim3A_1 : vector<16xf32> to vector<1x16xf32>
      tpu.vector_store %arg7[%swap3A, %swap3A_112], %swap3A_115 {strides = array<i32>} : memref<128x128xf32, #tpu.memory_space<vmem>>, vector<1x16xf32>,
      %swap3A_116 = arith.index_cast %scan3A_111 : i32 to index
      %swap3A_117 = arith.constant 16 : index
      %swap3A_118 = tpu.vector_load %arg7[%swap3A_116, %swap3A_117] {strides = array<i32>} : memref<128x128xf32, #tpu.memory_space<vmem>>, vector<1x16xf32>,
      %swap3A_119 = vector.shape_cast %swap3A_118 : vector<1x16xf32> to vector<16xf32>
      %swap3A_120 = vector.shape_cast %broadcast_in_dim3A_1 : vector<16xf32> to vector<1x16xf32>
      tpu.vector_store %arg7[%swap3A_116, %swap3A_117], %swap3A_120 {strides = array<i32>} : memref<128x128xf32, #tpu.memory_space<vmem>>, vector<1x16xf32>,
      %swap3A_121 = arith.index_cast %scan3A_111 : i32 to index
      %swap3A_122 = arith.constant 32 : index
      %swap3A_123 = tpu.vector_load %arg7[%swap3A_121, %swap3A_122] {strides = array<i32>} : memref<128x128xf32, #tpu.memory_space<vmem>>, vector<1x16xf32>,
      %swap3A_124 = vector.shape_cast %swap3A_123 : vector<1x16xf32> to vector<16xf32>
      %swap3A_125 = vector.shape_cast %broadcast_in_dim3A_1 : vector<16xf32> to vector<1x16xf32>
      tpu.vector_store %arg7[%swap3A_121, %swap3A_122], %swap3A_125 {strides = array<i32>} : memref<128x128xf32, #tpu.memory_space<vmem>>, vector<1x16xf32>,
      %swap3A_126 = arith.index_cast %scan3A_111 : i32 to index
      %swap3A_127 = arith.constant 48 : index
      %swap3A_128 = tpu.vector_load %arg7[%swap3A_126, %swap3A_127] {strides = array<i32>} : memref<128x128xf32, #tpu.memory_space<vmem>>, vector<1x16xf32>,
      %swap3A_129 = vector.shape_cast %swap3A_128 : vector<1x16xf32> to vector<16xf32>
      %swap3A_130 = vector.shape_cast %broadcast_in_dim3A_1 : vector<16xf32> to vector<1x16xf32>
      tpu.vector_store %arg7[%swap3A_126, %swap3A_127], %swap3A_130 {strides = array<i32>} : memref<128x128xf32, #tpu.memory_space<vmem>>, vector<1x16xf32>,
      %swap3A_131 = arith.index_cast %scan3A_111 : i32 to index
      %swap3A_132 = arith.constant 64 : index
      %swap3A_133 = tpu.vector_load %arg7[%swap3A_131, %swap3A_132] {strides = array<i32>} : memref<128x128xf32, #tpu.memory_space<vmem>>, vector<1x16xf32>,
      %swap3A_134 = vector.shape_cast %swap3A_133 : vector<1x16xf32> to vector<16xf32>
      %swap3A_135 = vector.shape_cast %broadcast_in_dim3A_1 : vector<16xf32> to vector<1x16xf32>
      tpu.vector_store %arg7[%swap3A_131, %swap3A_132], %swap3A_135 {strides = array<i32>} : memref<128x128xf32, #tpu.memory_space<vmem>>, vector<1x16xf32>,
      %swap3A_136 = arith.index_cast %scan3A_111 : i32 to index
      %swap3A_137 = arith.constant 80 : index
      %swap3A_138 = tpu.vector_load %arg7[%swap3A_136, %swap3A_137] {strides = array<i32>} : memref<128x128xf32, #tpu.memory_space<vmem>>, vector<1x16xf32>,
      %swap3A_139 = vector.shape_cast %swap3A_138 : vector<1x16xf32> to vector<16xf32>
      %swap3A_140 = vector.shape_cast %broadcast_in_dim3A_1 : vector<16xf32> to vector<1x16xf32>
      tpu.vector_store %arg7[%swap3A_136, %swap3A_137], %swap3A_140 {strides = array<i32>} : memref<128x128xf32, #tpu.memory_space<vmem>>, vector<1x16xf32>,
      %swap3A_141 = arith.index_cast %scan3A_111 : i32 to index
      %swap3A_142 = arith.constant 96 : index
      %swap3A_143 = tpu.vector_load %arg7[%swap3A_141, %swap3A_142] {strides = array<i32>} : memref<128x128xf32, #tpu.memory_space<vmem>>, vector<1x16xf32>,
      %swap3A_144 = vector.shape_cast %swap3A_143 : vector<1x16xf32> to vector<16xf32>
      %swap3A_145 = vector.shape_cast %broadcast_in_dim3A_1 : vector<16xf32> to vector<1x16xf32>
      tpu.vector_store %arg7[%swap3A_141, %swap3A_142], %swap3A_145 {strides = array<i32>} : memref<128x128xf32, #tpu.memory_space<vmem>>, vector<1x16xf32>,
      %swap3A_146 = arith.index_cast %scan3A_111 : i32 to index
      %swap3A_147 = arith.constant 112 : index
      %swap3A_148 = tpu.vector_load %arg7[%swap3A_146, %swap3A_147] {strides = array<i32>} : memref<128x128xf32, #tpu.memory_space<vmem>>, vector<1x16xf32>,
      %swap3A_149 = vector.shape_cast %swap3A_148 : vector<1x16xf32> to vector<16xf32>
      %swap3A_150 = vector.shape_cast %broadcast_in_dim3A_1 : vector<16xf32> to vector<1x16xf32>
      tpu.vector_store %arg7[%swap3A_146, %swap3A_147], %swap3A_150 {strides = array<i32>} : memref<128x128xf32, #tpu.memory_space<vmem>>, vector<1x16xf32>,
    }
    %scan3A_42 = arith.constant 128 : i32
    %mul3A_43 = arith.constant 224 : i32
    %mul3A_44 = arith.muli %arg1, %mul3A_43 : i32
    "tpu.region"() ({
      %run_scoped3A = tpu.sem_alloc : memref<!tpu.dma_semaphore, #tpu.memory_space<semaphore_mem>>
      %dma_start3A = arith.constant 0 : i32
      %dma_start3A_111 = tpu.memref_slice %arg6[%mul3A_44, %dma_start3A] : memref<3584x128xf32, #tpu.memory_space<vmem_shared>> -> memref<128x128xf32, #tpu.memory_space<vmem_shared>>
      %dma_start3A_112 = arith.constant 0 : i32
      %dma_start3A_113 = tpu.memref_slice %arg6[%mul3A_44, %dma_start3A_112] : memref<3584x128xf32, #tpu.memory_space<vmem_shared>> -> memref<128x128xf32, #tpu.memory_space<vmem_shared>>
      tpu.enqueue_dma source(%arg7 : memref<128x128xf32, #tpu.memory_space<vmem>>) target(%dma_start3A_113 : memref<128x128xf32, #tpu.memory_space<vmem_shared>>) target_semaphore(%run_scoped3A : memref<!tpu.dma_semaphore, #tpu.memory_space<semaphore_mem>>)
      %dma_wait3A = arith.constant 0 : i32
      %dma_wait3A_114 = tpu.memref_slice %arg6[%mul3A_44, %dma_wait3A] : memref<3584x128xf32, #tpu.memory_space<vmem_shared>> -> memref<128x128xf32, #tpu.memory_space<vmem_shared>>
      %dma_wait3A_115 = arith.constant 0 : i32
      %dma_wait3A_116 = tpu.memref_slice %arg6[%mul3A_44, %dma_wait3A_115] : memref<3584x128xf32, #tpu.memory_space<vmem_shared>> -> memref<128x128xf32, #tpu.memory_space<vmem_shared>>
      tpu.wait_dma2 semaphore(%run_scoped3A : memref<!tpu.dma_semaphore, #tpu.memory_space<semaphore_mem>>) src(%arg7 : memref<128x128xf32, #tpu.memory_space<vmem>>) dst(%dma_wait3A_116 : memref<128x128xf32, #tpu.memory_space<vmem_shared>>)
      tpu.yield
    }) : () -> ()
    %mul3A_45 = arith.constant 224 : i32
    %mul3A_46 = arith.muli %arg1, %mul3A_45 : i32
    %add3A_47 = arith.constant 128 : i32
    %add3A_48 = arith.addi %mul3A_46, %add3A_47 : i32
    "tpu.region"() ({
      %run_scoped3A = tpu.sem_alloc : memref<!tpu.dma_semaphore, #tpu.memory_space<semaphore_mem>>
      %dma_start3A = arith.constant 0 : i32
      %dma_start3A_111 = arith.constant 0 : i32
      %dma_start3A_112 = tpu.memref_slice %arg7[%dma_start3A, %dma_start3A_111] : memref<128x128xf32, #tpu.memory_space<vmem>> -> memref<96x128xf32, #tpu.memory_space<vmem>>
      %dma_start3A_113 = arith.constant 0 : i32
      %dma_start3A_114 = tpu.memref_slice %arg6[%add3A_48, %dma_start3A_113] : memref<3584x128xf32, #tpu.memory_space<vmem_shared>> -> memref<96x128xf32, #tpu.memory_space<vmem_shared>>
      %dma_start3A_115 = arith.constant 0 : i32
      %dma_start3A_116 = tpu.memref_slice %arg6[%add3A_48, %dma_start3A_115] : memref<3584x128xf32, #tpu.memory_space<vmem_shared>> -> memref<96x128xf32, #tpu.memory_space<vmem_shared>>
      %dma_start3A_117 = arith.constant 0 : i32
      %dma_start3A_118 = arith.constant 0 : i32
      %dma_start3A_119 = tpu.memref_slice %arg7[%dma_start3A_117, %dma_start3A_118] : memref<128x128xf32, #tpu.memory_space<vmem>> -> memref<96x128xf32, #tpu.memory_space<vmem>>
      tpu.enqueue_dma source(%dma_start3A_119 : memref<96x128xf32, #tpu.memory_space<vmem>>) target(%dma_start3A_116 : memref<96x128xf32, #tpu.memory_space<vmem_shared>>) target_semaphore(%run_scoped3A : memref<!tpu.dma_semaphore, #tpu.memory_space<semaphore_mem>>)
      %dma_wait3A = arith.constant 0 : i32
      %dma_wait3A_120 = arith.constant 0 : i32
      %dma_wait3A_121 = tpu.memref_slice %arg7[%dma_wait3A, %dma_wait3A_120] : memref<128x128xf32, #tpu.memory_space<vmem>> -> memref<96x128xf32, #tpu.memory_space<vmem>>
      %dma_wait3A_122 = arith.constant 0 : i32
      %dma_wait3A_123 = tpu.memref_slice %arg6[%add3A_48, %dma_wait3A_122] : memref<3584x128xf32, #tpu.memory_space<vmem_shared>> -> memref<96x128xf32, #tpu.memory_space<vmem_shared>>
      %dma_wait3A_124 = arith.constant 0 : i32
      %dma_wait3A_125 = tpu.memref_slice %arg6[%add3A_48, %dma_wait3A_124] : memref<3584x128xf32, #tpu.memory_space<vmem_shared>> -> memref<96x128xf32, #tpu.memory_space<vmem_shared>>
      %dma_wait3A_126 = arith.constant 0 : i32
      %dma_wait3A_127 = arith.constant 0 : i32
      %dma_wait3A_128 = tpu.memref_slice %arg7[%dma_wait3A_126, %dma_wait3A_127] : memref<128x128xf32, #tpu.memory_space<vmem>> -> memref<96x128xf32, #tpu.memory_space<vmem>>
      tpu.wait_dma2 semaphore(%run_scoped3A : memref<!tpu.dma_semaphore, #tpu.memory_space<semaphore_mem>>) src(%dma_wait3A_128 : memref<96x128xf32, #tpu.memory_space<vmem>>) dst(%dma_wait3A_125 : memref<96x128xf32, #tpu.memory_space<vmem_shared>>)
      tpu.yield
    }) : () -> ()
    %barrier3A_49 = arith.constant 0 : index
    tpu.barrier barrier_id(%barrier3A_49)
    %scan3A_50 = arith.constant 0 : i32
    %scan3A_51 = arith.constant 0 : i32
    %scan3A_52 = arith.constant 79 : i32
    %scan3A_53 = arith.addi %scan3A_51, %scan3A_52 : i32
    %scan3A_54 = arith.constant 1 : i32
    scf.for %scan3A_111 = %scan3A_51 to %scan3A_53 step %scan3A_54  : i32 {
      %mul3A_112 = arith.constant 79 : i32
      %mul3A_113 = arith.muli %add3A, %mul3A_112 : i32
      %add3A_114 = arith.addi %mul3A_113, %scan3A_111 : i32
      %mul3A_115 = arith.constant 384 : i32
      %mul3A_116 = arith.muli %add3A_114, %mul3A_115 : i32
      "tpu.region"() ({
        %run_scoped3A = tpu.sem_alloc : memref<!tpu.dma_semaphore, #tpu.memory_space<semaphore_mem>>
        %dma_start3A_293 = tpu.memref_slice %arg3[%mul3A_116] : memref<970752xi32, #tpu.memory_space<hbm>> -> memref<384xi32, #tpu.memory_space<hbm>>
        %dma_start3A_294 = tpu.memref_slice %arg3[%mul3A_116] : memref<970752xi32, #tpu.memory_space<hbm>> -> memref<384xi32, #tpu.memory_space<hbm>>
        tpu.enqueue_dma source(%dma_start3A_294 : memref<384xi32, #tpu.memory_space<hbm>>) target(%arg9 : memref<384xi32, #tpu.memory_space<vmem>>) target_semaphore(%run_scoped3A : memref<!tpu.dma_semaphore, #tpu.memory_space<semaphore_mem>>)
        %dma_wait3A_295 = tpu.memref_slice %arg3[%mul3A_116] : memref<970752xi32, #tpu.memory_space<hbm>> -> memref<384xi32, #tpu.memory_space<hbm>>
        %dma_wait3A_296 = tpu.memref_slice %arg3[%mul3A_116] : memref<970752xi32, #tpu.memory_space<hbm>> -> memref<384xi32, #tpu.memory_space<hbm>>
        tpu.wait_dma2 semaphore(%run_scoped3A : memref<!tpu.dma_semaphore, #tpu.memory_space<semaphore_mem>>) src(%dma_wait3A_296 : memref<384xi32, #tpu.memory_space<hbm>>) dst(%arg9 : memref<384xi32, #tpu.memory_space<vmem>>)
        tpu.yield
      }) : () -> ()
      %dma_start3A = arith.constant 256 : i32
      %dma_start3A_117 = tpu.memref_slice %arg9[%dma_start3A] : memref<384xi32, #tpu.memory_space<vmem>> -> memref<128xi32, #tpu.memory_space<vmem>>
      %dma_start3A_118 = arith.constant 0 : i32
      %dma_start3A_119 = arith.constant 0 : i32
      %dma_start3A_120 = tpu.memref_slice %arg4[%dma_start3A_118, %dma_start3A_119] : memref<81920x128xf32, #tpu.memory_space<hbm>> -> memref<81920x128xf32, #tpu.memory_space<hbm>>
      tpu.enqueue_indirect_dma source(%dma_start3A_120 : memref<81920x128xf32, #tpu.memory_space<hbm>>) target(%arg8 : memref<128x128xf32, #tpu.memory_space<vmem>>) offsets(%dma_start3A_117 : memref<128xi32, #tpu.memory_space<vmem>>) semaphore(%arg11 : memref<!tpu.dma_semaphore, #tpu.memory_space<semaphore_mem>>)
      %dma_start3A_121 = arith.constant 0 : i32
      %dma_start3A_122 = tpu.memref_slice %arg9[%dma_start3A_121] : memref<384xi32, #tpu.memory_space<vmem>> -> memref<128xi32, #tpu.memory_space<vmem>>
      %dma_start3A_123 = arith.constant 0 : i32
      %dma_start3A_124 = arith.constant 0 : i32
      %dma_start3A_125 = tpu.memref_slice %arg2[%dma_start3A_123, %dma_start3A_124] : memref<80000x128xf32, #tpu.memory_space<hbm>> -> memref<80000x128xf32, #tpu.memory_space<hbm>>
      tpu.enqueue_indirect_dma source(%dma_start3A_125 : memref<80000x128xf32, #tpu.memory_space<hbm>>) target(%arg7 : memref<128x128xf32, #tpu.memory_space<vmem>>) offsets(%dma_start3A_122 : memref<128xi32, #tpu.memory_space<vmem>>) semaphore(%arg11 : memref<!tpu.dma_semaphore, #tpu.memory_space<semaphore_mem>>)
      %get3A = arith.constant 128 : index
      %get3A_126 = tpu.vector_load %arg9[%get3A] {strides = array<i32>} : memref<384xi32, #tpu.memory_space<vmem>>, vector<16xi32>,
      %get3A_127 = vector.shape_cast %get3A_126 : vector<16xi32> to vector<16xi32>
      %sub3A = arith.constant 3456 : i32
      %sub3A_128 = vector.broadcast %sub3A : i32 to vector<16xi32>
      %sub3A_129 = arith.subi %get3A_127, %sub3A_128 : vector<16xi32>
      %ge3A = arith.constant 0 : i32
      %ge3A_130 = vector.broadcast %ge3A : i32 to vector<16xi32>
      %ge3A_131 = arith.cmpi sge, %sub3A_129, %ge3A_130 : vector<16xi32>
      %lt3A = arith.constant 3456 : i32
      %lt3A_132 = vector.broadcast %lt3A : i32 to vector<16xi32>
      %lt3A_133 = arith.cmpi slt, %sub3A_129, %lt3A_132 : vector<16xi32>
      %and3A = arith.andi %ge3A_131, %lt3A_133 : vector<16xi1>
      %jit3A = arith.constant 3520 : i32
      %broadcast_in_dim3A_134 = vector.broadcast %jit3A : i32 to vector<16xi32>
      %select_n3A = arith.select %and3A, %sub3A_129, %broadcast_in_dim3A_134 : vector<16xi1>, vector<16xi32>
      %swap3A = arith.constant 0 : index
      %swap3A_135 = tpu.vector_load %arg10[%swap3A] {strides = array<i32>} : memref<128xi32, #tpu.memory_space<vmem>>, vector<16xi32>,
      %swap3A_136 = vector.shape_cast %swap3A_135 : vector<16xi32> to vector<16xi32>
      %swap3A_137 = vector.shape_cast %select_n3A : vector<16xi32> to vector<16xi32>
      tpu.vector_store %arg10[%swap3A], %swap3A_137 {strides = array<i32>} : memref<128xi32, #tpu.memory_space<vmem>>, vector<16xi32>,
      %get3A_138 = arith.constant 144 : index
      %get3A_139 = tpu.vector_load %arg9[%get3A_138] {strides = array<i32>} : memref<384xi32, #tpu.memory_space<vmem>>, vector<16xi32>,
      %get3A_140 = vector.shape_cast %get3A_139 : vector<16xi32> to vector<16xi32>
      %sub3A_141 = arith.constant 3456 : i32
      %sub3A_142 = vector.broadcast %sub3A_141 : i32 to vector<16xi32>
      %sub3A_143 = arith.subi %get3A_140, %sub3A_142 : vector<16xi32>
      %ge3A_144 = arith.constant 0 : i32
      %ge3A_145 = vector.broadcast %ge3A_144 : i32 to vector<16xi32>
      %ge3A_146 = arith.cmpi sge, %sub3A_143, %ge3A_145 : vector<16xi32>
      %lt3A_147 = arith.constant 3456 : i32
      %lt3A_148 = vector.broadcast %lt3A_147 : i32 to vector<16xi32>
      %lt3A_149 = arith.cmpi slt, %sub3A_143, %lt3A_148 : vector<16xi32>
      %and3A_150 = arith.andi %ge3A_146, %lt3A_149 : vector<16xi1>
      %jit3A_151 = arith.constant 3520 : i32
      %broadcast_in_dim3A_152 = vector.broadcast %jit3A_151 : i32 to vector<16xi32>
      %select_n3A_153 = arith.select %and3A_150, %sub3A_143, %broadcast_in_dim3A_152 : vector<16xi1>, vector<16xi32>
      %swap3A_154 = arith.constant 16 : index
      %swap3A_155 = tpu.vector_load %arg10[%swap3A_154] {strides = array<i32>} : memref<128xi32, #tpu.memory_space<vmem>>, vector<16xi32>,
      %swap3A_156 = vector.shape_cast %swap3A_155 : vector<16xi32> to vector<16xi32>
      %swap3A_157 = vector.shape_cast %select_n3A_153 : vector<16xi32> to vector<16xi32>
      tpu.vector_store %arg10[%swap3A_154], %swap3A_157 {strides = array<i32>} : memref<128xi32, #tpu.memory_space<vmem>>, vector<16xi32>,
      %get3A_158 = arith.constant 160 : index
      %get3A_159 = tpu.vector_load %arg9[%get3A_158] {strides = array<i32>} : memref<384xi32, #tpu.memory_space<vmem>>, vector<16xi32>,
      %get3A_160 = vector.shape_cast %get3A_159 : vector<16xi32> to vector<16xi32>
      %sub3A_161 = arith.constant 3456 : i32
      %sub3A_162 = vector.broadcast %sub3A_161 : i32 to vector<16xi32>
      %sub3A_163 = arith.subi %get3A_160, %sub3A_162 : vector<16xi32>
      %ge3A_164 = arith.constant 0 : i32
      %ge3A_165 = vector.broadcast %ge3A_164 : i32 to vector<16xi32>
      %ge3A_166 = arith.cmpi sge, %sub3A_163, %ge3A_165 : vector<16xi32>
      %lt3A_167 = arith.constant 3456 : i32
      %lt3A_168 = vector.broadcast %lt3A_167 : i32 to vector<16xi32>
      %lt3A_169 = arith.cmpi slt, %sub3A_163, %lt3A_168 : vector<16xi32>
      %and3A_170 = arith.andi %ge3A_166, %lt3A_169 : vector<16xi1>
      %jit3A_171 = arith.constant 3520 : i32
      %broadcast_in_dim3A_172 = vector.broadcast %jit3A_171 : i32 to vector<16xi32>
      %select_n3A_173 = arith.select %and3A_170, %sub3A_163, %broadcast_in_dim3A_172 : vector<16xi1>, vector<16xi32>
      %swap3A_174 = arith.constant 32 : index
      %swap3A_175 = tpu.vector_load %arg10[%swap3A_174] {strides = array<i32>} : memref<128xi32, #tpu.memory_space<vmem>>, vector<16xi32>,
      %swap3A_176 = vector.shape_cast %swap3A_175 : vector<16xi32> to vector<16xi32>
      %swap3A_177 = vector.shape_cast %select_n3A_173 : vector<16xi32> to vector<16xi32>
      tpu.vector_store %arg10[%swap3A_174], %swap3A_177 {strides = array<i32>} : memref<128xi32, #tpu.memory_space<vmem>>, vector<16xi32>,
      %get3A_178 = arith.constant 176 : index
      %get3A_179 = tpu.vector_load %arg9[%get3A_178] {strides = array<i32>} : memref<384xi32, #tpu.memory_space<vmem>>, vector<16xi32>,
      %get3A_180 = vector.shape_cast %get3A_179 : vector<16xi32> to vector<16xi32>
      %sub3A_181 = arith.constant 3456 : i32
      %sub3A_182 = vector.broadcast %sub3A_181 : i32 to vector<16xi32>
      %sub3A_183 = arith.subi %get3A_180, %sub3A_182 : vector<16xi32>
      %ge3A_184 = arith.constant 0 : i32
      %ge3A_185 = vector.broadcast %ge3A_184 : i32 to vector<16xi32>
      %ge3A_186 = arith.cmpi sge, %sub3A_183, %ge3A_185 : vector<16xi32>
      %lt3A_187 = arith.constant 3456 : i32
      %lt3A_188 = vector.broadcast %lt3A_187 : i32 to vector<16xi32>
      %lt3A_189 = arith.cmpi slt, %sub3A_183, %lt3A_188 : vector<16xi32>
      %and3A_190 = arith.andi %ge3A_186, %lt3A_189 : vector<16xi1>
      %jit3A_191 = arith.constant 3520 : i32
      %broadcast_in_dim3A_192 = vector.broadcast %jit3A_191 : i32 to vector<16xi32>
      %select_n3A_193 = arith.select %and3A_190, %sub3A_183, %broadcast_in_dim3A_192 : vector<16xi1>, vector<16xi32>
      %swap3A_194 = arith.constant 48 : index
      %swap3A_195 = tpu.vector_load %arg10[%swap3A_194] {strides = array<i32>} : memref<128xi32, #tpu.memory_space<vmem>>, vector<16xi32>,
      %swap3A_196 = vector.shape_cast %swap3A_195 : vector<16xi32> to vector<16xi32>
      %swap3A_197 = vector.shape_cast %select_n3A_193 : vector<16xi32> to vector<16xi32>
      tpu.vector_store %arg10[%swap3A_194], %swap3A_197 {strides = array<i32>} : memref<128xi32, #tpu.memory_space<vmem>>, vector<16xi32>,
      %get3A_198 = arith.constant 192 : index
      %get3A_199 = tpu.vector_load %arg9[%get3A_198] {strides = array<i32>} : memref<384xi32, #tpu.memory_space<vmem>>, vector<16xi32>,
      %get3A_200 = vector.shape_cast %get3A_199 : vector<16xi32> to vector<16xi32>
      %sub3A_201 = arith.constant 3456 : i32
      %sub3A_202 = vector.broadcast %sub3A_201 : i32 to vector<16xi32>
      %sub3A_203 = arith.subi %get3A_200, %sub3A_202 : vector<16xi32>
      %ge3A_204 = arith.constant 0 : i32
      %ge3A_205 = vector.broadcast %ge3A_204 : i32 to vector<16xi32>
      %ge3A_206 = arith.cmpi sge, %sub3A_203, %ge3A_205 : vector<16xi32>
      %lt3A_207 = arith.constant 3456 : i32
      %lt3A_208 = vector.broadcast %lt3A_207 : i32 to vector<16xi32>
      %lt3A_209 = arith.cmpi slt, %sub3A_203, %lt3A_208 : vector<16xi32>
      %and3A_210 = arith.andi %ge3A_206, %lt3A_209 : vector<16xi1>
      %jit3A_211 = arith.constant 3520 : i32
      %broadcast_in_dim3A_212 = vector.broadcast %jit3A_211 : i32 to vector<16xi32>
      %select_n3A_213 = arith.select %and3A_210, %sub3A_203, %broadcast_in_dim3A_212 : vector<16xi1>, vector<16xi32>
      %swap3A_214 = arith.constant 64 : index
      %swap3A_215 = tpu.vector_load %arg10[%swap3A_214] {strides = array<i32>} : memref<128xi32, #tpu.memory_space<vmem>>, vector<16xi32>,
      %swap3A_216 = vector.shape_cast %swap3A_215 : vector<16xi32> to vector<16xi32>
      %swap3A_217 = vector.shape_cast %select_n3A_213 : vector<16xi32> to vector<16xi32>
      tpu.vector_store %arg10[%swap3A_214], %swap3A_217 {strides = array<i32>} : memref<128xi32, #tpu.memory_space<vmem>>, vector<16xi32>,
      %get3A_218 = arith.constant 208 : index
      %get3A_219 = tpu.vector_load %arg9[%get3A_218] {strides = array<i32>} : memref<384xi32, #tpu.memory_space<vmem>>, vector<16xi32>,
      %get3A_220 = vector.shape_cast %get3A_219 : vector<16xi32> to vector<16xi32>
      %sub3A_221 = arith.constant 3456 : i32
      %sub3A_222 = vector.broadcast %sub3A_221 : i32 to vector<16xi32>
      %sub3A_223 = arith.subi %get3A_220, %sub3A_222 : vector<16xi32>
      %ge3A_224 = arith.constant 0 : i32
      %ge3A_225 = vector.broadcast %ge3A_224 : i32 to vector<16xi32>
      %ge3A_226 = arith.cmpi sge, %sub3A_223, %ge3A_225 : vector<16xi32>
      %lt3A_227 = arith.constant 3456 : i32
      %lt3A_228 = vector.broadcast %lt3A_227 : i32 to vector<16xi32>
      %lt3A_229 = arith.cmpi slt, %sub3A_223, %lt3A_228 : vector<16xi32>
      %and3A_230 = arith.andi %ge3A_226, %lt3A_229 : vector<16xi1>
      %jit3A_231 = arith.constant 3520 : i32
      %broadcast_in_dim3A_232 = vector.broadcast %jit3A_231 : i32 to vector<16xi32>
      %select_n3A_233 = arith.select %and3A_230, %sub3A_223, %broadcast_in_dim3A_232 : vector<16xi1>, vector<16xi32>
      %swap3A_234 = arith.constant 80 : index
      %swap3A_235 = tpu.vector_load %arg10[%swap3A_234] {strides = array<i32>} : memref<128xi32, #tpu.memory_space<vmem>>, vector<16xi32>,
      %swap3A_236 = vector.shape_cast %swap3A_235 : vector<16xi32> to vector<16xi32>
      %swap3A_237 = vector.shape_cast %select_n3A_233 : vector<16xi32> to vector<16xi32>
      tpu.vector_store %arg10[%swap3A_234], %swap3A_237 {strides = array<i32>} : memref<128xi32, #tpu.memory_space<vmem>>, vector<16xi32>,
      %get3A_238 = arith.constant 224 : index
      %get3A_239 = tpu.vector_load %arg9[%get3A_238] {strides = array<i32>} : memref<384xi32, #tpu.memory_space<vmem>>, vector<16xi32>,
      %get3A_240 = vector.shape_cast %get3A_239 : vector<16xi32> to vector<16xi32>
      %sub3A_241 = arith.constant 3456 : i32
      %sub3A_242 = vector.broadcast %sub3A_241 : i32 to vector<16xi32>
      %sub3A_243 = arith.subi %get3A_240, %sub3A_242 : vector<16xi32>
      %ge3A_244 = arith.constant 0 : i32
      %ge3A_245 = vector.broadcast %ge3A_244 : i32 to vector<16xi32>
      %ge3A_246 = arith.cmpi sge, %sub3A_243, %ge3A_245 : vector<16xi32>
      %lt3A_247 = arith.constant 3456 : i32
      %lt3A_248 = vector.broadcast %lt3A_247 : i32 to vector<16xi32>
      %lt3A_249 = arith.cmpi slt, %sub3A_243, %lt3A_248 : vector<16xi32>
      %and3A_250 = arith.andi %ge3A_246, %lt3A_249 : vector<16xi1>
      %jit3A_251 = arith.constant 3520 : i32
      %broadcast_in_dim3A_252 = vector.broadcast %jit3A_251 : i32 to vector<16xi32>
      %select_n3A_253 = arith.select %and3A_250, %sub3A_243, %broadcast_in_dim3A_252 : vector<16xi1>, vector<16xi32>
      %swap3A_254 = arith.constant 96 : index
      %swap3A_255 = tpu.vector_load %arg10[%swap3A_254] {strides = array<i32>} : memref<128xi32, #tpu.memory_space<vmem>>, vector<16xi32>,
      %swap3A_256 = vector.shape_cast %swap3A_255 : vector<16xi32> to vector<16xi32>
      %swap3A_257 = vector.shape_cast %select_n3A_253 : vector<16xi32> to vector<16xi32>
      tpu.vector_store %arg10[%swap3A_254], %swap3A_257 {strides = array<i32>} : memref<128xi32, #tpu.memory_space<vmem>>, vector<16xi32>,
      %get3A_258 = arith.constant 240 : index
      %get3A_259 = tpu.vector_load %arg9[%get3A_258] {strides = array<i32>} : memref<384xi32, #tpu.memory_space<vmem>>, vector<16xi32>,
      %get3A_260 = vector.shape_cast %get3A_259 : vector<16xi32> to vector<16xi32>
      %sub3A_261 = arith.constant 3456 : i32
      %sub3A_262 = vector.broadcast %sub3A_261 : i32 to vector<16xi32>
      %sub3A_263 = arith.subi %get3A_260, %sub3A_262 : vector<16xi32>
      %ge3A_264 = arith.constant 0 : i32
      %ge3A_265 = vector.broadcast %ge3A_264 : i32 to vector<16xi32>
      %ge3A_266 = arith.cmpi sge, %sub3A_263, %ge3A_265 : vector<16xi32>
      %lt3A_267 = arith.constant 3456 : i32
      %lt3A_268 = vector.broadcast %lt3A_267 : i32 to vector<16xi32>
      %lt3A_269 = arith.cmpi slt, %sub3A_263, %lt3A_268 : vector<16xi32>
      %and3A_270 = arith.andi %ge3A_266, %lt3A_269 : vector<16xi1>
      %jit3A_271 = arith.constant 3520 : i32
      %broadcast_in_dim3A_272 = vector.broadcast %jit3A_271 : i32 to vector<16xi32>
      %select_n3A_273 = arith.select %and3A_270, %sub3A_263, %broadcast_in_dim3A_272 : vector<16xi1>, vector<16xi32>
      %swap3A_274 = arith.constant 112 : index
      %swap3A_275 = tpu.vector_load %arg10[%swap3A_274] {strides = array<i32>} : memref<128xi32, #tpu.memory_space<vmem>>, vector<16xi32>,
      %swap3A_276 = vector.shape_cast %swap3A_275 : vector<16xi32> to vector<16xi32>
      %swap3A_277 = vector.shape_cast %select_n3A_273 : vector<16xi32> to vector<16xi32>
      tpu.vector_store %arg10[%swap3A_274], %swap3A_277 {strides = array<i32>} : memref<128xi32, #tpu.memory_space<vmem>>, vector<16xi32>,
      %dma_wait3A = arith.constant 256 : i32
      %dma_wait3A_278 = tpu.memref_slice %arg9[%dma_wait3A] : memref<384xi32, #tpu.memory_space<vmem>> -> memref<128xi32, #tpu.memory_space<vmem>>
      %dma_wait3A_279 = arith.constant 0 : i32
      %dma_wait3A_280 = arith.constant 0 : i32
      %dma_wait3A_281 = tpu.memref_slice %arg4[%dma_wait3A_279, %dma_wait3A_280] : memref<81920x128xf32, #tpu.memory_space<hbm>> -> memref<81920x128xf32, #tpu.memory_space<hbm>>
      tpu.wait_indirect_dma semaphore(%arg11 : memref<!tpu.dma_semaphore, #tpu.memory_space<semaphore_mem>>) src(%dma_wait3A_281 : memref<81920x128xf32, #tpu.memory_space<hbm>>) dst(%arg8 : memref<128x128xf32, #tpu.memory_space<vmem>>)
      %dma_wait3A_282 = arith.constant 0 : i32
      %dma_wait3A_283 = tpu.memref_slice %arg9[%dma_wait3A_282] : memref<384xi32, #tpu.memory_space<vmem>> -> memref<128xi32, #tpu.memory_space<vmem>>
      %dma_wait3A_284 = arith.constant 0 : i32
      %dma_wait3A_285 = arith.constant 0 : i32
      %dma_wait3A_286 = tpu.memref_slice %arg2[%dma_wait3A_284, %dma_wait3A_285] : memref<80000x128xf32, #tpu.memory_space<hbm>> -> memref<80000x128xf32, #tpu.memory_space<hbm>>
      tpu.wait_indirect_dma semaphore(%arg11 : memref<!tpu.dma_semaphore, #tpu.memory_space<semaphore_mem>>) src(%dma_wait3A_286 : memref<80000x128xf32, #tpu.memory_space<hbm>>) dst(%arg7 : memref<128x128xf32, #tpu.memory_space<vmem>>)
      %scan3A_287 = arith.constant 0 : i32
      %scan3A_288 = arith.constant 0 : i32
      %scan3A_289 = arith.constant 128 : i32
      %scan3A_290 = arith.addi %scan3A_288, %scan3A_289 : i32
      %scan3A_291 = arith.constant 1 : i32
      scf.for %scan3A_293 = %scan3A_288 to %scan3A_290 step %scan3A_291  : i32 {
        %get3A_294 = arith.index_cast %scan3A_293 : i32 to index
        %get3A_295 = arith.constant 0 : index
        %get3A_296 = tpu.vector_load %arg7[%get3A_294, %get3A_295] {strides = array<i32>} : memref<128x128xf32, #tpu.memory_space<vmem>>, vector<1x16xf32>,
        %get3A_297 = vector.shape_cast %get3A_296 : vector<1x16xf32> to vector<16xf32>
        %get3A_298 = arith.index_cast %scan3A_293 : i32 to index
        %get3A_299 = arith.constant 0 : index
        %get3A_300 = tpu.vector_load %arg8[%get3A_298, %get3A_299] {strides = array<i32>} : memref<128x128xf32, #tpu.memory_space<vmem>>, vector<1x16xf32>,
        %get3A_301 = vector.shape_cast %get3A_300 : vector<1x16xf32> to vector<16xf32>
        %mul3A_302 = arith.mulf %get3A_297, %get3A_301 : vector<16xf32>
        %swap3A_303 = arith.index_cast %scan3A_293 : i32 to index
        %swap3A_304 = arith.constant 0 : index
        %swap3A_305 = tpu.vector_load %arg7[%swap3A_303, %swap3A_304] {strides = array<i32>} : memref<128x128xf32, #tpu.memory_space<vmem>>, vector<1x16xf32>,
        %swap3A_306 = vector.shape_cast %swap3A_305 : vector<1x16xf32> to vector<16xf32>
        %swap3A_307 = vector.shape_cast %mul3A_302 : vector<16xf32> to vector<1x16xf32>
        tpu.vector_store %arg7[%swap3A_303, %swap3A_304], %swap3A_307 {strides = array<i32>} : memref<128x128xf32, #tpu.memory_space<vmem>>, vector<1x16xf32>,
        %get3A_308 = arith.index_cast %scan3A_293 : i32 to index
        %get3A_309 = arith.constant 16 : index
        %get3A_310 = tpu.vector_load %arg7[%get3A_308, %get3A_309] {strides = array<i32>} : memref<128x128xf32, #tpu.memory_space<vmem>>, vector<1x16xf32>,
        %get3A_311 = vector.shape_cast %get3A_310 : vector<1x16xf32> to vector<16xf32>
        %get3A_312 = arith.index_cast %scan3A_293 : i32 to index
        %get3A_313 = arith.constant 16 : index
        %get3A_314 = tpu.vector_load %arg8[%get3A_312, %get3A_313] {strides = array<i32>} : memref<128x128xf32, #tpu.memory_space<vmem>>, vector<1x16xf32>,
        %get3A_315 = vector.shape_cast %get3A_314 : vector<1x16xf32> to vector<16xf32>
        %mul3A_316 = arith.mulf %get3A_311, %get3A_315 : vector<16xf32>
        %swap3A_317 = arith.index_cast %scan3A_293 : i32 to index
        %swap3A_318 = arith.constant 16 : index
        %swap3A_319 = tpu.vector_load %arg7[%swap3A_317, %swap3A_318] {strides = array<i32>} : memref<128x128xf32, #tpu.memory_space<vmem>>, vector<1x16xf32>,
        %swap3A_320 = vector.shape_cast %swap3A_319 : vector<1x16xf32> to vector<16xf32>
        %swap3A_321 = vector.shape_cast %mul3A_316 : vector<16xf32> to vector<1x16xf32>
        tpu.vector_store %arg7[%swap3A_317, %swap3A_318], %swap3A_321 {strides = array<i32>} : memref<128x128xf32, #tpu.memory_space<vmem>>, vector<1x16xf32>,
        %get3A_322 = arith.index_cast %scan3A_293 : i32 to index
        %get3A_323 = arith.constant 32 : index
        %get3A_324 = tpu.vector_load %arg7[%get3A_322, %get3A_323] {strides = array<i32>} : memref<128x128xf32, #tpu.memory_space<vmem>>, vector<1x16xf32>,
        %get3A_325 = vector.shape_cast %get3A_324 : vector<1x16xf32> to vector<16xf32>
        %get3A_326 = arith.index_cast %scan3A_293 : i32 to index
        %get3A_327 = arith.constant 32 : index
        %get3A_328 = tpu.vector_load %arg8[%get3A_326, %get3A_327] {strides = array<i32>} : memref<128x128xf32, #tpu.memory_space<vmem>>, vector<1x16xf32>,
        %get3A_329 = vector.shape_cast %get3A_328 : vector<1x16xf32> to vector<16xf32>
        %mul3A_330 = arith.mulf %get3A_325, %get3A_329 : vector<16xf32>
        %swap3A_331 = arith.index_cast %scan3A_293 : i32 to index
        %swap3A_332 = arith.constant 32 : index
        %swap3A_333 = tpu.vector_load %arg7[%swap3A_331, %swap3A_332] {strides = array<i32>} : memref<128x128xf32, #tpu.memory_space<vmem>>, vector<1x16xf32>,
        %swap3A_334 = vector.shape_cast %swap3A_333 : vector<1x16xf32> to vector<16xf32>
        %swap3A_335 = vector.shape_cast %mul3A_330 : vector<16xf32> to vector<1x16xf32>
        tpu.vector_store %arg7[%swap3A_331, %swap3A_332], %swap3A_335 {strides = array<i32>} : memref<128x128xf32, #tpu.memory_space<vmem>>, vector<1x16xf32>,
        %get3A_336 = arith.index_cast %scan3A_293 : i32 to index
        %get3A_337 = arith.constant 48 : index
        %get3A_338 = tpu.vector_load %arg7[%get3A_336, %get3A_337] {strides = array<i32>} : memref<128x128xf32, #tpu.memory_space<vmem>>, vector<1x16xf32>,
        %get3A_339 = vector.shape_cast %get3A_338 : vector<1x16xf32> to vector<16xf32>
        %get3A_340 = arith.index_cast %scan3A_293 : i32 to index
        %get3A_341 = arith.constant 48 : index
        %get3A_342 = tpu.vector_load %arg8[%get3A_340, %get3A_341] {strides = array<i32>} : memref<128x128xf32, #tpu.memory_space<vmem>>, vector<1x16xf32>,
        %get3A_343 = vector.shape_cast %get3A_342 : vector<1x16xf32> to vector<16xf32>
        %mul3A_344 = arith.mulf %get3A_339, %get3A_343 : vector<16xf32>
        %swap3A_345 = arith.index_cast %scan3A_293 : i32 to index
        %swap3A_346 = arith.constant 48 : index
        %swap3A_347 = tpu.vector_load %arg7[%swap3A_345, %swap3A_346] {strides = array<i32>} : memref<128x128xf32, #tpu.memory_space<vmem>>, vector<1x16xf32>,
        %swap3A_348 = vector.shape_cast %swap3A_347 : vector<1x16xf32> to vector<16xf32>
        %swap3A_349 = vector.shape_cast %mul3A_344 : vector<16xf32> to vector<1x16xf32>
        tpu.vector_store %arg7[%swap3A_345, %swap3A_346], %swap3A_349 {strides = array<i32>} : memref<128x128xf32, #tpu.memory_space<vmem>>, vector<1x16xf32>,
        %get3A_350 = arith.index_cast %scan3A_293 : i32 to index
        %get3A_351 = arith.constant 64 : index
        %get3A_352 = tpu.vector_load %arg7[%get3A_350, %get3A_351] {strides = array<i32>} : memref<128x128xf32, #tpu.memory_space<vmem>>, vector<1x16xf32>,
        %get3A_353 = vector.shape_cast %get3A_352 : vector<1x16xf32> to vector<16xf32>
        %get3A_354 = arith.index_cast %scan3A_293 : i32 to index
        %get3A_355 = arith.constant 64 : index
        %get3A_356 = tpu.vector_load %arg8[%get3A_354, %get3A_355] {strides = array<i32>} : memref<128x128xf32, #tpu.memory_space<vmem>>, vector<1x16xf32>,
        %get3A_357 = vector.shape_cast %get3A_356 : vector<1x16xf32> to vector<16xf32>
        %mul3A_358 = arith.mulf %get3A_353, %get3A_357 : vector<16xf32>
        %swap3A_359 = arith.index_cast %scan3A_293 : i32 to index
        %swap3A_360 = arith.constant 64 : index
        %swap3A_361 = tpu.vector_load %arg7[%swap3A_359, %swap3A_360] {strides = array<i32>} : memref<128x128xf32, #tpu.memory_space<vmem>>, vector<1x16xf32>,
        %swap3A_362 = vector.shape_cast %swap3A_361 : vector<1x16xf32> to vector<16xf32>
        %swap3A_363 = vector.shape_cast %mul3A_358 : vector<16xf32> to vector<1x16xf32>
        tpu.vector_store %arg7[%swap3A_359, %swap3A_360], %swap3A_363 {strides = array<i32>} : memref<128x128xf32, #tpu.memory_space<vmem>>, vector<1x16xf32>,
        %get3A_364 = arith.index_cast %scan3A_293 : i32 to index
        %get3A_365 = arith.constant 80 : index
        %get3A_366 = tpu.vector_load %arg7[%get3A_364, %get3A_365] {strides = array<i32>} : memref<128x128xf32, #tpu.memory_space<vmem>>, vector<1x16xf32>,
        %get3A_367 = vector.shape_cast %get3A_366 : vector<1x16xf32> to vector<16xf32>
        %get3A_368 = arith.index_cast %scan3A_293 : i32 to index
        %get3A_369 = arith.constant 80 : index
        %get3A_370 = tpu.vector_load %arg8[%get3A_368, %get3A_369] {strides = array<i32>} : memref<128x128xf32, #tpu.memory_space<vmem>>, vector<1x16xf32>,
        %get3A_371 = vector.shape_cast %get3A_370 : vector<1x16xf32> to vector<16xf32>
        %mul3A_372 = arith.mulf %get3A_367, %get3A_371 : vector<16xf32>
        %swap3A_373 = arith.index_cast %scan3A_293 : i32 to index
        %swap3A_374 = arith.constant 80 : index
        %swap3A_375 = tpu.vector_load %arg7[%swap3A_373, %swap3A_374] {strides = array<i32>} : memref<128x128xf32, #tpu.memory_space<vmem>>, vector<1x16xf32>,
        %swap3A_376 = vector.shape_cast %swap3A_375 : vector<1x16xf32> to vector<16xf32>
        %swap3A_377 = vector.shape_cast %mul3A_372 : vector<16xf32> to vector<1x16xf32>
        tpu.vector_store %arg7[%swap3A_373, %swap3A_374], %swap3A_377 {strides = array<i32>} : memref<128x128xf32, #tpu.memory_space<vmem>>, vector<1x16xf32>,
        %get3A_378 = arith.index_cast %scan3A_293 : i32 to index
        %get3A_379 = arith.constant 96 : index
        %get3A_380 = tpu.vector_load %arg7[%get3A_378, %get3A_379] {strides = array<i32>} : memref<128x128xf32, #tpu.memory_space<vmem>>, vector<1x16xf32>,
        %get3A_381 = vector.shape_cast %get3A_380 : vector<1x16xf32> to vector<16xf32>
        %get3A_382 = arith.index_cast %scan3A_293 : i32 to index
        %get3A_383 = arith.constant 96 : index
        %get3A_384 = tpu.vector_load %arg8[%get3A_382, %get3A_383] {strides = array<i32>} : memref<128x128xf32, #tpu.memory_space<vmem>>, vector<1x16xf32>,
        %get3A_385 = vector.shape_cast %get3A_384 : vector<1x16xf32> to vector<16xf32>
        %mul3A_386 = arith.mulf %get3A_381, %get3A_385 : vector<16xf32>
        %swap3A_387 = arith.index_cast %scan3A_293 : i32 to index
        %swap3A_388 = arith.constant 96 : index
        %swap3A_389 = tpu.vector_load %arg7[%swap3A_387, %swap3A_388] {strides = array<i32>} : memref<128x128xf32, #tpu.memory_space<vmem>>, vector<1x16xf32>,
        %swap3A_390 = vector.shape_cast %swap3A_389 : vector<1x16xf32> to vector<16xf32>
        %swap3A_391 = vector.shape_cast %mul3A_386 : vector<16xf32> to vector<1x16xf32>
        tpu.vector_store %arg7[%swap3A_387, %swap3A_388], %swap3A_391 {strides = array<i32>} : memref<128x128xf32, #tpu.memory_space<vmem>>, vector<1x16xf32>,
        %get3A_392 = arith.index_cast %scan3A_293 : i32 to index
        %get3A_393 = arith.constant 112 : index
        %get3A_394 = tpu.vector_load %arg7[%get3A_392, %get3A_393] {strides = array<i32>} : memref<128x128xf32, #tpu.memory_space<vmem>>, vector<1x16xf32>,
        %get3A_395 = vector.shape_cast %get3A_394 : vector<1x16xf32> to vector<16xf32>
        %get3A_396 = arith.index_cast %scan3A_293 : i32 to index
        %get3A_397 = arith.constant 112 : index
        %get3A_398 = tpu.vector_load %arg8[%get3A_396, %get3A_397] {strides = array<i32>} : memref<128x128xf32, #tpu.memory_space<vmem>>, vector<1x16xf32>,
        %get3A_399 = vector.shape_cast %get3A_398 : vector<1x16xf32> to vector<16xf32>
        %mul3A_400 = arith.mulf %get3A_395, %get3A_399 : vector<16xf32>
        %swap3A_401 = arith.index_cast %scan3A_293 : i32 to index
        %swap3A_402 = arith.constant 112 : index
        %swap3A_403 = tpu.vector_load %arg7[%swap3A_401, %swap3A_402] {strides = array<i32>} : memref<128x128xf32, #tpu.memory_space<vmem>>, vector<1x16xf32>,
        %swap3A_404 = vector.shape_cast %swap3A_403 : vector<1x16xf32> to vector<16xf32>
        %swap3A_405 = vector.shape_cast %mul3A_400 : vector<16xf32> to vector<1x16xf32>
        tpu.vector_store %arg7[%swap3A_401, %swap3A_402], %swap3A_405 {strides = array<i32>} : memref<128x128xf32, #tpu.memory_space<vmem>>, vector<1x16xf32>,
      }
      %scan3A_292 = arith.constant 128 : i32
      "tpu.region"() ({
        %run_scoped3A = tpu.sem_alloc : memref<!tpu.dma_semaphore, #tpu.memory_space<semaphore_mem>>
        %dma_start3A_293 = arith.constant 0 : i32
        %dma_start3A_294 = arith.constant 0 : i32
        %dma_start3A_295 = tpu.memref_slice %arg6[%dma_start3A_293, %dma_start3A_294] : memref<3584x128xf32, #tpu.memory_space<vmem_shared>> -> memref<3584x128xf32, #tpu.memory_space<vmem_shared>>
        tpu.enqueue_indirect_dma source(%arg7 : memref<128x128xf32, #tpu.memory_space<vmem>>) target(%dma_start3A_295 : memref<3584x128xf32, #tpu.memory_space<vmem_shared>>) offsets(%arg10 : memref<128xi32, #tpu.memory_space<vmem>>) semaphore(%run_scoped3A : memref<!tpu.dma_semaphore, #tpu.memory_space<semaphore_mem>>) {add = true}
        %dma_wait3A_296 = arith.constant 0 : i32
        %dma_wait3A_297 = arith.constant 0 : i32
        %dma_wait3A_298 = tpu.memref_slice %arg6[%dma_wait3A_296, %dma_wait3A_297] : memref<3584x128xf32, #tpu.memory_space<vmem_shared>> -> memref<3584x128xf32, #tpu.memory_space<vmem_shared>>
        tpu.wait_indirect_dma semaphore(%run_scoped3A : memref<!tpu.dma_semaphore, #tpu.memory_space<semaphore_mem>>) src(%arg7 : memref<128x128xf32, #tpu.memory_space<vmem>>) dst(%dma_wait3A_298 : memref<3584x128xf32, #tpu.memory_space<vmem_shared>>)
        tpu.yield
      }) : () -> ()
    }
    %scan3A_55 = arith.constant 79 : i32
    %barrier3A_56 = arith.constant 0 : index
    tpu.barrier barrier_id(%barrier3A_56)
    %mul3A_57 = arith.constant 216 : i32
    %mul3A_58 = arith.muli %arg1, %mul3A_57 : i32
    %mul3A_59 = arith.constant 10368 : i32
    %mul3A_60 = arith.muli %arg0, %mul3A_59 : i32
    %add3A_61 = arith.constant 3456 : i32
    %add3A_62 = arith.addi %mul3A_60, %add3A_61 : i32
    %add3A_63 = arith.addi %add3A_62, %mul3A_58 : i32
    "tpu.region"() ({
      %run_scoped3A = tpu.sem_alloc : memref<!tpu.dma_semaphore, #tpu.memory_space<semaphore_mem>>
      %dma_start3A = arith.constant 0 : i32
      %dma_start3A_111 = tpu.memref_slice %arg5[%add3A_63, %dma_start3A] : memref<20736x128xf32, #tpu.memory_space<hbm>> -> memref<128x128xf32, #tpu.memory_space<hbm>>
      %dma_start3A_112 = arith.constant 0 : i32
      %dma_start3A_113 = tpu.memref_slice %arg6[%mul3A_58, %dma_start3A_112] : memref<3584x128xf32, #tpu.memory_space<vmem_shared>> -> memref<128x128xf32, #tpu.memory_space<vmem_shared>>
      tpu.enqueue_dma source(%dma_start3A_113 : memref<128x128xf32, #tpu.memory_space<vmem_shared>>) target(%dma_start3A_111 : memref<128x128xf32, #tpu.memory_space<hbm>>) target_semaphore(%run_scoped3A : memref<!tpu.dma_semaphore, #tpu.memory_space<semaphore_mem>>)
      %dma_wait3A = arith.constant 0 : i32
      %dma_wait3A_114 = tpu.memref_slice %arg5[%add3A_63, %dma_wait3A] : memref<20736x128xf32, #tpu.memory_space<hbm>> -> memref<128x128xf32, #tpu.memory_space<hbm>>
      %dma_wait3A_115 = arith.constant 0 : i32
      %dma_wait3A_116 = tpu.memref_slice %arg6[%mul3A_58, %dma_wait3A_115] : memref<3584x128xf32, #tpu.memory_space<vmem_shared>> -> memref<128x128xf32, #tpu.memory_space<vmem_shared>>
      tpu.wait_dma2 semaphore(%run_scoped3A : memref<!tpu.dma_semaphore, #tpu.memory_space<semaphore_mem>>) src(%dma_wait3A_116 : memref<128x128xf32, #tpu.memory_space<vmem_shared>>) dst(%dma_wait3A_114 : memref<128x128xf32, #tpu.memory_space<hbm>>)
      tpu.yield
    }) : () -> ()
    %add3A_64 = arith.constant 128 : i32
    %add3A_65 = arith.addi %mul3A_58, %add3A_64 : i32
    %mul3A_66 = arith.constant 10368 : i32
    %mul3A_67 = arith.muli %arg0, %mul3A_66 : i32
    %add3A_68 = arith.constant 3456 : i32
    %add3A_69 = arith.addi %mul3A_67, %add3A_68 : i32
    %add3A_70 = arith.addi %add3A_69, %mul3A_58 : i32
    %add3A_71 = arith.constant 128 : i32
    %add3A_72 = arith.addi %add3A_70, %add3A_71 : i32
    "tpu.region"() ({
      %run_scoped3A = tpu.sem_alloc : memref<!tpu.dma_semaphore, #tpu.memory_space<semaphore_mem>>
      %dma_start3A = arith.constant 0 : i32
      %dma_start3A_111 = tpu.memref_slice %arg5[%add3A_72, %dma_start3A] : memref<20736x128xf32, #tpu.memory_space<hbm>> -> memref<88x128xf32, #tpu.memory_space<hbm>>
      %dma_start3A_112 = arith.constant 0 : i32
      %dma_start3A_113 = tpu.memref_slice %arg6[%add3A_65, %dma_start3A_112] : memref<3584x128xf32, #tpu.memory_space<vmem_shared>> -> memref<88x128xf32, #tpu.memory_space<vmem_shared>>
      tpu.enqueue_dma source(%dma_start3A_113 : memref<88x128xf32, #tpu.memory_space<vmem_shared>>) target(%dma_start3A_111 : memref<88x128xf32, #tpu.memory_space<hbm>>) target_semaphore(%run_scoped3A : memref<!tpu.dma_semaphore, #tpu.memory_space<semaphore_mem>>)
      %dma_wait3A = arith.constant 0 : i32
      %dma_wait3A_114 = tpu.memref_slice %arg5[%add3A_72, %dma_wait3A] : memref<20736x128xf32, #tpu.memory_space<hbm>> -> memref<88x128xf32, #tpu.memory_space<hbm>>
      %dma_wait3A_115 = arith.constant 0 : i32
      %dma_wait3A_116 = tpu.memref_slice %arg6[%add3A_65, %dma_wait3A_115] : memref<3584x128xf32, #tpu.memory_space<vmem_shared>> -> memref<88x128xf32, #tpu.memory_space<vmem_shared>>
      tpu.wait_dma2 semaphore(%run_scoped3A : memref<!tpu.dma_semaphore, #tpu.memory_space<semaphore_mem>>) src(%dma_wait3A_116 : memref<88x128xf32, #tpu.memory_space<vmem_shared>>) dst(%dma_wait3A_114 : memref<88x128xf32, #tpu.memory_space<hbm>>)
      tpu.yield
    }) : () -> ()
    %barrier3A_73 = arith.constant 0 : index
    tpu.barrier barrier_id(%barrier3A_73)
    %scan3A_74 = arith.constant 0 : i32
    %scan3A_75 = arith.constant 0 : i32
    %scan3A_76 = arith.constant 128 : i32
    %scan3A_77 = arith.addi %scan3A_75, %scan3A_76 : i32
    %scan3A_78 = arith.constant 1 : i32
    scf.for %scan3A_111 = %scan3A_75 to %scan3A_77 step %scan3A_78  : i32 {
      %swap3A = arith.index_cast %scan3A_111 : i32 to index
      %swap3A_112 = arith.constant 0 : index
      %swap3A_113 = tpu.vector_load %arg7[%swap3A, %swap3A_112] {strides = array<i32>} : memref<128x128xf32, #tpu.memory_space<vmem>>, vector<1x16xf32>,
      %swap3A_114 = vector.shape_cast %swap3A_113 : vector<1x16xf32> to vector<16xf32>
      %swap3A_115 = vector.shape_cast %broadcast_in_dim3A_1 : vector<16xf32> to vector<1x16xf32>
      tpu.vector_store %arg7[%swap3A, %swap3A_112], %swap3A_115 {strides = array<i32>} : memref<128x128xf32, #tpu.memory_space<vmem>>, vector<1x16xf32>,
      %swap3A_116 = arith.index_cast %scan3A_111 : i32 to index
      %swap3A_117 = arith.constant 16 : index
      %swap3A_118 = tpu.vector_load %arg7[%swap3A_116, %swap3A_117] {strides = array<i32>} : memref<128x128xf32, #tpu.memory_space<vmem>>, vector<1x16xf32>,
      %swap3A_119 = vector.shape_cast %swap3A_118 : vector<1x16xf32> to vector<16xf32>
      %swap3A_120 = vector.shape_cast %broadcast_in_dim3A_1 : vector<16xf32> to vector<1x16xf32>
      tpu.vector_store %arg7[%swap3A_116, %swap3A_117], %swap3A_120 {strides = array<i32>} : memref<128x128xf32, #tpu.memory_space<vmem>>, vector<1x16xf32>,
      %swap3A_121 = arith.index_cast %scan3A_111 : i32 to index
      %swap3A_122 = arith.constant 32 : index
      %swap3A_123 = tpu.vector_load %arg7[%swap3A_121, %swap3A_122] {strides = array<i32>} : memref<128x128xf32, #tpu.memory_space<vmem>>, vector<1x16xf32>,
      %swap3A_124 = vector.shape_cast %swap3A_123 : vector<1x16xf32> to vector<16xf32>
      %swap3A_125 = vector.shape_cast %broadcast_in_dim3A_1 : vector<16xf32> to vector<1x16xf32>
      tpu.vector_store %arg7[%swap3A_121, %swap3A_122], %swap3A_125 {strides = array<i32>} : memref<128x128xf32, #tpu.memory_space<vmem>>, vector<1x16xf32>,
      %swap3A_126 = arith.index_cast %scan3A_111 : i32 to index
      %swap3A_127 = arith.constant 48 : index
      %swap3A_128 = tpu.vector_load %arg7[%swap3A_126, %swap3A_127] {strides = array<i32>} : memref<128x128xf32, #tpu.memory_space<vmem>>, vector<1x16xf32>,
      %swap3A_129 = vector.shape_cast %swap3A_128 : vector<1x16xf32> to vector<16xf32>
      %swap3A_130 = vector.shape_cast %broadcast_in_dim3A_1 : vector<16xf32> to vector<1x16xf32>
      tpu.vector_store %arg7[%swap3A_126, %swap3A_127], %swap3A_130 {strides = array<i32>} : memref<128x128xf32, #tpu.memory_space<vmem>>, vector<1x16xf32>,
      %swap3A_131 = arith.index_cast %scan3A_111 : i32 to index
      %swap3A_132 = arith.constant 64 : index
      %swap3A_133 = tpu.vector_load %arg7[%swap3A_131, %swap3A_132] {strides = array<i32>} : memref<128x128xf32, #tpu.memory_space<vmem>>, vector<1x16xf32>,
      %swap3A_134 = vector.shape_cast %swap3A_133 : vector<1x16xf32> to vector<16xf32>
      %swap3A_135 = vector.shape_cast %broadcast_in_dim3A_1 : vector<16xf32> to vector<1x16xf32>
      tpu.vector_store %arg7[%swap3A_131, %swap3A_132], %swap3A_135 {strides = array<i32>} : memref<128x128xf32, #tpu.memory_space<vmem>>, vector<1x16xf32>,
      %swap3A_136 = arith.index_cast %scan3A_111 : i32 to index
      %swap3A_137 = arith.constant 80 : index
      %swap3A_138 = tpu.vector_load %arg7[%swap3A_136, %swap3A_137] {strides = array<i32>} : memref<128x128xf32, #tpu.memory_space<vmem>>, vector<1x16xf32>,
      %swap3A_139 = vector.shape_cast %swap3A_138 : vector<1x16xf32> to vector<16xf32>
      %swap3A_140 = vector.shape_cast %broadcast_in_dim3A_1 : vector<16xf32> to vector<1x16xf32>
      tpu.vector_store %arg7[%swap3A_136, %swap3A_137], %swap3A_140 {strides = array<i32>} : memref<128x128xf32, #tpu.memory_space<vmem>>, vector<1x16xf32>,
      %swap3A_141 = arith.index_cast %scan3A_111 : i32 to index
      %swap3A_142 = arith.constant 96 : index
      %swap3A_143 = tpu.vector_load %arg7[%swap3A_141, %swap3A_142] {strides = array<i32>} : memref<128x128xf32, #tpu.memory_space<vmem>>, vector<1x16xf32>,
      %swap3A_144 = vector.shape_cast %swap3A_143 : vector<1x16xf32> to vector<16xf32>
      %swap3A_145 = vector.shape_cast %broadcast_in_dim3A_1 : vector<16xf32> to vector<1x16xf32>
      tpu.vector_store %arg7[%swap3A_141, %swap3A_142], %swap3A_145 {strides = array<i32>} : memref<128x128xf32, #tpu.memory_space<vmem>>, vector<1x16xf32>,
      %swap3A_146 = arith.index_cast %scan3A_111 : i32 to index
      %swap3A_147 = arith.constant 112 : index
      %swap3A_148 = tpu.vector_load %arg7[%swap3A_146, %swap3A_147] {strides = array<i32>} : memref<128x128xf32, #tpu.memory_space<vmem>>, vector<1x16xf32>,
      %swap3A_149 = vector.shape_cast %swap3A_148 : vector<1x16xf32> to vector<16xf32>
      %swap3A_150 = vector.shape_cast %broadcast_in_dim3A_1 : vector<16xf32> to vector<1x16xf32>
      tpu.vector_store %arg7[%swap3A_146, %swap3A_147], %swap3A_150 {strides = array<i32>} : memref<128x128xf32, #tpu.memory_space<vmem>>, vector<1x16xf32>,
    }
    %scan3A_79 = arith.constant 128 : i32
    %mul3A_80 = arith.constant 224 : i32
    %mul3A_81 = arith.muli %arg1, %mul3A_80 : i32
    "tpu.region"() ({
      %run_scoped3A = tpu.sem_alloc : memref<!tpu.dma_semaphore, #tpu.memory_space<semaphore_mem>>
      %dma_start3A = arith.constant 0 : i32
      %dma_start3A_111 = tpu.memref_slice %arg6[%mul3A_81, %dma_start3A] : memref<3584x128xf32, #tpu.memory_space<vmem_shared>> -> memref<128x128xf32, #tpu.memory_space<vmem_shared>>
      %dma_start3A_112 = arith.constant 0 : i32
      %dma_start3A_113 = tpu.memref_slice %arg6[%mul3A_81, %dma_start3A_112] : memref<3584x128xf32, #tpu.memory_space<vmem_shared>> -> memref<128x128xf32, #tpu.memory_space<vmem_shared>>
      tpu.enqueue_dma source(%arg7 : memref<128x128xf32, #tpu.memory_space<vmem>>) target(%dma_start3A_113 : memref<128x128xf32, #tpu.memory_space<vmem_shared>>) target_semaphore(%run_scoped3A : memref<!tpu.dma_semaphore, #tpu.memory_space<semaphore_mem>>)
      %dma_wait3A = arith.constant 0 : i32
      %dma_wait3A_114 = tpu.memref_slice %arg6[%mul3A_81, %dma_wait3A] : memref<3584x128xf32, #tpu.memory_space<vmem_shared>> -> memref<128x128xf32, #tpu.memory_space<vmem_shared>>
      %dma_wait3A_115 = arith.constant 0 : i32
      %dma_wait3A_116 = tpu.memref_slice %arg6[%mul3A_81, %dma_wait3A_115] : memref<3584x128xf32, #tpu.memory_space<vmem_shared>> -> memref<128x128xf32, #tpu.memory_space<vmem_shared>>
      tpu.wait_dma2 semaphore(%run_scoped3A : memref<!tpu.dma_semaphore, #tpu.memory_space<semaphore_mem>>) src(%arg7 : memref<128x128xf32, #tpu.memory_space<vmem>>) dst(%dma_wait3A_116 : memref<128x128xf32, #tpu.memory_space<vmem_shared>>)
      tpu.yield
    }) : () -> ()
    %mul3A_82 = arith.constant 224 : i32
    %mul3A_83 = arith.muli %arg1, %mul3A_82 : i32
    %add3A_84 = arith.constant 128 : i32
    %add3A_85 = arith.addi %mul3A_83, %add3A_84 : i32
    "tpu.region"() ({
      %run_scoped3A = tpu.sem_alloc : memref<!tpu.dma_semaphore, #tpu.memory_space<semaphore_mem>>
      %dma_start3A = arith.constant 0 : i32
      %dma_start3A_111 = arith.constant 0 : i32
      %dma_start3A_112 = tpu.memref_slice %arg7[%dma_start3A, %dma_start3A_111] : memref<128x128xf32, #tpu.memory_space<vmem>> -> memref<96x128xf32, #tpu.memory_space<vmem>>
      %dma_start3A_113 = arith.constant 0 : i32
      %dma_start3A_114 = tpu.memref_slice %arg6[%add3A_85, %dma_start3A_113] : memref<3584x128xf32, #tpu.memory_space<vmem_shared>> -> memref<96x128xf32, #tpu.memory_space<vmem_shared>>
      %dma_start3A_115 = arith.constant 0 : i32
      %dma_start3A_116 = tpu.memref_slice %arg6[%add3A_85, %dma_start3A_115] : memref<3584x128xf32, #tpu.memory_space<vmem_shared>> -> memref<96x128xf32, #tpu.memory_space<vmem_shared>>
      %dma_start3A_117 = arith.constant 0 : i32
      %dma_start3A_118 = arith.constant 0 : i32
      %dma_start3A_119 = tpu.memref_slice %arg7[%dma_start3A_117, %dma_start3A_118] : memref<128x128xf32, #tpu.memory_space<vmem>> -> memref<96x128xf32, #tpu.memory_space<vmem>>
      tpu.enqueue_dma source(%dma_start3A_119 : memref<96x128xf32, #tpu.memory_space<vmem>>) target(%dma_start3A_116 : memref<96x128xf32, #tpu.memory_space<vmem_shared>>) target_semaphore(%run_scoped3A : memref<!tpu.dma_semaphore, #tpu.memory_space<semaphore_mem>>)
      %dma_wait3A = arith.constant 0 : i32
      %dma_wait3A_120 = arith.constant 0 : i32
      %dma_wait3A_121 = tpu.memref_slice %arg7[%dma_wait3A, %dma_wait3A_120] : memref<128x128xf32, #tpu.memory_space<vmem>> -> memref<96x128xf32, #tpu.memory_space<vmem>>
      %dma_wait3A_122 = arith.constant 0 : i32
      %dma_wait3A_123 = tpu.memref_slice %arg6[%add3A_85, %dma_wait3A_122] : memref<3584x128xf32, #tpu.memory_space<vmem_shared>> -> memref<96x128xf32, #tpu.memory_space<vmem_shared>>
      %dma_wait3A_124 = arith.constant 0 : i32
      %dma_wait3A_125 = tpu.memref_slice %arg6[%add3A_85, %dma_wait3A_124] : memref<3584x128xf32, #tpu.memory_space<vmem_shared>> -> memref<96x128xf32, #tpu.memory_space<vmem_shared>>
      %dma_wait3A_126 = arith.constant 0 : i32
      %dma_wait3A_127 = arith.constant 0 : i32
      %dma_wait3A_128 = tpu.memref_slice %arg7[%dma_wait3A_126, %dma_wait3A_127] : memref<128x128xf32, #tpu.memory_space<vmem>> -> memref<96x128xf32, #tpu.memory_space<vmem>>
      tpu.wait_dma2 semaphore(%run_scoped3A : memref<!tpu.dma_semaphore, #tpu.memory_space<semaphore_mem>>) src(%dma_wait3A_128 : memref<96x128xf32, #tpu.memory_space<vmem>>) dst(%dma_wait3A_125 : memref<96x128xf32, #tpu.memory_space<vmem_shared>>)
      tpu.yield
    }) : () -> ()
    %barrier3A_86 = arith.constant 0 : index
    tpu.barrier barrier_id(%barrier3A_86)
    %scan3A_87 = arith.constant 0 : i32
    %scan3A_88 = arith.constant 0 : i32
    %scan3A_89 = arith.constant 79 : i32
    %scan3A_90 = arith.addi %scan3A_88, %scan3A_89 : i32
    %scan3A_91 = arith.constant 1 : i32
    scf.for %scan3A_111 = %scan3A_88 to %scan3A_90 step %scan3A_91  : i32 {
      %mul3A_112 = arith.constant 79 : i32
      %mul3A_113 = arith.muli %add3A, %mul3A_112 : i32
      %add3A_114 = arith.addi %mul3A_113, %scan3A_111 : i32
      %mul3A_115 = arith.constant 384 : i32
      %mul3A_116 = arith.muli %add3A_114, %mul3A_115 : i32
      "tpu.region"() ({
        %run_scoped3A = tpu.sem_alloc : memref<!tpu.dma_semaphore, #tpu.memory_space<semaphore_mem>>
        %dma_start3A_293 = tpu.memref_slice %arg3[%mul3A_116] : memref<970752xi32, #tpu.memory_space<hbm>> -> memref<384xi32, #tpu.memory_space<hbm>>
        %dma_start3A_294 = tpu.memref_slice %arg3[%mul3A_116] : memref<970752xi32, #tpu.memory_space<hbm>> -> memref<384xi32, #tpu.memory_space<hbm>>
        tpu.enqueue_dma source(%dma_start3A_294 : memref<384xi32, #tpu.memory_space<hbm>>) target(%arg9 : memref<384xi32, #tpu.memory_space<vmem>>) target_semaphore(%run_scoped3A : memref<!tpu.dma_semaphore, #tpu.memory_space<semaphore_mem>>)
        %dma_wait3A_295 = tpu.memref_slice %arg3[%mul3A_116] : memref<970752xi32, #tpu.memory_space<hbm>> -> memref<384xi32, #tpu.memory_space<hbm>>
        %dma_wait3A_296 = tpu.memref_slice %arg3[%mul3A_116] : memref<970752xi32, #tpu.memory_space<hbm>> -> memref<384xi32, #tpu.memory_space<hbm>>
        tpu.wait_dma2 semaphore(%run_scoped3A : memref<!tpu.dma_semaphore, #tpu.memory_space<semaphore_mem>>) src(%dma_wait3A_296 : memref<384xi32, #tpu.memory_space<hbm>>) dst(%arg9 : memref<384xi32, #tpu.memory_space<vmem>>)
        tpu.yield
      }) : () -> ()
      %dma_start3A = arith.constant 256 : i32
      %dma_start3A_117 = tpu.memref_slice %arg9[%dma_start3A] : memref<384xi32, #tpu.memory_space<vmem>> -> memref<128xi32, #tpu.memory_space<vmem>>
      %dma_start3A_118 = arith.constant 0 : i32
      %dma_start3A_119 = arith.constant 0 : i32
      %dma_start3A_120 = tpu.memref_slice %arg4[%dma_start3A_118, %dma_start3A_119] : memref<81920x128xf32, #tpu.memory_space<hbm>> -> memref<81920x128xf32, #tpu.memory_space<hbm>>
      tpu.enqueue_indirect_dma source(%dma_start3A_120 : memref<81920x128xf32, #tpu.memory_space<hbm>>) target(%arg8 : memref<128x128xf32, #tpu.memory_space<vmem>>) offsets(%dma_start3A_117 : memref<128xi32, #tpu.memory_space<vmem>>) semaphore(%arg11 : memref<!tpu.dma_semaphore, #tpu.memory_space<semaphore_mem>>)
      %dma_start3A_121 = arith.constant 0 : i32
      %dma_start3A_122 = tpu.memref_slice %arg9[%dma_start3A_121] : memref<384xi32, #tpu.memory_space<vmem>> -> memref<128xi32, #tpu.memory_space<vmem>>
      %dma_start3A_123 = arith.constant 0 : i32
      %dma_start3A_124 = arith.constant 0 : i32
      %dma_start3A_125 = tpu.memref_slice %arg2[%dma_start3A_123, %dma_start3A_124] : memref<80000x128xf32, #tpu.memory_space<hbm>> -> memref<80000x128xf32, #tpu.memory_space<hbm>>
      tpu.enqueue_indirect_dma source(%dma_start3A_125 : memref<80000x128xf32, #tpu.memory_space<hbm>>) target(%arg7 : memref<128x128xf32, #tpu.memory_space<vmem>>) offsets(%dma_start3A_122 : memref<128xi32, #tpu.memory_space<vmem>>) semaphore(%arg11 : memref<!tpu.dma_semaphore, #tpu.memory_space<semaphore_mem>>)
      %get3A = arith.constant 128 : index
      %get3A_126 = tpu.vector_load %arg9[%get3A] {strides = array<i32>} : memref<384xi32, #tpu.memory_space<vmem>>, vector<16xi32>,
      %get3A_127 = vector.shape_cast %get3A_126 : vector<16xi32> to vector<16xi32>
      %sub3A = arith.constant 6912 : i32
      %sub3A_128 = vector.broadcast %sub3A : i32 to vector<16xi32>
      %sub3A_129 = arith.subi %get3A_127, %sub3A_128 : vector<16xi32>
      %ge3A = arith.constant 0 : i32
      %ge3A_130 = vector.broadcast %ge3A : i32 to vector<16xi32>
      %ge3A_131 = arith.cmpi sge, %sub3A_129, %ge3A_130 : vector<16xi32>
      %lt3A = arith.constant 3456 : i32
      %lt3A_132 = vector.broadcast %lt3A : i32 to vector<16xi32>
      %lt3A_133 = arith.cmpi slt, %sub3A_129, %lt3A_132 : vector<16xi32>
      %and3A = arith.andi %ge3A_131, %lt3A_133 : vector<16xi1>
      %jit3A = arith.constant 3520 : i32
      %broadcast_in_dim3A_134 = vector.broadcast %jit3A : i32 to vector<16xi32>
      %select_n3A = arith.select %and3A, %sub3A_129, %broadcast_in_dim3A_134 : vector<16xi1>, vector<16xi32>
      %swap3A = arith.constant 0 : index
      %swap3A_135 = tpu.vector_load %arg10[%swap3A] {strides = array<i32>} : memref<128xi32, #tpu.memory_space<vmem>>, vector<16xi32>,
      %swap3A_136 = vector.shape_cast %swap3A_135 : vector<16xi32> to vector<16xi32>
      %swap3A_137 = vector.shape_cast %select_n3A : vector<16xi32> to vector<16xi32>
      tpu.vector_store %arg10[%swap3A], %swap3A_137 {strides = array<i32>} : memref<128xi32, #tpu.memory_space<vmem>>, vector<16xi32>,
      %get3A_138 = arith.constant 144 : index
      %get3A_139 = tpu.vector_load %arg9[%get3A_138] {strides = array<i32>} : memref<384xi32, #tpu.memory_space<vmem>>, vector<16xi32>,
      %get3A_140 = vector.shape_cast %get3A_139 : vector<16xi32> to vector<16xi32>
      %sub3A_141 = arith.constant 6912 : i32
      %sub3A_142 = vector.broadcast %sub3A_141 : i32 to vector<16xi32>
      %sub3A_143 = arith.subi %get3A_140, %sub3A_142 : vector<16xi32>
      %ge3A_144 = arith.constant 0 : i32
      %ge3A_145 = vector.broadcast %ge3A_144 : i32 to vector<16xi32>
      %ge3A_146 = arith.cmpi sge, %sub3A_143, %ge3A_145 : vector<16xi32>
      %lt3A_147 = arith.constant 3456 : i32
      %lt3A_148 = vector.broadcast %lt3A_147 : i32 to vector<16xi32>
      %lt3A_149 = arith.cmpi slt, %sub3A_143, %lt3A_148 : vector<16xi32>
      %and3A_150 = arith.andi %ge3A_146, %lt3A_149 : vector<16xi1>
      %jit3A_151 = arith.constant 3520 : i32
      %broadcast_in_dim3A_152 = vector.broadcast %jit3A_151 : i32 to vector<16xi32>
      %select_n3A_153 = arith.select %and3A_150, %sub3A_143, %broadcast_in_dim3A_152 : vector<16xi1>, vector<16xi32>
      %swap3A_154 = arith.constant 16 : index
      %swap3A_155 = tpu.vector_load %arg10[%swap3A_154] {strides = array<i32>} : memref<128xi32, #tpu.memory_space<vmem>>, vector<16xi32>,
      %swap3A_156 = vector.shape_cast %swap3A_155 : vector<16xi32> to vector<16xi32>
      %swap3A_157 = vector.shape_cast %select_n3A_153 : vector<16xi32> to vector<16xi32>
      tpu.vector_store %arg10[%swap3A_154], %swap3A_157 {strides = array<i32>} : memref<128xi32, #tpu.memory_space<vmem>>, vector<16xi32>,
      %get3A_158 = arith.constant 160 : index
      %get3A_159 = tpu.vector_load %arg9[%get3A_158] {strides = array<i32>} : memref<384xi32, #tpu.memory_space<vmem>>, vector<16xi32>,
      %get3A_160 = vector.shape_cast %get3A_159 : vector<16xi32> to vector<16xi32>
      %sub3A_161 = arith.constant 6912 : i32
      %sub3A_162 = vector.broadcast %sub3A_161 : i32 to vector<16xi32>
      %sub3A_163 = arith.subi %get3A_160, %sub3A_162 : vector<16xi32>
      %ge3A_164 = arith.constant 0 : i32
      %ge3A_165 = vector.broadcast %ge3A_164 : i32 to vector<16xi32>
      %ge3A_166 = arith.cmpi sge, %sub3A_163, %ge3A_165 : vector<16xi32>
      %lt3A_167 = arith.constant 3456 : i32
      %lt3A_168 = vector.broadcast %lt3A_167 : i32 to vector<16xi32>
      %lt3A_169 = arith.cmpi slt, %sub3A_163, %lt3A_168 : vector<16xi32>
      %and3A_170 = arith.andi %ge3A_166, %lt3A_169 : vector<16xi1>
      %jit3A_171 = arith.constant 3520 : i32
      %broadcast_in_dim3A_172 = vector.broadcast %jit3A_171 : i32 to vector<16xi32>
      %select_n3A_173 = arith.select %and3A_170, %sub3A_163, %broadcast_in_dim3A_172 : vector<16xi1>, vector<16xi32>
      %swap3A_174 = arith.constant 32 : index
      %swap3A_175 = tpu.vector_load %arg10[%swap3A_174] {strides = array<i32>} : memref<128xi32, #tpu.memory_space<vmem>>, vector<16xi32>,
      %swap3A_176 = vector.shape_cast %swap3A_175 : vector<16xi32> to vector<16xi32>
      %swap3A_177 = vector.shape_cast %select_n3A_173 : vector<16xi32> to vector<16xi32>
      tpu.vector_store %arg10[%swap3A_174], %swap3A_177 {strides = array<i32>} : memref<128xi32, #tpu.memory_space<vmem>>, vector<16xi32>,
      %get3A_178 = arith.constant 176 : index
      %get3A_179 = tpu.vector_load %arg9[%get3A_178] {strides = array<i32>} : memref<384xi32, #tpu.memory_space<vmem>>, vector<16xi32>,
      %get3A_180 = vector.shape_cast %get3A_179 : vector<16xi32> to vector<16xi32>
      %sub3A_181 = arith.constant 6912 : i32
      %sub3A_182 = vector.broadcast %sub3A_181 : i32 to vector<16xi32>
      %sub3A_183 = arith.subi %get3A_180, %sub3A_182 : vector<16xi32>
      %ge3A_184 = arith.constant 0 : i32
      %ge3A_185 = vector.broadcast %ge3A_184 : i32 to vector<16xi32>
      %ge3A_186 = arith.cmpi sge, %sub3A_183, %ge3A_185 : vector<16xi32>
      %lt3A_187 = arith.constant 3456 : i32
      %lt3A_188 = vector.broadcast %lt3A_187 : i32 to vector<16xi32>
      %lt3A_189 = arith.cmpi slt, %sub3A_183, %lt3A_188 : vector<16xi32>
      %and3A_190 = arith.andi %ge3A_186, %lt3A_189 : vector<16xi1>
      %jit3A_191 = arith.constant 3520 : i32
      %broadcast_in_dim3A_192 = vector.broadcast %jit3A_191 : i32 to vector<16xi32>
      %select_n3A_193 = arith.select %and3A_190, %sub3A_183, %broadcast_in_dim3A_192 : vector<16xi1>, vector<16xi32>
      %swap3A_194 = arith.constant 48 : index
      %swap3A_195 = tpu.vector_load %arg10[%swap3A_194] {strides = array<i32>} : memref<128xi32, #tpu.memory_space<vmem>>, vector<16xi32>,
      %swap3A_196 = vector.shape_cast %swap3A_195 : vector<16xi32> to vector<16xi32>
      %swap3A_197 = vector.shape_cast %select_n3A_193 : vector<16xi32> to vector<16xi32>
      tpu.vector_store %arg10[%swap3A_194], %swap3A_197 {strides = array<i32>} : memref<128xi32, #tpu.memory_space<vmem>>, vector<16xi32>,
      %get3A_198 = arith.constant 192 : index
      %get3A_199 = tpu.vector_load %arg9[%get3A_198] {strides = array<i32>} : memref<384xi32, #tpu.memory_space<vmem>>, vector<16xi32>,
      %get3A_200 = vector.shape_cast %get3A_199 : vector<16xi32> to vector<16xi32>
      %sub3A_201 = arith.constant 6912 : i32
      %sub3A_202 = vector.broadcast %sub3A_201 : i32 to vector<16xi32>
      %sub3A_203 = arith.subi %get3A_200, %sub3A_202 : vector<16xi32>
      %ge3A_204 = arith.constant 0 : i32
      %ge3A_205 = vector.broadcast %ge3A_204 : i32 to vector<16xi32>
      %ge3A_206 = arith.cmpi sge, %sub3A_203, %ge3A_205 : vector<16xi32>
      %lt3A_207 = arith.constant 3456 : i32
      %lt3A_208 = vector.broadcast %lt3A_207 : i32 to vector<16xi32>
      %lt3A_209 = arith.cmpi slt, %sub3A_203, %lt3A_208 : vector<16xi32>
      %and3A_210 = arith.andi %ge3A_206, %lt3A_209 : vector<16xi1>
      %jit3A_211 = arith.constant 3520 : i32
      %broadcast_in_dim3A_212 = vector.broadcast %jit3A_211 : i32 to vector<16xi32>
      %select_n3A_213 = arith.select %and3A_210, %sub3A_203, %broadcast_in_dim3A_212 : vector<16xi1>, vector<16xi32>
      %swap3A_214 = arith.constant 64 : index
      %swap3A_215 = tpu.vector_load %arg10[%swap3A_214] {strides = array<i32>} : memref<128xi32, #tpu.memory_space<vmem>>, vector<16xi32>,
      %swap3A_216 = vector.shape_cast %swap3A_215 : vector<16xi32> to vector<16xi32>
      %swap3A_217 = vector.shape_cast %select_n3A_213 : vector<16xi32> to vector<16xi32>
      tpu.vector_store %arg10[%swap3A_214], %swap3A_217 {strides = array<i32>} : memref<128xi32, #tpu.memory_space<vmem>>, vector<16xi32>,
      %get3A_218 = arith.constant 208 : index
      %get3A_219 = tpu.vector_load %arg9[%get3A_218] {strides = array<i32>} : memref<384xi32, #tpu.memory_space<vmem>>, vector<16xi32>,
      %get3A_220 = vector.shape_cast %get3A_219 : vector<16xi32> to vector<16xi32>
      %sub3A_221 = arith.constant 6912 : i32
      %sub3A_222 = vector.broadcast %sub3A_221 : i32 to vector<16xi32>
      %sub3A_223 = arith.subi %get3A_220, %sub3A_222 : vector<16xi32>
      %ge3A_224 = arith.constant 0 : i32
      %ge3A_225 = vector.broadcast %ge3A_224 : i32 to vector<16xi32>
      %ge3A_226 = arith.cmpi sge, %sub3A_223, %ge3A_225 : vector<16xi32>
      %lt3A_227 = arith.constant 3456 : i32
      %lt3A_228 = vector.broadcast %lt3A_227 : i32 to vector<16xi32>
      %lt3A_229 = arith.cmpi slt, %sub3A_223, %lt3A_228 : vector<16xi32>
      %and3A_230 = arith.andi %ge3A_226, %lt3A_229 : vector<16xi1>
      %jit3A_231 = arith.constant 3520 : i32
      %broadcast_in_dim3A_232 = vector.broadcast %jit3A_231 : i32 to vector<16xi32>
      %select_n3A_233 = arith.select %and3A_230, %sub3A_223, %broadcast_in_dim3A_232 : vector<16xi1>, vector<16xi32>
      %swap3A_234 = arith.constant 80 : index
      %swap3A_235 = tpu.vector_load %arg10[%swap3A_234] {strides = array<i32>} : memref<128xi32, #tpu.memory_space<vmem>>, vector<16xi32>,
      %swap3A_236 = vector.shape_cast %swap3A_235 : vector<16xi32> to vector<16xi32>
      %swap3A_237 = vector.shape_cast %select_n3A_233 : vector<16xi32> to vector<16xi32>
      tpu.vector_store %arg10[%swap3A_234], %swap3A_237 {strides = array<i32>} : memref<128xi32, #tpu.memory_space<vmem>>, vector<16xi32>,
      %get3A_238 = arith.constant 224 : index
      %get3A_239 = tpu.vector_load %arg9[%get3A_238] {strides = array<i32>} : memref<384xi32, #tpu.memory_space<vmem>>, vector<16xi32>,
      %get3A_240 = vector.shape_cast %get3A_239 : vector<16xi32> to vector<16xi32>
      %sub3A_241 = arith.constant 6912 : i32
      %sub3A_242 = vector.broadcast %sub3A_241 : i32 to vector<16xi32>
      %sub3A_243 = arith.subi %get3A_240, %sub3A_242 : vector<16xi32>
      %ge3A_244 = arith.constant 0 : i32
      %ge3A_245 = vector.broadcast %ge3A_244 : i32 to vector<16xi32>
      %ge3A_246 = arith.cmpi sge, %sub3A_243, %ge3A_245 : vector<16xi32>
      %lt3A_247 = arith.constant 3456 : i32
      %lt3A_248 = vector.broadcast %lt3A_247 : i32 to vector<16xi32>
      %lt3A_249 = arith.cmpi slt, %sub3A_243, %lt3A_248 : vector<16xi32>
      %and3A_250 = arith.andi %ge3A_246, %lt3A_249 : vector<16xi1>
      %jit3A_251 = arith.constant 3520 : i32
      %broadcast_in_dim3A_252 = vector.broadcast %jit3A_251 : i32 to vector<16xi32>
      %select_n3A_253 = arith.select %and3A_250, %sub3A_243, %broadcast_in_dim3A_252 : vector<16xi1>, vector<16xi32>
      %swap3A_254 = arith.constant 96 : index
      %swap3A_255 = tpu.vector_load %arg10[%swap3A_254] {strides = array<i32>} : memref<128xi32, #tpu.memory_space<vmem>>, vector<16xi32>,
      %swap3A_256 = vector.shape_cast %swap3A_255 : vector<16xi32> to vector<16xi32>
      %swap3A_257 = vector.shape_cast %select_n3A_253 : vector<16xi32> to vector<16xi32>
      tpu.vector_store %arg10[%swap3A_254], %swap3A_257 {strides = array<i32>} : memref<128xi32, #tpu.memory_space<vmem>>, vector<16xi32>,
      %get3A_258 = arith.constant 240 : index
      %get3A_259 = tpu.vector_load %arg9[%get3A_258] {strides = array<i32>} : memref<384xi32, #tpu.memory_space<vmem>>, vector<16xi32>,
      %get3A_260 = vector.shape_cast %get3A_259 : vector<16xi32> to vector<16xi32>
      %sub3A_261 = arith.constant 6912 : i32
      %sub3A_262 = vector.broadcast %sub3A_261 : i32 to vector<16xi32>
      %sub3A_263 = arith.subi %get3A_260, %sub3A_262 : vector<16xi32>
      %ge3A_264 = arith.constant 0 : i32
      %ge3A_265 = vector.broadcast %ge3A_264 : i32 to vector<16xi32>
      %ge3A_266 = arith.cmpi sge, %sub3A_263, %ge3A_265 : vector<16xi32>
      %lt3A_267 = arith.constant 3456 : i32
      %lt3A_268 = vector.broadcast %lt3A_267 : i32 to vector<16xi32>
      %lt3A_269 = arith.cmpi slt, %sub3A_263, %lt3A_268 : vector<16xi32>
      %and3A_270 = arith.andi %ge3A_266, %lt3A_269 : vector<16xi1>
      %jit3A_271 = arith.constant 3520 : i32
      %broadcast_in_dim3A_272 = vector.broadcast %jit3A_271 : i32 to vector<16xi32>
      %select_n3A_273 = arith.select %and3A_270, %sub3A_263, %broadcast_in_dim3A_272 : vector<16xi1>, vector<16xi32>
      %swap3A_274 = arith.constant 112 : index
      %swap3A_275 = tpu.vector_load %arg10[%swap3A_274] {strides = array<i32>} : memref<128xi32, #tpu.memory_space<vmem>>, vector<16xi32>,
      %swap3A_276 = vector.shape_cast %swap3A_275 : vector<16xi32> to vector<16xi32>
      %swap3A_277 = vector.shape_cast %select_n3A_273 : vector<16xi32> to vector<16xi32>
      tpu.vector_store %arg10[%swap3A_274], %swap3A_277 {strides = array<i32>} : memref<128xi32, #tpu.memory_space<vmem>>, vector<16xi32>,
      %dma_wait3A = arith.constant 256 : i32
      %dma_wait3A_278 = tpu.memref_slice %arg9[%dma_wait3A] : memref<384xi32, #tpu.memory_space<vmem>> -> memref<128xi32, #tpu.memory_space<vmem>>
      %dma_wait3A_279 = arith.constant 0 : i32
      %dma_wait3A_280 = arith.constant 0 : i32
      %dma_wait3A_281 = tpu.memref_slice %arg4[%dma_wait3A_279, %dma_wait3A_280] : memref<81920x128xf32, #tpu.memory_space<hbm>> -> memref<81920x128xf32, #tpu.memory_space<hbm>>
      tpu.wait_indirect_dma semaphore(%arg11 : memref<!tpu.dma_semaphore, #tpu.memory_space<semaphore_mem>>) src(%dma_wait3A_281 : memref<81920x128xf32, #tpu.memory_space<hbm>>) dst(%arg8 : memref<128x128xf32, #tpu.memory_space<vmem>>)
      %dma_wait3A_282 = arith.constant 0 : i32
      %dma_wait3A_283 = tpu.memref_slice %arg9[%dma_wait3A_282] : memref<384xi32, #tpu.memory_space<vmem>> -> memref<128xi32, #tpu.memory_space<vmem>>
      %dma_wait3A_284 = arith.constant 0 : i32
      %dma_wait3A_285 = arith.constant 0 : i32
      %dma_wait3A_286 = tpu.memref_slice %arg2[%dma_wait3A_284, %dma_wait3A_285] : memref<80000x128xf32, #tpu.memory_space<hbm>> -> memref<80000x128xf32, #tpu.memory_space<hbm>>
      tpu.wait_indirect_dma semaphore(%arg11 : memref<!tpu.dma_semaphore, #tpu.memory_space<semaphore_mem>>) src(%dma_wait3A_286 : memref<80000x128xf32, #tpu.memory_space<hbm>>) dst(%arg7 : memref<128x128xf32, #tpu.memory_space<vmem>>)
      %scan3A_287 = arith.constant 0 : i32
      %scan3A_288 = arith.constant 0 : i32
      %scan3A_289 = arith.constant 128 : i32
      %scan3A_290 = arith.addi %scan3A_288, %scan3A_289 : i32
      %scan3A_291 = arith.constant 1 : i32
      scf.for %scan3A_293 = %scan3A_288 to %scan3A_290 step %scan3A_291  : i32 {
        %get3A_294 = arith.index_cast %scan3A_293 : i32 to index
        %get3A_295 = arith.constant 0 : index
        %get3A_296 = tpu.vector_load %arg7[%get3A_294, %get3A_295] {strides = array<i32>} : memref<128x128xf32, #tpu.memory_space<vmem>>, vector<1x16xf32>,
        %get3A_297 = vector.shape_cast %get3A_296 : vector<1x16xf32> to vector<16xf32>
        %get3A_298 = arith.index_cast %scan3A_293 : i32 to index
        %get3A_299 = arith.constant 0 : index
        %get3A_300 = tpu.vector_load %arg8[%get3A_298, %get3A_299] {strides = array<i32>} : memref<128x128xf32, #tpu.memory_space<vmem>>, vector<1x16xf32>,
        %get3A_301 = vector.shape_cast %get3A_300 : vector<1x16xf32> to vector<16xf32>
        %mul3A_302 = arith.mulf %get3A_297, %get3A_301 : vector<16xf32>
        %swap3A_303 = arith.index_cast %scan3A_293 : i32 to index
        %swap3A_304 = arith.constant 0 : index
        %swap3A_305 = tpu.vector_load %arg7[%swap3A_303, %swap3A_304] {strides = array<i32>} : memref<128x128xf32, #tpu.memory_space<vmem>>, vector<1x16xf32>,
        %swap3A_306 = vector.shape_cast %swap3A_305 : vector<1x16xf32> to vector<16xf32>
        %swap3A_307 = vector.shape_cast %mul3A_302 : vector<16xf32> to vector<1x16xf32>
        tpu.vector_store %arg7[%swap3A_303, %swap3A_304], %swap3A_307 {strides = array<i32>} : memref<128x128xf32, #tpu.memory_space<vmem>>, vector<1x16xf32>,
        %get3A_308 = arith.index_cast %scan3A_293 : i32 to index
        %get3A_309 = arith.constant 16 : index
        %get3A_310 = tpu.vector_load %arg7[%get3A_308, %get3A_309] {strides = array<i32>} : memref<128x128xf32, #tpu.memory_space<vmem>>, vector<1x16xf32>,
        %get3A_311 = vector.shape_cast %get3A_310 : vector<1x16xf32> to vector<16xf32>
        %get3A_312 = arith.index_cast %scan3A_293 : i32 to index
        %get3A_313 = arith.constant 16 : index
        %get3A_314 = tpu.vector_load %arg8[%get3A_312, %get3A_313] {strides = array<i32>} : memref<128x128xf32, #tpu.memory_space<vmem>>, vector<1x16xf32>,
        %get3A_315 = vector.shape_cast %get3A_314 : vector<1x16xf32> to vector<16xf32>
        %mul3A_316 = arith.mulf %get3A_311, %get3A_315 : vector<16xf32>
        %swap3A_317 = arith.index_cast %scan3A_293 : i32 to index
        %swap3A_318 = arith.constant 16 : index
        %swap3A_319 = tpu.vector_load %arg7[%swap3A_317, %swap3A_318] {strides = array<i32>} : memref<128x128xf32, #tpu.memory_space<vmem>>, vector<1x16xf32>,
        %swap3A_320 = vector.shape_cast %swap3A_319 : vector<1x16xf32> to vector<16xf32>
        %swap3A_321 = vector.shape_cast %mul3A_316 : vector<16xf32> to vector<1x16xf32>
        tpu.vector_store %arg7[%swap3A_317, %swap3A_318], %swap3A_321 {strides = array<i32>} : memref<128x128xf32, #tpu.memory_space<vmem>>, vector<1x16xf32>,
        %get3A_322 = arith.index_cast %scan3A_293 : i32 to index
        %get3A_323 = arith.constant 32 : index
        %get3A_324 = tpu.vector_load %arg7[%get3A_322, %get3A_323] {strides = array<i32>} : memref<128x128xf32, #tpu.memory_space<vmem>>, vector<1x16xf32>,
        %get3A_325 = vector.shape_cast %get3A_324 : vector<1x16xf32> to vector<16xf32>
        %get3A_326 = arith.index_cast %scan3A_293 : i32 to index
        %get3A_327 = arith.constant 32 : index
        %get3A_328 = tpu.vector_load %arg8[%get3A_326, %get3A_327] {strides = array<i32>} : memref<128x128xf32, #tpu.memory_space<vmem>>, vector<1x16xf32>,
        %get3A_329 = vector.shape_cast %get3A_328 : vector<1x16xf32> to vector<16xf32>
        %mul3A_330 = arith.mulf %get3A_325, %get3A_329 : vector<16xf32>
        %swap3A_331 = arith.index_cast %scan3A_293 : i32 to index
        %swap3A_332 = arith.constant 32 : index
        %swap3A_333 = tpu.vector_load %arg7[%swap3A_331, %swap3A_332] {strides = array<i32>} : memref<128x128xf32, #tpu.memory_space<vmem>>, vector<1x16xf32>,
        %swap3A_334 = vector.shape_cast %swap3A_333 : vector<1x16xf32> to vector<16xf32>
        %swap3A_335 = vector.shape_cast %mul3A_330 : vector<16xf32> to vector<1x16xf32>
        tpu.vector_store %arg7[%swap3A_331, %swap3A_332], %swap3A_335 {strides = array<i32>} : memref<128x128xf32, #tpu.memory_space<vmem>>, vector<1x16xf32>,
        %get3A_336 = arith.index_cast %scan3A_293 : i32 to index
        %get3A_337 = arith.constant 48 : index
        %get3A_338 = tpu.vector_load %arg7[%get3A_336, %get3A_337] {strides = array<i32>} : memref<128x128xf32, #tpu.memory_space<vmem>>, vector<1x16xf32>,
        %get3A_339 = vector.shape_cast %get3A_338 : vector<1x16xf32> to vector<16xf32>
        %get3A_340 = arith.index_cast %scan3A_293 : i32 to index
        %get3A_341 = arith.constant 48 : index
        %get3A_342 = tpu.vector_load %arg8[%get3A_340, %get3A_341] {strides = array<i32>} : memref<128x128xf32, #tpu.memory_space<vmem>>, vector<1x16xf32>,
        %get3A_343 = vector.shape_cast %get3A_342 : vector<1x16xf32> to vector<16xf32>
        %mul3A_344 = arith.mulf %get3A_339, %get3A_343 : vector<16xf32>
        %swap3A_345 = arith.index_cast %scan3A_293 : i32 to index
        %swap3A_346 = arith.constant 48 : index
        %swap3A_347 = tpu.vector_load %arg7[%swap3A_345, %swap3A_346] {strides = array<i32>} : memref<128x128xf32, #tpu.memory_space<vmem>>, vector<1x16xf32>,
        %swap3A_348 = vector.shape_cast %swap3A_347 : vector<1x16xf32> to vector<16xf32>
        %swap3A_349 = vector.shape_cast %mul3A_344 : vector<16xf32> to vector<1x16xf32>
        tpu.vector_store %arg7[%swap3A_345, %swap3A_346], %swap3A_349 {strides = array<i32>} : memref<128x128xf32, #tpu.memory_space<vmem>>, vector<1x16xf32>,
        %get3A_350 = arith.index_cast %scan3A_293 : i32 to index
        %get3A_351 = arith.constant 64 : index
        %get3A_352 = tpu.vector_load %arg7[%get3A_350, %get3A_351] {strides = array<i32>} : memref<128x128xf32, #tpu.memory_space<vmem>>, vector<1x16xf32>,
        %get3A_353 = vector.shape_cast %get3A_352 : vector<1x16xf32> to vector<16xf32>
        %get3A_354 = arith.index_cast %scan3A_293 : i32 to index
        %get3A_355 = arith.constant 64 : index
        %get3A_356 = tpu.vector_load %arg8[%get3A_354, %get3A_355] {strides = array<i32>} : memref<128x128xf32, #tpu.memory_space<vmem>>, vector<1x16xf32>,
        %get3A_357 = vector.shape_cast %get3A_356 : vector<1x16xf32> to vector<16xf32>
        %mul3A_358 = arith.mulf %get3A_353, %get3A_357 : vector<16xf32>
        %swap3A_359 = arith.index_cast %scan3A_293 : i32 to index
        %swap3A_360 = arith.constant 64 : index
        %swap3A_361 = tpu.vector_load %arg7[%swap3A_359, %swap3A_360] {strides = array<i32>} : memref<128x128xf32, #tpu.memory_space<vmem>>, vector<1x16xf32>,
        %swap3A_362 = vector.shape_cast %swap3A_361 : vector<1x16xf32> to vector<16xf32>
        %swap3A_363 = vector.shape_cast %mul3A_358 : vector<16xf32> to vector<1x16xf32>
        tpu.vector_store %arg7[%swap3A_359, %swap3A_360], %swap3A_363 {strides = array<i32>} : memref<128x128xf32, #tpu.memory_space<vmem>>, vector<1x16xf32>,
        %get3A_364 = arith.index_cast %scan3A_293 : i32 to index
        %get3A_365 = arith.constant 80 : index
        %get3A_366 = tpu.vector_load %arg7[%get3A_364, %get3A_365] {strides = array<i32>} : memref<128x128xf32, #tpu.memory_space<vmem>>, vector<1x16xf32>,
        %get3A_367 = vector.shape_cast %get3A_366 : vector<1x16xf32> to vector<16xf32>
        %get3A_368 = arith.index_cast %scan3A_293 : i32 to index
        %get3A_369 = arith.constant 80 : index
        %get3A_370 = tpu.vector_load %arg8[%get3A_368, %get3A_369] {strides = array<i32>} : memref<128x128xf32, #tpu.memory_space<vmem>>, vector<1x16xf32>,
        %get3A_371 = vector.shape_cast %get3A_370 : vector<1x16xf32> to vector<16xf32>
        %mul3A_372 = arith.mulf %get3A_367, %get3A_371 : vector<16xf32>
        %swap3A_373 = arith.index_cast %scan3A_293 : i32 to index
        %swap3A_374 = arith.constant 80 : index
        %swap3A_375 = tpu.vector_load %arg7[%swap3A_373, %swap3A_374] {strides = array<i32>} : memref<128x128xf32, #tpu.memory_space<vmem>>, vector<1x16xf32>,
        %swap3A_376 = vector.shape_cast %swap3A_375 : vector<1x16xf32> to vector<16xf32>
        %swap3A_377 = vector.shape_cast %mul3A_372 : vector<16xf32> to vector<1x16xf32>
        tpu.vector_store %arg7[%swap3A_373, %swap3A_374], %swap3A_377 {strides = array<i32>} : memref<128x128xf32, #tpu.memory_space<vmem>>, vector<1x16xf32>,
        %get3A_378 = arith.index_cast %scan3A_293 : i32 to index
        %get3A_379 = arith.constant 96 : index
        %get3A_380 = tpu.vector_load %arg7[%get3A_378, %get3A_379] {strides = array<i32>} : memref<128x128xf32, #tpu.memory_space<vmem>>, vector<1x16xf32>,
        %get3A_381 = vector.shape_cast %get3A_380 : vector<1x16xf32> to vector<16xf32>
        %get3A_382 = arith.index_cast %scan3A_293 : i32 to index
        %get3A_383 = arith.constant 96 : index
        %get3A_384 = tpu.vector_load %arg8[%get3A_382, %get3A_383] {strides = array<i32>} : memref<128x128xf32, #tpu.memory_space<vmem>>, vector<1x16xf32>,
        %get3A_385 = vector.shape_cast %get3A_384 : vector<1x16xf32> to vector<16xf32>
        %mul3A_386 = arith.mulf %get3A_381, %get3A_385 : vector<16xf32>
        %swap3A_387 = arith.index_cast %scan3A_293 : i32 to index
        %swap3A_388 = arith.constant 96 : index
        %swap3A_389 = tpu.vector_load %arg7[%swap3A_387, %swap3A_388] {strides = array<i32>} : memref<128x128xf32, #tpu.memory_space<vmem>>, vector<1x16xf32>,
        %swap3A_390 = vector.shape_cast %swap3A_389 : vector<1x16xf32> to vector<16xf32>
        %swap3A_391 = vector.shape_cast %mul3A_386 : vector<16xf32> to vector<1x16xf32>
        tpu.vector_store %arg7[%swap3A_387, %swap3A_388], %swap3A_391 {strides = array<i32>} : memref<128x128xf32, #tpu.memory_space<vmem>>, vector<1x16xf32>,
        %get3A_392 = arith.index_cast %scan3A_293 : i32 to index
        %get3A_393 = arith.constant 112 : index
        %get3A_394 = tpu.vector_load %arg7[%get3A_392, %get3A_393] {strides = array<i32>} : memref<128x128xf32, #tpu.memory_space<vmem>>, vector<1x16xf32>,
        %get3A_395 = vector.shape_cast %get3A_394 : vector<1x16xf32> to vector<16xf32>
        %get3A_396 = arith.index_cast %scan3A_293 : i32 to index
        %get3A_397 = arith.constant 112 : index
        %get3A_398 = tpu.vector_load %arg8[%get3A_396, %get3A_397] {strides = array<i32>} : memref<128x128xf32, #tpu.memory_space<vmem>>, vector<1x16xf32>,
        %get3A_399 = vector.shape_cast %get3A_398 : vector<1x16xf32> to vector<16xf32>
        %mul3A_400 = arith.mulf %get3A_395, %get3A_399 : vector<16xf32>
        %swap3A_401 = arith.index_cast %scan3A_293 : i32 to index
        %swap3A_402 = arith.constant 112 : index
        %swap3A_403 = tpu.vector_load %arg7[%swap3A_401, %swap3A_402] {strides = array<i32>} : memref<128x128xf32, #tpu.memory_space<vmem>>, vector<1x16xf32>,
        %swap3A_404 = vector.shape_cast %swap3A_403 : vector<1x16xf32> to vector<16xf32>
        %swap3A_405 = vector.shape_cast %mul3A_400 : vector<16xf32> to vector<1x16xf32>
        tpu.vector_store %arg7[%swap3A_401, %swap3A_402], %swap3A_405 {strides = array<i32>} : memref<128x128xf32, #tpu.memory_space<vmem>>, vector<1x16xf32>,
      }
      %scan3A_292 = arith.constant 128 : i32
      "tpu.region"() ({
        %run_scoped3A = tpu.sem_alloc : memref<!tpu.dma_semaphore, #tpu.memory_space<semaphore_mem>>
        %dma_start3A_293 = arith.constant 0 : i32
        %dma_start3A_294 = arith.constant 0 : i32
        %dma_start3A_295 = tpu.memref_slice %arg6[%dma_start3A_293, %dma_start3A_294] : memref<3584x128xf32, #tpu.memory_space<vmem_shared>> -> memref<3584x128xf32, #tpu.memory_space<vmem_shared>>
        tpu.enqueue_indirect_dma source(%arg7 : memref<128x128xf32, #tpu.memory_space<vmem>>) target(%dma_start3A_295 : memref<3584x128xf32, #tpu.memory_space<vmem_shared>>) offsets(%arg10 : memref<128xi32, #tpu.memory_space<vmem>>) semaphore(%run_scoped3A : memref<!tpu.dma_semaphore, #tpu.memory_space<semaphore_mem>>) {add = true}
        %dma_wait3A_296 = arith.constant 0 : i32
        %dma_wait3A_297 = arith.constant 0 : i32
        %dma_wait3A_298 = tpu.memref_slice %arg6[%dma_wait3A_296, %dma_wait3A_297] : memref<3584x128xf32, #tpu.memory_space<vmem_shared>> -> memref<3584x128xf32, #tpu.memory_space<vmem_shared>>
        tpu.wait_indirect_dma semaphore(%run_scoped3A : memref<!tpu.dma_semaphore, #tpu.memory_space<semaphore_mem>>) src(%arg7 : memref<128x128xf32, #tpu.memory_space<vmem>>) dst(%dma_wait3A_298 : memref<3584x128xf32, #tpu.memory_space<vmem_shared>>)
        tpu.yield
      }) : () -> ()
    }
    %scan3A_92 = arith.constant 79 : i32
    %barrier3A_93 = arith.constant 0 : index
    tpu.barrier barrier_id(%barrier3A_93)
    %mul3A_94 = arith.constant 216 : i32
    %mul3A_95 = arith.muli %arg1, %mul3A_94 : i32
    %mul3A_96 = arith.constant 10368 : i32
    %mul3A_97 = arith.muli %arg0, %mul3A_96 : i32
    %add3A_98 = arith.constant 6912 : i32
    %add3A_99 = arith.addi %mul3A_97, %add3A_98 : i32
    %add3A_100 = arith.addi %add3A_99, %mul3A_95 : i32
    "tpu.region"() ({
      %run_scoped3A = tpu.sem_alloc : memref<!tpu.dma_semaphore, #tpu.memory_space<semaphore_mem>>
      %dma_start3A = arith.constant 0 : i32
      %dma_start3A_111 = tpu.memref_slice %arg5[%add3A_100, %dma_start3A] : memref<20736x128xf32, #tpu.memory_space<hbm>> -> memref<128x128xf32, #tpu.memory_space<hbm>>
      %dma_start3A_112 = arith.constant 0 : i32
      %dma_start3A_113 = tpu.memref_slice %arg6[%mul3A_95, %dma_start3A_112] : memref<3584x128xf32, #tpu.memory_space<vmem_shared>> -> memref<128x128xf32, #tpu.memory_space<vmem_shared>>
      tpu.enqueue_dma source(%dma_start3A_113 : memref<128x128xf32, #tpu.memory_space<vmem_shared>>) target(%dma_start3A_111 : memref<128x128xf32, #tpu.memory_space<hbm>>) target_semaphore(%run_scoped3A : memref<!tpu.dma_semaphore, #tpu.memory_space<semaphore_mem>>)
      %dma_wait3A = arith.constant 0 : i32
      %dma_wait3A_114 = tpu.memref_slice %arg5[%add3A_100, %dma_wait3A] : memref<20736x128xf32, #tpu.memory_space<hbm>> -> memref<128x128xf32, #tpu.memory_space<hbm>>
      %dma_wait3A_115 = arith.constant 0 : i32
      %dma_wait3A_116 = tpu.memref_slice %arg6[%mul3A_95, %dma_wait3A_115] : memref<3584x128xf32, #tpu.memory_space<vmem_shared>> -> memref<128x128xf32, #tpu.memory_space<vmem_shared>>
      tpu.wait_dma2 semaphore(%run_scoped3A : memref<!tpu.dma_semaphore, #tpu.memory_space<semaphore_mem>>) src(%dma_wait3A_116 : memref<128x128xf32, #tpu.memory_space<vmem_shared>>) dst(%dma_wait3A_114 : memref<128x128xf32, #tpu.memory_space<hbm>>)
      tpu.yield
    }) : () -> ()
    %add3A_101 = arith.constant 128 : i32
    %add3A_102 = arith.addi %mul3A_95, %add3A_101 : i32
    %mul3A_103 = arith.constant 10368 : i32
    %mul3A_104 = arith.muli %arg0, %mul3A_103 : i32
    %add3A_105 = arith.constant 6912 : i32
    %add3A_106 = arith.addi %mul3A_104, %add3A_105 : i32
    %add3A_107 = arith.addi %add3A_106, %mul3A_95 : i32
    %add3A_108 = arith.constant 128 : i32
    %add3A_109 = arith.addi %add3A_107, %add3A_108 : i32
    "tpu.region"() ({
      %run_scoped3A = tpu.sem_alloc : memref<!tpu.dma_semaphore, #tpu.memory_space<semaphore_mem>>
      %dma_start3A = arith.constant 0 : i32
      %dma_start3A_111 = tpu.memref_slice %arg5[%add3A_109, %dma_start3A] : memref<20736x128xf32, #tpu.memory_space<hbm>> -> memref<88x128xf32, #tpu.memory_space<hbm>>
      %dma_start3A_112 = arith.constant 0 : i32
      %dma_start3A_113 = tpu.memref_slice %arg6[%add3A_102, %dma_start3A_112] : memref<3584x128xf32, #tpu.memory_space<vmem_shared>> -> memref<88x128xf32, #tpu.memory_space<vmem_shared>>
      tpu.enqueue_dma source(%dma_start3A_113 : memref<88x128xf32, #tpu.memory_space<vmem_shared>>) target(%dma_start3A_111 : memref<88x128xf32, #tpu.memory_space<hbm>>) target_semaphore(%run_scoped3A : memref<!tpu.dma_semaphore, #tpu.memory_space<semaphore_mem>>)
      %dma_wait3A = arith.constant 0 : i32
      %dma_wait3A_114 = tpu.memref_slice %arg5[%add3A_109, %dma_wait3A] : memref<20736x128xf32, #tpu.memory_space<hbm>> -> memref<88x128xf32, #tpu.memory_space<hbm>>
      %dma_wait3A_115 = arith.constant 0 : i32
      %dma_wait3A_116 = tpu.memref_slice %arg6[%add3A_102, %dma_wait3A_115] : memref<3584x128xf32, #tpu.memory_space<vmem_shared>> -> memref<88x128xf32, #tpu.memory_space<vmem_shared>>
      tpu.wait_dma2 semaphore(%run_scoped3A : memref<!tpu.dma_semaphore, #tpu.memory_space<semaphore_mem>>) src(%dma_wait3A_116 : memref<88x128xf32, #tpu.memory_space<vmem_shared>>) dst(%dma_wait3A_114 : memref<88x128xf32, #tpu.memory_space<hbm>>)
      tpu.yield
    }) : () -> ()
    %barrier3A_110 = arith.constant 0 : index
    tpu.barrier barrier_id(%barrier3A_110)
    return
  }
}

#map = affine_map<(d0, d1) -> (0)>
module attributes {stable_mosaic.version = 14 : i64} {
  func.func @_count_kernel(%arg0: i32, %arg1: i32, %arg2: memref<323584xi32, #tpu.memory_space<hbm>>, %arg3: memref<81920xf32, #tpu.memory_space<hbm>>, %arg4: memref<81920xf32, #tpu.memory_space<vmem_shared>>, %arg5: memref<2560xf32, #tpu.memory_space<vmem>>, %arg6: memref<128xf32, #tpu.memory_space<vmem>>, %arg7: memref<128xi32, #tpu.memory_space<vmem>>) attributes {dimension_semantics = [#tpu.dimension_semantics<core_parallel>, #tpu.dimension_semantics<subcore_parallel>], iteration_bounds = array<i64: 2, 16>, scalar_prefetch = 0 : i64, scratch_operands = 4 : i64, tpu.core_type = #tpu.core_type<sc_vector_subcore>, window_params = [{transform_indices = #map}, {transform_indices = #map}]} {
    %mul3A = arith.constant 16 : i32
    %mul3A_0 = arith.muli %arg0, %mul3A : i32
    %add3A = arith.addi %mul3A_0, %arg1 : i32
    %broadcast_in_dim3A = arith.constant 0.000000e+00 : f32
    %broadcast_in_dim3A_1 = vector.broadcast %broadcast_in_dim3A : f32 to vector<16xf32>
    %broadcast_in_dim3A_2 = arith.constant 1.000000e+00 : f32
    %broadcast_in_dim3A_3 = vector.broadcast %broadcast_in_dim3A_2 : f32 to vector<16xf32>
    %scan3A = arith.constant 0 : i32
    %scan3A_4 = arith.constant 0 : i32
    %scan3A_5 = arith.constant 160 : i32
    %scan3A_6 = arith.addi %scan3A_4, %scan3A_5 : i32
    %scan3A_7 = arith.constant 1 : i32
    scf.for %scan3A_34 = %scan3A_4 to %scan3A_6 step %scan3A_7  : i32 {
      %mul3A_35 = arith.constant 16 : i32
      %mul3A_36 = arith.muli %scan3A_34, %mul3A_35 : i32
      %swap3A = arith.index_cast %mul3A_36 : i32 to index
      %swap3A_37 = tpu.vector_load %arg5[%swap3A] {strides = array<i32>} : memref<2560xf32, #tpu.memory_space<vmem>>, vector<16xf32>,
      %swap3A_38 = vector.shape_cast %swap3A_37 : vector<16xf32> to vector<16xf32>
      %swap3A_39 = vector.shape_cast %broadcast_in_dim3A_1 : vector<16xf32> to vector<16xf32>
      tpu.vector_store %arg5[%swap3A], %swap3A_39 {strides = array<i32>} : memref<2560xf32, #tpu.memory_space<vmem>>, vector<16xf32>,
    }
    %scan3A_8 = arith.constant 160 : i32
    %mul3A_9 = arith.constant 5120 : i32
    %mul3A_10 = arith.muli %arg1, %mul3A_9 : i32
    %add3A_11 = arith.constant 0 : i32
    %add3A_12 = arith.addi %mul3A_10, %add3A_11 : i32
    "tpu.region"() ({
      %run_scoped3A = tpu.sem_alloc : memref<!tpu.dma_semaphore, #tpu.memory_space<semaphore_mem>>
      %dma_start3A = tpu.memref_slice %arg4[%add3A_12] : memref<81920xf32, #tpu.memory_space<vmem_shared>> -> memref<2560xf32, #tpu.memory_space<vmem_shared>>
      %dma_start3A_34 = tpu.memref_slice %arg4[%add3A_12] : memref<81920xf32, #tpu.memory_space<vmem_shared>> -> memref<2560xf32, #tpu.memory_space<vmem_shared>>
      tpu.enqueue_dma source(%arg5 : memref<2560xf32, #tpu.memory_space<vmem>>) target(%dma_start3A_34 : memref<2560xf32, #tpu.memory_space<vmem_shared>>) target_semaphore(%run_scoped3A : memref<!tpu.dma_semaphore, #tpu.memory_space<semaphore_mem>>)
      %dma_wait3A = tpu.memref_slice %arg4[%add3A_12] : memref<81920xf32, #tpu.memory_space<vmem_shared>> -> memref<2560xf32, #tpu.memory_space<vmem_shared>>
      %dma_wait3A_35 = tpu.memref_slice %arg4[%add3A_12] : memref<81920xf32, #tpu.memory_space<vmem_shared>> -> memref<2560xf32, #tpu.memory_space<vmem_shared>>
      tpu.wait_dma2 semaphore(%run_scoped3A : memref<!tpu.dma_semaphore, #tpu.memory_space<semaphore_mem>>) src(%arg5 : memref<2560xf32, #tpu.memory_space<vmem>>) dst(%dma_wait3A_35 : memref<2560xf32, #tpu.memory_space<vmem_shared>>)
      tpu.yield
    }) : () -> ()
    %mul3A_13 = arith.constant 5120 : i32
    %mul3A_14 = arith.muli %arg1, %mul3A_13 : i32
    %add3A_15 = arith.constant 2560 : i32
    %add3A_16 = arith.addi %mul3A_14, %add3A_15 : i32
    "tpu.region"() ({
      %run_scoped3A = tpu.sem_alloc : memref<!tpu.dma_semaphore, #tpu.memory_space<semaphore_mem>>
      %dma_start3A = tpu.memref_slice %arg4[%add3A_16] : memref<81920xf32, #tpu.memory_space<vmem_shared>> -> memref<2560xf32, #tpu.memory_space<vmem_shared>>
      %dma_start3A_34 = tpu.memref_slice %arg4[%add3A_16] : memref<81920xf32, #tpu.memory_space<vmem_shared>> -> memref<2560xf32, #tpu.memory_space<vmem_shared>>
      tpu.enqueue_dma source(%arg5 : memref<2560xf32, #tpu.memory_space<vmem>>) target(%dma_start3A_34 : memref<2560xf32, #tpu.memory_space<vmem_shared>>) target_semaphore(%run_scoped3A : memref<!tpu.dma_semaphore, #tpu.memory_space<semaphore_mem>>)
      %dma_wait3A = tpu.memref_slice %arg4[%add3A_16] : memref<81920xf32, #tpu.memory_space<vmem_shared>> -> memref<2560xf32, #tpu.memory_space<vmem_shared>>
      %dma_wait3A_35 = tpu.memref_slice %arg4[%add3A_16] : memref<81920xf32, #tpu.memory_space<vmem_shared>> -> memref<2560xf32, #tpu.memory_space<vmem_shared>>
      tpu.wait_dma2 semaphore(%run_scoped3A : memref<!tpu.dma_semaphore, #tpu.memory_space<semaphore_mem>>) src(%arg5 : memref<2560xf32, #tpu.memory_space<vmem>>) dst(%dma_wait3A_35 : memref<2560xf32, #tpu.memory_space<vmem_shared>>)
      tpu.yield
    }) : () -> ()
    %barrier3A = arith.constant 0 : index
    tpu.barrier barrier_id(%barrier3A)
    %scan3A_17 = arith.constant 0 : i32
    %scan3A_18 = arith.constant 0 : i32
    %scan3A_19 = arith.constant 8 : i32
    %scan3A_20 = arith.addi %scan3A_18, %scan3A_19 : i32
    %scan3A_21 = arith.constant 1 : i32
    scf.for %scan3A_34 = %scan3A_18 to %scan3A_20 step %scan3A_21  : i32 {
      %mul3A_35 = arith.constant 16 : i32
      %mul3A_36 = arith.muli %scan3A_34, %mul3A_35 : i32
      %swap3A = arith.index_cast %mul3A_36 : i32 to index
      %swap3A_37 = tpu.vector_load %arg6[%swap3A] {strides = array<i32>} : memref<128xf32, #tpu.memory_space<vmem>>, vector<16xf32>,
      %swap3A_38 = vector.shape_cast %swap3A_37 : vector<16xf32> to vector<16xf32>
      %swap3A_39 = vector.shape_cast %broadcast_in_dim3A_3 : vector<16xf32> to vector<16xf32>
      tpu.vector_store %arg6[%swap3A], %swap3A_39 {strides = array<i32>} : memref<128xf32, #tpu.memory_space<vmem>>, vector<16xf32>,
    }
    %scan3A_22 = arith.constant 8 : i32
    %scan3A_23 = arith.constant 0 : i32
    %scan3A_24 = arith.constant 0 : i32
    %scan3A_25 = arith.constant 158 : i32
    %scan3A_26 = arith.addi %scan3A_24, %scan3A_25 : i32
    %scan3A_27 = arith.constant 1 : i32
    scf.for %scan3A_34 = %scan3A_24 to %scan3A_26 step %scan3A_27  : i32 {
      %mul3A_35 = arith.constant 20224 : i32
      %mul3A_36 = arith.muli %arg1, %mul3A_35 : i32
      %mul3A_37 = arith.constant 128 : i32
      %mul3A_38 = arith.muli %scan3A_34, %mul3A_37 : i32
      %add3A_39 = arith.addi %mul3A_36, %mul3A_38 : i32
      "tpu.region"() ({
        %run_scoped3A = tpu.sem_alloc : memref<!tpu.dma_semaphore, #tpu.memory_space<semaphore_mem>>
        %dma_start3A = tpu.memref_slice %arg2[%add3A_39] : memref<323584xi32, #tpu.memory_space<hbm>> -> memref<128xi32, #tpu.memory_space<hbm>>
        %dma_start3A_40 = tpu.memref_slice %arg2[%add3A_39] : memref<323584xi32, #tpu.memory_space<hbm>> -> memref<128xi32, #tpu.memory_space<hbm>>
        tpu.enqueue_dma source(%dma_start3A_40 : memref<128xi32, #tpu.memory_space<hbm>>) target(%arg7 : memref<128xi32, #tpu.memory_space<vmem>>) target_semaphore(%run_scoped3A : memref<!tpu.dma_semaphore, #tpu.memory_space<semaphore_mem>>)
        %dma_wait3A = tpu.memref_slice %arg2[%add3A_39] : memref<323584xi32, #tpu.memory_space<hbm>> -> memref<128xi32, #tpu.memory_space<hbm>>
        %dma_wait3A_41 = tpu.memref_slice %arg2[%add3A_39] : memref<323584xi32, #tpu.memory_space<hbm>> -> memref<128xi32, #tpu.memory_space<hbm>>
        tpu.wait_dma2 semaphore(%run_scoped3A : memref<!tpu.dma_semaphore, #tpu.memory_space<semaphore_mem>>) src(%dma_wait3A_41 : memref<128xi32, #tpu.memory_space<hbm>>) dst(%arg7 : memref<128xi32, #tpu.memory_space<vmem>>)
        tpu.yield
      }) : () -> ()
      "tpu.region"() ({
        %run_scoped3A = tpu.sem_alloc : memref<!tpu.dma_semaphore, #tpu.memory_space<semaphore_mem>>
        %dma_start3A = arith.constant 0 : i32
        %dma_start3A_40 = tpu.memref_slice %arg4[%dma_start3A] : memref<81920xf32, #tpu.memory_space<vmem_shared>> -> memref<81920xf32, #tpu.memory_space<vmem_shared>>
        tpu.enqueue_indirect_dma source(%arg6 : memref<128xf32, #tpu.memory_space<vmem>>) target(%dma_start3A_40 : memref<81920xf32, #tpu.memory_space<vmem_shared>>) offsets(%arg7 : memref<128xi32, #tpu.memory_space<vmem>>) semaphore(%run_scoped3A : memref<!tpu.dma_semaphore, #tpu.memory_space<semaphore_mem>>) {add = true}
        %dma_wait3A = arith.constant 0 : i32
        %dma_wait3A_41 = tpu.memref_slice %arg4[%dma_wait3A] : memref<81920xf32, #tpu.memory_space<vmem_shared>> -> memref<81920xf32, #tpu.memory_space<vmem_shared>>
        tpu.wait_indirect_dma semaphore(%run_scoped3A : memref<!tpu.dma_semaphore, #tpu.memory_space<semaphore_mem>>) src(%arg6 : memref<128xf32, #tpu.memory_space<vmem>>) dst(%dma_wait3A_41 : memref<81920xf32, #tpu.memory_space<vmem_shared>>)
        tpu.yield
      }) : () -> ()
    }
    %scan3A_28 = arith.constant 158 : i32
    %barrier3A_29 = arith.constant 0 : index
    tpu.barrier barrier_id(%barrier3A_29)
    %mul3A_30 = arith.constant 2560 : i32
    %mul3A_31 = arith.muli %add3A, %mul3A_30 : i32
    "tpu.region"() ({
      %run_scoped3A = tpu.sem_alloc : memref<!tpu.dma_semaphore, #tpu.memory_space<semaphore_mem>>
      %dma_start3A = tpu.memref_slice %arg4[%mul3A_31] : memref<81920xf32, #tpu.memory_space<vmem_shared>> -> memref<2560xf32, #tpu.memory_space<vmem_shared>>
      %dma_start3A_34 = tpu.memref_slice %arg4[%mul3A_31] : memref<81920xf32, #tpu.memory_space<vmem_shared>> -> memref<2560xf32, #tpu.memory_space<vmem_shared>>
      tpu.enqueue_dma source(%dma_start3A_34 : memref<2560xf32, #tpu.memory_space<vmem_shared>>) target(%arg5 : memref<2560xf32, #tpu.memory_space<vmem>>) target_semaphore(%run_scoped3A : memref<!tpu.dma_semaphore, #tpu.memory_space<semaphore_mem>>)
      %dma_wait3A = tpu.memref_slice %arg4[%mul3A_31] : memref<81920xf32, #tpu.memory_space<vmem_shared>> -> memref<2560xf32, #tpu.memory_space<vmem_shared>>
      %dma_wait3A_35 = tpu.memref_slice %arg4[%mul3A_31] : memref<81920xf32, #tpu.memory_space<vmem_shared>> -> memref<2560xf32, #tpu.memory_space<vmem_shared>>
      tpu.wait_dma2 semaphore(%run_scoped3A : memref<!tpu.dma_semaphore, #tpu.memory_space<semaphore_mem>>) src(%dma_wait3A_35 : memref<2560xf32, #tpu.memory_space<vmem_shared>>) dst(%arg5 : memref<2560xf32, #tpu.memory_space<vmem>>)
      tpu.yield
    }) : () -> ()
    %mul3A_32 = arith.constant 2560 : i32
    %mul3A_33 = arith.muli %add3A, %mul3A_32 : i32
    "tpu.region"() ({
      %run_scoped3A = tpu.sem_alloc : memref<!tpu.dma_semaphore, #tpu.memory_space<semaphore_mem>>
      %dma_start3A = tpu.memref_slice %arg3[%mul3A_33] : memref<81920xf32, #tpu.memory_space<hbm>> -> memref<2560xf32, #tpu.memory_space<hbm>>
      %dma_start3A_34 = tpu.memref_slice %arg3[%mul3A_33] : memref<81920xf32, #tpu.memory_space<hbm>> -> memref<2560xf32, #tpu.memory_space<hbm>>
      tpu.enqueue_dma source(%arg5 : memref<2560xf32, #tpu.memory_space<vmem>>) target(%dma_start3A_34 : memref<2560xf32, #tpu.memory_space<hbm>>) target_semaphore(%run_scoped3A : memref<!tpu.dma_semaphore, #tpu.memory_space<semaphore_mem>>)
      %dma_wait3A = tpu.memref_slice %arg3[%mul3A_33] : memref<81920xf32, #tpu.memory_space<hbm>> -> memref<2560xf32, #tpu.memory_space<hbm>>
      %dma_wait3A_35 = tpu.memref_slice %arg3[%mul3A_33] : memref<81920xf32, #tpu.memory_space<hbm>> -> memref<2560xf32, #tpu.memory_space<hbm>>
      tpu.wait_dma2 semaphore(%run_scoped3A : memref<!tpu.dma_semaphore, #tpu.memory_space<semaphore_mem>>) src(%arg5 : memref<2560xf32, #tpu.memory_space<vmem>>) dst(%dma_wait3A_35 : memref<2560xf32, #tpu.memory_space<hbm>>)
      tpu.yield
    }) : () -> ()
    return
  }
}

module attributes {stable_mosaic.version = 14 : i64} {
  func.func @_mm1_body(%arg0: i32, %arg1: memref<1000x128xf32, #tpu.memory_space<vmem>>, %arg2: memref<8x128x128xf32, #tpu.memory_space<vmem>>, %arg3: memref<128x128xf32, #tpu.memory_space<vmem>>, %arg4: memref<1x128xf32, #tpu.memory_space<vmem>>, %arg5: memref<8x1000x128xf32, #tpu.memory_space<vmem>>, %arg6: memref<1000x128xf32, #tpu.memory_space<vmem>>) attributes {dimension_semantics = [#tpu.dimension_semantics<arbitrary>], iteration_bounds = array<i64: 10>, scalar_prefetch = 0 : i64, scratch_operands = 0 : i64, tpu.core_type = #tpu.core_type<tc>, window_params = [{transform_indices = @transform_0, window_bounds = array<i64: 1000, 128>}, {pipeline_mode = #tpu.pipeline_mode<synchronous>, transform_indices = @transform_1, window_bounds = array<i64: 8, 128, 128>}, {pipeline_mode = #tpu.pipeline_mode<synchronous>, transform_indices = @transform_2, window_bounds = array<i64: 128, 128>}, {pipeline_mode = #tpu.pipeline_mode<synchronous>, transform_indices = @transform_3, window_bounds = array<i64: 1, 128>}, {transform_indices = @transform_4, window_bounds = array<i64: 8, 1000, 128>}, {transform_indices = @transform_5, window_bounds = array<i64: 1000, 128>}]} {
    %get3A = arith.constant 0 : index
    %get3A_0 = arith.constant 0 : index
    %get3A_1 = vector.load %arg1[%get3A, %get3A_0] : memref<1000x128xf32, #tpu.memory_space<vmem>>, vector<1000x128xf32>
    %get3A_2 = arith.constant 0 : index
    %get3A_3 = arith.constant 0 : index
    %get3A_4 = arith.constant 0 : index
    %get3A_5 = vector.load %arg2[%get3A_2, %get3A_3, %get3A_4] : memref<8x128x128xf32, #tpu.memory_space<vmem>>, vector<1x128x128xf32>
    %get3A_6 = vector.shape_cast %get3A_5 : vector<1x128x128xf32> to vector<128x128xf32>
    %dot_general3A = arith.constant dense<0.000000e+00> : vector<1000x128xf32>
    %dot_general3A_7 = tpu.matmul %get3A_1, %get3A_6, %dot_general3A {dimension_numbers = #tpu.dot_dimension_numbers<[1], [0], [0], [1], [0, 0, 1, 1], [], []>, transpose_lhs_hint = false} : vector<1000x128xf32>, vector<128x128xf32>, vector<1000x128xf32> -> vector<1000x128xf32>
    %swap3A = arith.constant 0 : index
    %swap3A_8 = arith.constant 0 : index
    %swap3A_9 = arith.constant 0 : index
    %swap3A_10 = vector.load %arg5[%swap3A, %swap3A_8, %swap3A_9] : memref<8x1000x128xf32, #tpu.memory_space<vmem>>, vector<1x1000x128xf32>
    %swap3A_11 = vector.shape_cast %swap3A_10 : vector<1x1000x128xf32> to vector<1000x128xf32>
    %swap3A_12 = vector.shape_cast %dot_general3A_7 : vector<1000x128xf32> to vector<1x1000x128xf32>
    tpu.vector_store %arg5[%swap3A, %swap3A_8, %swap3A_9], %swap3A_12 {strides = array<i32>} : memref<8x1000x128xf32, #tpu.memory_space<vmem>>, vector<1x1000x128xf32>,
    %get3A_13 = arith.constant 1 : index
    %get3A_14 = arith.constant 0 : index
    %get3A_15 = arith.constant 0 : index
    %get3A_16 = vector.load %arg2[%get3A_13, %get3A_14, %get3A_15] : memref<8x128x128xf32, #tpu.memory_space<vmem>>, vector<1x128x128xf32>
    %get3A_17 = vector.shape_cast %get3A_16 : vector<1x128x128xf32> to vector<128x128xf32>
    %dot_general3A_18 = arith.constant dense<0.000000e+00> : vector<1000x128xf32>
    %dot_general3A_19 = tpu.matmul %get3A_1, %get3A_17, %dot_general3A_18 {dimension_numbers = #tpu.dot_dimension_numbers<[1], [0], [0], [1], [0, 0, 1, 1], [], []>, transpose_lhs_hint = false} : vector<1000x128xf32>, vector<128x128xf32>, vector<1000x128xf32> -> vector<1000x128xf32>
    %swap3A_20 = arith.constant 1 : index
    %swap3A_21 = arith.constant 0 : index
    %swap3A_22 = arith.constant 0 : index
    %swap3A_23 = vector.load %arg5[%swap3A_20, %swap3A_21, %swap3A_22] : memref<8x1000x128xf32, #tpu.memory_space<vmem>>, vector<1x1000x128xf32>
    %swap3A_24 = vector.shape_cast %swap3A_23 : vector<1x1000x128xf32> to vector<1000x128xf32>
    %swap3A_25 = vector.shape_cast %dot_general3A_19 : vector<1000x128xf32> to vector<1x1000x128xf32>
    tpu.vector_store %arg5[%swap3A_20, %swap3A_21, %swap3A_22], %swap3A_25 {strides = array<i32>} : memref<8x1000x128xf32, #tpu.memory_space<vmem>>, vector<1x1000x128xf32>,
    %get3A_26 = arith.constant 2 : index
    %get3A_27 = arith.constant 0 : index
    %get3A_28 = arith.constant 0 : index
    %get3A_29 = vector.load %arg2[%get3A_26, %get3A_27, %get3A_28] : memref<8x128x128xf32, #tpu.memory_space<vmem>>, vector<1x128x128xf32>
    %get3A_30 = vector.shape_cast %get3A_29 : vector<1x128x128xf32> to vector<128x128xf32>
    %dot_general3A_31 = arith.constant dense<0.000000e+00> : vector<1000x128xf32>
    %dot_general3A_32 = tpu.matmul %get3A_1, %get3A_30, %dot_general3A_31 {dimension_numbers = #tpu.dot_dimension_numbers<[1], [0], [0], [1], [0, 0, 1, 1], [], []>, transpose_lhs_hint = false} : vector<1000x128xf32>, vector<128x128xf32>, vector<1000x128xf32> -> vector<1000x128xf32>
    %swap3A_33 = arith.constant 2 : index
    %swap3A_34 = arith.constant 0 : index
    %swap3A_35 = arith.constant 0 : index
    %swap3A_36 = vector.load %arg5[%swap3A_33, %swap3A_34, %swap3A_35] : memref<8x1000x128xf32, #tpu.memory_space<vmem>>, vector<1x1000x128xf32>
    %swap3A_37 = vector.shape_cast %swap3A_36 : vector<1x1000x128xf32> to vector<1000x128xf32>
    %swap3A_38 = vector.shape_cast %dot_general3A_32 : vector<1000x128xf32> to vector<1x1000x128xf32>
    tpu.vector_store %arg5[%swap3A_33, %swap3A_34, %swap3A_35], %swap3A_38 {strides = array<i32>} : memref<8x1000x128xf32, #tpu.memory_space<vmem>>, vector<1x1000x128xf32>,
    %get3A_39 = arith.constant 3 : index
    %get3A_40 = arith.constant 0 : index
    %get3A_41 = arith.constant 0 : index
    %get3A_42 = vector.load %arg2[%get3A_39, %get3A_40, %get3A_41] : memref<8x128x128xf32, #tpu.memory_space<vmem>>, vector<1x128x128xf32>
    %get3A_43 = vector.shape_cast %get3A_42 : vector<1x128x128xf32> to vector<128x128xf32>
    %dot_general3A_44 = arith.constant dense<0.000000e+00> : vector<1000x128xf32>
    %dot_general3A_45 = tpu.matmul %get3A_1, %get3A_43, %dot_general3A_44 {dimension_numbers = #tpu.dot_dimension_numbers<[1], [0], [0], [1], [0, 0, 1, 1], [], []>, transpose_lhs_hint = false} : vector<1000x128xf32>, vector<128x128xf32>, vector<1000x128xf32> -> vector<1000x128xf32>
    %swap3A_46 = arith.constant 3 : index
    %swap3A_47 = arith.constant 0 : index
    %swap3A_48 = arith.constant 0 : index
    %swap3A_49 = vector.load %arg5[%swap3A_46, %swap3A_47, %swap3A_48] : memref<8x1000x128xf32, #tpu.memory_space<vmem>>, vector<1x1000x128xf32>
    %swap3A_50 = vector.shape_cast %swap3A_49 : vector<1x1000x128xf32> to vector<1000x128xf32>
    %swap3A_51 = vector.shape_cast %dot_general3A_45 : vector<1000x128xf32> to vector<1x1000x128xf32>
    tpu.vector_store %arg5[%swap3A_46, %swap3A_47, %swap3A_48], %swap3A_51 {strides = array<i32>} : memref<8x1000x128xf32, #tpu.memory_space<vmem>>, vector<1x1000x128xf32>,
    %get3A_52 = arith.constant 4 : index
    %get3A_53 = arith.constant 0 : index
    %get3A_54 = arith.constant 0 : index
    %get3A_55 = vector.load %arg2[%get3A_52, %get3A_53, %get3A_54] : memref<8x128x128xf32, #tpu.memory_space<vmem>>, vector<1x128x128xf32>
    %get3A_56 = vector.shape_cast %get3A_55 : vector<1x128x128xf32> to vector<128x128xf32>
    %dot_general3A_57 = arith.constant dense<0.000000e+00> : vector<1000x128xf32>
    %dot_general3A_58 = tpu.matmul %get3A_1, %get3A_56, %dot_general3A_57 {dimension_numbers = #tpu.dot_dimension_numbers<[1], [0], [0], [1], [0, 0, 1, 1], [], []>, transpose_lhs_hint = false} : vector<1000x128xf32>, vector<128x128xf32>, vector<1000x128xf32> -> vector<1000x128xf32>
    %swap3A_59 = arith.constant 4 : index
    %swap3A_60 = arith.constant 0 : index
    %swap3A_61 = arith.constant 0 : index
    %swap3A_62 = vector.load %arg5[%swap3A_59, %swap3A_60, %swap3A_61] : memref<8x1000x128xf32, #tpu.memory_space<vmem>>, vector<1x1000x128xf32>
    %swap3A_63 = vector.shape_cast %swap3A_62 : vector<1x1000x128xf32> to vector<1000x128xf32>
    %swap3A_64 = vector.shape_cast %dot_general3A_58 : vector<1000x128xf32> to vector<1x1000x128xf32>
    tpu.vector_store %arg5[%swap3A_59, %swap3A_60, %swap3A_61], %swap3A_64 {strides = array<i32>} : memref<8x1000x128xf32, #tpu.memory_space<vmem>>, vector<1x1000x128xf32>,
    %get3A_65 = arith.constant 5 : index
    %get3A_66 = arith.constant 0 : index
    %get3A_67 = arith.constant 0 : index
    %get3A_68 = vector.load %arg2[%get3A_65, %get3A_66, %get3A_67] : memref<8x128x128xf32, #tpu.memory_space<vmem>>, vector<1x128x128xf32>
    %get3A_69 = vector.shape_cast %get3A_68 : vector<1x128x128xf32> to vector<128x128xf32>
    %dot_general3A_70 = arith.constant dense<0.000000e+00> : vector<1000x128xf32>
    %dot_general3A_71 = tpu.matmul %get3A_1, %get3A_69, %dot_general3A_70 {dimension_numbers = #tpu.dot_dimension_numbers<[1], [0], [0], [1], [0, 0, 1, 1], [], []>, transpose_lhs_hint = false} : vector<1000x128xf32>, vector<128x128xf32>, vector<1000x128xf32> -> vector<1000x128xf32>
    %swap3A_72 = arith.constant 5 : index
    %swap3A_73 = arith.constant 0 : index
    %swap3A_74 = arith.constant 0 : index
    %swap3A_75 = vector.load %arg5[%swap3A_72, %swap3A_73, %swap3A_74] : memref<8x1000x128xf32, #tpu.memory_space<vmem>>, vector<1x1000x128xf32>
    %swap3A_76 = vector.shape_cast %swap3A_75 : vector<1x1000x128xf32> to vector<1000x128xf32>
    %swap3A_77 = vector.shape_cast %dot_general3A_71 : vector<1000x128xf32> to vector<1x1000x128xf32>
    tpu.vector_store %arg5[%swap3A_72, %swap3A_73, %swap3A_74], %swap3A_77 {strides = array<i32>} : memref<8x1000x128xf32, #tpu.memory_space<vmem>>, vector<1x1000x128xf32>,
    %get3A_78 = arith.constant 6 : index
    %get3A_79 = arith.constant 0 : index
    %get3A_80 = arith.constant 0 : index
    %get3A_81 = vector.load %arg2[%get3A_78, %get3A_79, %get3A_80] : memref<8x128x128xf32, #tpu.memory_space<vmem>>, vector<1x128x128xf32>
    %get3A_82 = vector.shape_cast %get3A_81 : vector<1x128x128xf32> to vector<128x128xf32>
    %dot_general3A_83 = arith.constant dense<0.000000e+00> : vector<1000x128xf32>
    %dot_general3A_84 = tpu.matmul %get3A_1, %get3A_82, %dot_general3A_83 {dimension_numbers = #tpu.dot_dimension_numbers<[1], [0], [0], [1], [0, 0, 1, 1], [], []>, transpose_lhs_hint = false} : vector<1000x128xf32>, vector<128x128xf32>, vector<1000x128xf32> -> vector<1000x128xf32>
    %swap3A_85 = arith.constant 6 : index
    %swap3A_86 = arith.constant 0 : index
    %swap3A_87 = arith.constant 0 : index
    %swap3A_88 = vector.load %arg5[%swap3A_85, %swap3A_86, %swap3A_87] : memref<8x1000x128xf32, #tpu.memory_space<vmem>>, vector<1x1000x128xf32>
    %swap3A_89 = vector.shape_cast %swap3A_88 : vector<1x1000x128xf32> to vector<1000x128xf32>
    %swap3A_90 = vector.shape_cast %dot_general3A_84 : vector<1000x128xf32> to vector<1x1000x128xf32>
    tpu.vector_store %arg5[%swap3A_85, %swap3A_86, %swap3A_87], %swap3A_90 {strides = array<i32>} : memref<8x1000x128xf32, #tpu.memory_space<vmem>>, vector<1x1000x128xf32>,
    %get3A_91 = arith.constant 7 : index
    %get3A_92 = arith.constant 0 : index
    %get3A_93 = arith.constant 0 : index
    %get3A_94 = vector.load %arg2[%get3A_91, %get3A_92, %get3A_93] : memref<8x128x128xf32, #tpu.memory_space<vmem>>, vector<1x128x128xf32>
    %get3A_95 = vector.shape_cast %get3A_94 : vector<1x128x128xf32> to vector<128x128xf32>
    %dot_general3A_96 = arith.constant dense<0.000000e+00> : vector<1000x128xf32>
    %dot_general3A_97 = tpu.matmul %get3A_1, %get3A_95, %dot_general3A_96 {dimension_numbers = #tpu.dot_dimension_numbers<[1], [0], [0], [1], [0, 0, 1, 1], [], []>, transpose_lhs_hint = false} : vector<1000x128xf32>, vector<128x128xf32>, vector<1000x128xf32> -> vector<1000x128xf32>
    %swap3A_98 = arith.constant 7 : index
    %swap3A_99 = arith.constant 0 : index
    %swap3A_100 = arith.constant 0 : index
    %swap3A_101 = vector.load %arg5[%swap3A_98, %swap3A_99, %swap3A_100] : memref<8x1000x128xf32, #tpu.memory_space<vmem>>, vector<1x1000x128xf32>
    %swap3A_102 = vector.shape_cast %swap3A_101 : vector<1x1000x128xf32> to vector<1000x128xf32>
    %swap3A_103 = vector.shape_cast %dot_general3A_97 : vector<1000x128xf32> to vector<1x1000x128xf32>
    tpu.vector_store %arg5[%swap3A_98, %swap3A_99, %swap3A_100], %swap3A_103 {strides = array<i32>} : memref<8x1000x128xf32, #tpu.memory_space<vmem>>, vector<1x1000x128xf32>,
    %get3A_104 = arith.constant 0 : index
    %get3A_105 = arith.constant 0 : index
    %get3A_106 = vector.load %arg3[%get3A_104, %get3A_105] : memref<128x128xf32, #tpu.memory_space<vmem>>, vector<128x128xf32>
    %dot_general3A_107 = arith.constant dense<0.000000e+00> : vector<1000x128xf32>
    %dot_general3A_108 = tpu.matmul %get3A_1, %get3A_106, %dot_general3A_107 {dimension_numbers = #tpu.dot_dimension_numbers<[1], [0], [0], [1], [0, 0, 1, 1], [], []>, transpose_lhs_hint = false} : vector<1000x128xf32>, vector<128x128xf32>, vector<1000x128xf32> -> vector<1000x128xf32>
    %get3A_109 = arith.constant 0 : index
    %get3A_110 = arith.constant 0 : index
    %get3A_111 = vector.load %arg4[%get3A_109, %get3A_110] : memref<1x128xf32, #tpu.memory_space<vmem>>, vector<1x128xf32>
    %add3A = vector.broadcast %get3A_111 : vector<1x128xf32> to vector<1000x128xf32>
    %add3A_112 = arith.addf %dot_general3A_108, %add3A : vector<1000x128xf32>
    %swap3A_113 = arith.constant 0 : index
    %swap3A_114 = arith.constant 0 : index
    %swap3A_115 = vector.load %arg6[%swap3A_113, %swap3A_114] : memref<1000x128xf32, #tpu.memory_space<vmem>>, vector<1000x128xf32>
    tpu.vector_store %arg6[%swap3A_113, %swap3A_114], %add3A_112 {strides = array<i32>} : memref<1000x128xf32, #tpu.memory_space<vmem>>, vector<1000x128xf32>,
    return
  }
  func.func @transform_0(%arg0: i32) -> (i32, i32) {
    %c0_i32 = arith.constant 0 : i32
    %c0_i32_0 = arith.constant 0 : i32
    return %arg0, %c0_i32 : i32, i32
  }
  func.func @transform_1(%arg0: i32) -> (i32, i32, i32) {
    %c0_i32 = arith.constant 0 : i32
    %c0_i32_0 = arith.constant 0 : i32
    %c0_i32_1 = arith.constant 0 : i32
    %c0_i32_2 = arith.constant 0 : i32
    return %c0_i32, %c0_i32_0, %c0_i32_1 : i32, i32, i32
  }
  func.func @transform_2(%arg0: i32) -> (i32, i32) {
    %c0_i32 = arith.constant 0 : i32
    %c0_i32_0 = arith.constant 0 : i32
    %c0_i32_1 = arith.constant 0 : i32
    return %c0_i32, %c0_i32_0 : i32, i32
  }
  func.func @transform_3(%arg0: i32) -> (i32, i32) {
    %c0_i32 = arith.constant 0 : i32
    %c0_i32_0 = arith.constant 0 : i32
    %c0_i32_1 = arith.constant 0 : i32
    return %c0_i32, %c0_i32_0 : i32, i32
  }
  func.func @transform_4(%arg0: i32) -> (i32, i32, i32) {
    %c0_i32 = arith.constant 0 : i32
    %c0_i32_0 = arith.constant 0 : i32
    %c0_i32_1 = arith.constant 0 : i32
    return %c0_i32, %arg0, %c0_i32_0 : i32, i32, i32
  }
  func.func @transform_5(%arg0: i32) -> (i32, i32) {
    %c0_i32 = arith.constant 0 : i32
    %c0_i32_0 = arith.constant 0 : i32
    return %arg0, %c0_i32 : i32, i32
  }
}

module attributes {stable_mosaic.version = 14 : i64} {
  func.func @_recip_body(%arg0: i32, %arg1: memref<1024x1xf32, #tpu.memory_space<vmem>>, %arg2: memref<1024x128xf32, #tpu.memory_space<vmem>>) attributes {dimension_semantics = [#tpu.dimension_semantics<arbitrary>], iteration_bounds = array<i64: 80>, scalar_prefetch = 0 : i64, scratch_operands = 0 : i64, tpu.core_type = #tpu.core_type<tc>, window_params = [{transform_indices = @transform_0, window_bounds = array<i64: 1024, 1>}, {transform_indices = @transform_1, window_bounds = array<i64: 1024, 128>}]} {
    %get3A = arith.constant 0 : index
    %get3A_0 = arith.constant 0 : index
    %get3A_1 = vector.load %arg1[%get3A, %get3A_0] : memref<1024x1xf32, #tpu.memory_space<vmem>>, vector<1024x1xf32>
    %max3A = arith.constant 1.000000e+00 : f32
    %max3A_2 = vector.broadcast %max3A : f32 to vector<1024x1xf32>
    %max3A_3 = arith.maximumf %get3A_1, %max3A_2 : vector<1024x1xf32>
    %div3A = arith.constant 1.000000e+00 : f32
    %div3A_4 = vector.broadcast %div3A : f32 to vector<1024x1xf32>
    %div3A_5 = arith.divf %div3A_4, %max3A_3 : vector<1024x1xf32>
    %broadcast_in_dim3A = vector.shape_cast %div3A_5 : vector<1024x1xf32> to vector<1024x1xf32>
    %broadcast_in_dim3A_6 = vector.broadcast %broadcast_in_dim3A : vector<1024x1xf32> to vector<1024x128xf32>
    %swap3A = arith.constant 0 : index
    %swap3A_7 = arith.constant 0 : index
    %swap3A_8 = vector.load %arg2[%swap3A, %swap3A_7] : memref<1024x128xf32, #tpu.memory_space<vmem>>, vector<1024x128xf32>
    tpu.vector_store %arg2[%swap3A, %swap3A_7], %broadcast_in_dim3A_6 {strides = array<i32>} : memref<1024x128xf32, #tpu.memory_space<vmem>>, vector<1024x128xf32>,
    return
  }
  func.func @transform_0(%arg0: i32) -> (i32, i32) {
    %c0_i32 = arith.constant 0 : i32
    %c0_i32_0 = arith.constant 0 : i32
    return %arg0, %c0_i32 : i32, i32
  }
  func.func @transform_1(%arg0: i32) -> (i32, i32) {
    %c0_i32 = arith.constant 0 : i32
    %c0_i32_0 = arith.constant 0 : i32
    return %arg0, %c0_i32 : i32, i32
  }
}

module attributes {stable_mosaic.version = 14 : i64} {
  func.func @_mm2_body(%arg0: i32, %arg1: memref<1000x128xf32, #tpu.memory_space<vmem>>, %arg2: memref<2x1000x128xf32, #tpu.memory_space<vmem>>, %arg3: memref<8x128x128xf32, #tpu.memory_space<vmem>>, %arg4: memref<128x128xf32, #tpu.memory_space<vmem>>, %arg5: memref<1x128xf32, #tpu.memory_space<vmem>>, %arg6: memref<8x1000x128xf32, #tpu.memory_space<vmem>>, %arg7: memref<1000x128xf32, #tpu.memory_space<vmem>>) attributes {dimension_semantics = [#tpu.dimension_semantics<arbitrary>], iteration_bounds = array<i64: 10>, scalar_prefetch = 0 : i64, scratch_operands = 0 : i64, tpu.core_type = #tpu.core_type<tc>, window_params = [{transform_indices = @transform_0, window_bounds = array<i64: 1000, 128>}, {transform_indices = @transform_1, window_bounds = array<i64: 2, 1000, 128>}, {pipeline_mode = #tpu.pipeline_mode<synchronous>, transform_indices = @transform_2, window_bounds = array<i64: 8, 128, 128>}, {pipeline_mode = #tpu.pipeline_mode<synchronous>, transform_indices = @transform_3, window_bounds = array<i64: 128, 128>}, {pipeline_mode = #tpu.pipeline_mode<synchronous>, transform_indices = @transform_4, window_bounds = array<i64: 1, 128>}, {transform_indices = @transform_5, window_bounds = array<i64: 8, 1000, 128>}, {transform_indices = @transform_6, window_bounds = array<i64: 1000, 128>}]} {
    %get3A = arith.constant 0 : index
    %get3A_0 = arith.constant 0 : index
    %get3A_1 = vector.load %arg1[%get3A, %get3A_0] : memref<1000x128xf32, #tpu.memory_space<vmem>>, vector<1000x128xf32>
    %get3A_2 = arith.constant 0 : index
    %get3A_3 = arith.constant 0 : index
    %get3A_4 = arith.constant 0 : index
    %get3A_5 = vector.load %arg2[%get3A_2, %get3A_3, %get3A_4] : memref<2x1000x128xf32, #tpu.memory_space<vmem>>, vector<1x1000x128xf32>
    %get3A_6 = vector.shape_cast %get3A_5 : vector<1x1000x128xf32> to vector<1000x128xf32>
    %add3A = arith.addf %get3A_1, %get3A_6 : vector<1000x128xf32>
    %get3A_7 = arith.constant 1 : index
    %get3A_8 = arith.constant 0 : index
    %get3A_9 = arith.constant 0 : index
    %get3A_10 = vector.load %arg2[%get3A_7, %get3A_8, %get3A_9] : memref<2x1000x128xf32, #tpu.memory_space<vmem>>, vector<1x1000x128xf32>
    %get3A_11 = vector.shape_cast %get3A_10 : vector<1x1000x128xf32> to vector<1000x128xf32>
    %add3A_12 = arith.addf %add3A, %get3A_11 : vector<1000x128xf32>
    %max3A = arith.constant 0.000000e+00 : f32
    %max3A_13 = vector.broadcast %max3A : f32 to vector<1000x128xf32>
    %max3A_14 = arith.maximumf %add3A_12, %max3A_13 : vector<1000x128xf32>
    %get3A_15 = arith.constant 0 : index
    %get3A_16 = arith.constant 0 : index
    %get3A_17 = arith.constant 0 : index
    %get3A_18 = vector.load %arg3[%get3A_15, %get3A_16, %get3A_17] : memref<8x128x128xf32, #tpu.memory_space<vmem>>, vector<1x128x128xf32>
    %get3A_19 = vector.shape_cast %get3A_18 : vector<1x128x128xf32> to vector<128x128xf32>
    %dot_general3A = arith.constant dense<0.000000e+00> : vector<1000x128xf32>
    %dot_general3A_20 = tpu.matmul %max3A_14, %get3A_19, %dot_general3A {dimension_numbers = #tpu.dot_dimension_numbers<[1], [0], [0], [1], [0, 0, 1, 1], [], []>, transpose_lhs_hint = false} : vector<1000x128xf32>, vector<128x128xf32>, vector<1000x128xf32> -> vector<1000x128xf32>
    %swap3A = arith.constant 0 : index
    %swap3A_21 = arith.constant 0 : index
    %swap3A_22 = arith.constant 0 : index
    %swap3A_23 = vector.load %arg6[%swap3A, %swap3A_21, %swap3A_22] : memref<8x1000x128xf32, #tpu.memory_space<vmem>>, vector<1x1000x128xf32>
    %swap3A_24 = vector.shape_cast %swap3A_23 : vector<1x1000x128xf32> to vector<1000x128xf32>
    %swap3A_25 = vector.shape_cast %dot_general3A_20 : vector<1000x128xf32> to vector<1x1000x128xf32>
    tpu.vector_store %arg6[%swap3A, %swap3A_21, %swap3A_22], %swap3A_25 {strides = array<i32>} : memref<8x1000x128xf32, #tpu.memory_space<vmem>>, vector<1x1000x128xf32>,
    %get3A_26 = arith.constant 1 : index
    %get3A_27 = arith.constant 0 : index
    %get3A_28 = arith.constant 0 : index
    %get3A_29 = vector.load %arg3[%get3A_26, %get3A_27, %get3A_28] : memref<8x128x128xf32, #tpu.memory_space<vmem>>, vector<1x128x128xf32>
    %get3A_30 = vector.shape_cast %get3A_29 : vector<1x128x128xf32> to vector<128x128xf32>
    %dot_general3A_31 = arith.constant dense<0.000000e+00> : vector<1000x128xf32>
    %dot_general3A_32 = tpu.matmul %max3A_14, %get3A_30, %dot_general3A_31 {dimension_numbers = #tpu.dot_dimension_numbers<[1], [0], [0], [1], [0, 0, 1, 1], [], []>, transpose_lhs_hint = false} : vector<1000x128xf32>, vector<128x128xf32>, vector<1000x128xf32> -> vector<1000x128xf32>
    %swap3A_33 = arith.constant 1 : index
    %swap3A_34 = arith.constant 0 : index
    %swap3A_35 = arith.constant 0 : index
    %swap3A_36 = vector.load %arg6[%swap3A_33, %swap3A_34, %swap3A_35] : memref<8x1000x128xf32, #tpu.memory_space<vmem>>, vector<1x1000x128xf32>
    %swap3A_37 = vector.shape_cast %swap3A_36 : vector<1x1000x128xf32> to vector<1000x128xf32>
    %swap3A_38 = vector.shape_cast %dot_general3A_32 : vector<1000x128xf32> to vector<1x1000x128xf32>
    tpu.vector_store %arg6[%swap3A_33, %swap3A_34, %swap3A_35], %swap3A_38 {strides = array<i32>} : memref<8x1000x128xf32, #tpu.memory_space<vmem>>, vector<1x1000x128xf32>,
    %get3A_39 = arith.constant 2 : index
    %get3A_40 = arith.constant 0 : index
    %get3A_41 = arith.constant 0 : index
    %get3A_42 = vector.load %arg3[%get3A_39, %get3A_40, %get3A_41] : memref<8x128x128xf32, #tpu.memory_space<vmem>>, vector<1x128x128xf32>
    %get3A_43 = vector.shape_cast %get3A_42 : vector<1x128x128xf32> to vector<128x128xf32>
    %dot_general3A_44 = arith.constant dense<0.000000e+00> : vector<1000x128xf32>
    %dot_general3A_45 = tpu.matmul %max3A_14, %get3A_43, %dot_general3A_44 {dimension_numbers = #tpu.dot_dimension_numbers<[1], [0], [0], [1], [0, 0, 1, 1], [], []>, transpose_lhs_hint = false} : vector<1000x128xf32>, vector<128x128xf32>, vector<1000x128xf32> -> vector<1000x128xf32>
    %swap3A_46 = arith.constant 2 : index
    %swap3A_47 = arith.constant 0 : index
    %swap3A_48 = arith.constant 0 : index
    %swap3A_49 = vector.load %arg6[%swap3A_46, %swap3A_47, %swap3A_48] : memref<8x1000x128xf32, #tpu.memory_space<vmem>>, vector<1x1000x128xf32>
    %swap3A_50 = vector.shape_cast %swap3A_49 : vector<1x1000x128xf32> to vector<1000x128xf32>
    %swap3A_51 = vector.shape_cast %dot_general3A_45 : vector<1000x128xf32> to vector<1x1000x128xf32>
    tpu.vector_store %arg6[%swap3A_46, %swap3A_47, %swap3A_48], %swap3A_51 {strides = array<i32>} : memref<8x1000x128xf32, #tpu.memory_space<vmem>>, vector<1x1000x128xf32>,
    %get3A_52 = arith.constant 3 : index
    %get3A_53 = arith.constant 0 : index
    %get3A_54 = arith.constant 0 : index
    %get3A_55 = vector.load %arg3[%get3A_52, %get3A_53, %get3A_54] : memref<8x128x128xf32, #tpu.memory_space<vmem>>, vector<1x128x128xf32>
    %get3A_56 = vector.shape_cast %get3A_55 : vector<1x128x128xf32> to vector<128x128xf32>
    %dot_general3A_57 = arith.constant dense<0.000000e+00> : vector<1000x128xf32>
    %dot_general3A_58 = tpu.matmul %max3A_14, %get3A_56, %dot_general3A_57 {dimension_numbers = #tpu.dot_dimension_numbers<[1], [0], [0], [1], [0, 0, 1, 1], [], []>, transpose_lhs_hint = false} : vector<1000x128xf32>, vector<128x128xf32>, vector<1000x128xf32> -> vector<1000x128xf32>
    %swap3A_59 = arith.constant 3 : index
    %swap3A_60 = arith.constant 0 : index
    %swap3A_61 = arith.constant 0 : index
    %swap3A_62 = vector.load %arg6[%swap3A_59, %swap3A_60, %swap3A_61] : memref<8x1000x128xf32, #tpu.memory_space<vmem>>, vector<1x1000x128xf32>
    %swap3A_63 = vector.shape_cast %swap3A_62 : vector<1x1000x128xf32> to vector<1000x128xf32>
    %swap3A_64 = vector.shape_cast %dot_general3A_58 : vector<1000x128xf32> to vector<1x1000x128xf32>
    tpu.vector_store %arg6[%swap3A_59, %swap3A_60, %swap3A_61], %swap3A_64 {strides = array<i32>} : memref<8x1000x128xf32, #tpu.memory_space<vmem>>, vector<1x1000x128xf32>,
    %get3A_65 = arith.constant 4 : index
    %get3A_66 = arith.constant 0 : index
    %get3A_67 = arith.constant 0 : index
    %get3A_68 = vector.load %arg3[%get3A_65, %get3A_66, %get3A_67] : memref<8x128x128xf32, #tpu.memory_space<vmem>>, vector<1x128x128xf32>
    %get3A_69 = vector.shape_cast %get3A_68 : vector<1x128x128xf32> to vector<128x128xf32>
    %dot_general3A_70 = arith.constant dense<0.000000e+00> : vector<1000x128xf32>
    %dot_general3A_71 = tpu.matmul %max3A_14, %get3A_69, %dot_general3A_70 {dimension_numbers = #tpu.dot_dimension_numbers<[1], [0], [0], [1], [0, 0, 1, 1], [], []>, transpose_lhs_hint = false} : vector<1000x128xf32>, vector<128x128xf32>, vector<1000x128xf32> -> vector<1000x128xf32>
    %swap3A_72 = arith.constant 4 : index
    %swap3A_73 = arith.constant 0 : index
    %swap3A_74 = arith.constant 0 : index
    %swap3A_75 = vector.load %arg6[%swap3A_72, %swap3A_73, %swap3A_74] : memref<8x1000x128xf32, #tpu.memory_space<vmem>>, vector<1x1000x128xf32>
    %swap3A_76 = vector.shape_cast %swap3A_75 : vector<1x1000x128xf32> to vector<1000x128xf32>
    %swap3A_77 = vector.shape_cast %dot_general3A_71 : vector<1000x128xf32> to vector<1x1000x128xf32>
    tpu.vector_store %arg6[%swap3A_72, %swap3A_73, %swap3A_74], %swap3A_77 {strides = array<i32>} : memref<8x1000x128xf32, #tpu.memory_space<vmem>>, vector<1x1000x128xf32>,
    %get3A_78 = arith.constant 5 : index
    %get3A_79 = arith.constant 0 : index
    %get3A_80 = arith.constant 0 : index
    %get3A_81 = vector.load %arg3[%get3A_78, %get3A_79, %get3A_80] : memref<8x128x128xf32, #tpu.memory_space<vmem>>, vector<1x128x128xf32>
    %get3A_82 = vector.shape_cast %get3A_81 : vector<1x128x128xf32> to vector<128x128xf32>
    %dot_general3A_83 = arith.constant dense<0.000000e+00> : vector<1000x128xf32>
    %dot_general3A_84 = tpu.matmul %max3A_14, %get3A_82, %dot_general3A_83 {dimension_numbers = #tpu.dot_dimension_numbers<[1], [0], [0], [1], [0, 0, 1, 1], [], []>, transpose_lhs_hint = false} : vector<1000x128xf32>, vector<128x128xf32>, vector<1000x128xf32> -> vector<1000x128xf32>
    %swap3A_85 = arith.constant 5 : index
    %swap3A_86 = arith.constant 0 : index
    %swap3A_87 = arith.constant 0 : index
    %swap3A_88 = vector.load %arg6[%swap3A_85, %swap3A_86, %swap3A_87] : memref<8x1000x128xf32, #tpu.memory_space<vmem>>, vector<1x1000x128xf32>
    %swap3A_89 = vector.shape_cast %swap3A_88 : vector<1x1000x128xf32> to vector<1000x128xf32>
    %swap3A_90 = vector.shape_cast %dot_general3A_84 : vector<1000x128xf32> to vector<1x1000x128xf32>
    tpu.vector_store %arg6[%swap3A_85, %swap3A_86, %swap3A_87], %swap3A_90 {strides = array<i32>} : memref<8x1000x128xf32, #tpu.memory_space<vmem>>, vector<1x1000x128xf32>,
    %get3A_91 = arith.constant 6 : index
    %get3A_92 = arith.constant 0 : index
    %get3A_93 = arith.constant 0 : index
    %get3A_94 = vector.load %arg3[%get3A_91, %get3A_92, %get3A_93] : memref<8x128x128xf32, #tpu.memory_space<vmem>>, vector<1x128x128xf32>
    %get3A_95 = vector.shape_cast %get3A_94 : vector<1x128x128xf32> to vector<128x128xf32>
    %dot_general3A_96 = arith.constant dense<0.000000e+00> : vector<1000x128xf32>
    %dot_general3A_97 = tpu.matmul %max3A_14, %get3A_95, %dot_general3A_96 {dimension_numbers = #tpu.dot_dimension_numbers<[1], [0], [0], [1], [0, 0, 1, 1], [], []>, transpose_lhs_hint = false} : vector<1000x128xf32>, vector<128x128xf32>, vector<1000x128xf32> -> vector<1000x128xf32>
    %swap3A_98 = arith.constant 6 : index
    %swap3A_99 = arith.constant 0 : index
    %swap3A_100 = arith.constant 0 : index
    %swap3A_101 = vector.load %arg6[%swap3A_98, %swap3A_99, %swap3A_100] : memref<8x1000x128xf32, #tpu.memory_space<vmem>>, vector<1x1000x128xf32>
    %swap3A_102 = vector.shape_cast %swap3A_101 : vector<1x1000x128xf32> to vector<1000x128xf32>
    %swap3A_103 = vector.shape_cast %dot_general3A_97 : vector<1000x128xf32> to vector<1x1000x128xf32>
    tpu.vector_store %arg6[%swap3A_98, %swap3A_99, %swap3A_100], %swap3A_103 {strides = array<i32>} : memref<8x1000x128xf32, #tpu.memory_space<vmem>>, vector<1x1000x128xf32>,
    %get3A_104 = arith.constant 7 : index
    %get3A_105 = arith.constant 0 : index
    %get3A_106 = arith.constant 0 : index
    %get3A_107 = vector.load %arg3[%get3A_104, %get3A_105, %get3A_106] : memref<8x128x128xf32, #tpu.memory_space<vmem>>, vector<1x128x128xf32>
    %get3A_108 = vector.shape_cast %get3A_107 : vector<1x128x128xf32> to vector<128x128xf32>
    %dot_general3A_109 = arith.constant dense<0.000000e+00> : vector<1000x128xf32>
    %dot_general3A_110 = tpu.matmul %max3A_14, %get3A_108, %dot_general3A_109 {dimension_numbers = #tpu.dot_dimension_numbers<[1], [0], [0], [1], [0, 0, 1, 1], [], []>, transpose_lhs_hint = false} : vector<1000x128xf32>, vector<128x128xf32>, vector<1000x128xf32> -> vector<1000x128xf32>
    %swap3A_111 = arith.constant 7 : index
    %swap3A_112 = arith.constant 0 : index
    %swap3A_113 = arith.constant 0 : index
    %swap3A_114 = vector.load %arg6[%swap3A_111, %swap3A_112, %swap3A_113] : memref<8x1000x128xf32, #tpu.memory_space<vmem>>, vector<1x1000x128xf32>
    %swap3A_115 = vector.shape_cast %swap3A_114 : vector<1x1000x128xf32> to vector<1000x128xf32>
    %swap3A_116 = vector.shape_cast %dot_general3A_110 : vector<1000x128xf32> to vector<1x1000x128xf32>
    tpu.vector_store %arg6[%swap3A_111, %swap3A_112, %swap3A_113], %swap3A_116 {strides = array<i32>} : memref<8x1000x128xf32, #tpu.memory_space<vmem>>, vector<1x1000x128xf32>,
    %get3A_117 = arith.constant 0 : index
    %get3A_118 = arith.constant 0 : index
    %get3A_119 = vector.load %arg4[%get3A_117, %get3A_118] : memref<128x128xf32, #tpu.memory_space<vmem>>, vector<128x128xf32>
    %dot_general3A_120 = arith.constant dense<0.000000e+00> : vector<1000x128xf32>
    %dot_general3A_121 = tpu.matmul %max3A_14, %get3A_119, %dot_general3A_120 {dimension_numbers = #tpu.dot_dimension_numbers<[1], [0], [0], [1], [0, 0, 1, 1], [], []>, transpose_lhs_hint = false} : vector<1000x128xf32>, vector<128x128xf32>, vector<1000x128xf32> -> vector<1000x128xf32>
    %get3A_122 = arith.constant 0 : index
    %get3A_123 = arith.constant 0 : index
    %get3A_124 = vector.load %arg5[%get3A_122, %get3A_123] : memref<1x128xf32, #tpu.memory_space<vmem>>, vector<1x128xf32>
    %add3A_125 = vector.broadcast %get3A_124 : vector<1x128xf32> to vector<1000x128xf32>
    %add3A_126 = arith.addf %dot_general3A_121, %add3A_125 : vector<1000x128xf32>
    %swap3A_127 = arith.constant 0 : index
    %swap3A_128 = arith.constant 0 : index
    %swap3A_129 = vector.load %arg7[%swap3A_127, %swap3A_128] : memref<1000x128xf32, #tpu.memory_space<vmem>>, vector<1000x128xf32>
    tpu.vector_store %arg7[%swap3A_127, %swap3A_128], %add3A_126 {strides = array<i32>} : memref<1000x128xf32, #tpu.memory_space<vmem>>, vector<1000x128xf32>,
    return
  }
  func.func @transform_0(%arg0: i32) -> (i32, i32) {
    %c0_i32 = arith.constant 0 : i32
    %c0_i32_0 = arith.constant 0 : i32
    return %arg0, %c0_i32 : i32, i32
  }
  func.func @transform_1(%arg0: i32) -> (i32, i32, i32) {
    %c0_i32 = arith.constant 0 : i32
    %c0_i32_0 = arith.constant 0 : i32
    %c0_i32_1 = arith.constant 0 : i32
    return %c0_i32, %arg0, %c0_i32_0 : i32, i32, i32
  }
  func.func @transform_2(%arg0: i32) -> (i32, i32, i32) {
    %c0_i32 = arith.constant 0 : i32
    %c0_i32_0 = arith.constant 0 : i32
    %c0_i32_1 = arith.constant 0 : i32
    %c0_i32_2 = arith.constant 0 : i32
    return %c0_i32, %c0_i32_0, %c0_i32_1 : i32, i32, i32
  }
  func.func @transform_3(%arg0: i32) -> (i32, i32) {
    %c0_i32 = arith.constant 0 : i32
    %c0_i32_0 = arith.constant 0 : i32
    %c0_i32_1 = arith.constant 0 : i32
    return %c0_i32, %c0_i32_0 : i32, i32
  }
  func.func @transform_4(%arg0: i32) -> (i32, i32) {
    %c0_i32 = arith.constant 0 : i32
    %c0_i32_0 = arith.constant 0 : i32
    %c0_i32_1 = arith.constant 0 : i32
    return %c0_i32, %c0_i32_0 : i32, i32
  }
  func.func @transform_5(%arg0: i32) -> (i32, i32, i32) {
    %c0_i32 = arith.constant 0 : i32
    %c0_i32_0 = arith.constant 0 : i32
    %c0_i32_1 = arith.constant 0 : i32
    return %c0_i32, %arg0, %c0_i32_0 : i32, i32, i32
  }
  func.func @transform_6(%arg0: i32) -> (i32, i32) {
    %c0_i32 = arith.constant 0 : i32
    %c0_i32_0 = arith.constant 0 : i32
    return %arg0, %c0_i32 : i32, i32
  }
}

module attributes {stable_mosaic.version = 14 : i64} {
  func.func @_add_body(%arg0: i32, %arg1: memref<1000x128xf32, #tpu.memory_space<vmem>>, %arg2: memref<2x1000x128xf32, #tpu.memory_space<vmem>>, %arg3: memref<1000x128xf32, #tpu.memory_space<vmem>>) attributes {dimension_semantics = [#tpu.dimension_semantics<arbitrary>], iteration_bounds = array<i64: 10>, scalar_prefetch = 0 : i64, scratch_operands = 0 : i64, tpu.core_type = #tpu.core_type<tc>, window_params = [{transform_indices = @transform_0, window_bounds = array<i64: 1000, 128>}, {transform_indices = @transform_1, window_bounds = array<i64: 2, 1000, 128>}, {transform_indices = @transform_2, window_bounds = array<i64: 1000, 128>}]} {
    %get3A = arith.constant 0 : index
    %get3A_0 = arith.constant 0 : index
    %get3A_1 = vector.load %arg1[%get3A, %get3A_0] : memref<1000x128xf32, #tpu.memory_space<vmem>>, vector<1000x128xf32>
    %get3A_2 = arith.constant 0 : index
    %get3A_3 = arith.constant 0 : index
    %get3A_4 = arith.constant 0 : index
    %get3A_5 = vector.load %arg2[%get3A_2, %get3A_3, %get3A_4] : memref<2x1000x128xf32, #tpu.memory_space<vmem>>, vector<1x1000x128xf32>
    %get3A_6 = vector.shape_cast %get3A_5 : vector<1x1000x128xf32> to vector<1000x128xf32>
    %add3A = arith.addf %get3A_1, %get3A_6 : vector<1000x128xf32>
    %get3A_7 = arith.constant 1 : index
    %get3A_8 = arith.constant 0 : index
    %get3A_9 = arith.constant 0 : index
    %get3A_10 = vector.load %arg2[%get3A_7, %get3A_8, %get3A_9] : memref<2x1000x128xf32, #tpu.memory_space<vmem>>, vector<1x1000x128xf32>
    %get3A_11 = vector.shape_cast %get3A_10 : vector<1x1000x128xf32> to vector<1000x128xf32>
    %add3A_12 = arith.addf %add3A, %get3A_11 : vector<1000x128xf32>
    %swap3A = arith.constant 0 : index
    %swap3A_13 = arith.constant 0 : index
    %swap3A_14 = vector.load %arg3[%swap3A, %swap3A_13] : memref<1000x128xf32, #tpu.memory_space<vmem>>, vector<1000x128xf32>
    tpu.vector_store %arg3[%swap3A, %swap3A_13], %add3A_12 {strides = array<i32>} : memref<1000x128xf32, #tpu.memory_space<vmem>>, vector<1000x128xf32>,
    return
  }
  func.func @transform_0(%arg0: i32) -> (i32, i32) {
    %c0_i32 = arith.constant 0 : i32
    %c0_i32_0 = arith.constant 0 : i32
    return %arg0, %c0_i32 : i32, i32
  }
  func.func @transform_1(%arg0: i32) -> (i32, i32, i32) {
    %c0_i32 = arith.constant 0 : i32
    %c0_i32_0 = arith.constant 0 : i32
    %c0_i32_1 = arith.constant 0 : i32
    return %c0_i32, %arg0, %c0_i32_0 : i32, i32, i32
  }
  func.func @transform_2(%arg0: i32) -> (i32, i32) {
    %c0_i32 = arith.constant 0 : i32
    %c0_i32_0 = arith.constant 0 : i32
    return %arg0, %c0_i32 : i32, i32
  }
}

</mosaic_0001>

<sc_bundles>
// kernel: kernel.12.cloned.1.call-start
scs
__scs_entry_jumppad:
0x0: {  	(pc) =	sbr.rel $0x88, $3  }
0x1: {  	(tag) =	ssettag $0x0;
	lr =	simm.s32 $0x1  }
0x2: {  	[smem:$0x3F98] =	sst lr;
	_ =	strace $0xD0000000  }
0x3: {  	_ = 	snop  }
0x4: {  	_ = 	snop  }
0x5: {  	_ = 	snop  }
0x6: {  	_ = 	snop  }
0x7: {  	_ = 	snop  }
__scs_overlays_trampoline_lowered:
0x8: {  	[smem:$0x3FA7] =	sst s0  }
0x9: {  	[smem:$0x3FA8] =	sst s1  }
0xa: {  	[smem:$0x3FA9] =	sst s2  }
0xb: {  	[smem:$0x3FAA] =	sst s3  }
0xc: {  	[smem:$0x3FAB] =	sst s4  }
0xd: {  	[smem:$0x3FAC] =	sst s5  }
0xe: {  	[smem:$0x3FAD] =	sst s6  }
0xf: {  	[smem:$0x3FAE] =	sst s7  }
0x10: {  	[smem:$0x3FAF] =	sst s8  }
0x11: {  	[smem:$0x3FB0] =	sst s9;
	s0 =	simm.s32 @!p0 $0x0  }
0x12: {  	s1 =	sld [smem:$0x3F96];
	s0 =	simm.s32 @p0 $0x1  }
0x13: {  	[smem:$0x3FB1] =	sst s0;
	s0 =	simm.s32 @!p1 $0x0  }
0x14: {  	s2 =	sld [smem:$0x3F95];
	s0 =	simm.s32 @p1 $0x1  }
0x15: {  	[smem:$0x3FB2] =	sst s0;
	s0 =	simm.s32 @!p2 $0x0  }
0x16: {  	s3 =	sld [smem:$0x3FDB];
	s0 =	simm.s32 @p2 $0x1  }
0x17: {  	s4 =	simm.s32 $0x1BF5;
	[smem:$0x3FB4] =	sst s0  }
0x18: {  	s0 =	sld [smem:$0x3F97];
	_ =	swait.ge [sflag:s4], $0x0  }
0x19: {  	s7 =	sld [smem:$0x3F98]  }
0x1a: {  	s8 =	sadd.s32 $0xFFFFE003, lr  }
0x1b: {  	s9 =	sadd.s32 $0xFFFFFEF7, lr;
	s5 =	simm.s32 $0xFFFFFFFF;
	p2 =	slt.u32 s8, $0xFFFFF086  }
0x1c: {  	p1 =	slt.u32 s9, $0xF7A;
	s5 =	simm.s32 @!p2 $0x0  }
0x1d: {  	s5 =	simm.s32 @p1 $0x1;
	p0 =	seq.s32 s7, s2  }
0x1e: {  	s7 =	smul.u32 @!p0 $0xF7A, s2;
	p2 =	seq.s32 @!p0 s5, $0x0  }
0x1f: {  	s9 =	smul.u32 $0xF7A, s1;
	s8 =	simm.s32 @!p0 $0x1BF5;
	p2 =	por !p2, p0  }
0x20: {  	[sflag:s8] =	ssyncset.s32 @!p0 $0xFFFFF086;
	s6 =	sadd.s32 @!p0 s3, s7;
	s7 =	simm.s32 @!p0 $0x108  }
0x21: {  	s3 =	sadd.s32 s3, s9;
	s6 =	sadd.s32 @!p0 $0x88, s6;
	s7 =	simm.s32 @p2 $0x1082  }
0x22: {  	[simem:s7], [sflag:s8] =	dma.local @!p0 [hbm:s6], $0xF7A  }
0x23: {  	s9 =	sor.u32 $0xD0000000, s2;
	s6 =	simm.s32 $0x108;
	_ =	swait.ge @!p0 [sflag:s8], $0x0  }
0x24: {  	s3 =	sadd.s32 $0x88, s3;
	s6 =	simm.s32 @!p1 $0x1082;
	[sflag:s4] =	ssyncset.s32 $0xFFFFF086  }
0x25: {  	[simem:s6], [sflag:s4] =	dma.local [hbm:s3], $0xF7A  }
0x26: {  	[smem:$0x3F98] =	sst s1;
	(tag) =	ssettag s2;
	_ =	strace s9  }
0x27: {  	s1 =	sld [smem:$0x3FA8]  }
0x28: {  	s2 =	sld [smem:$0x3FA9]  }
0x29: {  	s4 =	sld [smem:$0x3FAB]  }
0x2a: {  	p0 =	seq.s32 s5, $0x0;
	s5 =	sld [smem:$0x3FAC]  }
0x2b: {  	s6 =	sld [smem:$0x3FAD]  }
0x2c: {  	s7 =	sld [smem:$0x3FAE]  }
0x2d: {  	s3 =	simm.s32 $0x108;
	s8 =	sld [smem:$0x3FAF]  }
0x2e: {  	s3 =	simm.s32 @!p0 $0x1082;
	s9 =	sld [smem:$0x3FB0]  }
0x2f: {  	lr =	sadd.s32 s0, s3;
	s0 =	sld [smem:$0x3FA7]  }
0x30: {  	s3 =	sld [smem:$0x3FAA]  }
0x31: {  	[smem:$0x3FB3] =	sst s10  }
0x32: {  	s10 =	sld [smem:$0x3FB1];
	_ =	sdelay $0x3  }
0x33: {  	p0 =	seq.s32 s10, $0x1;
	s10 =	sld [smem:$0x3FB3];
	_ =	sdelay $0x3  }
0x34: {  	[smem:$0x3FB3] =	sst s10  }
0x35: {  	s10 =	sld [smem:$0x3FB2];
	_ =	sdelay $0x3  }
0x36: {  	p1 =	seq.s32 s10, $0x1;
	s10 =	sld [smem:$0x3FB3];
	_ =	sdelay $0x3  }
0x37: {  	[smem:$0x3FB3] =	sst s10  }
0x38: {  	s10 =	sld [smem:$0x3FB4]  }
0x39: {  	_ = 	snop;
	(pc) =	sbr.ind lr, $3  }
0x3a: {  	_ = 	snop  }
0x3b: {  	_ = 	snop  }
0x3c: {  	p2 =	seq.s32 s10, $0x1;
	s10 =	sld [smem:$0x3FB3]  }
0x3d: {  	_ =	shalt  }
0x3e: {  	_ =	shalt  }
0x3f: {  	_ =	shalt  }
0x40: {  	_ =	shalt  }
0x41: {  	_ =	shalt  }
0x42: {  	_ =	shalt  }
0x43: {  	_ =	shalt  }
0x44: {  	_ =	shalt  }
0x45: {  	_ =	shalt  }
0x46: {  	_ =	shalt  }
0x47: {  	_ =	shalt  }
0x48: {  	_ =	shalt  }
0x49: {  	_ =	shalt  }
0x4a: {  	_ =	shalt  }
0x4b: {  	_ =	shalt  }
0x4c: {  	_ =	shalt  }
0x4d: {  	_ =	shalt  }
0x4e: {  	_ =	shalt  }
0x4f: {  	_ =	shalt  }
0x50: {  	_ =	shalt  }
0x51: {  	_ =	shalt  }
0x52: {  	_ =	shalt  }
0x53: {  	_ =	shalt  }
0x54: {  	_ =	shalt  }
0x55: {  	_ =	shalt  }
0x56: {  	_ =	shalt  }
0x57: {  	_ =	shalt  }
0x58: {  	_ =	shalt  }
0x59: {  	_ =	shalt  }
0x5a: {  	_ =	shalt  }
0x5b: {  	_ =	shalt  }
0x5c: {  	_ =	shalt  }
0x5d: {  	_ =	shalt  }
0x5e: {  	_ =	shalt  }
0x5f: {  	_ =	shalt  }
0x60: {  	_ =	shalt  }
0x61: {  	_ =	shalt  }
0x62: {  	_ =	shalt  }
0x63: {  	_ =	shalt  }
0x64: {  	_ =	shalt  }
0x65: {  	_ =	shalt  }
0x66: {  	_ =	shalt  }
0x67: {  	_ =	shalt  }
0x68: {  	_ =	shalt  }
0x69: {  	_ =	shalt  }
0x6a: {  	_ =	shalt  }
0x6b: {  	_ =	shalt  }
0x6c: {  	_ =	shalt  }
0x6d: {  	_ =	shalt  }
0x6e: {  	_ =	shalt  }
0x6f: {  	_ =	shalt  }
0x70: {  	_ =	shalt  }
0x71: {  	_ =	shalt  }
0x72: {  	_ =	shalt  }
0x73: {  	_ =	shalt  }
0x74: {  	_ =	shalt  }
0x75: {  	_ =	shalt  }
0x76: {  	_ =	shalt  }
0x77: {  	_ =	shalt  }
0x78: {  	_ =	shalt  }
0x79: {  	_ =	shalt  }
0x7a: {  	_ =	shalt  }
0x7b: {  	_ =	shalt  }
0x7c: {  	_ =	shalt  }
0x7d: {  	_ =	shalt  }
0x7e: {  	_ =	shalt  }
0x7f: {  	_ =	shalt  }
0x80: {  	_ =	shalt  }
0x81: {  	_ =	shalt  }
0x82: {  	_ =	shalt  }
0x83: {  	_ =	shalt  }
0x84: {  	_ =	shalt  }
0x85: {  	_ =	shalt  }
0x86: {  	_ =	shalt  }
0x87: {  	_ =	shalt  }
.Lfunc_end0:
.L_simem_size_0:
called_computation.1_lowered:
.L_overlay_start_0:
0x88: {  	s2 =	sld [smem:$0x3FD9]  }
0x89: {  	s3 =	sld [smem:$0x3FFE];
	_ =	sdelay $0x1  }
0x8a: {  	s1 =	srdreg.scid  }
0x8b: {  	s0 =	sand.u32 $0x1, s1  }
0x8c: {  	s17 =	sshll.u32 s0, $0xA;
	s2 =	sadd.s32 s3, s2  }
0x8d: {  	s2 =	sadd.s32 s2, s17  }
0x8e: {  	[smem:$0x3FBF] =	sst s2  }
0x8f: {  	_ = 	snop  }
0x90: {  	s2 =	sld [smem:$0x3FD0];
	(tm) =	ssettm $0x1  }
0x91: {  	s18 =	sld [smem:$0x3FFB];
	_ =	sdelay $0x3  }
0x92: {  	_ =	strace s18  }
0x93: {  	s3 =	sld [smem:$0x3FFC];
	_ =	sdelay $0x3  }
0x94: {  	_ =	strace s3  }
0x95: {  	s3 =	sld [smem:$0x3FFD];
	_ =	sdelay $0x3  }
0x96: {  	_ =	strace s3  }
0x97: {  	_ =	strace $0x8FFFFFFF  }
0x98: {  	s19 =	sld [smem:$0x3FDB];
	_ =	sdelay $0x1  }
0x99: {  	s4 =	simm.s32 $_scs_section_size  }
0x9a: {  	s5 =	simm.s32 $_size__tile_overlayer_lowered;
	s6 =	simm.s32 $_tile_overlayer_lowered  }
0x9b: {  	s22 =	simm.s32 $0x1BFF;
	s21 =	sshll.u32 s6, $0x1;
	s3 =	sadd.s32 s4, s19  }
0x9c: {  	s7 =	simm.s32 $0x0;
	s20 =	sshll.u32 s5, $0x1;
	s5 =	sadd.s32 s21, s3  }
0x9d: {  	[timem:s7], [sflag:s22] =	dma.local [hbm:s5], s20  }
0x9e: {  	_ =	swait.ge [sflag:s22], s20  }
0x9f: {  	s4 =	ssub.s32 $0x0, s20;
	[sflag:s22] =	ssyncset.done $0x0  }
0xa0: {  	[sflag:s22] =	ssyncadd.s32 s4;
	_ =	sdelay $0x1  }
0xa1: {  	s23 =	simm.s32 $0x1B8B  }
0xa2: {  	_ =	swait.ge [sflag:s23], $0x1  }
0xa3: {  	[sflag:s23] =	ssyncset.done $0x0  }
0xa4: {  	s25 =	simm.s32 $0x1B8E;
	s24 =	sld [smem:$0x3FFE];
	[sflag:s23] =	ssyncadd.s32 $0xFFFFFFFF  }
0xa5: {  	s26 =	simm.s32 $execute0_lowered;
	[smem:$0x3FD2] =	sst s25  }
0xa6: {  	s5 =	sshll.u32 s26, $0x1;
	_ =	strace $0x80000049;
	[dreg:$0x1] =	wrdreg $0xFFFFFFFF  }
0xa7: {  	s28 =	simm.s32 $_size_execute0_lowered;
	s3 =	sadd.s32 s3, s5;
	[dreg:$0x0] =	wrdreg $0x0  }
0xa8: {  	s5 =	sshll.u32 s28, $0x1;
	[dreg:$0x2] =	wrdreg s3  }
0xa9: {  	[dreg:$0x3] =	wrdreg s5  }
0xaa: {  	[dreg:$0x4] =	wrdreg $0xC0  }
0xab: {  	_ =	task [dreg:s7], $0x5FFFF  }
0xac: {  	[dreg:$0x1] =	wrdreg $0xFFFFFFFF  }
0xad: {  	[dreg:$0x0] =	wrdreg $0x60  }
0xae: {  	[dreg:$0x2] =	wrdreg s24  }
0xaf: {  	[dreg:$0x3] =	wrdreg s2  }
0xb0: {  	[dreg:$0x4] =	wrdreg $0x0  }
0xb1: {  	[dreg:$0x5] =	wrdreg $0x9  }
0xb2: {  	_ =	task.clear_ibuf [dreg:s7], $0x6FFFF;
	_ =	strace $0x90000049  }
0xb3: {  	s29 =	simm.s32 $0x9;
	_ =	strace $0x8000004B  }
0xb4: {  	_ =	swait.ge [sflag:s29], $0x1  }
0xb5: {  	[sflag:s29] =	ssyncadd.s32 $0xFFFFFFFF  }
0xb6: {  	_ =	strace $0x9000004B  }
0xb7: {  	_ =	sfence  }
0xb8: {  	s30 =	sld [smem:$0x0];
	_ =	sdelay $0x2  }
0xb9: {  	s31 =	sshll.u32 s1, $0xD;
	s1 =	sshrl.u32 s1, $0x2  }
0xba: {  	s3 =	sand.u32 $0x4000, s31;
	s1 =	sadd.s32 s1, s30  }
0xbb: {  	s0 =	sor.u32 s3, s0;
	s1 =	sshll.u32 s1, $0x11  }
0xbc: {  	s0 =	sor.u32 s1, s0  }
0xbd: {  	s0 =	sadd.s32 $0x8F2B, s0  }
0xbe: {  	[sflag:s0] =	ssyncadd.remote.s32 $0x1  }
0xbf: {  	_ =	sfence.sel $0xFFFF  }
0xc0: {  	[dreg:$0x0] =	wrdreg $0xFFFFFFFF;
	(pc) =	sbr.abs _section_cstart, $3  }
0xc1: {  	[dreg:$0x1] =	wrdreg $0xFFFFFFFF  }
0xc2: {  	_ =	task.clear_ibuf [dreg:s7], $0x2FFFF;
	_ =	strace $0x9FFFFFFF  }
0xc3: {  	(tm) =	ssettm $0x7FFFFFFF  }
tec
execute0_lowered:
.L_overlay_start_1:
0x0: {  	(tag) =	ssettag $0x1  }
0x1: {  	s0 =	rddreg [dreg:$0x0]  }
0x2: {  	s1 =	rddreg [dreg:$0x1]  }
0x3: {  	s2 =	rddreg [dreg:$0x2];
	s4 =	simm.s32 $0x0;
	s3 =	srdreg.scid  }
0x4: {  	s13 =	stileid.u32;
	s19 =	simm.s32 $0x7000;
	s20 =	simm.s32 $0x2  }
0x5: {  	s21 =	simm.s32 $0xF000;
	s22 =	simm.s32 $0x80;
	s23 =	simm.s32 $0xF100  }
0x6: {  	s24 =	simm.s32 $0xB000;
	[smem:$0x7FF] =	sst s4;
	s8 =	smul.u32 $0x1C000, s13  }
0x7: {  	s3 =	sand.u32 $0x1, s3;
	s5 =	sadd.s32 $0xE800, s0;
	s10 =	smul.u32 $0xD8, s13  }
0x8: {  	s6 =	sadd.s32 $0x287000, s0;
	s11 =	sadd.s32 $0x147000, s0;
	s12 =	smul.u32 $0x1B000, s13  }
0x9: {  	s0 =	sadd.s32 $0x147800, s0;
	_ =	strace $0x8000004A;
	s7 =	ssub.s32 $0x2, s3  }
0xa: {  	s25 =	smul.u32 $0x2880, s3;
	s3 =	sshll.u32 s3, $0x4;
	s9 =	sshrl.u32 s7, $0x1  }
0xb: {  	s26 =	sshrl.u32 s8, $0x2;
	s3 =	sor.u32 s13, s3;
	s28 =	sshrl.u32 s12, $0x2  }
0xc: {  	s18 =	ssub.s32 s7, s9;
	s7 =	sadd.s32 s26, s2;
	s9 =	sadd.s32 s10, s25  }
0xd: {  	s10 =	sadd.s32 s28, s2;
	s25 =	simm.s32 $0x1;
	s26 =	simm.s32 $0xF180  }
0xe: {  	s8 =	sadd.s32 $0x4000, s7;
	s15 =	sshll.u32 s9, $0x4;
	s9 =	smul.u32 $0x4F, s3  }
0xf: {  	s30 =	sadd.s32 $0x4000, s10;
	s18 =	smax.u32 s18, $0x1;
	s29 =	sadd.s32 s11, s15  }
0x10: {  	[dreg:$0x5] =	wrdreg s30;
	s31 =	sadd.s32 $0xD800, s15;
	s13 =	sadd.s32 s15, s0  }
0x11: {  	s17 =	sadd.s32 $0x1B000, s15;
	[dreg:$0x4] =	wrdreg s29;
	s14 =	sadd.s32 s11, s31  }
0x12: {  	v0 =	vimm.f32 $0.0e+00;
	s15 =	sadd.s32 s31, s0;
	s16 =	sadd.s32 s11, s17;
	s17 =	sadd.s32 s17, s0  }
.LBB2_1:
0x13: {  	s0 =	simm.s32 $0x0;
	s3 =	simm.s32 $0x200  }
.LBB2_2:
0x14: {  	p0 =	sne.s32 s3, $0xFE00;
	[tilespmem:s0+$0x7070] =	vst v0  }
0x15: {  	[tilespmem:s0+$0x7000] =	vst v0  }
0x16: {  	[tilespmem:s0+$0x7010] =	vst v0  }
.Ltmp0:
0x17: {  	[tilespmem:s0+$0x7020] =	vst v0;
	(pc) =	sbr.rel @p0 .LBB2_2-.Ltmp0, $4  }
0x18: {  	[tilespmem:s0+$0x7030] =	vst v0  }
0x19: {  	[tilespmem:s0+$0x7040] =	vst v0  }
0x1a: {  	[tilespmem:s0+$0x7050] =	vst v0  }
0x1b: {  	[tilespmem:s0+$0x7060] =	vst v0;
	s0 =	sshra.s32 s3, $0x2;
	s3 =	sadd.s32 $0x200, s3  }
0x1c: {  	[tilespmem:s0+$0x7070] =	vst v0  }
0x1d: {  	[tilespmem:s0+$0x7000] =	vst v0  }
0x1e: {  	[tilespmem:s0+$0x7010] =	vst v0  }
0x1f: {  	[tilespmem:s0+$0x7020] =	vst v0  }
0x20: {  	[tilespmem:s0+$0x7030] =	vst v0  }
0x21: {  	[tilespmem:s0+$0x7040] =	vst v0  }
0x22: {  	[tilespmem:s0+$0x7050] =	vst v0  }
0x23: {  	[tilespmem:s0+$0x7060] =	vst v0  }
0x24: {  	[spmem:s7] =	stream.linear.scatter [tilespmem:s19], [sflag:$0x2], $0x4000, $0x38;
	[tilespmem:$0xF200] =	vst v63  }
0x25: {  	_ =	swait.ge [sflag:s20], $0x4000  }
0x26: {  	[sflag:s20] =	ssyncset.done $0x0  }
0x27: {  	[sflag:s20] =	ssyncadd.s32 $0xFFFFC000  }
0x28: {  	[spmem:s8] =	stream.linear.scatter [tilespmem:s19], [sflag:$0x2], $0x3000, $0x38;
	[tilespmem:$0xF200] =	vst v63  }
0x29: {  	_ =	swait.ge [sflag:s20], $0x3000  }
0x2a: {  	[sflag:s20] =	ssyncset.done $0x0  }
0x2b: {  	[sflag:s20] =	ssyncadd.s32 $0xFFFFD000  }
0x2c: {  	s0 =	simm.s32 $0x0;
	s28 =	simm.s32 $0x0;
	[bflag:$0x0] =	sbarrier.arrive $0xFFFF  }
.LBB2_4:
0x2d: {  	s3 =	sadd.s32 s9, s28  }
0x2e: {  	s3 =	smul.u32 $0x30, s3;
	_ =	sdelay $0x1  }
0x2f: {  	s3 =	sadd.s32 s1, s3  }
0x30: {  	[tilespmem:s21], [sflag:$0x2] =	stream.linear.gather [hbm4b:s3+s0], $0x180, $0x38;
	[tilespmem:$0xF200] =	vst v63  }
0x31: {  	_ =	swait.ge [sflag:s20], $0x180  }
0x32: {  	[sflag:s20] =	ssyncset.done $0x0  }
0x33: {  	[sflag:s20] =	ssyncadd.s32 $0xFFFFFE80  }
0x34: {  	[tilespmem:s24], [sflag:$0x1] =	stream.indirect.gather [hbm4b:s6+s22], $0x80, s23, s22, $0xb8;
	[tilespmem:$0xF200] =	vst v63  }
0x35: {  	_ = 	snop  }
0x36: {  	[tilespmem:s19], [sflag:$0x1] =	stream.indirect.gather [hbm4b:s5+s22], $0x80, s21, s22, $0xb8;
	[tilespmem:$0xF200] =	vst v63  }
0x37: {  	v1 =	vld [tilespmem:$0xF080]  }
0x38: {  	v2 =	vld [tilespmem:$0xF090]  }
0x39: {  	v3 =	vld [tilespmem:$0xF0A0]  }
0x3a: {  	v4 =	vld [tilespmem:$0xF0B0]  }
0x3b: {  	v5 =	vld [tilespmem:$0xF0C0]  }
0x3c: {  	v6 =	vld [tilespmem:$0xF0D0];
	vm0 =	vlt.u32 v1, $0xD80  }
0x3d: {  	v7 =	vld [tilespmem:$0xF0E0];
	vm9 =	vlt.u32 v2, $0xD80;
	v1 =	vnsel vm0, $0xDC0, v1  }
0x3e: {  	vm10 =	vlt.u32 v3, $0xD80;
	[tilespmem:$0xF180] =	vst v1;
	v1 =	vnsel vm9, $0xDC0, v2;
	v2 =	vld [tilespmem:$0xF0F0]  }
0x3f: {  	vm11 =	vlt.u32 v4, $0xD80;
	[tilespmem:$0xF190] =	vst v1;
	v1 =	vnsel vm10, $0xDC0, v3  }
0x40: {  	vm12 =	vlt.u32 v5, $0xD80;
	[tilespmem:$0xF1A0] =	vst v1;
	v1 =	vnsel vm11, $0xDC0, v4  }
0x41: {  	vm13 =	vlt.u32 v6, $0xD80;
	[tilespmem:$0xF1B0] =	vst v1;
	v1 =	vnsel vm12, $0xDC0, v5  }
0x42: {  	vm14 =	vlt.u32 v7, $0xD80;
	[tilespmem:$0xF1C0] =	vst v1;
	v1 =	vnsel vm13, $0xDC0, v6  }
0x43: {  	[tilespmem:$0xF1D0] =	vst v1;
	v1 =	vnsel vm14, $0xDC0, v7;
	vm15 =	vlt.u32 v2, $0xD80  }
0x44: {  	[tilespmem:$0xF1E0] =	vst v1;
	v1 =	vnsel vm15, $0xDC0, v2  }
0x45: {  	[tilespmem:$0xF1F0] =	vst v1  }
0x46: {  	_ =	swait.ge [sflag:s25], $0x4000  }
0x47: {  	[sflag:s25] =	ssyncset.done $0x0  }
0x48: {  	[sflag:s25] =	ssyncadd.s32 $0xFFFFC000  }
0x49: {  	_ =	swait.ge [sflag:s25], $0x4000  }
0x4a: {  	[sflag:s25] =	ssyncset.done $0x0  }
0x4b: {  	s29 =	simm.s32 $0x0;
	[sflag:s25] =	ssyncadd.s32 $0xFFFFC000  }
0x4c: {  	v8 =	vld [tilespmem:s29+$0xB000]  }
0x4d: {  	v12 =	vld [tilespmem:s29+$0xB010]  }
0x4e: {  	v6 =	vld [tilespmem:s29+$0xB020]  }
0x4f: {  	v5 =	vld [tilespmem:s29+$0xB030]  }
0x50: {  	v4 =	vld [tilespmem:s29+$0xB040]  }
0x51: {  	v3 =	vld [tilespmem:s29+$0xB050]  }
0x52: {  	v2 =	vld [tilespmem:s29+$0xB060]  }
0x53: {  	v1 =	vld [tilespmem:s29+$0xB070]  }
0x54: {  	v13 =	vld [tilespmem:s29+$0x7000]  }
0x55: {  	v14 =	vld [tilespmem:s29+$0x7010]  }
0x56: {  	v11 =	vld [tilespmem:s29+$0x7020]  }
0x57: {  	v10 =	vld [tilespmem:s29+$0x7030]  }
0x58: {  	v9 =	vld [tilespmem:s29+$0x7040]  }
0x59: {  	v7 =	vld [tilespmem:s29+$0x7050];
	v13 =	vmul.f32 v8, v13  }
0x5a: {  	s3 =	simm.s32 $0x200;
	v12 =	vmul.f32 v12, v14;
	v8 =	vld [tilespmem:s29+$0x7060]  }
.LBB2_5:
0x5b: {  	s11 =	sshra.s32 s3, $0x2;
	p0 =	sne.s32 s3, $0xFE00;
	[tilespmem:s29+$0x7000] =	vst v13;
	v6 =	vmul.f32 v6, v11;
	v11 =	vld [tilespmem:s29+$0x7070]  }
0x5c: {  	v13 =	vld [tilespmem:s11+$0xB000];
	[tilespmem:s29+$0x7010] =	vst v12;
	v5 =	vmul.f32 v5, v10  }
0x5d: {  	v12 =	vld [tilespmem:s11+$0xB010];
	[tilespmem:s29+$0x7020] =	vst v6;
	v4 =	vmul.f32 v4, v9  }
0x5e: {  	v6 =	vld [tilespmem:s11+$0xB020];
	[tilespmem:s29+$0x7030] =	vst v5;
	v3 =	vmul.f32 v3, v7  }
0x5f: {  	v5 =	vld [tilespmem:s11+$0xB030];
	[tilespmem:s29+$0x7040] =	vst v4;
	v2 =	vmul.f32 v2, v8  }
0x60: {  	v4 =	vld [tilespmem:s11+$0xB040];
	[tilespmem:s29+$0x7050] =	vst v3;
	v1 =	vmul.f32 v1, v11  }
0x61: {  	v3 =	vld [tilespmem:s11+$0xB050];
	[tilespmem:s29+$0x7060] =	vst v2  }
0x62: {  	v2 =	vld [tilespmem:s11+$0xB060];
	[tilespmem:s29+$0x7070] =	vst v1;
	s29 =	smov.u32 s11  }
0x63: {  	v1 =	vld [tilespmem:s29+$0xB070]  }
0x64: {  	v7 =	vld [tilespmem:s29+$0x7000]  }
0x65: {  	v8 =	vld [tilespmem:s29+$0x7010]  }
.Ltmp1:
0x66: {  	v11 =	vld [tilespmem:s29+$0x7020];
	(pc) =	sbr.rel @p0 .LBB2_5-.Ltmp1, $4  }
0x67: {  	v10 =	vld [tilespmem:s29+$0x7030]  }
0x68: {  	v9 =	vld [tilespmem:s29+$0x7040]  }
0x69: {  	v13 =	vmul.f32 v13, v7;
	v7 =	vld [tilespmem:s29+$0x7050]  }
0x6a: {  	s3 =	sadd.s32 $0x200, s3;
	v12 =	vmul.f32 v12, v8;
	v8 =	vld [tilespmem:s29+$0x7060]  }
0x6b: {  	[tilespmem:s29+$0x7000] =	vst v13;
	v6 =	vmul.f32 v6, v11;
	v63 =	vld [tilespmem:s29+$0x7070]  }
0x6c: {  	[tilespmem:s29+$0x7010] =	vst v12;
	v5 =	vmul.f32 v5, v10  }
0x6d: {  	[tilespmem:s29+$0x7020] =	vst v6;
	v4 =	vmul.f32 v4, v9  }
0x6e: {  	[tilespmem:s29+$0x7030] =	vst v5;
	v3 =	vmul.f32 v3, v7  }
0x6f: {  	[tilespmem:s29+$0x7040] =	vst v4;
	v2 =	vmul.f32 v2, v8  }
0x70: {  	s28 =	sadd.s32 $0x1, s28;
	[tilespmem:s29+$0x7050] =	vst v3;
	v1 =	vmul.f32 v1, v63  }
0x71: {  	p0 =	sne.s32 s28, $0x4F;
	[tilespmem:s29+$0x7060] =	vst v2  }
.Ltmp2:
0x72: {  	[tilespmem:s29+$0x7070] =	vst v1;
	(pc) =	sbr.rel @p0 .LBB2_4-.Ltmp2, $4  }
0x73: {  	[spmem:s2] =	stream.indirect.scatter.add.f32 [tilespmem:s19], [sflag:$0x2], $0x80, s26, s22, $0xb8;
	[tilespmem:$0xF200] =	vst v63  }
0x74: {  	_ =	swait.ge [sflag:s20], $0x4000  }
0x75: {  	[sflag:s20] =	ssyncset.done $0x0  }
0x76: {  	[sflag:s20] =	ssyncadd.s32 $0xFFFFC000  }
0x77: {  	s0 =	stileid.u32  }
0x78: {  	[bflag:$0x0] =	sbarrier.arrive $0xFFFF;
	s0 =	sshll.u32 s0, $0x6  }
0x79: {  	s29 =	sshrl.u32 s10, $0x3;
	s12 =	rddreg [dreg:$0x4];
	s28 =	sor.u32 $0x1C02, s0  }
0x7a: {  	[hbm:s12], [sflag:s28] =	dma.local [spmem:s29], $0x800  }
0x7b: {  	_ =	swait.ge [sflag:s20], $0x800  }
0x7c: {  	[sflag:s20] =	ssyncset.done $0x0;
	s31 =	rddreg [dreg:$0x5]  }
0x7d: {  	[sflag:s20] =	ssyncadd.s32 $0xFFFFF800;
	s30 =	sshrl.u32 s31, $0x3  }
0x7e: {  	[hbm:s13], [sflag:s28] =	dma.local [spmem:s30], $0x580  }
0x7f: {  	_ =	swait.ge [sflag:s20], $0x580  }
0x80: {  	[sflag:s20] =	ssyncset.done $0x0  }
0x81: {  	[sflag:s20] =	ssyncadd.s32 $0xFFFFFA80  }
0x82: {  	s3 =	simm.s32 $0x200;
	s0 =	simm.s32 $0x0;
	[bflag:$0x0] =	sbarrier.arrive $0xFFFF  }
.LBB2_8:
0x83: {  	p0 =	sne.s32 s3, $0xFE00;
	[tilespmem:s0+$0x7070] =	vst v0  }
0x84: {  	[tilespmem:s0+$0x7000] =	vst v0  }
0x85: {  	[tilespmem:s0+$0x7010] =	vst v0  }
.Ltmp3:
0x86: {  	[tilespmem:s0+$0x7020] =	vst v0;
	(pc) =	sbr.rel @p0 .LBB2_8-.Ltmp3, $4  }
0x87: {  	[tilespmem:s0+$0x7030] =	vst v0  }
0x88: {  	[tilespmem:s0+$0x7040] =	vst v0  }
0x89: {  	[tilespmem:s0+$0x7050] =	vst v0  }
0x8a: {  	[tilespmem:s0+$0x7060] =	vst v0;
	s0 =	sshra.s32 s3, $0x2;
	s3 =	sadd.s32 $0x200, s3  }
0x8b: {  	[tilespmem:s0+$0x7070] =	vst v0  }
0x8c: {  	[tilespmem:s0+$0x7000] =	vst v0  }
0x8d: {  	[tilespmem:s0+$0x7010] =	vst v0  }
0x8e: {  	[tilespmem:s0+$0x7020] =	vst v0  }
0x8f: {  	[tilespmem:s0+$0x7030] =	vst v0  }
0x90: {  	[tilespmem:s0+$0x7040] =	vst v0  }
0x91: {  	[tilespmem:s0+$0x7050] =	vst v0  }
0x92: {  	[tilespmem:s0+$0x7060] =	vst v0  }
0x93: {  	[spmem:s7] =	stream.linear.scatter [tilespmem:s19], [sflag:$0x2], $0x4000, $0x38;
	[tilespmem:$0xF200] =	vst v63  }
0x94: {  	_ =	swait.ge [sflag:s20], $0x4000  }
0x95: {  	[sflag:s20] =	ssyncset.done $0x0  }
0x96: {  	[sflag:s20] =	ssyncadd.s32 $0xFFFFC000  }
0x97: {  	[spmem:s8] =	stream.linear.scatter [tilespmem:s19], [sflag:$0x2], $0x3000, $0x38;
	[tilespmem:$0xF200] =	vst v63  }
0x98: {  	_ =	swait.ge [sflag:s20], $0x3000  }
0x99: {  	[sflag:s20] =	ssyncset.done $0x0  }
0x9a: {  	[sflag:s20] =	ssyncadd.s32 $0xFFFFD000  }
0x9b: {  	s31 =	simm.s32 $0x0;
	s0 =	simm.s32 $0x0;
	[bflag:$0x0] =	sbarrier.arrive $0xFFFF  }
.LBB2_10:
0x9c: {  	s3 =	sadd.s32 s9, s0  }
0x9d: {  	s3 =	smul.u32 $0x30, s3;
	_ =	sdelay $0x1  }
0x9e: {  	s3 =	sadd.s32 s1, s3  }
0x9f: {  	[tilespmem:s21], [sflag:$0x2] =	stream.linear.gather [hbm4b:s3+s31], $0x180, $0x38;
	[tilespmem:$0xF200] =	vst v63  }
0xa0: {  	_ =	swait.ge [sflag:s20], $0x180  }
0xa1: {  	[sflag:s20] =	ssyncset.done $0x0  }
0xa2: {  	[sflag:s20] =	ssyncadd.s32 $0xFFFFFE80  }
0xa3: {  	[tilespmem:s24], [sflag:$0x1] =	stream.indirect.gather [hbm4b:s6+s22], $0x80, s23, s22, $0xb8;
	[tilespmem:$0xF200] =	vst v63  }
0xa4: {  	_ = 	snop  }
0xa5: {  	[tilespmem:s19], [sflag:$0x1] =	stream.indirect.gather [hbm4b:s5+s22], $0x80, s21, s22, $0xb8;
	[tilespmem:$0xF200] =	vst v63  }
0xa6: {  	v1 =	vld [tilespmem:$0xF080]  }
0xa7: {  	v2 =	vld [tilespmem:$0xF090]  }
0xa8: {  	v3 =	vld [tilespmem:$0xF0A0]  }
0xa9: {  	v4 =	vld [tilespmem:$0xF0B0]  }
0xaa: {  	v5 =	vld [tilespmem:$0xF0C0]  }
0xab: {  	v6 =	vld [tilespmem:$0xF0D0];
	v1 =	vadd.s32 $0xFFFFF280, v1  }
0xac: {  	v7 =	vld [tilespmem:$0xF0E0];
	v2 =	vadd.s32 $0xFFFFF280, v2;
	vm0 =	vlt.u32 v1, $0xD80  }
0xad: {  	v8 =	vld [tilespmem:$0xF0F0];
	v3 =	vadd.s32 $0xFFFFF280, v3;
	vm9 =	vlt.u32 v2, $0xD80;
	v1 =	vnsel vm0, $0xDC0, v1  }
0xae: {  	vm10 =	vlt.u32 v3, $0xD80;
	[tilespmem:$0xF180] =	vst v1;
	v1 =	vnsel vm9, $0xDC0, v2;
	v2 =	vadd.s32 $0xFFFFF280, v4  }
0xaf: {  	[tilespmem:$0xF190] =	vst v1;
	v1 =	vnsel vm10, $0xDC0, v3;
	vm11 =	vlt.u32 v2, $0xD80;
	v3 =	vadd.s32 $0xFFFFF280, v5  }
0xb0: {  	[tilespmem:$0xF1A0] =	vst v1;
	v1 =	vnsel vm11, $0xDC0, v2;
	vm12 =	vlt.u32 v3, $0xD80;
	v2 =	vadd.s32 $0xFFFFF280, v6  }
0xb1: {  	[tilespmem:$0xF1B0] =	vst v1;
	v1 =	vnsel vm12, $0xDC0, v3;
	vm13 =	vlt.u32 v2, $0xD80;
	v3 =	vadd.s32 $0xFFFFF280, v7  }
0xb2: {  	[tilespmem:$0xF1C0] =	vst v1;
	v1 =	vnsel vm13, $0xDC0, v2;
	vm14 =	vlt.u32 v3, $0xD80;
	v2 =	vadd.s32 $0xFFFFF280, v8  }
0xb3: {  	[tilespmem:$0xF1D0] =	vst v1;
	v1 =	vnsel vm14, $0xDC0, v3;
	vm15 =	vlt.u32 v2, $0xD80  }
0xb4: {  	[tilespmem:$0xF1E0] =	vst v1;
	v1 =	vnsel vm15, $0xDC0, v2  }
0xb5: {  	[tilespmem:$0xF1F0] =	vst v1  }
0xb6: {  	_ =	swait.ge [sflag:s25], $0x4000  }
0xb7: {  	[sflag:s25] =	ssyncset.done $0x0  }
0xb8: {  	[sflag:s25] =	ssyncadd.s32 $0xFFFFC000  }
0xb9: {  	_ =	swait.ge [sflag:s25], $0x4000  }
0xba: {  	[sflag:s25] =	ssyncset.done $0x0  }
0xbb: {  	s3 =	simm.s32 $0x0;
	[sflag:s25] =	ssyncadd.s32 $0xFFFFC000  }
0xbc: {  	v8 =	vld [tilespmem:s3+$0xB000]  }
0xbd: {  	v12 =	vld [tilespmem:s3+$0xB010]  }
0xbe: {  	v6 =	vld [tilespmem:s3+$0xB020]  }
0xbf: {  	v5 =	vld [tilespmem:s3+$0xB030]  }
0xc0: {  	v4 =	vld [tilespmem:s3+$0xB040]  }
0xc1: {  	v3 =	vld [tilespmem:s3+$0xB050]  }
0xc2: {  	v2 =	vld [tilespmem:s3+$0xB060]  }
0xc3: {  	v1 =	vld [tilespmem:s3+$0xB070]  }
0xc4: {  	v13 =	vld [tilespmem:s3+$0x7000]  }
0xc5: {  	v14 =	vld [tilespmem:s3+$0x7010]  }
0xc6: {  	v11 =	vld [tilespmem:s3+$0x7020]  }
0xc7: {  	v10 =	vld [tilespmem:s3+$0x7030]  }
0xc8: {  	v9 =	vld [tilespmem:s3+$0x7040]  }
0xc9: {  	v7 =	vld [tilespmem:s3+$0x7050];
	v13 =	vmul.f32 v8, v13  }
0xca: {  	s11 =	simm.s32 $0x200;
	v12 =	vmul.f32 v12, v14;
	v8 =	vld [tilespmem:s3+$0x7060]  }
.LBB2_11:
0xcb: {  	s12 =	sshra.s32 s11, $0x2;
	p0 =	sne.s32 s11, $0xFE00;
	[tilespmem:s3+$0x7000] =	vst v13;
	v6 =	vmul.f32 v6, v11;
	v11 =	vld [tilespmem:s3+$0x7070]  }
0xcc: {  	v13 =	vld [tilespmem:s12+$0xB000];
	[tilespmem:s3+$0x7010] =	vst v12;
	v5 =	vmul.f32 v5, v10  }
0xcd: {  	v12 =	vld [tilespmem:s12+$0xB010];
	[tilespmem:s3+$0x7020] =	vst v6;
	v4 =	vmul.f32 v4, v9  }
0xce: {  	v6 =	vld [tilespmem:s12+$0xB020];
	[tilespmem:s3+$0x7030] =	vst v5;
	v3 =	vmul.f32 v3, v7  }
0xcf: {  	v5 =	vld [tilespmem:s12+$0xB030];
	[tilespmem:s3+$0x7040] =	vst v4;
	v2 =	vmul.f32 v2, v8  }
0xd0: {  	v4 =	vld [tilespmem:s12+$0xB040];
	[tilespmem:s3+$0x7050] =	vst v3;
	v1 =	vmul.f32 v1, v11  }
0xd1: {  	v3 =	vld [tilespmem:s12+$0xB050];
	[tilespmem:s3+$0x7060] =	vst v2  }
0xd2: {  	v2 =	vld [tilespmem:s12+$0xB060];
	[tilespmem:s3+$0x7070] =	vst v1;
	s3 =	smov.u32 s12  }
0xd3: {  	v1 =	vld [tilespmem:s3+$0xB070]  }
0xd4: {  	v7 =	vld [tilespmem:s3+$0x7000]  }
0xd5: {  	v8 =	vld [tilespmem:s3+$0x7010]  }
.Ltmp4:
0xd6: {  	v11 =	vld [tilespmem:s3+$0x7020];
	(pc) =	sbr.rel @p0 .LBB2_11-.Ltmp4, $4  }
0xd7: {  	v10 =	vld [tilespmem:s3+$0x7030]  }
0xd8: {  	v9 =	vld [tilespmem:s3+$0x7040]  }
0xd9: {  	v13 =	vmul.f32 v13, v7;
	v7 =	vld [tilespmem:s3+$0x7050]  }
0xda: {  	s11 =	sadd.s32 $0x200, s11;
	v12 =	vmul.f32 v12, v8;
	v8 =	vld [tilespmem:s3+$0x7060]  }
0xdb: {  	[tilespmem:s3+$0x7000] =	vst v13;
	v6 =	vmul.f32 v6, v11;
	v63 =	vld [tilespmem:s3+$0x7070]  }
0xdc: {  	[tilespmem:s3+$0x7010] =	vst v12;
	v5 =	vmul.f32 v5, v10  }
0xdd: {  	[tilespmem:s3+$0x7020] =	vst v6;
	v4 =	vmul.f32 v4, v9  }
0xde: {  	[tilespmem:s3+$0x7030] =	vst v5;
	v3 =	vmul.f32 v3, v7  }
0xdf: {  	[tilespmem:s3+$0x7040] =	vst v4;
	v2 =	vmul.f32 v2, v8  }
0xe0: {  	s0 =	sadd.s32 $0x1, s0;
	[tilespmem:s3+$0x7050] =	vst v3;
	v1 =	vmul.f32 v1, v63  }
0xe1: {  	p0 =	sne.s32 s0, $0x4F;
	[tilespmem:s3+$0x7060] =	vst v2  }
.Ltmp5:
0xe2: {  	[tilespmem:s3+$0x7070] =	vst v1;
	(pc) =	sbr.rel @p0 .LBB2_10-.Ltmp5, $4  }
0xe3: {  	[spmem:s2] =	stream.indirect.scatter.add.f32 [tilespmem:s19], [sflag:$0x2], $0x80, s26, s22, $0xb8;
	[tilespmem:$0xF200] =	vst v63  }
0xe4: {  	_ =	swait.ge [sflag:s20], $0x4000  }
0xe5: {  	[sflag:s20] =	ssyncset.done $0x0  }
0xe6: {  	[sflag:s20] =	ssyncadd.s32 $0xFFFFC000  }
0xe7: {  	[bflag:$0x0] =	sbarrier.arrive $0xFFFF  }
0xe8: {  	[hbm:s14], [sflag:s28] =	dma.local [spmem:s29], $0x800  }
0xe9: {  	_ =	swait.ge [sflag:s20], $0x800  }
0xea: {  	[sflag:s20] =	ssyncset.done $0x0  }
0xeb: {  	[sflag:s20] =	ssyncadd.s32 $0xFFFFF800  }
0xec: {  	[hbm:s15], [sflag:s28] =	dma.local [spmem:s30], $0x580  }
0xed: {  	_ =	swait.ge [sflag:s20], $0x580  }
0xee: {  	[sflag:s20] =	ssyncset.done $0x0  }
0xef: {  	[sflag:s20] =	ssyncadd.s32 $0xFFFFFA80  }
0xf0: {  	s0 =	simm.s32 $0x0;
	s3 =	simm.s32 $0x200;
	[bflag:$0x0] =	sbarrier.arrive $0xFFFF  }
.LBB2_14:
0xf1: {  	p0 =	sne.s32 s3, $0xFE00;
	[tilespmem:s0+$0x7070] =	vst v0  }
0xf2: {  	[tilespmem:s0+$0x7000] =	vst v0  }
0xf3: {  	[tilespmem:s0+$0x7010] =	vst v0  }
.Ltmp6:
0xf4: {  	[tilespmem:s0+$0x7020] =	vst v0;
	(pc) =	sbr.rel @p0 .LBB2_14-.Ltmp6, $4  }
0xf5: {  	[tilespmem:s0+$0x7030] =	vst v0  }
0xf6: {  	[tilespmem:s0+$0x7040] =	vst v0  }
0xf7: {  	[tilespmem:s0+$0x7050] =	vst v0  }
0xf8: {  	[tilespmem:s0+$0x7060] =	vst v0;
	s0 =	sshra.s32 s3, $0x2;
	s3 =	sadd.s32 $0x200, s3  }
0xf9: {  	[tilespmem:s0+$0x7070] =	vst v0  }
0xfa: {  	[tilespmem:s0+$0x7000] =	vst v0  }
0xfb: {  	[tilespmem:s0+$0x7010] =	vst v0  }
0xfc: {  	[tilespmem:s0+$0x7020] =	vst v0  }
0xfd: {  	[tilespmem:s0+$0x7030] =	vst v0  }
0xfe: {  	[tilespmem:s0+$0x7040] =	vst v0  }
0xff: {  	[tilespmem:s0+$0x7050] =	vst v0  }
0x100: {  	[tilespmem:s0+$0x7060] =	vst v0  }
0x101: {  	[spmem:s7] =	stream.linear.scatter [tilespmem:s19], [sflag:$0x2], $0x4000, $0x38;
	[tilespmem:$0xF200] =	vst v63  }
0x102: {  	_ =	swait.ge [sflag:s20], $0x4000  }
0x103: {  	[sflag:s20] =	ssyncset.done $0x0  }
0x104: {  	[sflag:s20] =	ssyncadd.s32 $0xFFFFC000  }
0x105: {  	[spmem:s8] =	stream.linear.scatter [tilespmem:s19], [sflag:$0x2], $0x3000, $0x38;
	[tilespmem:$0xF200] =	vst v63  }
0x106: {  	_ =	swait.ge [sflag:s20], $0x3000  }
0x107: {  	[sflag:s20] =	ssyncset.done $0x0  }
0x108: {  	[sflag:s20] =	ssyncadd.s32 $0xFFFFD000  }
0x109: {  	s31 =	simm.s32 $0x0;
	s0 =	simm.s32 $0x0;
	[bflag:$0x0] =	sbarrier.arrive $0xFFFF  }
.LBB2_16:
0x10a: {  	s3 =	sadd.s32 s9, s0  }
0x10b: {  	s3 =	smul.u32 $0x30, s3;
	_ =	sdelay $0x1  }
0x10c: {  	s3 =	sadd.s32 s1, s3  }
0x10d: {  	[tilespmem:s21], [sflag:$0x2] =	stream.linear.gather [hbm4b:s3+s31], $0x180, $0x38;
	[tilespmem:$0xF200] =	vst v63  }
0x10e: {  	_ =	swait.ge [sflag:s20], $0x180  }
0x10f: {  	[sflag:s20] =	ssyncset.done $0x0  }
0x110: {  	[sflag:s20] =	ssyncadd.s32 $0xFFFFFE80  }
0x111: {  	[tilespmem:s24], [sflag:$0x1] =	stream.indirect.gather [hbm4b:s6+s22], $0x80, s23, s22, $0xb8;
	[tilespmem:$0xF200] =	vst v63  }
0x112: {  	_ = 	snop  }
0x113: {  	[tilespmem:s19], [sflag:$0x1] =	stream.indirect.gather [hbm4b:s5+s22], $0x80, s21, s22, $0xb8;
	[tilespmem:$0xF200] =	vst v63  }
0x114: {  	v1 =	vld [tilespmem:$0xF080]  }
0x115: {  	v2 =	vld [tilespmem:$0xF090]  }
0x116: {  	v3 =	vld [tilespmem:$0xF0A0]  }
0x117: {  	v4 =	vld [tilespmem:$0xF0B0]  }
0x118: {  	v5 =	vld [tilespmem:$0xF0C0]  }
0x119: {  	v6 =	vld [tilespmem:$0xF0D0];
	v1 =	vadd.s32 $0xFFFFE500, v1  }
0x11a: {  	v7 =	vld [tilespmem:$0xF0E0];
	v2 =	vadd.s32 $0xFFFFE500, v2;
	vm0 =	vlt.u32 v1, $0xD80  }
0x11b: {  	v8 =	vld [tilespmem:$0xF0F0];
	v3 =	vadd.s32 $0xFFFFE500, v3;
	vm9 =	vlt.u32 v2, $0xD80;
	v1 =	vnsel vm0, $0xDC0, v1  }
0x11c: {  	vm10 =	vlt.u32 v3, $0xD80;
	[tilespmem:$0xF180] =	vst v1;
	v1 =	vnsel vm9, $0xDC0, v2;
	v2 =	vadd.s32 $0xFFFFE500, v4  }
0x11d: {  	[tilespmem:$0xF190] =	vst v1;
	v1 =	vnsel vm10, $0xDC0, v3;
	vm11 =	vlt.u32 v2, $0xD80;
	v3 =	vadd.s32 $0xFFFFE500, v5  }
0x11e: {  	[tilespmem:$0xF1A0] =	vst v1;
	v1 =	vnsel vm11, $0xDC0, v2;
	vm12 =	vlt.u32 v3, $0xD80;
	v2 =	vadd.s32 $0xFFFFE500, v6  }
0x11f: {  	[tilespmem:$0xF1B0] =	vst v1;
	v1 =	vnsel vm12, $0xDC0, v3;
	vm13 =	vlt.u32 v2, $0xD80;
	v3 =	vadd.s32 $0xFFFFE500, v7  }
0x120: {  	[tilespmem:$0xF1C0] =	vst v1;
	v1 =	vnsel vm13, $0xDC0, v2;
	vm14 =	vlt.u32 v3, $0xD80;
	v2 =	vadd.s32 $0xFFFFE500, v8  }
0x121: {  	[tilespmem:$0xF1D0] =	vst v1;
	v1 =	vnsel vm14, $0xDC0, v3;
	vm15 =	vlt.u32 v2, $0xD80  }
0x122: {  	[tilespmem:$0xF1E0] =	vst v1;
	v1 =	vnsel vm15, $0xDC0, v2  }
0x123: {  	[tilespmem:$0xF1F0] =	vst v1  }
0x124: {  	_ =	swait.ge [sflag:s25], $0x4000  }
0x125: {  	[sflag:s25] =	ssyncset.done $0x0  }
0x126: {  	[sflag:s25] =	ssyncadd.s32 $0xFFFFC000  }
0x127: {  	_ =	swait.ge [sflag:s25], $0x4000  }
0x128: {  	[sflag:s25] =	ssyncset.done $0x0  }
0x129: {  	s3 =	simm.s32 $0x0;
	[sflag:s25] =	ssyncadd.s32 $0xFFFFC000  }
0x12a: {  	v8 =	vld [tilespmem:s3+$0xB000]  }
0x12b: {  	v12 =	vld [tilespmem:s3+$0xB010]  }
0x12c: {  	v6 =	vld [tilespmem:s3+$0xB020]  }
0x12d: {  	v5 =	vld [tilespmem:s3+$0xB030]  }
0x12e: {  	v4 =	vld [tilespmem:s3+$0xB040]  }
0x12f: {  	v3 =	vld [tilespmem:s3+$0xB050]  }
0x130: {  	v2 =	vld [tilespmem:s3+$0xB060]  }
0x131: {  	v1 =	vld [tilespmem:s3+$0xB070]  }
0x132: {  	v13 =	vld [tilespmem:s3+$0x7000]  }
0x133: {  	v14 =	vld [tilespmem:s3+$0x7010]  }
0x134: {  	v11 =	vld [tilespmem:s3+$0x7020]  }
0x135: {  	v10 =	vld [tilespmem:s3+$0x7030]  }
0x136: {  	v9 =	vld [tilespmem:s3+$0x7040]  }
0x137: {  	v7 =	vld [tilespmem:s3+$0x7050];
	v13 =	vmul.f32 v8, v13  }
0x138: {  	s11 =	simm.s32 $0x200;
	v12 =	vmul.f32 v12, v14;
	v8 =	vld [tilespmem:s3+$0x7060]  }
.LBB2_17:
0x139: {  	s12 =	sshra.s32 s11, $0x2;
	p0 =	sne.s32 s11, $0xFE00;
	[tilespmem:s3+$0x7000] =	vst v13;
	v6 =	vmul.f32 v6, v11;
	v11 =	vld [tilespmem:s3+$0x7070]  }
0x13a: {  	v13 =	vld [tilespmem:s12+$0xB000];
	[tilespmem:s3+$0x7010] =	vst v12;
	v5 =	vmul.f32 v5, v10  }
0x13b: {  	v12 =	vld [tilespmem:s12+$0xB010];
	[tilespmem:s3+$0x7020] =	vst v6;
	v4 =	vmul.f32 v4, v9  }
0x13c: {  	v6 =	vld [tilespmem:s12+$0xB020];
	[tilespmem:s3+$0x7030] =	vst v5;
	v3 =	vmul.f32 v3, v7  }
0x13d: {  	v5 =	vld [tilespmem:s12+$0xB030];
	[tilespmem:s3+$0x7040] =	vst v4;
	v2 =	vmul.f32 v2, v8  }
0x13e: {  	v4 =	vld [tilespmem:s12+$0xB040];
	[tilespmem:s3+$0x7050] =	vst v3;
	v1 =	vmul.f32 v1, v11  }
0x13f: {  	v3 =	vld [tilespmem:s12+$0xB050];
	[tilespmem:s3+$0x7060] =	vst v2  }
0x140: {  	v2 =	vld [tilespmem:s12+$0xB060];
	[tilespmem:s3+$0x7070] =	vst v1;
	s3 =	smov.u32 s12  }
0x141: {  	v1 =	vld [tilespmem:s3+$0xB070]  }
0x142: {  	v7 =	vld [tilespmem:s3+$0x7000]  }
0x143: {  	v8 =	vld [tilespmem:s3+$0x7010]  }
.Ltmp7:
0x144: {  	v11 =	vld [tilespmem:s3+$0x7020];
	(pc) =	sbr.rel @p0 .LBB2_17-.Ltmp7, $4  }
0x145: {  	v10 =	vld [tilespmem:s3+$0x7030]  }
0x146: {  	v9 =	vld [tilespmem:s3+$0x7040]  }
0x147: {  	v13 =	vmul.f32 v13, v7;
	v7 =	vld [tilespmem:s3+$0x7050]  }
0x148: {  	s11 =	sadd.s32 $0x200, s11;
	v12 =	vmul.f32 v12, v8;
	v8 =	vld [tilespmem:s3+$0x7060]  }
0x149: {  	[tilespmem:s3+$0x7000] =	vst v13;
	v6 =	vmul.f32 v6, v11;
	v63 =	vld [tilespmem:s3+$0x7070]  }
0x14a: {  	[tilespmem:s3+$0x7010] =	vst v12;
	v5 =	vmul.f32 v5, v10  }
0x14b: {  	[tilespmem:s3+$0x7020] =	vst v6;
	v4 =	vmul.f32 v4, v9  }
0x14c: {  	[tilespmem:s3+$0x7030] =	vst v5;
	v3 =	vmul.f32 v3, v7  }
0x14d: {  	[tilespmem:s3+$0x7040] =	vst v4;
	v2 =	vmul.f32 v2, v8  }
0x14e: {  	s0 =	sadd.s32 $0x1, s0;
	[tilespmem:s3+$0x7050] =	vst v3;
	v1 =	vmul.f32 v1, v63  }
0x14f: {  	p0 =	sne.s32 s0, $0x4F;
	[tilespmem:s3+$0x7060] =	vst v2  }
.Ltmp8:
0x150: {  	[tilespmem:s3+$0x7070] =	vst v1;
	(pc) =	sbr.rel @p0 .LBB2_16-.Ltmp8, $4  }
0x151: {  	[spmem:s2] =	stream.indirect.scatter.add.f32 [tilespmem:s19], [sflag:$0x2], $0x80, s26, s22, $0xb8;
	[tilespmem:$0xF200] =	vst v63  }
0x152: {  	_ =	swait.ge [sflag:s20], $0x4000  }
0x153: {  	[sflag:s20] =	ssyncset.done $0x0  }
0x154: {  	[sflag:s20] =	ssyncadd.s32 $0xFFFFC000  }
0x155: {  	[bflag:$0x0] =	sbarrier.arrive $0xFFFF  }
0x156: {  	[hbm:s16], [sflag:s28] =	dma.local [spmem:s29], $0x800  }
0x157: {  	_ =	swait.ge [sflag:s20], $0x800  }
0x158: {  	s4 =	sadd.s32 $0x1, s4;
	[sflag:s20] =	ssyncset.done $0x0  }
0x159: {  	p0 =	sne.s32 s4, s18;
	[sflag:s20] =	ssyncadd.s32 $0xFFFFF800  }
0x15a: {  	[hbm:s17], [sflag:s28] =	dma.local [spmem:s30], $0x580  }
.Ltmp9:
0x15b: {  	_ =	swait.ge [sflag:s20], $0x580;
	(pc) =	sbr.rel @p0 .LBB2_1-.Ltmp9, $3  }
0x15c: {  	[sflag:s20] =	ssyncset.done $0x0  }
0x15d: {  	[sflag:s20] =	ssyncadd.s32 $0xFFFFFA80  }
0x15e: {  	[bflag:$0x0] =	sbarrier.arrive $0xFFFF;
	_ =	sdelay $0x1  }
0x15f: {  	_ =	sfence.sel $0x180000  }
0x160: {  	[bflag:$0x0] =	sbarrier.arrive $0xFFFF  }
0x161: {  	_ =	strace $0x9000004A  }
0x162: {  	s0 =	stileid.u32;
	[bflag:$0x2] =	sbarrier.arrive $0xFFFF  }
0x163: {  	p0 =	sne.s32 s0, $0x0;
	s0 =	rddreg [dreg:$0x3]  }
0x164: {  	s0 =	sadd.s32 @!p0 $0x100000, s0  }
0x165: {  	[sflag:s0] =	ssyncadd.tile.s32 @!p0 $0x1;
	_ =	shalt  }
.Lfunc_end2:
_tile_overlayer_lowered:
.L_overlay_start_2:
0x166: {  	(tag) =	ssettag $0x2  }
0x167: {  	s0 =	rddreg [dreg:$0x0];
	s2 =	stileid.u32  }
0x168: {  	s1 =	rddreg [dreg:$0x1];
	p0 =	sne.s32 s2, $0x0  }
0x169: {  	s3 =	rddreg [dreg:$0x2];
	[bflag:$0x3] =	sbarrier.arrive $0xFFFF;
	s2 =	simm.s32 @!p0 $0x1C02  }
0x16a: {  	[timem:s3], [sflag:s2] =	dma.local @!p0 [hbm:s0], s1  }
0x16b: {  	s0 =	simm.s32 @!p0 $0x2  }
0x16c: {  	_ =	swait.ge @!p0 [sflag:s0], s1  }
0x16d: {  	s1 =	ssub.s32 @!p0 $0x0, s1;
	[sflag:s0] =	ssyncset.done @!p0 $0x0  }
0x16e: {  	[sflag:s0] =	ssyncadd.s32 @!p0 s1  }
0x16f: {  	[bflag:$0x3] =	sbarrier.arrive $0xFFFF  }
0x170: {  	_ =	shalt  }

// kernel: kernel.15.cloned.1.call-start
scs
__scs_entry_jumppad:
0x0: {  	(pc) =	sbr.rel $0x88, $3  }
0x1: {  	(tag) =	ssettag $0x0;
	lr =	simm.s32 $0x1  }
0x2: {  	[smem:$0x3F98] =	sst lr;
	_ =	strace $0xD0000000  }
0x3: {  	_ = 	snop  }
0x4: {  	_ = 	snop  }
0x5: {  	_ = 	snop  }
0x6: {  	_ = 	snop  }
0x7: {  	_ = 	snop  }
__scs_overlays_trampoline_lowered:
0x8: {  	[smem:$0x3FA7] =	sst s0  }
0x9: {  	[smem:$0x3FA8] =	sst s1  }
0xa: {  	[smem:$0x3FA9] =	sst s2  }
0xb: {  	[smem:$0x3FAA] =	sst s3  }
0xc: {  	[smem:$0x3FAB] =	sst s4  }
0xd: {  	[smem:$0x3FAC] =	sst s5  }
0xe: {  	[smem:$0x3FAD] =	sst s6  }
0xf: {  	[smem:$0x3FAE] =	sst s7  }
0x10: {  	[smem:$0x3FAF] =	sst s8  }
0x11: {  	[smem:$0x3FB0] =	sst s9;
	s0 =	simm.s32 @!p0 $0x0  }
0x12: {  	s1 =	sld [smem:$0x3F96];
	s0 =	simm.s32 @p0 $0x1  }
0x13: {  	[smem:$0x3FB1] =	sst s0;
	s0 =	simm.s32 @!p1 $0x0  }
0x14: {  	s2 =	sld [smem:$0x3F95];
	s0 =	simm.s32 @p1 $0x1  }
0x15: {  	[smem:$0x3FB2] =	sst s0;
	s0 =	simm.s32 @!p2 $0x0  }
0x16: {  	s3 =	sld [smem:$0x3FDB];
	s0 =	simm.s32 @p2 $0x1  }
0x17: {  	s4 =	simm.s32 $0x1BF5;
	[smem:$0x3FB4] =	sst s0  }
0x18: {  	s0 =	sld [smem:$0x3F97];
	_ =	swait.ge [sflag:s4], $0x0  }
0x19: {  	s7 =	sld [smem:$0x3F98]  }
0x1a: {  	s8 =	sadd.s32 $0xFFFFE003, lr  }
0x1b: {  	s9 =	sadd.s32 $0xFFFFFEF7, lr;
	s5 =	simm.s32 $0xFFFFFFFF;
	p2 =	slt.u32 s8, $0xFFFFF086  }
0x1c: {  	p1 =	slt.u32 s9, $0xF7A;
	s5 =	simm.s32 @!p2 $0x0  }
0x1d: {  	s5 =	simm.s32 @p1 $0x1;
	p0 =	seq.s32 s7, s2  }
0x1e: {  	s7 =	smul.u32 @!p0 $0xF7A, s2;
	p2 =	seq.s32 @!p0 s5, $0x0  }
0x1f: {  	s9 =	smul.u32 $0xF7A, s1;
	s8 =	simm.s32 @!p0 $0x1BF5;
	p2 =	por !p2, p0  }
0x20: {  	[sflag:s8] =	ssyncset.s32 @!p0 $0xFFFFF086;
	s6 =	sadd.s32 @!p0 s3, s7;
	s7 =	simm.s32 @!p0 $0x108  }
0x21: {  	s3 =	sadd.s32 s3, s9;
	s6 =	sadd.s32 @!p0 $0x88, s6;
	s7 =	simm.s32 @p2 $0x1082  }
0x22: {  	[simem:s7], [sflag:s8] =	dma.local @!p0 [hbm:s6], $0xF7A  }
0x23: {  	s9 =	sor.u32 $0xD0000000, s2;
	s6 =	simm.s32 $0x108;
	_ =	swait.ge @!p0 [sflag:s8], $0x0  }
0x24: {  	s3 =	sadd.s32 $0x88, s3;
	s6 =	simm.s32 @!p1 $0x1082;
	[sflag:s4] =	ssyncset.s32 $0xFFFFF086  }
0x25: {  	[simem:s6], [sflag:s4] =	dma.local [hbm:s3], $0xF7A  }
0x26: {  	[smem:$0x3F98] =	sst s1;
	(tag) =	ssettag s2;
	_ =	strace s9  }
0x27: {  	s1 =	sld [smem:$0x3FA8]  }
0x28: {  	s2 =	sld [smem:$0x3FA9]  }
0x29: {  	s4 =	sld [smem:$0x3FAB]  }
0x2a: {  	p0 =	seq.s32 s5, $0x0;
	s5 =	sld [smem:$0x3FAC]  }
0x2b: {  	s6 =	sld [smem:$0x3FAD]  }
0x2c: {  	s7 =	sld [smem:$0x3FAE]  }
0x2d: {  	s3 =	simm.s32 $0x108;
	s8 =	sld [smem:$0x3FAF]  }
0x2e: {  	s3 =	simm.s32 @!p0 $0x1082;
	s9 =	sld [smem:$0x3FB0]  }
0x2f: {  	lr =	sadd.s32 s0, s3;
	s0 =	sld [smem:$0x3FA7]  }
0x30: {  	s3 =	sld [smem:$0x3FAA]  }
0x31: {  	[smem:$0x3FB3] =	sst s10  }
0x32: {  	s10 =	sld [smem:$0x3FB1];
	_ =	sdelay $0x3  }
0x33: {  	p0 =	seq.s32 s10, $0x1;
	s10 =	sld [smem:$0x3FB3];
	_ =	sdelay $0x3  }
0x34: {  	[smem:$0x3FB3] =	sst s10  }
0x35: {  	s10 =	sld [smem:$0x3FB2];
	_ =	sdelay $0x3  }
0x36: {  	p1 =	seq.s32 s10, $0x1;
	s10 =	sld [smem:$0x3FB3];
	_ =	sdelay $0x3  }
0x37: {  	[smem:$0x3FB3] =	sst s10  }
0x38: {  	s10 =	sld [smem:$0x3FB4]  }
0x39: {  	_ = 	snop;
	(pc) =	sbr.ind lr, $3  }
0x3a: {  	_ = 	snop  }
0x3b: {  	_ = 	snop  }
0x3c: {  	p2 =	seq.s32 s10, $0x1;
	s10 =	sld [smem:$0x3FB3]  }
0x3d: {  	_ =	shalt  }
0x3e: {  	_ =	shalt  }
0x3f: {  	_ =	shalt  }
0x40: {  	_ =	shalt  }
0x41: {  	_ =	shalt  }
0x42: {  	_ =	shalt  }
0x43: {  	_ =	shalt  }
0x44: {  	_ =	shalt  }
0x45: {  	_ =	shalt  }
0x46: {  	_ =	shalt  }
0x47: {  	_ =	shalt  }
0x48: {  	_ =	shalt  }
0x49: {  	_ =	shalt  }
0x4a: {  	_ =	shalt  }
0x4b: {  	_ =	shalt  }
0x4c: {  	_ =	shalt  }
0x4d: {  	_ =	shalt  }
0x4e: {  	_ =	shalt  }
0x4f: {  	_ =	shalt  }
0x50: {  	_ =	shalt  }
0x51: {  	_ =	shalt  }
0x52: {  	_ =	shalt  }
0x53: {  	_ =	shalt  }
0x54: {  	_ =	shalt  }
0x55: {  	_ =	shalt  }
0x56: {  	_ =	shalt  }
0x57: {  	_ =	shalt  }
0x58: {  	_ =	shalt  }
0x59: {  	_ =	shalt  }
0x5a: {  	_ =	shalt  }
0x5b: {  	_ =	shalt  }
0x5c: {  	_ =	shalt  }
0x5d: {  	_ =	shalt  }
0x5e: {  	_ =	shalt  }
0x5f: {  	_ =	shalt  }
0x60: {  	_ =	shalt  }
0x61: {  	_ =	shalt  }
0x62: {  	_ =	shalt  }
0x63: {  	_ =	shalt  }
0x64: {  	_ =	shalt  }
0x65: {  	_ =	shalt  }
0x66: {  	_ =	shalt  }
0x67: {  	_ =	shalt  }
0x68: {  	_ =	shalt  }
0x69: {  	_ =	shalt  }
0x6a: {  	_ =	shalt  }
0x6b: {  	_ =	shalt  }
0x6c: {  	_ =	shalt  }
0x6d: {  	_ =	shalt  }
0x6e: {  	_ =	shalt  }
0x6f: {  	_ =	shalt  }
0x70: {  	_ =	shalt  }
0x71: {  	_ =	shalt  }
0x72: {  	_ =	shalt  }
0x73: {  	_ =	shalt  }
0x74: {  	_ =	shalt  }
0x75: {  	_ =	shalt  }
0x76: {  	_ =	shalt  }
0x77: {  	_ =	shalt  }
0x78: {  	_ =	shalt  }
0x79: {  	_ =	shalt  }
0x7a: {  	_ =	shalt  }
0x7b: {  	_ =	shalt  }
0x7c: {  	_ =	shalt  }
0x7d: {  	_ =	shalt  }
0x7e: {  	_ =	shalt  }
0x7f: {  	_ =	shalt  }
0x80: {  	_ =	shalt  }
0x81: {  	_ =	shalt  }
0x82: {  	_ =	shalt  }
0x83: {  	_ =	shalt  }
0x84: {  	_ =	shalt  }
0x85: {  	_ =	shalt  }
0x86: {  	_ =	shalt  }
0x87: {  	_ =	shalt  }
.Lfunc_end0:
.L_simem_size_0:
called_computation.2_lowered:
.L_overlay_start_0:
0x88: {  	s2 =	sld [smem:$0x3FD9]  }
0x89: {  	s3 =	sld [smem:$0x3FFE];
	_ =	sdelay $0x1  }
0x8a: {  	s1 =	srdreg.scid  }
0x8b: {  	s0 =	sand.u32 $0x1, s1  }
0x8c: {  	s17 =	sshll.u32 s0, $0xA;
	s2 =	sadd.s32 s3, s2  }
0x8d: {  	s2 =	sadd.s32 s2, s17  }
0x8e: {  	[smem:$0x3FBF] =	sst s2  }
0x8f: {  	_ = 	snop  }
0x90: {  	s2 =	sld [smem:$0x3FD0];
	(tm) =	ssettm $0x1  }
0x91: {  	s18 =	sld [smem:$0x3FFB];
	_ =	sdelay $0x3  }
0x92: {  	_ =	strace s18  }
0x93: {  	s3 =	sld [smem:$0x3FFC];
	_ =	sdelay $0x3  }
0x94: {  	_ =	strace s3  }
0x95: {  	s3 =	sld [smem:$0x3FFD];
	_ =	sdelay $0x3  }
0x96: {  	_ =	strace s3  }
0x97: {  	_ =	strace $0x8FFFFFFF  }
0x98: {  	s19 =	sld [smem:$0x3FDB];
	_ =	sdelay $0x1  }
0x99: {  	s4 =	simm.s32 $_scs_section_size  }
0x9a: {  	s5 =	simm.s32 $_size__tile_overlayer_lowered;
	s6 =	simm.s32 $_tile_overlayer_lowered  }
0x9b: {  	s22 =	simm.s32 $0x1BFF;
	s21 =	sshll.u32 s6, $0x1;
	s3 =	sadd.s32 s4, s19  }
0x9c: {  	s7 =	simm.s32 $0x0;
	s20 =	sshll.u32 s5, $0x1;
	s5 =	sadd.s32 s21, s3  }
0x9d: {  	[timem:s7], [sflag:s22] =	dma.local [hbm:s5], s20  }
0x9e: {  	_ =	swait.ge [sflag:s22], s20  }
0x9f: {  	s4 =	ssub.s32 $0x0, s20;
	[sflag:s22] =	ssyncset.done $0x0  }
0xa0: {  	[sflag:s22] =	ssyncadd.s32 s4;
	_ =	sdelay $0x1  }
0xa1: {  	s23 =	simm.s32 $0x1B8B  }
0xa2: {  	_ =	swait.ge [sflag:s23], $0x1  }
0xa3: {  	[sflag:s23] =	ssyncset.done $0x0  }
0xa4: {  	s25 =	simm.s32 $0x1B8E;
	s24 =	sld [smem:$0x3FFE];
	[sflag:s23] =	ssyncadd.s32 $0xFFFFFFFF  }
0xa5: {  	s26 =	simm.s32 $execute0_lowered;
	[smem:$0x3FD2] =	sst s25  }
0xa6: {  	s5 =	sshll.u32 s26, $0x1;
	_ =	strace $0x8000004C;
	[dreg:$0x1] =	wrdreg $0xFFFFFFFF  }
0xa7: {  	s28 =	simm.s32 $_size_execute0_lowered;
	s3 =	sadd.s32 s3, s5;
	[dreg:$0x0] =	wrdreg $0x0  }
0xa8: {  	s5 =	sshll.u32 s28, $0x1;
	[dreg:$0x2] =	wrdreg s3  }
0xa9: {  	[dreg:$0x3] =	wrdreg s5  }
0xaa: {  	[dreg:$0x4] =	wrdreg $0xC0  }
0xab: {  	_ =	task [dreg:s7], $0x5FFFF  }
0xac: {  	[dreg:$0x1] =	wrdreg $0xFFFFFFFF  }
0xad: {  	[dreg:$0x0] =	wrdreg $0x60  }
0xae: {  	[dreg:$0x2] =	wrdreg s24  }
0xaf: {  	[dreg:$0x3] =	wrdreg s2  }
0xb0: {  	[dreg:$0x4] =	wrdreg $0x0  }
0xb1: {  	[dreg:$0x5] =	wrdreg $0x9  }
0xb2: {  	_ =	task.clear_ibuf [dreg:s7], $0x6FFFF;
	_ =	strace $0x9000004C  }
0xb3: {  	s29 =	simm.s32 $0x9;
	_ =	strace $0x8000004E  }
0xb4: {  	_ =	swait.ge [sflag:s29], $0x1  }
0xb5: {  	[sflag:s29] =	ssyncadd.s32 $0xFFFFFFFF  }
0xb6: {  	_ =	strace $0x9000004E  }
0xb7: {  	_ =	sfence  }
0xb8: {  	s30 =	sld [smem:$0x0];
	_ =	sdelay $0x2  }
0xb9: {  	s31 =	sshll.u32 s1, $0xD;
	s1 =	sshrl.u32 s1, $0x2  }
0xba: {  	s3 =	sand.u32 $0x4000, s31;
	s1 =	sadd.s32 s1, s30  }
0xbb: {  	s0 =	sor.u32 s3, s0;
	s1 =	sshll.u32 s1, $0x11  }
0xbc: {  	s0 =	sor.u32 s1, s0  }
0xbd: {  	s0 =	sadd.s32 $0x8F2B, s0  }
0xbe: {  	[sflag:s0] =	ssyncadd.remote.s32 $0x1  }
0xbf: {  	_ =	sfence.sel $0xFFFF  }
0xc0: {  	[dreg:$0x0] =	wrdreg $0xFFFFFFFF;
	(pc) =	sbr.abs _section_cstart, $3  }
0xc1: {  	[dreg:$0x1] =	wrdreg $0xFFFFFFFF  }
0xc2: {  	_ =	task.clear_ibuf [dreg:s7], $0x2FFFF;
	_ =	strace $0x9FFFFFFF  }
0xc3: {  	(tm) =	ssettm $0x7FFFFFFF  }
tec
execute0_lowered:
.L_overlay_start_1:
0x0: {  	(tag) =	ssettag $0x1  }
0x1: {  	s0 =	rddreg [dreg:$0x0]  }
0x2: {  	s1 =	rddreg [dreg:$0x1]  }
0x3: {  	s2 =	rddreg [dreg:$0x2];
	s4 =	simm.s32 $0x0;
	s3 =	srdreg.scid  }
0x4: {  	s13 =	stileid.u32;
	s19 =	simm.s32 $0x7000;
	s20 =	simm.s32 $0x2  }
0x5: {  	s21 =	simm.s32 $0xF000;
	s22 =	simm.s32 $0x80;
	s23 =	simm.s32 $0xF100  }
0x6: {  	s24 =	simm.s32 $0xB000;
	[smem:$0x7FF] =	sst s4;
	s8 =	smul.u32 $0x1C000, s13  }
0x7: {  	s3 =	sand.u32 $0x1, s3;
	s5 =	sadd.s32 $0x2200, s0;
	s10 =	smul.u32 $0xD8, s13  }
0x8: {  	s6 =	sadd.s32 $0x287000, s0;
	s11 =	sadd.s32 $0x13AA00, s0;
	s12 =	smul.u32 $0x1B000, s13  }
0x9: {  	s0 =	sadd.s32 $0x13B200, s0;
	_ =	strace $0x8000004D;
	s7 =	ssub.s32 $0x2, s3  }
0xa: {  	s25 =	smul.u32 $0x2880, s3;
	s3 =	sshll.u32 s3, $0x4;
	s9 =	sshrl.u32 s7, $0x1  }
0xb: {  	s26 =	sshrl.u32 s8, $0x2;
	s3 =	sor.u32 s13, s3;
	s28 =	sshrl.u32 s12, $0x2  }
0xc: {  	s18 =	ssub.s32 s7, s9;
	s7 =	sadd.s32 s26, s2;
	s9 =	sadd.s32 s10, s25  }
0xd: {  	s10 =	sadd.s32 s28, s2;
	s25 =	simm.s32 $0x1;
	s26 =	simm.s32 $0xF180  }
0xe: {  	s8 =	sadd.s32 $0x4000, s7;
	s15 =	sshll.u32 s9, $0x4;
	s9 =	smul.u32 $0x4F, s3  }
0xf: {  	s30 =	sadd.s32 $0x4000, s10;
	s18 =	smax.u32 s18, $0x1;
	s29 =	sadd.s32 s11, s15  }
0x10: {  	[dreg:$0x5] =	wrdreg s30;
	s31 =	sadd.s32 $0xD800, s15;
	s13 =	sadd.s32 s15, s0  }
0x11: {  	s17 =	sadd.s32 $0x1B000, s15;
	[dreg:$0x4] =	wrdreg s29;
	s14 =	sadd.s32 s11, s31  }
0x12: {  	v0 =	vimm.f32 $0.0e+00;
	s15 =	sadd.s32 s31, s0;
	s16 =	sadd.s32 s11, s17;
	s17 =	sadd.s32 s17, s0  }
.LBB2_1:
0x13: {  	s0 =	simm.s32 $0x0;
	s3 =	simm.s32 $0x200  }
.LBB2_2:
0x14: {  	p0 =	sne.s32 s3, $0xFE00;
	[tilespmem:s0+$0x7070] =	vst v0  }
0x15: {  	[tilespmem:s0+$0x7000] =	vst v0  }
0x16: {  	[tilespmem:s0+$0x7010] =	vst v0  }
.Ltmp0:
0x17: {  	[tilespmem:s0+$0x7020] =	vst v0;
	(pc) =	sbr.rel @p0 .LBB2_2-.Ltmp0, $4  }
0x18: {  	[tilespmem:s0+$0x7030] =	vst v0  }
0x19: {  	[tilespmem:s0+$0x7040] =	vst v0  }
0x1a: {  	[tilespmem:s0+$0x7050] =	vst v0  }
0x1b: {  	[tilespmem:s0+$0x7060] =	vst v0;
	s0 =	sshra.s32 s3, $0x2;
	s3 =	sadd.s32 $0x200, s3  }
0x1c: {  	[tilespmem:s0+$0x7070] =	vst v0  }
0x1d: {  	[tilespmem:s0+$0x7000] =	vst v0  }
0x1e: {  	[tilespmem:s0+$0x7010] =	vst v0  }
0x1f: {  	[tilespmem:s0+$0x7020] =	vst v0  }
0x20: {  	[tilespmem:s0+$0x7030] =	vst v0  }
0x21: {  	[tilespmem:s0+$0x7040] =	vst v0  }
0x22: {  	[tilespmem:s0+$0x7050] =	vst v0  }
0x23: {  	[tilespmem:s0+$0x7060] =	vst v0  }
0x24: {  	[spmem:s7] =	stream.linear.scatter [tilespmem:s19], [sflag:$0x2], $0x4000, $0x38;
	[tilespmem:$0xF200] =	vst v63  }
0x25: {  	_ =	swait.ge [sflag:s20], $0x4000  }
0x26: {  	[sflag:s20] =	ssyncset.done $0x0  }
0x27: {  	[sflag:s20] =	ssyncadd.s32 $0xFFFFC000  }
0x28: {  	[spmem:s8] =	stream.linear.scatter [tilespmem:s19], [sflag:$0x2], $0x3000, $0x38;
	[tilespmem:$0xF200] =	vst v63  }
0x29: {  	_ =	swait.ge [sflag:s20], $0x3000  }
0x2a: {  	[sflag:s20] =	ssyncset.done $0x0  }
0x2b: {  	[sflag:s20] =	ssyncadd.s32 $0xFFFFD000  }
0x2c: {  	s0 =	simm.s32 $0x0;
	s28 =	simm.s32 $0x0;
	[bflag:$0x0] =	sbarrier.arrive $0xFFFF  }
.LBB2_4:
0x2d: {  	s3 =	sadd.s32 s9, s28  }
0x2e: {  	s3 =	smul.u32 $0x30, s3;
	_ =	sdelay $0x1  }
0x2f: {  	s3 =	sadd.s32 s1, s3  }
0x30: {  	[tilespmem:s21], [sflag:$0x2] =	stream.linear.gather [hbm4b:s3+s0], $0x180, $0x38;
	[tilespmem:$0xF200] =	vst v63  }
0x31: {  	_ =	swait.ge [sflag:s20], $0x180  }
0x32: {  	[sflag:s20] =	ssyncset.done $0x0  }
0x33: {  	[sflag:s20] =	ssyncadd.s32 $0xFFFFFE80  }
0x34: {  	[tilespmem:s24], [sflag:$0x1] =	stream.indirect.gather [hbm4b:s6+s22], $0x80, s23, s22, $0xb8;
	[tilespmem:$0xF200] =	vst v63  }
0x35: {  	_ = 	snop  }
0x36: {  	[tilespmem:s19], [sflag:$0x1] =	stream.indirect.gather [hbm4b:s5+s22], $0x80, s21, s22, $0xb8;
	[tilespmem:$0xF200] =	vst v63  }
0x37: {  	v1 =	vld [tilespmem:$0xF080]  }
0x38: {  	v2 =	vld [tilespmem:$0xF090]  }
0x39: {  	v3 =	vld [tilespmem:$0xF0A0]  }
0x3a: {  	v4 =	vld [tilespmem:$0xF0B0]  }
0x3b: {  	v5 =	vld [tilespmem:$0xF0C0]  }
0x3c: {  	v6 =	vld [tilespmem:$0xF0D0];
	vm0 =	vlt.u32 v1, $0xD80  }
0x3d: {  	v7 =	vld [tilespmem:$0xF0E0];
	vm9 =	vlt.u32 v2, $0xD80;
	v1 =	vnsel vm0, $0xDC0, v1  }
0x3e: {  	vm10 =	vlt.u32 v3, $0xD80;
	[tilespmem:$0xF180] =	vst v1;
	v1 =	vnsel vm9, $0xDC0, v2;
	v2 =	vld [tilespmem:$0xF0F0]  }
0x3f: {  	vm11 =	vlt.u32 v4, $0xD80;
	[tilespmem:$0xF190] =	vst v1;
	v1 =	vnsel vm10, $0xDC0, v3  }
0x40: {  	vm12 =	vlt.u32 v5, $0xD80;
	[tilespmem:$0xF1A0] =	vst v1;
	v1 =	vnsel vm11, $0xDC0, v4  }
0x41: {  	vm13 =	vlt.u32 v6, $0xD80;
	[tilespmem:$0xF1B0] =	vst v1;
	v1 =	vnsel vm12, $0xDC0, v5  }
0x42: {  	vm14 =	vlt.u32 v7, $0xD80;
	[tilespmem:$0xF1C0] =	vst v1;
	v1 =	vnsel vm13, $0xDC0, v6  }
0x43: {  	[tilespmem:$0xF1D0] =	vst v1;
	v1 =	vnsel vm14, $0xDC0, v7;
	vm15 =	vlt.u32 v2, $0xD80  }
0x44: {  	[tilespmem:$0xF1E0] =	vst v1;
	v1 =	vnsel vm15, $0xDC0, v2  }
0x45: {  	[tilespmem:$0xF1F0] =	vst v1  }
0x46: {  	_ =	swait.ge [sflag:s25], $0x4000  }
0x47: {  	[sflag:s25] =	ssyncset.done $0x0  }
0x48: {  	[sflag:s25] =	ssyncadd.s32 $0xFFFFC000  }
0x49: {  	_ =	swait.ge [sflag:s25], $0x4000  }
0x4a: {  	[sflag:s25] =	ssyncset.done $0x0  }
0x4b: {  	s29 =	simm.s32 $0x0;
	[sflag:s25] =	ssyncadd.s32 $0xFFFFC000  }
0x4c: {  	v8 =	vld [tilespmem:s29+$0xB000]  }
0x4d: {  	v12 =	vld [tilespmem:s29+$0xB010]  }
0x4e: {  	v6 =	vld [tilespmem:s29+$0xB020]  }
0x4f: {  	v5 =	vld [tilespmem:s29+$0xB030]  }
0x50: {  	v4 =	vld [tilespmem:s29+$0xB040]  }
0x51: {  	v3 =	vld [tilespmem:s29+$0xB050]  }
0x52: {  	v2 =	vld [tilespmem:s29+$0xB060]  }
0x53: {  	v1 =	vld [tilespmem:s29+$0xB070]  }
0x54: {  	v13 =	vld [tilespmem:s29+$0x7000]  }
0x55: {  	v14 =	vld [tilespmem:s29+$0x7010]  }
0x56: {  	v11 =	vld [tilespmem:s29+$0x7020]  }
0x57: {  	v10 =	vld [tilespmem:s29+$0x7030]  }
0x58: {  	v9 =	vld [tilespmem:s29+$0x7040]  }
0x59: {  	v7 =	vld [tilespmem:s29+$0x7050];
	v13 =	vmul.f32 v8, v13  }
0x5a: {  	s3 =	simm.s32 $0x200;
	v12 =	vmul.f32 v12, v14;
	v8 =	vld [tilespmem:s29+$0x7060]  }
.LBB2_5:
0x5b: {  	s11 =	sshra.s32 s3, $0x2;
	p0 =	sne.s32 s3, $0xFE00;
	[tilespmem:s29+$0x7000] =	vst v13;
	v6 =	vmul.f32 v6, v11;
	v11 =	vld [tilespmem:s29+$0x7070]  }
0x5c: {  	v13 =	vld [tilespmem:s11+$0xB000];
	[tilespmem:s29+$0x7010] =	vst v12;
	v5 =	vmul.f32 v5, v10  }
0x5d: {  	v12 =	vld [tilespmem:s11+$0xB010];
	[tilespmem:s29+$0x7020] =	vst v6;
	v4 =	vmul.f32 v4, v9  }
0x5e: {  	v6 =	vld [tilespmem:s11+$0xB020];
	[tilespmem:s29+$0x7030] =	vst v5;
	v3 =	vmul.f32 v3, v7  }
0x5f: {  	v5 =	vld [tilespmem:s11+$0xB030];
	[tilespmem:s29+$0x7040] =	vst v4;
	v2 =	vmul.f32 v2, v8  }
0x60: {  	v4 =	vld [tilespmem:s11+$0xB040];
	[tilespmem:s29+$0x7050] =	vst v3;
	v1 =	vmul.f32 v1, v11  }
0x61: {  	v3 =	vld [tilespmem:s11+$0xB050];
	[tilespmem:s29+$0x7060] =	vst v2  }
0x62: {  	v2 =	vld [tilespmem:s11+$0xB060];
	[tilespmem:s29+$0x7070] =	vst v1;
	s29 =	smov.u32 s11  }
0x63: {  	v1 =	vld [tilespmem:s29+$0xB070]  }
0x64: {  	v7 =	vld [tilespmem:s29+$0x7000]  }
0x65: {  	v8 =	vld [tilespmem:s29+$0x7010]  }
.Ltmp1:
0x66: {  	v11 =	vld [tilespmem:s29+$0x7020];
	(pc) =	sbr.rel @p0 .LBB2_5-.Ltmp1, $4  }
0x67: {  	v10 =	vld [tilespmem:s29+$0x7030]  }
0x68: {  	v9 =	vld [tilespmem:s29+$0x7040]  }
0x69: {  	v13 =	vmul.f32 v13, v7;
	v7 =	vld [tilespmem:s29+$0x7050]  }
0x6a: {  	s3 =	sadd.s32 $0x200, s3;
	v12 =	vmul.f32 v12, v8;
	v8 =	vld [tilespmem:s29+$0x7060]  }
0x6b: {  	[tilespmem:s29+$0x7000] =	vst v13;
	v6 =	vmul.f32 v6, v11;
	v63 =	vld [tilespmem:s29+$0x7070]  }
0x6c: {  	[tilespmem:s29+$0x7010] =	vst v12;
	v5 =	vmul.f32 v5, v10  }
0x6d: {  	[tilespmem:s29+$0x7020] =	vst v6;
	v4 =	vmul.f32 v4, v9  }
0x6e: {  	[tilespmem:s29+$0x7030] =	vst v5;
	v3 =	vmul.f32 v3, v7  }
0x6f: {  	[tilespmem:s29+$0x7040] =	vst v4;
	v2 =	vmul.f32 v2, v8  }
0x70: {  	s28 =	sadd.s32 $0x1, s28;
	[tilespmem:s29+$0x7050] =	vst v3;
	v1 =	vmul.f32 v1, v63  }
0x71: {  	p0 =	sne.s32 s28, $0x4F;
	[tilespmem:s29+$0x7060] =	vst v2  }
.Ltmp2:
0x72: {  	[tilespmem:s29+$0x7070] =	vst v1;
	(pc) =	sbr.rel @p0 .LBB2_4-.Ltmp2, $4  }
0x73: {  	[spmem:s2] =	stream.indirect.scatter.add.f32 [tilespmem:s19], [sflag:$0x2], $0x80, s26, s22, $0xb8;
	[tilespmem:$0xF200] =	vst v63  }
0x74: {  	_ =	swait.ge [sflag:s20], $0x4000  }
0x75: {  	[sflag:s20] =	ssyncset.done $0x0  }
0x76: {  	[sflag:s20] =	ssyncadd.s32 $0xFFFFC000  }
0x77: {  	s0 =	stileid.u32  }
0x78: {  	[bflag:$0x0] =	sbarrier.arrive $0xFFFF;
	s0 =	sshll.u32 s0, $0x6  }
0x79: {  	s29 =	sshrl.u32 s10, $0x3;
	s12 =	rddreg [dreg:$0x4];
	s28 =	sor.u32 $0x1C02, s0  }
0x7a: {  	[hbm:s12], [sflag:s28] =	dma.local [spmem:s29], $0x800  }
0x7b: {  	_ =	swait.ge [sflag:s20], $0x800  }
0x7c: {  	[sflag:s20] =	ssyncset.done $0x0;
	s31 =	rddreg [dreg:$0x5]  }
0x7d: {  	[sflag:s20] =	ssyncadd.s32 $0xFFFFF800;
	s30 =	sshrl.u32 s31, $0x3  }
0x7e: {  	[hbm:s13], [sflag:s28] =	dma.local [spmem:s30], $0x580  }
0x7f: {  	_ =	swait.ge [sflag:s20], $0x580  }
0x80: {  	[sflag:s20] =	ssyncset.done $0x0  }
0x81: {  	[sflag:s20] =	ssyncadd.s32 $0xFFFFFA80  }
0x82: {  	s3 =	simm.s32 $0x200;
	s0 =	simm.s32 $0x0;
	[bflag:$0x0] =	sbarrier.arrive $0xFFFF  }
.LBB2_8:
0x83: {  	p0 =	sne.s32 s3, $0xFE00;
	[tilespmem:s0+$0x7070] =	vst v0  }
0x84: {  	[tilespmem:s0+$0x7000] =	vst v0  }
0x85: {  	[tilespmem:s0+$0x7010] =	vst v0  }
.Ltmp3:
0x86: {  	[tilespmem:s0+$0x7020] =	vst v0;
	(pc) =	sbr.rel @p0 .LBB2_8-.Ltmp3, $4  }
0x87: {  	[tilespmem:s0+$0x7030] =	vst v0  }
0x88: {  	[tilespmem:s0+$0x7040] =	vst v0  }
0x89: {  	[tilespmem:s0+$0x7050] =	vst v0  }
0x8a: {  	[tilespmem:s0+$0x7060] =	vst v0;
	s0 =	sshra.s32 s3, $0x2;
	s3 =	sadd.s32 $0x200, s3  }
0x8b: {  	[tilespmem:s0+$0x7070] =	vst v0  }
0x8c: {  	[tilespmem:s0+$0x7000] =	vst v0  }
0x8d: {  	[tilespmem:s0+$0x7010] =	vst v0  }
0x8e: {  	[tilespmem:s0+$0x7020] =	vst v0  }
0x8f: {  	[tilespmem:s0+$0x7030] =	vst v0  }
0x90: {  	[tilespmem:s0+$0x7040] =	vst v0  }
0x91: {  	[tilespmem:s0+$0x7050] =	vst v0  }
0x92: {  	[tilespmem:s0+$0x7060] =	vst v0  }
0x93: {  	[spmem:s7] =	stream.linear.scatter [tilespmem:s19], [sflag:$0x2], $0x4000, $0x38;
	[tilespmem:$0xF200] =	vst v63  }
0x94: {  	_ =	swait.ge [sflag:s20], $0x4000  }
0x95: {  	[sflag:s20] =	ssyncset.done $0x0  }
0x96: {  	[sflag:s20] =	ssyncadd.s32 $0xFFFFC000  }
0x97: {  	[spmem:s8] =	stream.linear.scatter [tilespmem:s19], [sflag:$0x2], $0x3000, $0x38;
	[tilespmem:$0xF200] =	vst v63  }
0x98: {  	_ =	swait.ge [sflag:s20], $0x3000  }
0x99: {  	[sflag:s20] =	ssyncset.done $0x0  }
0x9a: {  	[sflag:s20] =	ssyncadd.s32 $0xFFFFD000  }
0x9b: {  	s31 =	simm.s32 $0x0;
	s0 =	simm.s32 $0x0;
	[bflag:$0x0] =	sbarrier.arrive $0xFFFF  }
.LBB2_10:
0x9c: {  	s3 =	sadd.s32 s9, s0  }
0x9d: {  	s3 =	smul.u32 $0x30, s3;
	_ =	sdelay $0x1  }
0x9e: {  	s3 =	sadd.s32 s1, s3  }
0x9f: {  	[tilespmem:s21], [sflag:$0x2] =	stream.linear.gather [hbm4b:s3+s31], $0x180, $0x38;
	[tilespmem:$0xF200] =	vst v63  }
0xa0: {  	_ =	swait.ge [sflag:s20], $0x180  }
0xa1: {  	[sflag:s20] =	ssyncset.done $0x0  }
0xa2: {  	[sflag:s20] =	ssyncadd.s32 $0xFFFFFE80  }
0xa3: {  	[tilespmem:s24], [sflag:$0x1] =	stream.indirect.gather [hbm4b:s6+s22], $0x80, s23, s22, $0xb8;
	[tilespmem:$0xF200] =	vst v63  }
0xa4: {  	_ = 	snop  }
0xa5: {  	[tilespmem:s19], [sflag:$0x1] =	stream.indirect.gather [hbm4b:s5+s22], $0x80, s21, s22, $0xb8;
	[tilespmem:$0xF200] =	vst v63  }
0xa6: {  	v1 =	vld [tilespmem:$0xF080]  }
0xa7: {  	v2 =	vld [tilespmem:$0xF090]  }
0xa8: {  	v3 =	vld [tilespmem:$0xF0A0]  }
0xa9: {  	v4 =	vld [tilespmem:$0xF0B0]  }
0xaa: {  	v5 =	vld [tilespmem:$0xF0C0]  }
0xab: {  	v6 =	vld [tilespmem:$0xF0D0];
	v1 =	vadd.s32 $0xFFFFF280, v1  }
0xac: {  	v7 =	vld [tilespmem:$0xF0E0];
	v2 =	vadd.s32 $0xFFFFF280, v2;
	vm0 =	vlt.u32 v1, $0xD80  }
0xad: {  	v8 =	vld [tilespmem:$0xF0F0];
	v3 =	vadd.s32 $0xFFFFF280, v3;
	vm9 =	vlt.u32 v2, $0xD80;
	v1 =	vnsel vm0, $0xDC0, v1  }
0xae: {  	vm10 =	vlt.u32 v3, $0xD80;
	[tilespmem:$0xF180] =	vst v1;
	v1 =	vnsel vm9, $0xDC0, v2;
	v2 =	vadd.s32 $0xFFFFF280, v4  }
0xaf: {  	[tilespmem:$0xF190] =	vst v1;
	v1 =	vnsel vm10, $0xDC0, v3;
	vm11 =	vlt.u32 v2, $0xD80;
	v3 =	vadd.s32 $0xFFFFF280, v5  }
0xb0: {  	[tilespmem:$0xF1A0] =	vst v1;
	v1 =	vnsel vm11, $0xDC0, v2;
	vm12 =	vlt.u32 v3, $0xD80;
	v2 =	vadd.s32 $0xFFFFF280, v6  }
0xb1: {  	[tilespmem:$0xF1B0] =	vst v1;
	v1 =	vnsel vm12, $0xDC0, v3;
	vm13 =	vlt.u32 v2, $0xD80;
	v3 =	vadd.s32 $0xFFFFF280, v7  }
0xb2: {  	[tilespmem:$0xF1C0] =	vst v1;
	v1 =	vnsel vm13, $0xDC0, v2;
	vm14 =	vlt.u32 v3, $0xD80;
	v2 =	vadd.s32 $0xFFFFF280, v8  }
0xb3: {  	[tilespmem:$0xF1D0] =	vst v1;
	v1 =	vnsel vm14, $0xDC0, v3;
	vm15 =	vlt.u32 v2, $0xD80  }
0xb4: {  	[tilespmem:$0xF1E0] =	vst v1;
	v1 =	vnsel vm15, $0xDC0, v2  }
0xb5: {  	[tilespmem:$0xF1F0] =	vst v1  }
0xb6: {  	_ =	swait.ge [sflag:s25], $0x4000  }
0xb7: {  	[sflag:s25] =	ssyncset.done $0x0  }
0xb8: {  	[sflag:s25] =	ssyncadd.s32 $0xFFFFC000  }
0xb9: {  	_ =	swait.ge [sflag:s25], $0x4000  }
0xba: {  	[sflag:s25] =	ssyncset.done $0x0  }
0xbb: {  	s3 =	simm.s32 $0x0;
	[sflag:s25] =	ssyncadd.s32 $0xFFFFC000  }
0xbc: {  	v8 =	vld [tilespmem:s3+$0xB000]  }
0xbd: {  	v12 =	vld [tilespmem:s3+$0xB010]  }
0xbe: {  	v6 =	vld [tilespmem:s3+$0xB020]  }
0xbf: {  	v5 =	vld [tilespmem:s3+$0xB030]  }
0xc0: {  	v4 =	vld [tilespmem:s3+$0xB040]  }
0xc1: {  	v3 =	vld [tilespmem:s3+$0xB050]  }
0xc2: {  	v2 =	vld [tilespmem:s3+$0xB060]  }
0xc3: {  	v1 =	vld [tilespmem:s3+$0xB070]  }
0xc4: {  	v13 =	vld [tilespmem:s3+$0x7000]  }
0xc5: {  	v14 =	vld [tilespmem:s3+$0x7010]  }
0xc6: {  	v11 =	vld [tilespmem:s3+$0x7020]  }
0xc7: {  	v10 =	vld [tilespmem:s3+$0x7030]  }
0xc8: {  	v9 =	vld [tilespmem:s3+$0x7040]  }
0xc9: {  	v7 =	vld [tilespmem:s3+$0x7050];
	v13 =	vmul.f32 v8, v13  }
0xca: {  	s11 =	simm.s32 $0x200;
	v12 =	vmul.f32 v12, v14;
	v8 =	vld [tilespmem:s3+$0x7060]  }
.LBB2_11:
0xcb: {  	s12 =	sshra.s32 s11, $0x2;
	p0 =	sne.s32 s11, $0xFE00;
	[tilespmem:s3+$0x7000] =	vst v13;
	v6 =	vmul.f32 v6, v11;
	v11 =	vld [tilespmem:s3+$0x7070]  }
0xcc: {  	v13 =	vld [tilespmem:s12+$0xB000];
	[tilespmem:s3+$0x7010] =	vst v12;
	v5 =	vmul.f32 v5, v10  }
0xcd: {  	v12 =	vld [tilespmem:s12+$0xB010];
	[tilespmem:s3+$0x7020] =	vst v6;
	v4 =	vmul.f32 v4, v9  }
0xce: {  	v6 =	vld [tilespmem:s12+$0xB020];
	[tilespmem:s3+$0x7030] =	vst v5;
	v3 =	vmul.f32 v3, v7  }
0xcf: {  	v5 =	vld [tilespmem:s12+$0xB030];
	[tilespmem:s3+$0x7040] =	vst v4;
	v2 =	vmul.f32 v2, v8  }
0xd0: {  	v4 =	vld [tilespmem:s12+$0xB040];
	[tilespmem:s3+$0x7050] =	vst v3;
	v1 =	vmul.f32 v1, v11  }
0xd1: {  	v3 =	vld [tilespmem:s12+$0xB050];
	[tilespmem:s3+$0x7060] =	vst v2  }
0xd2: {  	v2 =	vld [tilespmem:s12+$0xB060];
	[tilespmem:s3+$0x7070] =	vst v1;
	s3 =	smov.u32 s12  }
0xd3: {  	v1 =	vld [tilespmem:s3+$0xB070]  }
0xd4: {  	v7 =	vld [tilespmem:s3+$0x7000]  }
0xd5: {  	v8 =	vld [tilespmem:s3+$0x7010]  }
.Ltmp4:
0xd6: {  	v11 =	vld [tilespmem:s3+$0x7020];
	(pc) =	sbr.rel @p0 .LBB2_11-.Ltmp4, $4  }
0xd7: {  	v10 =	vld [tilespmem:s3+$0x7030]  }
0xd8: {  	v9 =	vld [tilespmem:s3+$0x7040]  }
0xd9: {  	v13 =	vmul.f32 v13, v7;
	v7 =	vld [tilespmem:s3+$0x7050]  }
0xda: {  	s11 =	sadd.s32 $0x200, s11;
	v12 =	vmul.f32 v12, v8;
	v8 =	vld [tilespmem:s3+$0x7060]  }
0xdb: {  	[tilespmem:s3+$0x7000] =	vst v13;
	v6 =	vmul.f32 v6, v11;
	v63 =	vld [tilespmem:s3+$0x7070]  }
0xdc: {  	[tilespmem:s3+$0x7010] =	vst v12;
	v5 =	vmul.f32 v5, v10  }
0xdd: {  	[tilespmem:s3+$0x7020] =	vst v6;
	v4 =	vmul.f32 v4, v9  }
0xde: {  	[tilespmem:s3+$0x7030] =	vst v5;
	v3 =	vmul.f32 v3, v7  }
0xdf: {  	[tilespmem:s3+$0x7040] =	vst v4;
	v2 =	vmul.f32 v2, v8  }
0xe0: {  	s0 =	sadd.s32 $0x1, s0;
	[tilespmem:s3+$0x7050] =	vst v3;
	v1 =	vmul.f32 v1, v63  }
0xe1: {  	p0 =	sne.s32 s0, $0x4F;
	[tilespmem:s3+$0x7060] =	vst v2  }
.Ltmp5:
0xe2: {  	[tilespmem:s3+$0x7070] =	vst v1;
	(pc) =	sbr.rel @p0 .LBB2_10-.Ltmp5, $4  }
0xe3: {  	[spmem:s2] =	stream.indirect.scatter.add.f32 [tilespmem:s19], [sflag:$0x2], $0x80, s26, s22, $0xb8;
	[tilespmem:$0xF200] =	vst v63  }
0xe4: {  	_ =	swait.ge [sflag:s20], $0x4000  }
0xe5: {  	[sflag:s20] =	ssyncset.done $0x0  }
0xe6: {  	[sflag:s20] =	ssyncadd.s32 $0xFFFFC000  }
0xe7: {  	[bflag:$0x0] =	sbarrier.arrive $0xFFFF  }
0xe8: {  	[hbm:s14], [sflag:s28] =	dma.local [spmem:s29], $0x800  }
0xe9: {  	_ =	swait.ge [sflag:s20], $0x800  }
0xea: {  	[sflag:s20] =	ssyncset.done $0x0  }
0xeb: {  	[sflag:s20] =	ssyncadd.s32 $0xFFFFF800  }
0xec: {  	[hbm:s15], [sflag:s28] =	dma.local [spmem:s30], $0x580  }
0xed: {  	_ =	swait.ge [sflag:s20], $0x580  }
0xee: {  	[sflag:s20] =	ssyncset.done $0x0  }
0xef: {  	[sflag:s20] =	ssyncadd.s32 $0xFFFFFA80  }
0xf0: {  	s0 =	simm.s32 $0x0;
	s3 =	simm.s32 $0x200;
	[bflag:$0x0] =	sbarrier.arrive $0xFFFF  }
.LBB2_14:
0xf1: {  	p0 =	sne.s32 s3, $0xFE00;
	[tilespmem:s0+$0x7070] =	vst v0  }
0xf2: {  	[tilespmem:s0+$0x7000] =	vst v0  }
0xf3: {  	[tilespmem:s0+$0x7010] =	vst v0  }
.Ltmp6:
0xf4: {  	[tilespmem:s0+$0x7020] =	vst v0;
	(pc) =	sbr.rel @p0 .LBB2_14-.Ltmp6, $4  }
0xf5: {  	[tilespmem:s0+$0x7030] =	vst v0  }
0xf6: {  	[tilespmem:s0+$0x7040] =	vst v0  }
0xf7: {  	[tilespmem:s0+$0x7050] =	vst v0  }
0xf8: {  	[tilespmem:s0+$0x7060] =	vst v0;
	s0 =	sshra.s32 s3, $0x2;
	s3 =	sadd.s32 $0x200, s3  }
0xf9: {  	[tilespmem:s0+$0x7070] =	vst v0  }
0xfa: {  	[tilespmem:s0+$0x7000] =	vst v0  }
0xfb: {  	[tilespmem:s0+$0x7010] =	vst v0  }
0xfc: {  	[tilespmem:s0+$0x7020] =	vst v0  }
0xfd: {  	[tilespmem:s0+$0x7030] =	vst v0  }
0xfe: {  	[tilespmem:s0+$0x7040] =	vst v0  }
0xff: {  	[tilespmem:s0+$0x7050] =	vst v0  }
0x100: {  	[tilespmem:s0+$0x7060] =	vst v0  }
0x101: {  	[spmem:s7] =	stream.linear.scatter [tilespmem:s19], [sflag:$0x2], $0x4000, $0x38;
	[tilespmem:$0xF200] =	vst v63  }
0x102: {  	_ =	swait.ge [sflag:s20], $0x4000  }
0x103: {  	[sflag:s20] =	ssyncset.done $0x0  }
0x104: {  	[sflag:s20] =	ssyncadd.s32 $0xFFFFC000  }
0x105: {  	[spmem:s8] =	stream.linear.scatter [tilespmem:s19], [sflag:$0x2], $0x3000, $0x38;
	[tilespmem:$0xF200] =	vst v63  }
0x106: {  	_ =	swait.ge [sflag:s20], $0x3000  }
0x107: {  	[sflag:s20] =	ssyncset.done $0x0  }
0x108: {  	[sflag:s20] =	ssyncadd.s32 $0xFFFFD000  }
0x109: {  	s31 =	simm.s32 $0x0;
	s0 =	simm.s32 $0x0;
	[bflag:$0x0] =	sbarrier.arrive $0xFFFF  }
.LBB2_16:
0x10a: {  	s3 =	sadd.s32 s9, s0  }
0x10b: {  	s3 =	smul.u32 $0x30, s3;
	_ =	sdelay $0x1  }
0x10c: {  	s3 =	sadd.s32 s1, s3  }
0x10d: {  	[tilespmem:s21], [sflag:$0x2] =	stream.linear.gather [hbm4b:s3+s31], $0x180, $0x38;
	[tilespmem:$0xF200] =	vst v63  }
0x10e: {  	_ =	swait.ge [sflag:s20], $0x180  }
0x10f: {  	[sflag:s20] =	ssyncset.done $0x0  }
0x110: {  	[sflag:s20] =	ssyncadd.s32 $0xFFFFFE80  }
0x111: {  	[tilespmem:s24], [sflag:$0x1] =	stream.indirect.gather [hbm4b:s6+s22], $0x80, s23, s22, $0xb8;
	[tilespmem:$0xF200] =	vst v63  }
0x112: {  	_ = 	snop  }
0x113: {  	[tilespmem:s19], [sflag:$0x1] =	stream.indirect.gather [hbm4b:s5+s22], $0x80, s21, s22, $0xb8;
	[tilespmem:$0xF200] =	vst v63  }
0x114: {  	v1 =	vld [tilespmem:$0xF080]  }
0x115: {  	v2 =	vld [tilespmem:$0xF090]  }
0x116: {  	v3 =	vld [tilespmem:$0xF0A0]  }
0x117: {  	v4 =	vld [tilespmem:$0xF0B0]  }
0x118: {  	v5 =	vld [tilespmem:$0xF0C0]  }
0x119: {  	v6 =	vld [tilespmem:$0xF0D0];
	v1 =	vadd.s32 $0xFFFFE500, v1  }
0x11a: {  	v7 =	vld [tilespmem:$0xF0E0];
	v2 =	vadd.s32 $0xFFFFE500, v2;
	vm0 =	vlt.u32 v1, $0xD80  }
0x11b: {  	v8 =	vld [tilespmem:$0xF0F0];
	v3 =	vadd.s32 $0xFFFFE500, v3;
	vm9 =	vlt.u32 v2, $0xD80;
	v1 =	vnsel vm0, $0xDC0, v1  }
0x11c: {  	vm10 =	vlt.u32 v3, $0xD80;
	[tilespmem:$0xF180] =	vst v1;
	v1 =	vnsel vm9, $0xDC0, v2;
	v2 =	vadd.s32 $0xFFFFE500, v4  }
0x11d: {  	[tilespmem:$0xF190] =	vst v1;
	v1 =	vnsel vm10, $0xDC0, v3;
	vm11 =	vlt.u32 v2, $0xD80;
	v3 =	vadd.s32 $0xFFFFE500, v5  }
0x11e: {  	[tilespmem:$0xF1A0] =	vst v1;
	v1 =	vnsel vm11, $0xDC0, v2;
	vm12 =	vlt.u32 v3, $0xD80;
	v2 =	vadd.s32 $0xFFFFE500, v6  }
0x11f: {  	[tilespmem:$0xF1B0] =	vst v1;
	v1 =	vnsel vm12, $0xDC0, v3;
	vm13 =	vlt.u32 v2, $0xD80;
	v3 =	vadd.s32 $0xFFFFE500, v7  }
0x120: {  	[tilespmem:$0xF1C0] =	vst v1;
	v1 =	vnsel vm13, $0xDC0, v2;
	vm14 =	vlt.u32 v3, $0xD80;
	v2 =	vadd.s32 $0xFFFFE500, v8  }
0x121: {  	[tilespmem:$0xF1D0] =	vst v1;
	v1 =	vnsel vm14, $0xDC0, v3;
	vm15 =	vlt.u32 v2, $0xD80  }
0x122: {  	[tilespmem:$0xF1E0] =	vst v1;
	v1 =	vnsel vm15, $0xDC0, v2  }
0x123: {  	[tilespmem:$0xF1F0] =	vst v1  }
0x124: {  	_ =	swait.ge [sflag:s25], $0x4000  }
0x125: {  	[sflag:s25] =	ssyncset.done $0x0  }
0x126: {  	[sflag:s25] =	ssyncadd.s32 $0xFFFFC000  }
0x127: {  	_ =	swait.ge [sflag:s25], $0x4000  }
0x128: {  	[sflag:s25] =	ssyncset.done $0x0  }
0x129: {  	s3 =	simm.s32 $0x0;
	[sflag:s25] =	ssyncadd.s32 $0xFFFFC000  }
0x12a: {  	v8 =	vld [tilespmem:s3+$0xB000]  }
0x12b: {  	v12 =	vld [tilespmem:s3+$0xB010]  }
0x12c: {  	v6 =	vld [tilespmem:s3+$0xB020]  }
0x12d: {  	v5 =	vld [tilespmem:s3+$0xB030]  }
0x12e: {  	v4 =	vld [tilespmem:s3+$0xB040]  }
0x12f: {  	v3 =	vld [tilespmem:s3+$0xB050]  }
0x130: {  	v2 =	vld [tilespmem:s3+$0xB060]  }
0x131: {  	v1 =	vld [tilespmem:s3+$0xB070]  }
0x132: {  	v13 =	vld [tilespmem:s3+$0x7000]  }
0x133: {  	v14 =	vld [tilespmem:s3+$0x7010]  }
0x134: {  	v11 =	vld [tilespmem:s3+$0x7020]  }
0x135: {  	v10 =	vld [tilespmem:s3+$0x7030]  }
0x136: {  	v9 =	vld [tilespmem:s3+$0x7040]  }
0x137: {  	v7 =	vld [tilespmem:s3+$0x7050];
	v13 =	vmul.f32 v8, v13  }
0x138: {  	s11 =	simm.s32 $0x200;
	v12 =	vmul.f32 v12, v14;
	v8 =	vld [tilespmem:s3+$0x7060]  }
.LBB2_17:
0x139: {  	s12 =	sshra.s32 s11, $0x2;
	p0 =	sne.s32 s11, $0xFE00;
	[tilespmem:s3+$0x7000] =	vst v13;
	v6 =	vmul.f32 v6, v11;
	v11 =	vld [tilespmem:s3+$0x7070]  }
0x13a: {  	v13 =	vld [tilespmem:s12+$0xB000];
	[tilespmem:s3+$0x7010] =	vst v12;
	v5 =	vmul.f32 v5, v10  }
0x13b: {  	v12 =	vld [tilespmem:s12+$0xB010];
	[tilespmem:s3+$0x7020] =	vst v6;
	v4 =	vmul.f32 v4, v9  }
0x13c: {  	v6 =	vld [tilespmem:s12+$0xB020];
	[tilespmem:s3+$0x7030] =	vst v5;
	v3 =	vmul.f32 v3, v7  }
0x13d: {  	v5 =	vld [tilespmem:s12+$0xB030];
	[tilespmem:s3+$0x7040] =	vst v4;
	v2 =	vmul.f32 v2, v8  }
0x13e: {  	v4 =	vld [tilespmem:s12+$0xB040];
	[tilespmem:s3+$0x7050] =	vst v3;
	v1 =	vmul.f32 v1, v11  }
0x13f: {  	v3 =	vld [tilespmem:s12+$0xB050];
	[tilespmem:s3+$0x7060] =	vst v2  }
0x140: {  	v2 =	vld [tilespmem:s12+$0xB060];
	[tilespmem:s3+$0x7070] =	vst v1;
	s3 =	smov.u32 s12  }
0x141: {  	v1 =	vld [tilespmem:s3+$0xB070]  }
0x142: {  	v7 =	vld [tilespmem:s3+$0x7000]  }
0x143: {  	v8 =	vld [tilespmem:s3+$0x7010]  }
.Ltmp7:
0x144: {  	v11 =	vld [tilespmem:s3+$0x7020];
	(pc) =	sbr.rel @p0 .LBB2_17-.Ltmp7, $4  }
0x145: {  	v10 =	vld [tilespmem:s3+$0x7030]  }
0x146: {  	v9 =	vld [tilespmem:s3+$0x7040]  }
0x147: {  	v13 =	vmul.f32 v13, v7;
	v7 =	vld [tilespmem:s3+$0x7050]  }
0x148: {  	s11 =	sadd.s32 $0x200, s11;
	v12 =	vmul.f32 v12, v8;
	v8 =	vld [tilespmem:s3+$0x7060]  }
0x149: {  	[tilespmem:s3+$0x7000] =	vst v13;
	v6 =	vmul.f32 v6, v11;
	v63 =	vld [tilespmem:s3+$0x7070]  }
0x14a: {  	[tilespmem:s3+$0x7010] =	vst v12;
	v5 =	vmul.f32 v5, v10  }
0x14b: {  	[tilespmem:s3+$0x7020] =	vst v6;
	v4 =	vmul.f32 v4, v9  }
0x14c: {  	[tilespmem:s3+$0x7030] =	vst v5;
	v3 =	vmul.f32 v3, v7  }
0x14d: {  	[tilespmem:s3+$0x7040] =	vst v4;
	v2 =	vmul.f32 v2, v8  }
0x14e: {  	s0 =	sadd.s32 $0x1, s0;
	[tilespmem:s3+$0x7050] =	vst v3;
	v1 =	vmul.f32 v1, v63  }
0x14f: {  	p0 =	sne.s32 s0, $0x4F;
	[tilespmem:s3+$0x7060] =	vst v2  }
.Ltmp8:
0x150: {  	[tilespmem:s3+$0x7070] =	vst v1;
	(pc) =	sbr.rel @p0 .LBB2_16-.Ltmp8, $4  }
0x151: {  	[spmem:s2] =	stream.indirect.scatter.add.f32 [tilespmem:s19], [sflag:$0x2], $0x80, s26, s22, $0xb8;
	[tilespmem:$0xF200] =	vst v63  }
0x152: {  	_ =	swait.ge [sflag:s20], $0x4000  }
0x153: {  	[sflag:s20] =	ssyncset.done $0x0  }
0x154: {  	[sflag:s20] =	ssyncadd.s32 $0xFFFFC000  }
0x155: {  	[bflag:$0x0] =	sbarrier.arrive $0xFFFF  }
0x156: {  	[hbm:s16], [sflag:s28] =	dma.local [spmem:s29], $0x800  }
0x157: {  	_ =	swait.ge [sflag:s20], $0x800  }
0x158: {  	s4 =	sadd.s32 $0x1, s4;
	[sflag:s20] =	ssyncset.done $0x0  }
0x159: {  	p0 =	sne.s32 s4, s18;
	[sflag:s20] =	ssyncadd.s32 $0xFFFFF800  }
0x15a: {  	[hbm:s17], [sflag:s28] =	dma.local [spmem:s30], $0x580  }
.Ltmp9:
0x15b: {  	_ =	swait.ge [sflag:s20], $0x580;
	(pc) =	sbr.rel @p0 .LBB2_1-.Ltmp9, $3  }
0x15c: {  	[sflag:s20] =	ssyncset.done $0x0  }
0x15d: {  	[sflag:s20] =	ssyncadd.s32 $0xFFFFFA80  }
0x15e: {  	[bflag:$0x0] =	sbarrier.arrive $0xFFFF;
	_ =	sdelay $0x1  }
0x15f: {  	_ =	sfence.sel $0x180000  }
0x160: {  	[bflag:$0x0] =	sbarrier.arrive $0xFFFF  }
0x161: {  	_ =	strace $0x9000004D  }
0x162: {  	s0 =	stileid.u32;
	[bflag:$0x2] =	sbarrier.arrive $0xFFFF  }
0x163: {  	p0 =	sne.s32 s0, $0x0;
	s0 =	rddreg [dreg:$0x3]  }
0x164: {  	s0 =	sadd.s32 @!p0 $0x100000, s0  }
0x165: {  	[sflag:s0] =	ssyncadd.tile.s32 @!p0 $0x1;
	_ =	shalt  }
.Lfunc_end2:
_tile_overlayer_lowered:
.L_overlay_start_2:
0x166: {  	(tag) =	ssettag $0x2  }
0x167: {  	s0 =	rddreg [dreg:$0x0];
	s2 =	stileid.u32  }
0x168: {  	s1 =	rddreg [dreg:$0x1];
	p0 =	sne.s32 s2, $0x0  }
0x169: {  	s3 =	rddreg [dreg:$0x2];
	[bflag:$0x3] =	sbarrier.arrive $0xFFFF;
	s2 =	simm.s32 @!p0 $0x1C02  }
0x16a: {  	[timem:s3], [sflag:s2] =	dma.local @!p0 [hbm:s0], s1  }
0x16b: {  	s0 =	simm.s32 @!p0 $0x2  }
0x16c: {  	_ =	swait.ge @!p0 [sflag:s0], s1  }
0x16d: {  	s1 =	ssub.s32 @!p0 $0x0, s1;
	[sflag:s0] =	ssyncset.done @!p0 $0x0  }
0x16e: {  	[sflag:s0] =	ssyncadd.s32 @!p0 s1  }
0x16f: {  	[bflag:$0x3] =	sbarrier.arrive $0xFFFF  }
0x170: {  	_ =	shalt  }

// kernel: kernel.9.cloned.1.call-start
scs
__scs_entry_jumppad:
0x0: {  	(pc) =	sbr.rel $0x88, $3  }
0x1: {  	(tag) =	ssettag $0x0;
	lr =	simm.s32 $0x1  }
0x2: {  	[smem:$0x3F98] =	sst lr;
	_ =	strace $0xD0000000  }
0x3: {  	_ = 	snop  }
0x4: {  	_ = 	snop  }
0x5: {  	_ = 	snop  }
0x6: {  	_ = 	snop  }
0x7: {  	_ = 	snop  }
__scs_overlays_trampoline_lowered:
0x8: {  	[smem:$0x3FA7] =	sst s0  }
0x9: {  	[smem:$0x3FA8] =	sst s1  }
0xa: {  	[smem:$0x3FA9] =	sst s2  }
0xb: {  	[smem:$0x3FAA] =	sst s3  }
0xc: {  	[smem:$0x3FAB] =	sst s4  }
0xd: {  	[smem:$0x3FAC] =	sst s5  }
0xe: {  	[smem:$0x3FAD] =	sst s6  }
0xf: {  	[smem:$0x3FAE] =	sst s7  }
0x10: {  	[smem:$0x3FAF] =	sst s8  }
0x11: {  	[smem:$0x3FB0] =	sst s9;
	s0 =	simm.s32 @!p0 $0x0  }
0x12: {  	s1 =	sld [smem:$0x3F96];
	s0 =	simm.s32 @p0 $0x1  }
0x13: {  	[smem:$0x3FB1] =	sst s0;
	s0 =	simm.s32 @!p1 $0x0  }
0x14: {  	s2 =	sld [smem:$0x3F95];
	s0 =	simm.s32 @p1 $0x1  }
0x15: {  	[smem:$0x3FB2] =	sst s0;
	s0 =	simm.s32 @!p2 $0x0  }
0x16: {  	s3 =	sld [smem:$0x3FDB];
	s0 =	simm.s32 @p2 $0x1  }
0x17: {  	s4 =	simm.s32 $0x1BF5;
	[smem:$0x3FB4] =	sst s0  }
0x18: {  	s0 =	sld [smem:$0x3F97];
	_ =	swait.ge [sflag:s4], $0x0  }
0x19: {  	s7 =	sld [smem:$0x3F98]  }
0x1a: {  	s8 =	sadd.s32 $0xFFFFE003, lr  }
0x1b: {  	s9 =	sadd.s32 $0xFFFFFEF7, lr;
	s5 =	simm.s32 $0xFFFFFFFF;
	p2 =	slt.u32 s8, $0xFFFFF086  }
0x1c: {  	p1 =	slt.u32 s9, $0xF7A;
	s5 =	simm.s32 @!p2 $0x0  }
0x1d: {  	s5 =	simm.s32 @p1 $0x1;
	p0 =	seq.s32 s7, s2  }
0x1e: {  	s7 =	smul.u32 @!p0 $0xF7A, s2;
	p2 =	seq.s32 @!p0 s5, $0x0  }
0x1f: {  	s9 =	smul.u32 $0xF7A, s1;
	s8 =	simm.s32 @!p0 $0x1BF5;
	p2 =	por !p2, p0  }
0x20: {  	[sflag:s8] =	ssyncset.s32 @!p0 $0xFFFFF086;
	s6 =	sadd.s32 @!p0 s3, s7;
	s7 =	simm.s32 @!p0 $0x108  }
0x21: {  	s3 =	sadd.s32 s3, s9;
	s6 =	sadd.s32 @!p0 $0x88, s6;
	s7 =	simm.s32 @p2 $0x1082  }
0x22: {  	[simem:s7], [sflag:s8] =	dma.local @!p0 [hbm:s6], $0xF7A  }
0x23: {  	s9 =	sor.u32 $0xD0000000, s2;
	s6 =	simm.s32 $0x108;
	_ =	swait.ge @!p0 [sflag:s8], $0x0  }
0x24: {  	s3 =	sadd.s32 $0x88, s3;
	s6 =	simm.s32 @!p1 $0x1082;
	[sflag:s4] =	ssyncset.s32 $0xFFFFF086  }
0x25: {  	[simem:s6], [sflag:s4] =	dma.local [hbm:s3], $0xF7A  }
0x26: {  	[smem:$0x3F98] =	sst s1;
	(tag) =	ssettag s2;
	_ =	strace s9  }
0x27: {  	s1 =	sld [smem:$0x3FA8]  }
0x28: {  	s2 =	sld [smem:$0x3FA9]  }
0x29: {  	s4 =	sld [smem:$0x3FAB]  }
0x2a: {  	p0 =	seq.s32 s5, $0x0;
	s5 =	sld [smem:$0x3FAC]  }
0x2b: {  	s6 =	sld [smem:$0x3FAD]  }
0x2c: {  	s7 =	sld [smem:$0x3FAE]  }
0x2d: {  	s3 =	simm.s32 $0x108;
	s8 =	sld [smem:$0x3FAF]  }
0x2e: {  	s3 =	simm.s32 @!p0 $0x1082;
	s9 =	sld [smem:$0x3FB0]  }
0x2f: {  	lr =	sadd.s32 s0, s3;
	s0 =	sld [smem:$0x3FA7]  }
0x30: {  	s3 =	sld [smem:$0x3FAA]  }
0x31: {  	[smem:$0x3FB3] =	sst s10  }
0x32: {  	s10 =	sld [smem:$0x3FB1];
	_ =	sdelay $0x3  }
0x33: {  	p0 =	seq.s32 s10, $0x1;
	s10 =	sld [smem:$0x3FB3];
	_ =	sdelay $0x3  }
0x34: {  	[smem:$0x3FB3] =	sst s10  }
0x35: {  	s10 =	sld [smem:$0x3FB2];
	_ =	sdelay $0x3  }
0x36: {  	p1 =	seq.s32 s10, $0x1;
	s10 =	sld [smem:$0x3FB3];
	_ =	sdelay $0x3  }
0x37: {  	[smem:$0x3FB3] =	sst s10  }
0x38: {  	s10 =	sld [smem:$0x3FB4]  }
0x39: {  	_ = 	snop;
	(pc) =	sbr.ind lr, $3  }
0x3a: {  	_ = 	snop  }
0x3b: {  	_ = 	snop  }
0x3c: {  	p2 =	seq.s32 s10, $0x1;
	s10 =	sld [smem:$0x3FB3]  }
0x3d: {  	_ =	shalt  }
0x3e: {  	_ =	shalt  }
0x3f: {  	_ =	shalt  }
0x40: {  	_ =	shalt  }
0x41: {  	_ =	shalt  }
0x42: {  	_ =	shalt  }
0x43: {  	_ =	shalt  }
0x44: {  	_ =	shalt  }
0x45: {  	_ =	shalt  }
0x46: {  	_ =	shalt  }
0x47: {  	_ =	shalt  }
0x48: {  	_ =	shalt  }
0x49: {  	_ =	shalt  }
0x4a: {  	_ =	shalt  }
0x4b: {  	_ =	shalt  }
0x4c: {  	_ =	shalt  }
0x4d: {  	_ =	shalt  }
0x4e: {  	_ =	shalt  }
0x4f: {  	_ =	shalt  }
0x50: {  	_ =	shalt  }
0x51: {  	_ =	shalt  }
0x52: {  	_ =	shalt  }
0x53: {  	_ =	shalt  }
0x54: {  	_ =	shalt  }
0x55: {  	_ =	shalt  }
0x56: {  	_ =	shalt  }
0x57: {  	_ =	shalt  }
0x58: {  	_ =	shalt  }
0x59: {  	_ =	shalt  }
0x5a: {  	_ =	shalt  }
0x5b: {  	_ =	shalt  }
0x5c: {  	_ =	shalt  }
0x5d: {  	_ =	shalt  }
0x5e: {  	_ =	shalt  }
0x5f: {  	_ =	shalt  }
0x60: {  	_ =	shalt  }
0x61: {  	_ =	shalt  }
0x62: {  	_ =	shalt  }
0x63: {  	_ =	shalt  }
0x64: {  	_ =	shalt  }
0x65: {  	_ =	shalt  }
0x66: {  	_ =	shalt  }
0x67: {  	_ =	shalt  }
0x68: {  	_ =	shalt  }
0x69: {  	_ =	shalt  }
0x6a: {  	_ =	shalt  }
0x6b: {  	_ =	shalt  }
0x6c: {  	_ =	shalt  }
0x6d: {  	_ =	shalt  }
0x6e: {  	_ =	shalt  }
0x6f: {  	_ =	shalt  }
0x70: {  	_ =	shalt  }
0x71: {  	_ =	shalt  }
0x72: {  	_ =	shalt  }
0x73: {  	_ =	shalt  }
0x74: {  	_ =	shalt  }
0x75: {  	_ =	shalt  }
0x76: {  	_ =	shalt  }
0x77: {  	_ =	shalt  }
0x78: {  	_ =	shalt  }
0x79: {  	_ =	shalt  }
0x7a: {  	_ =	shalt  }
0x7b: {  	_ =	shalt  }
0x7c: {  	_ =	shalt  }
0x7d: {  	_ =	shalt  }
0x7e: {  	_ =	shalt  }
0x7f: {  	_ =	shalt  }
0x80: {  	_ =	shalt  }
0x81: {  	_ =	shalt  }
0x82: {  	_ =	shalt  }
0x83: {  	_ =	shalt  }
0x84: {  	_ =	shalt  }
0x85: {  	_ =	shalt  }
0x86: {  	_ =	shalt  }
0x87: {  	_ =	shalt  }
.Lfunc_end0:
.L_simem_size_0:
called_computation_lowered:
.L_overlay_start_0:
0x88: {  	s2 =	sld [smem:$0x3FD9]  }
0x89: {  	s3 =	sld [smem:$0x3FFE];
	_ =	sdelay $0x1  }
0x8a: {  	s1 =	srdreg.scid  }
0x8b: {  	s0 =	sand.u32 $0x1, s1  }
0x8c: {  	s16 =	sshll.u32 s0, $0xA;
	s2 =	sadd.s32 s3, s2  }
0x8d: {  	s2 =	sadd.s32 s2, s16  }
0x8e: {  	[smem:$0x3FBF] =	sst s2  }
0x8f: {  	_ = 	snop  }
0x90: {  	(tm) =	ssettm $0x1  }
0x91: {  	s17 =	sld [smem:$0x3FFB];
	_ =	sdelay $0x3  }
0x92: {  	_ =	strace s17  }
0x93: {  	s2 =	sld [smem:$0x3FFC];
	_ =	sdelay $0x3  }
0x94: {  	_ =	strace s2  }
0x95: {  	s2 =	sld [smem:$0x3FFD];
	_ =	sdelay $0x3  }
0x96: {  	_ =	strace s2  }
0x97: {  	_ =	strace $0x8FFFFFFF  }
0x98: {  	s18 =	sld [smem:$0x3FDB];
	_ =	sdelay $0x1  }
0x99: {  	s19 =	simm.s32 $_scs_section_size  }
0x9a: {  	s4 =	simm.s32 $_size__tile_overlayer_lowered;
	s5 =	simm.s32 $_tile_overlayer_lowered  }
0x9b: {  	s22 =	simm.s32 $0x1BFF;
	s21 =	sshll.u32 s5, $0x1;
	s2 =	sadd.s32 s19, s18  }
0x9c: {  	s6 =	simm.s32 $0x0;
	s20 =	sshll.u32 s4, $0x1;
	s4 =	sadd.s32 s21, s2  }
0x9d: {  	[timem:s6], [sflag:s22] =	dma.local [hbm:s4], s20  }
0x9e: {  	_ =	swait.ge [sflag:s22], s20  }
0x9f: {  	s3 =	ssub.s32 $0x0, s20;
	[sflag:s22] =	ssyncset.done $0x0  }
0xa0: {  	[sflag:s22] =	ssyncadd.s32 s3;
	_ =	sdelay $0x1  }
0xa1: {  	s23 =	simm.s32 $0x1B8B  }
0xa2: {  	_ =	swait.ge [sflag:s23], $0x1  }
0xa3: {  	[sflag:s23] =	ssyncset.done $0x0  }
0xa4: {  	s25 =	simm.s32 $0x1B8E;
	s24 =	sld [smem:$0x3FFE];
	[sflag:s23] =	ssyncadd.s32 $0xFFFFFFFF  }
0xa5: {  	s26 =	simm.s32 $execute0_lowered;
	[smem:$0x3FD2] =	sst s25  }
0xa6: {  	s4 =	sshll.u32 s26, $0x1;
	_ =	strace $0x80000046;
	[dreg:$0x1] =	wrdreg $0xFFFFFFFF  }
0xa7: {  	s28 =	simm.s32 $_size_execute0_lowered;
	s2 =	sadd.s32 s2, s4;
	[dreg:$0x0] =	wrdreg $0x0  }
0xa8: {  	s4 =	sshll.u32 s28, $0x1;
	[dreg:$0x2] =	wrdreg s2  }
0xa9: {  	[dreg:$0x3] =	wrdreg s4  }
0xaa: {  	[dreg:$0x4] =	wrdreg $0xC0  }
0xab: {  	_ =	task [dreg:s6], $0x5FFFF  }
0xac: {  	[dreg:$0x1] =	wrdreg $0xFFFFFFFF  }
0xad: {  	[dreg:$0x0] =	wrdreg $0x60  }
0xae: {  	[dreg:$0x2] =	wrdreg s24  }
0xaf: {  	[dreg:$0x3] =	wrdreg $0x0  }
0xb0: {  	[dreg:$0x4] =	wrdreg $0x9  }
0xb1: {  	_ =	task.clear_ibuf [dreg:s6], $0x5FFFF;
	_ =	strace $0x90000046  }
0xb2: {  	s29 =	simm.s32 $0x9;
	_ =	strace $0x80000048  }
0xb3: {  	_ =	swait.ge [sflag:s29], $0x1  }
0xb4: {  	[sflag:s29] =	ssyncadd.s32 $0xFFFFFFFF  }
0xb5: {  	_ =	strace $0x90000048  }
0xb6: {  	_ =	sfence  }
0xb7: {  	s30 =	sld [smem:$0x0];
	_ =	sdelay $0x2  }
0xb8: {  	s31 =	sshll.u32 s1, $0xD;
	s1 =	sshrl.u32 s1, $0x2  }
0xb9: {  	s3 =	sand.u32 $0x4000, s31;
	s1 =	sadd.s32 s1, s30  }
0xba: {  	s0 =	sor.u32 s3, s0;
	s1 =	sshll.u32 s1, $0x11  }
0xbb: {  	s0 =	sor.u32 s1, s0  }
0xbc: {  	s0 =	sadd.s32 $0x8F2B, s0  }
0xbd: {  	[sflag:s0] =	ssyncadd.remote.s32 $0x1  }
0xbe: {  	_ =	sfence.sel $0xFFFF  }
0xbf: {  	[dreg:$0x0] =	wrdreg $0xFFFFFFFF;
	(pc) =	sbr.abs _section_cstart, $3  }
0xc0: {  	[dreg:$0x1] =	wrdreg $0xFFFFFFFF  }
0xc1: {  	_ =	task.clear_ibuf [dreg:s6], $0x2FFFF;
	_ =	strace $0x9FFFFFFF  }
0xc2: {  	(tm) =	ssettm $0x7FFFFFFF  }
0xc3: {  	_ =	shalt  }
tec
execute0_lowered:
.L_overlay_start_1:
0x0: {  	(tag) =	ssettag $0x1  }
0x1: {  	s5 =	rddreg [dreg:$0x0]  }
0x2: {  	s0 =	srdreg.scid;
	s2 =	rddreg [dreg:$0x1]  }
0x3: {  	s3 =	simm.s32 $0x0;
	s11 =	simm.s32 $0x1;
	s12 =	simm.s32 $0x1E80  }
0x4: {  	s13 =	simm.s32 $0x80;
	s4 =	sand.u32 $0x1, s0;
	s0 =	stileid.u32  }
0x5: {  	s14 =	simm.s32 $0x1E00;
	s15 =	simm.s32 $0x0;
	s6 =	smul.u32 $0x9E0, s0  }
0x6: {  	[smem:$0x7FF] =	sst s3;
	s1 =	sshll.u32 s4, $0x4;
	s8 =	smul.u32 $0x5000, s0  }
0x7: {  	s10 =	ssub.s32 $0x2, s4;
	s7 =	sor.u32 s0, s1;
	s1 =	rddreg [dreg:$0x2]  }
0x8: {  	_ =	strace $0x80000047;
	s31 =	sshrl.u32 s10, $0x1;
	s7 =	smul.u32 $0xA00, s7  }
0x9: {  	s9 =	sadd.s32 s6, s5;
	s29 =	sshrl.u32 s8, $0x2;
	s10 =	ssub.s32 s10, s31  }
0xa: {  	s4 =	sadd.s32 s29, s2;
	s8 =	smax.u32 s10, $0x1;
	s28 =	sshrl.u32 s7, $0x3  }
0xb: {  	s9 =	sadd.s32 $0x2200, s9;
	s10 =	simm.s32 $0x1400;
	s30 =	sadd.s32 s28, s5  }
0xc: {  	v0 =	vimm.f32 $0.0e+00;
	v1 =	vimm.f32 $1.000000000e+00;
	s6 =	sadd.s32 s7, s2;
	s5 =	sadd.s32 $0xA00, s4;
	s7 =	sadd.s32 $0xC000, s30  }
.LBB2_1:
0xd: {  	s16 =	simm.s32 $0x40;
	s17 =	simm.s32 $0x0  }
.LBB2_2:
0xe: {  	p0 =	sne.s32 s16, $0x27C0;
	[tilespmem:s17+$0x1400] =	vst v0;
	s17 =	smov.u32 s16;
	s16 =	sadd.s32 $0x40, s16  }
.Ltmp0:
0xf: {  	(pc) =	sbr.rel @p0 .LBB2_2-.Ltmp0, $2  }
0x10: {  	_ =	sdelay $0x2  }
0x11: {  	s17 =	sshra.s32 s17, $0x2  }
0x12: {  	[tilespmem:s17+$0x1400] =	vst v0  }
0x13: {  	[spmem:s4] =	stream.linear.scatter [tilespmem:s10], [sflag:$0x1], $0xA00, $0x38;
	[tilespmem:$0x1F00] =	vst v63  }
0x14: {  	_ =	swait.ge [sflag:s11], $0xA00  }
0x15: {  	[sflag:s11] =	ssyncset.done $0x0  }
0x16: {  	[sflag:s11] =	ssyncadd.s32 $0xFFFFF600  }
0x17: {  	[spmem:s5] =	stream.linear.scatter [tilespmem:s10], [sflag:$0x1], $0xA00, $0x38;
	[tilespmem:$0x1F00] =	vst v63  }
0x18: {  	_ =	swait.ge [sflag:s11], $0xA00  }
0x19: {  	[sflag:s11] =	ssyncset.done $0x0  }
0x1a: {  	[sflag:s11] =	ssyncadd.s32 $0xFFFFF600  }
0x1b: {  	[bflag:$0x0] =	sbarrier.arrive $0xFFFF  }
0x1c: {  	[tilespmem:$0x1E00] =	vst v1  }
0x1d: {  	[tilespmem:$0x1E10] =	vst v1  }
0x1e: {  	[tilespmem:$0x1E20] =	vst v1  }
0x1f: {  	[tilespmem:$0x1E30] =	vst v1  }
0x20: {  	[tilespmem:$0x1E40] =	vst v1  }
0x21: {  	[tilespmem:$0x1E50] =	vst v1  }
0x22: {  	[tilespmem:$0x1E60] =	vst v1  }
0x23: {  	s16 =	sadd.s32 $0x0, s9;
	[tilespmem:$0x1E70] =	vst v1  }
0x24: {  	[tilespmem:s12], [sflag:$0x1] =	stream.linear.gather [hbm4b:s16+s3], $0x80, $0x38;
	[tilespmem:$0x1F00] =	vst v63  }
0x25: {  	_ =	swait.ge [sflag:s11], $0x80  }
0x26: {  	[sflag:s11] =	ssyncset.done $0x0  }
0x27: {  	[sflag:s11] =	ssyncadd.s32 $0xFFFFFF80  }
0x28: {  	[spmem:s2] =	stream.indirect.scatter.add.f32 [tilespmem:s14], [sflag:$0x1], $0x1, s12, s13, $0xb8;
	[tilespmem:$0x1F00] =	vst v63  }
0x29: {  	_ =	swait.ge [sflag:s11], $0x80  }
0x2a: {  	s17 =	simm.s32 $0x20;
	s16 =	simm.s32 $0x10;
	[sflag:s11] =	ssyncset.done $0x0  }
.LBB2_4:
0x2b: {  	s18 =	sadd.s32 s16, s9  }
0x2c: {  	[sflag:s11] =	ssyncadd.s32 $0xFFFFFF80;
	s16 =	smov.u32 s17;
	s19 =	sadd.s32 $0x10, s17  }
0x2d: {  	[tilespmem:s12], [sflag:$0x1] =	stream.linear.gather [hbm4b:s18+s3], $0x80, $0x38;
	[tilespmem:$0x1F00] =	vst v63  }
0x2e: {  	p0 =	sne.s32 s17, $0x9D0;
	_ =	swait.ge [sflag:s11], $0x80  }
.Ltmp1:
0x2f: {  	[sflag:s11] =	ssyncset.done $0x0;
	(pc) =	sbr.rel @p0 .LBB2_4-.Ltmp1, $4  }
0x30: {  	[sflag:s11] =	ssyncadd.s32 $0xFFFFFF80  }
0x31: {  	[spmem:s2] =	stream.indirect.scatter.add.f32 [tilespmem:s14], [sflag:$0x1], $0x1, s12, s13, $0xb8;
	[tilespmem:$0x1F00] =	vst v63  }
0x32: {  	_ =	swait.ge [sflag:s11], $0x80  }
0x33: {  	s17 =	smov.u32 s19;
	[sflag:s11] =	ssyncset.done $0x0  }
0x34: {  	s16 =	sadd.s32 s16, s9;
	[sflag:s11] =	ssyncadd.s32 $0xFFFFFF80  }
0x35: {  	[tilespmem:s12], [sflag:$0x1] =	stream.linear.gather [hbm4b:s16+s3], $0x80, $0x38;
	[tilespmem:$0x1F00] =	vst v63  }
0x36: {  	_ =	swait.ge [sflag:s11], $0x80  }
0x37: {  	[sflag:s11] =	ssyncset.done $0x0  }
0x38: {  	[sflag:s11] =	ssyncadd.s32 $0xFFFFFF80  }
0x39: {  	[spmem:s2] =	stream.indirect.scatter.add.f32 [tilespmem:s14], [sflag:$0x1], $0x1, s12, s13, $0xb8;
	[tilespmem:$0x1F00] =	vst v63  }
0x3a: {  	_ =	swait.ge [sflag:s11], $0x80  }
0x3b: {  	[sflag:s11] =	ssyncset.done $0x0  }
0x3c: {  	[sflag:s11] =	ssyncadd.s32 $0xFFFFFF80  }
0x3d: {  	[bflag:$0x0] =	sbarrier.arrive $0xFFFF  }
0x3e: {  	[tilespmem:s10], [sflag:$0x1] =	stream.linear.gather [spmem:s6], $0xA00, $0x38;
	[tilespmem:$0x1F00] =	vst v63  }
0x3f: {  	s15 =	sadd.s32 $0x1, s15;
	_ =	swait.ge [sflag:s11], $0xA00  }
0x40: {  	p0 =	sne.s32 s15, s8;
	[sflag:s11] =	ssyncset.done $0x0  }
.Ltmp2:
0x41: {  	[sflag:s11] =	ssyncadd.s32 $0xFFFFF600;
	(pc) =	sbr.rel @p0 .LBB2_1-.Ltmp2, $4  }
0x42: {  	[hbm4b:s7+s3] =	stream.linear.scatter [tilespmem:s10], [sflag:$0x1], $0xA00, $0x38;
	[tilespmem:$0x1F00] =	vst v63  }
0x43: {  	_ =	swait.ge [sflag:s11], $0xA00  }
0x44: {  	[sflag:s11] =	ssyncset.done $0x0  }
0x45: {  	[sflag:s11] =	ssyncadd.s32 $0xFFFFF600  }
0x46: {  	_ =	sfence.sel $0x180000  }
0x47: {  	[bflag:$0x0] =	sbarrier.arrive $0xFFFF  }
0x48: {  	p0 =	sne.s32 s0, $0x0;
	_ =	strace $0x90000047  }
0x49: {  	s0 =	sadd.s32 @!p0 $0x100000, s1;
	[bflag:$0x2] =	sbarrier.arrive $0xFFFF  }
0x4a: {  	[sflag:s0] =	ssyncadd.tile.s32 @!p0 $0x1;
	_ =	shalt  }
.Lfunc_end2:
_tile_overlayer_lowered:
.L_overlay_start_2:
0x4b: {  	(tag) =	ssettag $0x2  }
0x4c: {  	s0 =	rddreg [dreg:$0x0];
	s2 =	stileid.u32  }
0x4d: {  	s1 =	rddreg [dreg:$0x1];
	p0 =	sne.s32 s2, $0x0  }
0x4e: {  	s3 =	rddreg [dreg:$0x2];
	[bflag:$0x3] =	sbarrier.arrive $0xFFFF;
	s2 =	simm.s32 @!p0 $0x1C01  }
0x4f: {  	[timem:s3], [sflag:s2] =	dma.local @!p0 [hbm:s0], s1  }
0x50: {  	s0 =	simm.s32 @!p0 $0x1  }
0x51: {  	_ =	swait.ge @!p0 [sflag:s0], s1  }
0x52: {  	s1 =	ssub.s32 @!p0 $0x0, s1;
	[sflag:s0] =	ssyncset.done @!p0 $0x0  }
0x53: {  	[sflag:s0] =	ssyncadd.s32 @!p0 s1  }
0x54: {  	[bflag:$0x3] =	sbarrier.arrive $0xFFFF  }
0x55: {  	_ =	shalt  }

</sc_bundles>
